<compile_context>
chip_gen: v7x
topology: tpu7x:2x2x1
jax: 0.10.2.dev20260603
libtpu: 0.0.44.dev20260713+nightly
codegen_flags: <defaults>
</compile_context>

<pallas_src>
import functools

import jax
import jax.numpy as jnp
from jax import lax
from jax.experimental import pallas as pl
from jax.experimental.pallas import tpu as pltpu
from jax.experimental.pallas import tpu_sc as plsc

L = 16
CHUNK = 128


def _fm_body(F, V, D, rows_per_worker, n_chunks,
             utab, itab, uidx_t, iidx_t, wb_hbm, out,
             uidx_v, iidx_v, ubuf, ibuf, score_v, wb_v, sem):
    nc = 2
    wid = lax.axis_index("s") * nc + lax.axis_index("c")
    base0 = wid * rows_per_worker

    pltpu.sync_copy(wb_hbm, wb_v)
    wb = wb_v[:]
    w = wb[0]
    bb = wb[1]

    lane = lax.iota(jnp.int32, L)

    def chunk_body(c, _):
        base = base0 + c * CHUNK
        pltpu.sync_copy(uidx_t.at[:, pl.ds(base, CHUNK)], uidx_v)
        pltpu.sync_copy(iidx_t.at[:, pl.ds(base, CHUNK)], iidx_v)

        def off_body(j, _):
            for f in range(F):
                sl = (f, pl.ds(j * L, L))
                uidx_v[sl] = uidx_v[sl] + f * V
                iidx_v[sl] = iidx_v[sl] + f * V
            return 0
        lax.fori_loop(0, CHUNK // L, off_body, 0)

        copies = []
        for f in range(F):
            copies.append(pltpu.async_copy(utab.at[uidx_v.at[f]],
                                           ubuf.at[f], sem))
            copies.append(pltpu.async_copy(itab.at[iidx_v.at[f]],
                                           ibuf.at[f], sem))
        for cp in copies:
            cp.wait()

        def group_body(g, _):
            svec = jnp.zeros((L,), jnp.float32)
            for r16 in range(L):
                r = g * L + r16
                u = ubuf[0, r]
                v = ibuf[0, r]
                for f in range(1, F):
                    u = u + ubuf[f, r]
                    v = v + ibuf[f, r]
                s = jnp.sum(u * v)
                svec = jnp.where(lane == r16, s, svec)
            z = svec * w + bb
            score_v[pl.ds(g * L, L)] = 1.0 / (1.0 + jnp.exp(-z))
            return 0
        lax.fori_loop(0, CHUNK // L, group_body, 0)

        pltpu.sync_copy(score_v, out.at[pl.ds(base, CHUNK)])
        return 0

    lax.fori_loop(0, n_chunks, chunk_body, 0)


def kernel(user_idx, item_idx, user_tables, item_tables, W, b):
    B, F = user_idx.shape
    _, V, D = user_tables.shape
    n_workers = 32
    rows_per_worker = B // n_workers
    n_chunks = rows_per_worker // CHUNK

    utab = user_tables.reshape(F * V, D)
    itab = item_tables.reshape(F * V, D)
    uidx_t = user_idx.T
    iidx_t = item_idx.T
    wb = jnp.zeros((L,), jnp.float32).at[0].set(W[0, 0]).at[1].set(b[0])

    mesh = plsc.VectorSubcoreMesh(core_axis_name="c", subcore_axis_name="s")
    fm = pl.kernel(
        functools.partial(_fm_body, F, V, D, rows_per_worker, n_chunks),
        out_type=jax.ShapeDtypeStruct((B,), jnp.float32),
        mesh=mesh,
        compiler_params=pltpu.CompilerParams(needs_layout_passes=False,
                                             use_tc_tiling_on_sc=False),
        scratch_types=[
            pltpu.VMEM((F, CHUNK), jnp.int32),
            pltpu.VMEM((F, CHUNK), jnp.int32),
            pltpu.VMEM((F, CHUNK, D), jnp.float32),
            pltpu.VMEM((F, CHUNK, D), jnp.float32),
            pltpu.VMEM((CHUNK,), jnp.float32),
            pltpu.VMEM((L,), jnp.float32),
            pltpu.SemaphoreType.DMA,
        ],
    )
    out = fm(utab, itab, uidx_t, iidx_t, wb)
    return out.reshape(B, 1)

# --- scband reference (transcript-rebuilt; emitter-appended) ---
"""Pipeline reference for scband-fm-12575664242760 (READ-ONLY COPY).

The authoritative reference and input builder live on the scoring server;
editing this copy changes nothing except your own understanding.
"""

import jax, jax.numpy as jnp
import numpy as np

B = 16384
F = 13
V = 100000
D = 16

def setup_inputs(seed: int = 0) -> dict:
    key = jax.random.key(seed)
    k0, k1, k2, k3, k4 = jax.random.split(key, 5)
    user_idx = jax.random.randint(k0, (B, F), 0, V, dtype=jnp.int32)
    item_idx = jax.random.randint(k1, (B, F), 0, V, dtype=jnp.int32)
    user_tables = jax.random.normal(k2, (F, V, D), dtype=jnp.float32) * 0.02
    item_tables = jax.random.normal(k3, (F, V, D), dtype=jnp.float32) * 0.02
    W = jax.random.normal(k4, (1, 1), dtype=jnp.float32)
    b = jnp.zeros((1,), dtype=jnp.float32)
    return {"user_idx": user_idx, "item_idx": item_idx,
            "user_tables": user_tables, "item_tables": item_tables,
            "W": W, "b": b}

def reference(user_idx, item_idx, user_tables, item_tables, W, b):
    # Each DenseFeatures(embedding_column) -> per-field embedding gather [B, D]
    gather = jax.vmap(lambda t, i: jnp.take(t, i, axis=0), in_axes=(0, 1), out_axes=0)
    user_parts = gather(user_tables, user_idx)   # [F, B, D]
    item_parts = gather(item_tables, item_idx)   # [F, B, D]
    users = jnp.sum(user_parts, axis=0)          # keras add over field parts -> [B, D]
    items = jnp.sum(item_parts, axis=0)          # [B, D]
    # tf.matmul(users, items) interpreted as per-row inner product (FM score)
    score = jnp.sum(users * items, axis=-1, keepdims=True)  # [B, 1]
    out = jax.nn.sigmoid(score @ W + b)          # Dense(1, sigmoid)
    return out

if __name__ == "__main__":
    import jax
    _d = setup_inputs()
    print(jax.jit(kernel)(*tuple(_d.values())))

</pallas_src>

<mosaic_0001>
#map = affine_map<(d0, d1) -> (0, 0)>
#map1 = affine_map<(d0, d1) -> (0)>
module attributes {stable_mosaic.version = 14 : i64} {
  func.func @_fm_body(%arg0: i32, %arg1: i32, %arg2: memref<1300000x16xf32, #tpu.memory_space<hbm>>, %arg3: memref<1300000x16xf32, #tpu.memory_space<hbm>>, %arg4: memref<13x16384xi32, #tpu.memory_space<hbm>>, %arg5: memref<13x16384xi32, #tpu.memory_space<hbm>>, %arg6: memref<16xf32, #tpu.memory_space<hbm>>, %arg7: memref<16384xf32, #tpu.memory_space<hbm>>, %arg8: memref<13x128xi32, #tpu.memory_space<vmem>>, %arg9: memref<13x128xi32, #tpu.memory_space<vmem>>, %arg10: memref<13x128x16xf32, #tpu.memory_space<vmem>>, %arg11: memref<13x128x16xf32, #tpu.memory_space<vmem>>, %arg12: memref<128xf32, #tpu.memory_space<vmem>>, %arg13: memref<16xf32, #tpu.memory_space<vmem>>, %arg14: memref<!tpu.dma_semaphore, #tpu.memory_space<semaphore_mem>>) attributes {dimension_semantics = [#tpu.dimension_semantics<core_parallel>, #tpu.dimension_semantics<subcore_parallel>], iteration_bounds = array<i64: 2, 16>, scalar_prefetch = 0 : i64, scratch_operands = 7 : i64, tpu.core_type = #tpu.core_type<sc_vector_subcore>, window_params = [{transform_indices = #map}, {transform_indices = #map}, {transform_indices = #map}, {transform_indices = #map}, {transform_indices = #map1}, {transform_indices = #map1}]} {
    %mul3A = arith.constant 2 : i32
    %mul3A_0 = arith.muli %arg1, %mul3A : i32
    %add3A = arith.addi %mul3A_0, %arg0 : i32
    %mul3A_1 = arith.constant 512 : i32
    %mul3A_2 = arith.muli %add3A, %mul3A_1 : i32
    "tpu.region"() ({
      %run_scoped3A = tpu.sem_alloc : memref<!tpu.dma_semaphore, #tpu.memory_space<semaphore_mem>>
      tpu.enqueue_dma source(%arg6 : memref<16xf32, #tpu.memory_space<hbm>>) target(%arg13 : memref<16xf32, #tpu.memory_space<vmem>>) target_semaphore(%run_scoped3A : memref<!tpu.dma_semaphore, #tpu.memory_space<semaphore_mem>>)
      tpu.wait_dma2 semaphore(%run_scoped3A : memref<!tpu.dma_semaphore, #tpu.memory_space<semaphore_mem>>) src(%arg6 : memref<16xf32, #tpu.memory_space<hbm>>) dst(%arg13 : memref<16xf32, #tpu.memory_space<vmem>>)
      tpu.yield
    }) : () -> ()
    %get3A = arith.constant 0 : index
    %get3A_3 = tpu.vector_load %arg13[%get3A] {strides = array<i32>} : memref<16xf32, #tpu.memory_space<vmem>>, vector<16xf32>,
    %slice3A = vector.extract_strided_slice %get3A_3 {offsets = [0], sizes = [1], strides = [1]} : vector<16xf32> to vector<1xf32>
    %squeeze3A = vector.extract %slice3A[0] : f32 from vector<1xf32>
    %slice3A_4 = vector.extract_strided_slice %get3A_3 {offsets = [1], sizes = [1], strides = [1]} : vector<16xf32> to vector<1xf32>
    %squeeze3A_5 = vector.extract %slice3A_4[0] : f32 from vector<1xf32>
    %iota3A = tpu.iota {dimensions = array<i32: 0>} : vector<16xi32>
    %scan3A = arith.constant 0 : i32
    %scan3A_6 = arith.constant 0 : i32
    %scan3A_7 = arith.constant 4 : i32
    %scan3A_8 = arith.addi %scan3A_6, %scan3A_7 : i32
    %scan3A_9 = arith.constant 1 : i32
    %scan3A_10 = scf.for %scan3A_12 = %scan3A_6 to %scan3A_8 step %scan3A_9 iter_args(%scan3A_13 = %scan3A) -> (i32)  : i32 {
      %mul3A_14 = arith.constant 128 : i32
      %mul3A_15 = arith.muli %scan3A_12, %mul3A_14 : i32
      %add3A_16 = arith.addi %mul3A_2, %mul3A_15 : i32
      "tpu.region"() ({
        %run_scoped3A = tpu.sem_alloc : memref<!tpu.dma_semaphore, #tpu.memory_space<semaphore_mem>>
        %dma_start3A_654 = arith.constant 0 : i32
        %dma_start3A_655 = tpu.memref_slice %arg4[%dma_start3A_654, %add3A_16] : memref<13x16384xi32, #tpu.memory_space<hbm>> -> memref<13x128xi32, #tpu.memory_space<hbm>>
        %dma_start3A_656 = arith.constant 0 : i32
        %dma_start3A_657 = tpu.memref_slice %arg4[%dma_start3A_656, %add3A_16] : memref<13x16384xi32, #tpu.memory_space<hbm>> -> memref<13x128xi32, #tpu.memory_space<hbm>>
        tpu.enqueue_dma source(%dma_start3A_657 : memref<13x128xi32, #tpu.memory_space<hbm>>) target(%arg8 : memref<13x128xi32, #tpu.memory_space<vmem>>) target_semaphore(%run_scoped3A : memref<!tpu.dma_semaphore, #tpu.memory_space<semaphore_mem>>)
        %dma_wait3A_658 = arith.constant 0 : i32
        %dma_wait3A_659 = tpu.memref_slice %arg4[%dma_wait3A_658, %add3A_16] : memref<13x16384xi32, #tpu.memory_space<hbm>> -> memref<13x128xi32, #tpu.memory_space<hbm>>
        %dma_wait3A_660 = arith.constant 0 : i32
        %dma_wait3A_661 = tpu.memref_slice %arg4[%dma_wait3A_660, %add3A_16] : memref<13x16384xi32, #tpu.memory_space<hbm>> -> memref<13x128xi32, #tpu.memory_space<hbm>>
        tpu.wait_dma2 semaphore(%run_scoped3A : memref<!tpu.dma_semaphore, #tpu.memory_space<semaphore_mem>>) src(%dma_wait3A_661 : memref<13x128xi32, #tpu.memory_space<hbm>>) dst(%arg8 : memref<13x128xi32, #tpu.memory_space<vmem>>)
        tpu.yield
      }) : () -> ()
      "tpu.region"() ({
        %run_scoped3A = tpu.sem_alloc : memref<!tpu.dma_semaphore, #tpu.memory_space<semaphore_mem>>
        %dma_start3A_654 = arith.constant 0 : i32
        %dma_start3A_655 = tpu.memref_slice %arg5[%dma_start3A_654, %add3A_16] : memref<13x16384xi32, #tpu.memory_space<hbm>> -> memref<13x128xi32, #tpu.memory_space<hbm>>
        %dma_start3A_656 = arith.constant 0 : i32
        %dma_start3A_657 = tpu.memref_slice %arg5[%dma_start3A_656, %add3A_16] : memref<13x16384xi32, #tpu.memory_space<hbm>> -> memref<13x128xi32, #tpu.memory_space<hbm>>
        tpu.enqueue_dma source(%dma_start3A_657 : memref<13x128xi32, #tpu.memory_space<hbm>>) target(%arg9 : memref<13x128xi32, #tpu.memory_space<vmem>>) target_semaphore(%run_scoped3A : memref<!tpu.dma_semaphore, #tpu.memory_space<semaphore_mem>>)
        %dma_wait3A_658 = arith.constant 0 : i32
        %dma_wait3A_659 = tpu.memref_slice %arg5[%dma_wait3A_658, %add3A_16] : memref<13x16384xi32, #tpu.memory_space<hbm>> -> memref<13x128xi32, #tpu.memory_space<hbm>>
        %dma_wait3A_660 = arith.constant 0 : i32
        %dma_wait3A_661 = tpu.memref_slice %arg5[%dma_wait3A_660, %add3A_16] : memref<13x16384xi32, #tpu.memory_space<hbm>> -> memref<13x128xi32, #tpu.memory_space<hbm>>
        tpu.wait_dma2 semaphore(%run_scoped3A : memref<!tpu.dma_semaphore, #tpu.memory_space<semaphore_mem>>) src(%dma_wait3A_661 : memref<13x128xi32, #tpu.memory_space<hbm>>) dst(%arg9 : memref<13x128xi32, #tpu.memory_space<vmem>>)
        tpu.yield
      }) : () -> ()
      %scan3A_17 = arith.constant 0 : i32
      %scan3A_18 = arith.constant 0 : i32
      %scan3A_19 = arith.constant 8 : i32
      %scan3A_20 = arith.addi %scan3A_18, %scan3A_19 : i32
      %scan3A_21 = arith.constant 1 : i32
      %scan3A_22 = scf.for %scan3A_654 = %scan3A_18 to %scan3A_20 step %scan3A_21 iter_args(%scan3A_655 = %scan3A_17) -> (i32)  : i32 {
        %mul3A_656 = arith.constant 16 : i32
        %mul3A_657 = arith.muli %scan3A_654, %mul3A_656 : i32
        %get3A_658 = arith.constant 0 : i32
        %get3A_659 = arith.index_cast %get3A_658 : i32 to index
        %get3A_660 = arith.index_cast %mul3A_657 : i32 to index
        %get3A_661 = tpu.vector_load %arg8[%get3A_659, %get3A_660] {strides = array<i32>} : memref<13x128xi32, #tpu.memory_space<vmem>>, vector<16xi32>,
        %add3A_662 = arith.constant 0 : i32
        %add3A_663 = vector.broadcast %add3A_662 : i32 to vector<16xi32>
        %add3A_664 = arith.addi %get3A_661, %add3A_663 : vector<16xi32>
        %swap3A = arith.constant 0 : i32
        %swap3A_665 = arith.index_cast %swap3A : i32 to index
        %swap3A_666 = arith.index_cast %mul3A_657 : i32 to index
        %swap3A_667 = tpu.vector_load %arg8[%swap3A_665, %swap3A_666] {strides = array<i32>} : memref<13x128xi32, #tpu.memory_space<vmem>>, vector<16xi32>,
        tpu.vector_store %arg8[%swap3A_665, %swap3A_666], %add3A_664 {strides = array<i32>} : memref<13x128xi32, #tpu.memory_space<vmem>>, vector<16xi32>,
        %get3A_668 = arith.constant 0 : i32
        %get3A_669 = arith.index_cast %get3A_668 : i32 to index
        %get3A_670 = arith.index_cast %mul3A_657 : i32 to index
        %get3A_671 = tpu.vector_load %arg9[%get3A_669, %get3A_670] {strides = array<i32>} : memref<13x128xi32, #tpu.memory_space<vmem>>, vector<16xi32>,
        %add3A_672 = arith.constant 0 : i32
        %add3A_673 = vector.broadcast %add3A_672 : i32 to vector<16xi32>
        %add3A_674 = arith.addi %get3A_671, %add3A_673 : vector<16xi32>
        %swap3A_675 = arith.constant 0 : i32
        %swap3A_676 = arith.index_cast %swap3A_675 : i32 to index
        %swap3A_677 = arith.index_cast %mul3A_657 : i32 to index
        %swap3A_678 = tpu.vector_load %arg9[%swap3A_676, %swap3A_677] {strides = array<i32>} : memref<13x128xi32, #tpu.memory_space<vmem>>, vector<16xi32>,
        tpu.vector_store %arg9[%swap3A_676, %swap3A_677], %add3A_674 {strides = array<i32>} : memref<13x128xi32, #tpu.memory_space<vmem>>, vector<16xi32>,
        %mul3A_679 = arith.constant 16 : i32
        %mul3A_680 = arith.muli %scan3A_654, %mul3A_679 : i32
        %get3A_681 = arith.constant 1 : i32
        %get3A_682 = arith.index_cast %get3A_681 : i32 to index
        %get3A_683 = arith.index_cast %mul3A_680 : i32 to index
        %get3A_684 = tpu.vector_load %arg8[%get3A_682, %get3A_683] {strides = array<i32>} : memref<13x128xi32, #tpu.memory_space<vmem>>, vector<16xi32>,
        %add3A_685 = arith.constant 100000 : i32
        %add3A_686 = vector.broadcast %add3A_685 : i32 to vector<16xi32>
        %add3A_687 = arith.addi %get3A_684, %add3A_686 : vector<16xi32>
        %swap3A_688 = arith.constant 1 : i32
        %swap3A_689 = arith.index_cast %swap3A_688 : i32 to index
        %swap3A_690 = arith.index_cast %mul3A_680 : i32 to index
        %swap3A_691 = tpu.vector_load %arg8[%swap3A_689, %swap3A_690] {strides = array<i32>} : memref<13x128xi32, #tpu.memory_space<vmem>>, vector<16xi32>,
        tpu.vector_store %arg8[%swap3A_689, %swap3A_690], %add3A_687 {strides = array<i32>} : memref<13x128xi32, #tpu.memory_space<vmem>>, vector<16xi32>,
        %get3A_692 = arith.constant 1 : i32
        %get3A_693 = arith.index_cast %get3A_692 : i32 to index
        %get3A_694 = arith.index_cast %mul3A_680 : i32 to index
        %get3A_695 = tpu.vector_load %arg9[%get3A_693, %get3A_694] {strides = array<i32>} : memref<13x128xi32, #tpu.memory_space<vmem>>, vector<16xi32>,
        %add3A_696 = arith.constant 100000 : i32
        %add3A_697 = vector.broadcast %add3A_696 : i32 to vector<16xi32>
        %add3A_698 = arith.addi %get3A_695, %add3A_697 : vector<16xi32>
        %swap3A_699 = arith.constant 1 : i32
        %swap3A_700 = arith.index_cast %swap3A_699 : i32 to index
        %swap3A_701 = arith.index_cast %mul3A_680 : i32 to index
        %swap3A_702 = tpu.vector_load %arg9[%swap3A_700, %swap3A_701] {strides = array<i32>} : memref<13x128xi32, #tpu.memory_space<vmem>>, vector<16xi32>,
        tpu.vector_store %arg9[%swap3A_700, %swap3A_701], %add3A_698 {strides = array<i32>} : memref<13x128xi32, #tpu.memory_space<vmem>>, vector<16xi32>,
        %mul3A_703 = arith.constant 16 : i32
        %mul3A_704 = arith.muli %scan3A_654, %mul3A_703 : i32
        %get3A_705 = arith.constant 2 : i32
        %get3A_706 = arith.index_cast %get3A_705 : i32 to index
        %get3A_707 = arith.index_cast %mul3A_704 : i32 to index
        %get3A_708 = tpu.vector_load %arg8[%get3A_706, %get3A_707] {strides = array<i32>} : memref<13x128xi32, #tpu.memory_space<vmem>>, vector<16xi32>,
        %add3A_709 = arith.constant 200000 : i32
        %add3A_710 = vector.broadcast %add3A_709 : i32 to vector<16xi32>
        %add3A_711 = arith.addi %get3A_708, %add3A_710 : vector<16xi32>
        %swap3A_712 = arith.constant 2 : i32
        %swap3A_713 = arith.index_cast %swap3A_712 : i32 to index
        %swap3A_714 = arith.index_cast %mul3A_704 : i32 to index
        %swap3A_715 = tpu.vector_load %arg8[%swap3A_713, %swap3A_714] {strides = array<i32>} : memref<13x128xi32, #tpu.memory_space<vmem>>, vector<16xi32>,
        tpu.vector_store %arg8[%swap3A_713, %swap3A_714], %add3A_711 {strides = array<i32>} : memref<13x128xi32, #tpu.memory_space<vmem>>, vector<16xi32>,
        %get3A_716 = arith.constant 2 : i32
        %get3A_717 = arith.index_cast %get3A_716 : i32 to index
        %get3A_718 = arith.index_cast %mul3A_704 : i32 to index
        %get3A_719 = tpu.vector_load %arg9[%get3A_717, %get3A_718] {strides = array<i32>} : memref<13x128xi32, #tpu.memory_space<vmem>>, vector<16xi32>,
        %add3A_720 = arith.constant 200000 : i32
        %add3A_721 = vector.broadcast %add3A_720 : i32 to vector<16xi32>
        %add3A_722 = arith.addi %get3A_719, %add3A_721 : vector<16xi32>
        %swap3A_723 = arith.constant 2 : i32
        %swap3A_724 = arith.index_cast %swap3A_723 : i32 to index
        %swap3A_725 = arith.index_cast %mul3A_704 : i32 to index
        %swap3A_726 = tpu.vector_load %arg9[%swap3A_724, %swap3A_725] {strides = array<i32>} : memref<13x128xi32, #tpu.memory_space<vmem>>, vector<16xi32>,
        tpu.vector_store %arg9[%swap3A_724, %swap3A_725], %add3A_722 {strides = array<i32>} : memref<13x128xi32, #tpu.memory_space<vmem>>, vector<16xi32>,
        %mul3A_727 = arith.constant 16 : i32
        %mul3A_728 = arith.muli %scan3A_654, %mul3A_727 : i32
        %get3A_729 = arith.constant 3 : i32
        %get3A_730 = arith.index_cast %get3A_729 : i32 to index
        %get3A_731 = arith.index_cast %mul3A_728 : i32 to index
        %get3A_732 = tpu.vector_load %arg8[%get3A_730, %get3A_731] {strides = array<i32>} : memref<13x128xi32, #tpu.memory_space<vmem>>, vector<16xi32>,
        %add3A_733 = arith.constant 300000 : i32
        %add3A_734 = vector.broadcast %add3A_733 : i32 to vector<16xi32>
        %add3A_735 = arith.addi %get3A_732, %add3A_734 : vector<16xi32>
        %swap3A_736 = arith.constant 3 : i32
        %swap3A_737 = arith.index_cast %swap3A_736 : i32 to index
        %swap3A_738 = arith.index_cast %mul3A_728 : i32 to index
        %swap3A_739 = tpu.vector_load %arg8[%swap3A_737, %swap3A_738] {strides = array<i32>} : memref<13x128xi32, #tpu.memory_space<vmem>>, vector<16xi32>,
        tpu.vector_store %arg8[%swap3A_737, %swap3A_738], %add3A_735 {strides = array<i32>} : memref<13x128xi32, #tpu.memory_space<vmem>>, vector<16xi32>,
        %get3A_740 = arith.constant 3 : i32
        %get3A_741 = arith.index_cast %get3A_740 : i32 to index
        %get3A_742 = arith.index_cast %mul3A_728 : i32 to index
        %get3A_743 = tpu.vector_load %arg9[%get3A_741, %get3A_742] {strides = array<i32>} : memref<13x128xi32, #tpu.memory_space<vmem>>, vector<16xi32>,
        %add3A_744 = arith.constant 300000 : i32
        %add3A_745 = vector.broadcast %add3A_744 : i32 to vector<16xi32>
        %add3A_746 = arith.addi %get3A_743, %add3A_745 : vector<16xi32>
        %swap3A_747 = arith.constant 3 : i32
        %swap3A_748 = arith.index_cast %swap3A_747 : i32 to index
        %swap3A_749 = arith.index_cast %mul3A_728 : i32 to index
        %swap3A_750 = tpu.vector_load %arg9[%swap3A_748, %swap3A_749] {strides = array<i32>} : memref<13x128xi32, #tpu.memory_space<vmem>>, vector<16xi32>,
        tpu.vector_store %arg9[%swap3A_748, %swap3A_749], %add3A_746 {strides = array<i32>} : memref<13x128xi32, #tpu.memory_space<vmem>>, vector<16xi32>,
        %mul3A_751 = arith.constant 16 : i32
        %mul3A_752 = arith.muli %scan3A_654, %mul3A_751 : i32
        %get3A_753 = arith.constant 4 : i32
        %get3A_754 = arith.index_cast %get3A_753 : i32 to index
        %get3A_755 = arith.index_cast %mul3A_752 : i32 to index
        %get3A_756 = tpu.vector_load %arg8[%get3A_754, %get3A_755] {strides = array<i32>} : memref<13x128xi32, #tpu.memory_space<vmem>>, vector<16xi32>,
        %add3A_757 = arith.constant 400000 : i32
        %add3A_758 = vector.broadcast %add3A_757 : i32 to vector<16xi32>
        %add3A_759 = arith.addi %get3A_756, %add3A_758 : vector<16xi32>
        %swap3A_760 = arith.constant 4 : i32
        %swap3A_761 = arith.index_cast %swap3A_760 : i32 to index
        %swap3A_762 = arith.index_cast %mul3A_752 : i32 to index
        %swap3A_763 = tpu.vector_load %arg8[%swap3A_761, %swap3A_762] {strides = array<i32>} : memref<13x128xi32, #tpu.memory_space<vmem>>, vector<16xi32>,
        tpu.vector_store %arg8[%swap3A_761, %swap3A_762], %add3A_759 {strides = array<i32>} : memref<13x128xi32, #tpu.memory_space<vmem>>, vector<16xi32>,
        %get3A_764 = arith.constant 4 : i32
        %get3A_765 = arith.index_cast %get3A_764 : i32 to index
        %get3A_766 = arith.index_cast %mul3A_752 : i32 to index
        %get3A_767 = tpu.vector_load %arg9[%get3A_765, %get3A_766] {strides = array<i32>} : memref<13x128xi32, #tpu.memory_space<vmem>>, vector<16xi32>,
        %add3A_768 = arith.constant 400000 : i32
        %add3A_769 = vector.broadcast %add3A_768 : i32 to vector<16xi32>
        %add3A_770 = arith.addi %get3A_767, %add3A_769 : vector<16xi32>
        %swap3A_771 = arith.constant 4 : i32
        %swap3A_772 = arith.index_cast %swap3A_771 : i32 to index
        %swap3A_773 = arith.index_cast %mul3A_752 : i32 to index
        %swap3A_774 = tpu.vector_load %arg9[%swap3A_772, %swap3A_773] {strides = array<i32>} : memref<13x128xi32, #tpu.memory_space<vmem>>, vector<16xi32>,
        tpu.vector_store %arg9[%swap3A_772, %swap3A_773], %add3A_770 {strides = array<i32>} : memref<13x128xi32, #tpu.memory_space<vmem>>, vector<16xi32>,
        %mul3A_775 = arith.constant 16 : i32
        %mul3A_776 = arith.muli %scan3A_654, %mul3A_775 : i32
        %get3A_777 = arith.constant 5 : i32
        %get3A_778 = arith.index_cast %get3A_777 : i32 to index
        %get3A_779 = arith.index_cast %mul3A_776 : i32 to index
        %get3A_780 = tpu.vector_load %arg8[%get3A_778, %get3A_779] {strides = array<i32>} : memref<13x128xi32, #tpu.memory_space<vmem>>, vector<16xi32>,
        %add3A_781 = arith.constant 500000 : i32
        %add3A_782 = vector.broadcast %add3A_781 : i32 to vector<16xi32>
        %add3A_783 = arith.addi %get3A_780, %add3A_782 : vector<16xi32>
        %swap3A_784 = arith.constant 5 : i32
        %swap3A_785 = arith.index_cast %swap3A_784 : i32 to index
        %swap3A_786 = arith.index_cast %mul3A_776 : i32 to index
        %swap3A_787 = tpu.vector_load %arg8[%swap3A_785, %swap3A_786] {strides = array<i32>} : memref<13x128xi32, #tpu.memory_space<vmem>>, vector<16xi32>,
        tpu.vector_store %arg8[%swap3A_785, %swap3A_786], %add3A_783 {strides = array<i32>} : memref<13x128xi32, #tpu.memory_space<vmem>>, vector<16xi32>,
        %get3A_788 = arith.constant 5 : i32
        %get3A_789 = arith.index_cast %get3A_788 : i32 to index
        %get3A_790 = arith.index_cast %mul3A_776 : i32 to index
        %get3A_791 = tpu.vector_load %arg9[%get3A_789, %get3A_790] {strides = array<i32>} : memref<13x128xi32, #tpu.memory_space<vmem>>, vector<16xi32>,
        %add3A_792 = arith.constant 500000 : i32
        %add3A_793 = vector.broadcast %add3A_792 : i32 to vector<16xi32>
        %add3A_794 = arith.addi %get3A_791, %add3A_793 : vector<16xi32>
        %swap3A_795 = arith.constant 5 : i32
        %swap3A_796 = arith.index_cast %swap3A_795 : i32 to index
        %swap3A_797 = arith.index_cast %mul3A_776 : i32 to index
        %swap3A_798 = tpu.vector_load %arg9[%swap3A_796, %swap3A_797] {strides = array<i32>} : memref<13x128xi32, #tpu.memory_space<vmem>>, vector<16xi32>,
        tpu.vector_store %arg9[%swap3A_796, %swap3A_797], %add3A_794 {strides = array<i32>} : memref<13x128xi32, #tpu.memory_space<vmem>>, vector<16xi32>,
        %mul3A_799 = arith.constant 16 : i32
        %mul3A_800 = arith.muli %scan3A_654, %mul3A_799 : i32
        %get3A_801 = arith.constant 6 : i32
        %get3A_802 = arith.index_cast %get3A_801 : i32 to index
        %get3A_803 = arith.index_cast %mul3A_800 : i32 to index
        %get3A_804 = tpu.vector_load %arg8[%get3A_802, %get3A_803] {strides = array<i32>} : memref<13x128xi32, #tpu.memory_space<vmem>>, vector<16xi32>,
        %add3A_805 = arith.constant 600000 : i32
        %add3A_806 = vector.broadcast %add3A_805 : i32 to vector<16xi32>
        %add3A_807 = arith.addi %get3A_804, %add3A_806 : vector<16xi32>
        %swap3A_808 = arith.constant 6 : i32
        %swap3A_809 = arith.index_cast %swap3A_808 : i32 to index
        %swap3A_810 = arith.index_cast %mul3A_800 : i32 to index
        %swap3A_811 = tpu.vector_load %arg8[%swap3A_809, %swap3A_810] {strides = array<i32>} : memref<13x128xi32, #tpu.memory_space<vmem>>, vector<16xi32>,
        tpu.vector_store %arg8[%swap3A_809, %swap3A_810], %add3A_807 {strides = array<i32>} : memref<13x128xi32, #tpu.memory_space<vmem>>, vector<16xi32>,
        %get3A_812 = arith.constant 6 : i32
        %get3A_813 = arith.index_cast %get3A_812 : i32 to index
        %get3A_814 = arith.index_cast %mul3A_800 : i32 to index
        %get3A_815 = tpu.vector_load %arg9[%get3A_813, %get3A_814] {strides = array<i32>} : memref<13x128xi32, #tpu.memory_space<vmem>>, vector<16xi32>,
        %add3A_816 = arith.constant 600000 : i32
        %add3A_817 = vector.broadcast %add3A_816 : i32 to vector<16xi32>
        %add3A_818 = arith.addi %get3A_815, %add3A_817 : vector<16xi32>
        %swap3A_819 = arith.constant 6 : i32
        %swap3A_820 = arith.index_cast %swap3A_819 : i32 to index
        %swap3A_821 = arith.index_cast %mul3A_800 : i32 to index
        %swap3A_822 = tpu.vector_load %arg9[%swap3A_820, %swap3A_821] {strides = array<i32>} : memref<13x128xi32, #tpu.memory_space<vmem>>, vector<16xi32>,
        tpu.vector_store %arg9[%swap3A_820, %swap3A_821], %add3A_818 {strides = array<i32>} : memref<13x128xi32, #tpu.memory_space<vmem>>, vector<16xi32>,
        %mul3A_823 = arith.constant 16 : i32
        %mul3A_824 = arith.muli %scan3A_654, %mul3A_823 : i32
        %get3A_825 = arith.constant 7 : i32
        %get3A_826 = arith.index_cast %get3A_825 : i32 to index
        %get3A_827 = arith.index_cast %mul3A_824 : i32 to index
        %get3A_828 = tpu.vector_load %arg8[%get3A_826, %get3A_827] {strides = array<i32>} : memref<13x128xi32, #tpu.memory_space<vmem>>, vector<16xi32>,
        %add3A_829 = arith.constant 700000 : i32
        %add3A_830 = vector.broadcast %add3A_829 : i32 to vector<16xi32>
        %add3A_831 = arith.addi %get3A_828, %add3A_830 : vector<16xi32>
        %swap3A_832 = arith.constant 7 : i32
        %swap3A_833 = arith.index_cast %swap3A_832 : i32 to index
        %swap3A_834 = arith.index_cast %mul3A_824 : i32 to index
        %swap3A_835 = tpu.vector_load %arg8[%swap3A_833, %swap3A_834] {strides = array<i32>} : memref<13x128xi32, #tpu.memory_space<vmem>>, vector<16xi32>,
        tpu.vector_store %arg8[%swap3A_833, %swap3A_834], %add3A_831 {strides = array<i32>} : memref<13x128xi32, #tpu.memory_space<vmem>>, vector<16xi32>,
        %get3A_836 = arith.constant 7 : i32
        %get3A_837 = arith.index_cast %get3A_836 : i32 to index
        %get3A_838 = arith.index_cast %mul3A_824 : i32 to index
        %get3A_839 = tpu.vector_load %arg9[%get3A_837, %get3A_838] {strides = array<i32>} : memref<13x128xi32, #tpu.memory_space<vmem>>, vector<16xi32>,
        %add3A_840 = arith.constant 700000 : i32
        %add3A_841 = vector.broadcast %add3A_840 : i32 to vector<16xi32>
        %add3A_842 = arith.addi %get3A_839, %add3A_841 : vector<16xi32>
        %swap3A_843 = arith.constant 7 : i32
        %swap3A_844 = arith.index_cast %swap3A_843 : i32 to index
        %swap3A_845 = arith.index_cast %mul3A_824 : i32 to index
        %swap3A_846 = tpu.vector_load %arg9[%swap3A_844, %swap3A_845] {strides = array<i32>} : memref<13x128xi32, #tpu.memory_space<vmem>>, vector<16xi32>,
        tpu.vector_store %arg9[%swap3A_844, %swap3A_845], %add3A_842 {strides = array<i32>} : memref<13x128xi32, #tpu.memory_space<vmem>>, vector<16xi32>,
        %mul3A_847 = arith.constant 16 : i32
        %mul3A_848 = arith.muli %scan3A_654, %mul3A_847 : i32
        %get3A_849 = arith.constant 8 : i32
        %get3A_850 = arith.index_cast %get3A_849 : i32 to index
        %get3A_851 = arith.index_cast %mul3A_848 : i32 to index
        %get3A_852 = tpu.vector_load %arg8[%get3A_850, %get3A_851] {strides = array<i32>} : memref<13x128xi32, #tpu.memory_space<vmem>>, vector<16xi32>,
        %add3A_853 = arith.constant 800000 : i32
        %add3A_854 = vector.broadcast %add3A_853 : i32 to vector<16xi32>
        %add3A_855 = arith.addi %get3A_852, %add3A_854 : vector<16xi32>
        %swap3A_856 = arith.constant 8 : i32
        %swap3A_857 = arith.index_cast %swap3A_856 : i32 to index
        %swap3A_858 = arith.index_cast %mul3A_848 : i32 to index
        %swap3A_859 = tpu.vector_load %arg8[%swap3A_857, %swap3A_858] {strides = array<i32>} : memref<13x128xi32, #tpu.memory_space<vmem>>, vector<16xi32>,
        tpu.vector_store %arg8[%swap3A_857, %swap3A_858], %add3A_855 {strides = array<i32>} : memref<13x128xi32, #tpu.memory_space<vmem>>, vector<16xi32>,
        %get3A_860 = arith.constant 8 : i32
        %get3A_861 = arith.index_cast %get3A_860 : i32 to index
        %get3A_862 = arith.index_cast %mul3A_848 : i32 to index
        %get3A_863 = tpu.vector_load %arg9[%get3A_861, %get3A_862] {strides = array<i32>} : memref<13x128xi32, #tpu.memory_space<vmem>>, vector<16xi32>,
        %add3A_864 = arith.constant 800000 : i32
        %add3A_865 = vector.broadcast %add3A_864 : i32 to vector<16xi32>
        %add3A_866 = arith.addi %get3A_863, %add3A_865 : vector<16xi32>
        %swap3A_867 = arith.constant 8 : i32
        %swap3A_868 = arith.index_cast %swap3A_867 : i32 to index
        %swap3A_869 = arith.index_cast %mul3A_848 : i32 to index
        %swap3A_870 = tpu.vector_load %arg9[%swap3A_868, %swap3A_869] {strides = array<i32>} : memref<13x128xi32, #tpu.memory_space<vmem>>, vector<16xi32>,
        tpu.vector_store %arg9[%swap3A_868, %swap3A_869], %add3A_866 {strides = array<i32>} : memref<13x128xi32, #tpu.memory_space<vmem>>, vector<16xi32>,
        %mul3A_871 = arith.constant 16 : i32
        %mul3A_872 = arith.muli %scan3A_654, %mul3A_871 : i32
        %get3A_873 = arith.constant 9 : i32
        %get3A_874 = arith.index_cast %get3A_873 : i32 to index
        %get3A_875 = arith.index_cast %mul3A_872 : i32 to index
        %get3A_876 = tpu.vector_load %arg8[%get3A_874, %get3A_875] {strides = array<i32>} : memref<13x128xi32, #tpu.memory_space<vmem>>, vector<16xi32>,
        %add3A_877 = arith.constant 900000 : i32
        %add3A_878 = vector.broadcast %add3A_877 : i32 to vector<16xi32>
        %add3A_879 = arith.addi %get3A_876, %add3A_878 : vector<16xi32>
        %swap3A_880 = arith.constant 9 : i32
        %swap3A_881 = arith.index_cast %swap3A_880 : i32 to index
        %swap3A_882 = arith.index_cast %mul3A_872 : i32 to index
        %swap3A_883 = tpu.vector_load %arg8[%swap3A_881, %swap3A_882] {strides = array<i32>} : memref<13x128xi32, #tpu.memory_space<vmem>>, vector<16xi32>,
        tpu.vector_store %arg8[%swap3A_881, %swap3A_882], %add3A_879 {strides = array<i32>} : memref<13x128xi32, #tpu.memory_space<vmem>>, vector<16xi32>,
        %get3A_884 = arith.constant 9 : i32
        %get3A_885 = arith.index_cast %get3A_884 : i32 to index
        %get3A_886 = arith.index_cast %mul3A_872 : i32 to index
        %get3A_887 = tpu.vector_load %arg9[%get3A_885, %get3A_886] {strides = array<i32>} : memref<13x128xi32, #tpu.memory_space<vmem>>, vector<16xi32>,
        %add3A_888 = arith.constant 900000 : i32
        %add3A_889 = vector.broadcast %add3A_888 : i32 to vector<16xi32>
        %add3A_890 = arith.addi %get3A_887, %add3A_889 : vector<16xi32>
        %swap3A_891 = arith.constant 9 : i32
        %swap3A_892 = arith.index_cast %swap3A_891 : i32 to index
        %swap3A_893 = arith.index_cast %mul3A_872 : i32 to index
        %swap3A_894 = tpu.vector_load %arg9[%swap3A_892, %swap3A_893] {strides = array<i32>} : memref<13x128xi32, #tpu.memory_space<vmem>>, vector<16xi32>,
        tpu.vector_store %arg9[%swap3A_892, %swap3A_893], %add3A_890 {strides = array<i32>} : memref<13x128xi32, #tpu.memory_space<vmem>>, vector<16xi32>,
        %mul3A_895 = arith.constant 16 : i32
        %mul3A_896 = arith.muli %scan3A_654, %mul3A_895 : i32
        %get3A_897 = arith.constant 10 : i32
        %get3A_898 = arith.index_cast %get3A_897 : i32 to index
        %get3A_899 = arith.index_cast %mul3A_896 : i32 to index
        %get3A_900 = tpu.vector_load %arg8[%get3A_898, %get3A_899] {strides = array<i32>} : memref<13x128xi32, #tpu.memory_space<vmem>>, vector<16xi32>,
        %add3A_901 = arith.constant 1000000 : i32
        %add3A_902 = vector.broadcast %add3A_901 : i32 to vector<16xi32>
        %add3A_903 = arith.addi %get3A_900, %add3A_902 : vector<16xi32>
        %swap3A_904 = arith.constant 10 : i32
        %swap3A_905 = arith.index_cast %swap3A_904 : i32 to index
        %swap3A_906 = arith.index_cast %mul3A_896 : i32 to index
        %swap3A_907 = tpu.vector_load %arg8[%swap3A_905, %swap3A_906] {strides = array<i32>} : memref<13x128xi32, #tpu.memory_space<vmem>>, vector<16xi32>,
        tpu.vector_store %arg8[%swap3A_905, %swap3A_906], %add3A_903 {strides = array<i32>} : memref<13x128xi32, #tpu.memory_space<vmem>>, vector<16xi32>,
        %get3A_908 = arith.constant 10 : i32
        %get3A_909 = arith.index_cast %get3A_908 : i32 to index
        %get3A_910 = arith.index_cast %mul3A_896 : i32 to index
        %get3A_911 = tpu.vector_load %arg9[%get3A_909, %get3A_910] {strides = array<i32>} : memref<13x128xi32, #tpu.memory_space<vmem>>, vector<16xi32>,
        %add3A_912 = arith.constant 1000000 : i32
        %add3A_913 = vector.broadcast %add3A_912 : i32 to vector<16xi32>
        %add3A_914 = arith.addi %get3A_911, %add3A_913 : vector<16xi32>
        %swap3A_915 = arith.constant 10 : i32
        %swap3A_916 = arith.index_cast %swap3A_915 : i32 to index
        %swap3A_917 = arith.index_cast %mul3A_896 : i32 to index
        %swap3A_918 = tpu.vector_load %arg9[%swap3A_916, %swap3A_917] {strides = array<i32>} : memref<13x128xi32, #tpu.memory_space<vmem>>, vector<16xi32>,
        tpu.vector_store %arg9[%swap3A_916, %swap3A_917], %add3A_914 {strides = array<i32>} : memref<13x128xi32, #tpu.memory_space<vmem>>, vector<16xi32>,
        %mul3A_919 = arith.constant 16 : i32
        %mul3A_920 = arith.muli %scan3A_654, %mul3A_919 : i32
        %get3A_921 = arith.constant 11 : i32
        %get3A_922 = arith.index_cast %get3A_921 : i32 to index
        %get3A_923 = arith.index_cast %mul3A_920 : i32 to index
        %get3A_924 = tpu.vector_load %arg8[%get3A_922, %get3A_923] {strides = array<i32>} : memref<13x128xi32, #tpu.memory_space<vmem>>, vector<16xi32>,
        %add3A_925 = arith.constant 1100000 : i32
        %add3A_926 = vector.broadcast %add3A_925 : i32 to vector<16xi32>
        %add3A_927 = arith.addi %get3A_924, %add3A_926 : vector<16xi32>
        %swap3A_928 = arith.constant 11 : i32
        %swap3A_929 = arith.index_cast %swap3A_928 : i32 to index
        %swap3A_930 = arith.index_cast %mul3A_920 : i32 to index
        %swap3A_931 = tpu.vector_load %arg8[%swap3A_929, %swap3A_930] {strides = array<i32>} : memref<13x128xi32, #tpu.memory_space<vmem>>, vector<16xi32>,
        tpu.vector_store %arg8[%swap3A_929, %swap3A_930], %add3A_927 {strides = array<i32>} : memref<13x128xi32, #tpu.memory_space<vmem>>, vector<16xi32>,
        %get3A_932 = arith.constant 11 : i32
        %get3A_933 = arith.index_cast %get3A_932 : i32 to index
        %get3A_934 = arith.index_cast %mul3A_920 : i32 to index
        %get3A_935 = tpu.vector_load %arg9[%get3A_933, %get3A_934] {strides = array<i32>} : memref<13x128xi32, #tpu.memory_space<vmem>>, vector<16xi32>,
        %add3A_936 = arith.constant 1100000 : i32
        %add3A_937 = vector.broadcast %add3A_936 : i32 to vector<16xi32>
        %add3A_938 = arith.addi %get3A_935, %add3A_937 : vector<16xi32>
        %swap3A_939 = arith.constant 11 : i32
        %swap3A_940 = arith.index_cast %swap3A_939 : i32 to index
        %swap3A_941 = arith.index_cast %mul3A_920 : i32 to index
        %swap3A_942 = tpu.vector_load %arg9[%swap3A_940, %swap3A_941] {strides = array<i32>} : memref<13x128xi32, #tpu.memory_space<vmem>>, vector<16xi32>,
        tpu.vector_store %arg9[%swap3A_940, %swap3A_941], %add3A_938 {strides = array<i32>} : memref<13x128xi32, #tpu.memory_space<vmem>>, vector<16xi32>,
        %mul3A_943 = arith.constant 16 : i32
        %mul3A_944 = arith.muli %scan3A_654, %mul3A_943 : i32
        %get3A_945 = arith.constant 12 : i32
        %get3A_946 = arith.index_cast %get3A_945 : i32 to index
        %get3A_947 = arith.index_cast %mul3A_944 : i32 to index
        %get3A_948 = tpu.vector_load %arg8[%get3A_946, %get3A_947] {strides = array<i32>} : memref<13x128xi32, #tpu.memory_space<vmem>>, vector<16xi32>,
        %add3A_949 = arith.constant 1200000 : i32
        %add3A_950 = vector.broadcast %add3A_949 : i32 to vector<16xi32>
        %add3A_951 = arith.addi %get3A_948, %add3A_950 : vector<16xi32>
        %swap3A_952 = arith.constant 12 : i32
        %swap3A_953 = arith.index_cast %swap3A_952 : i32 to index
        %swap3A_954 = arith.index_cast %mul3A_944 : i32 to index
        %swap3A_955 = tpu.vector_load %arg8[%swap3A_953, %swap3A_954] {strides = array<i32>} : memref<13x128xi32, #tpu.memory_space<vmem>>, vector<16xi32>,
        tpu.vector_store %arg8[%swap3A_953, %swap3A_954], %add3A_951 {strides = array<i32>} : memref<13x128xi32, #tpu.memory_space<vmem>>, vector<16xi32>,
        %get3A_956 = arith.constant 12 : i32
        %get3A_957 = arith.index_cast %get3A_956 : i32 to index
        %get3A_958 = arith.index_cast %mul3A_944 : i32 to index
        %get3A_959 = tpu.vector_load %arg9[%get3A_957, %get3A_958] {strides = array<i32>} : memref<13x128xi32, #tpu.memory_space<vmem>>, vector<16xi32>,
        %add3A_960 = arith.constant 1200000 : i32
        %add3A_961 = vector.broadcast %add3A_960 : i32 to vector<16xi32>
        %add3A_962 = arith.addi %get3A_959, %add3A_961 : vector<16xi32>
        %swap3A_963 = arith.constant 12 : i32
        %swap3A_964 = arith.index_cast %swap3A_963 : i32 to index
        %swap3A_965 = arith.index_cast %mul3A_944 : i32 to index
        %swap3A_966 = tpu.vector_load %arg9[%swap3A_964, %swap3A_965] {strides = array<i32>} : memref<13x128xi32, #tpu.memory_space<vmem>>, vector<16xi32>,
        tpu.vector_store %arg9[%swap3A_964, %swap3A_965], %add3A_962 {strides = array<i32>} : memref<13x128xi32, #tpu.memory_space<vmem>>, vector<16xi32>,
        %scan3A_967 = arith.constant 0 : i32
        scf.yield %scan3A_967 : i32
      }
      %scan3A_23 = arith.constant 8 : i32
      %dma_start3A = arith.constant 0 : i32
      %dma_start3A_24 = arith.constant 0 : i32
      %dma_start3A_25 = arith.constant 0 : i32
      %dma_start3A_26 = arith.constant 0 : i32
      %dma_start3A_27 = tpu.memref_slice %arg10[%dma_start3A_24, %dma_start3A_25, %dma_start3A_26] : memref<13x128x16xf32, #tpu.memory_space<vmem>> -> memref<1x128x16xf32, #tpu.memory_space<vmem>>
      %dma_start3A_28 = tpu.memref_squeeze %dma_start3A_27 : memref<1x128x16xf32, #tpu.memory_space<vmem>> -> memref<128x16xf32, #tpu.memory_space<vmem>>
      %dma_start3A_29 = arith.constant 0 : i32
      %dma_start3A_30 = tpu.memref_slice %arg8[%dma_start3A, %dma_start3A_29] : memref<13x128xi32, #tpu.memory_space<vmem>> -> memref<1x128xi32, #tpu.memory_space<vmem>>
      %dma_start3A_31 = tpu.memref_squeeze %dma_start3A_30 : memref<1x128xi32, #tpu.memory_space<vmem>> -> memref<128xi32, #tpu.memory_space<vmem>>
      %dma_start3A_32 = arith.constant 0 : i32
      %dma_start3A_33 = arith.constant 0 : i32
      %dma_start3A_34 = tpu.memref_slice %arg2[%dma_start3A_32, %dma_start3A_33] : memref<1300000x16xf32, #tpu.memory_space<hbm>> -> memref<1300000x16xf32, #tpu.memory_space<hbm>>
      tpu.enqueue_indirect_dma source(%dma_start3A_34 : memref<1300000x16xf32, #tpu.memory_space<hbm>>) target(%dma_start3A_28 : memref<128x16xf32, #tpu.memory_space<vmem>>) offsets(%dma_start3A_31 : memref<128xi32, #tpu.memory_space<vmem>>) semaphore(%arg14 : memref<!tpu.dma_semaphore, #tpu.memory_space<semaphore_mem>>)
      %dma_start3A_35 = arith.constant 0 : i32
      %dma_start3A_36 = arith.constant 0 : i32
      %dma_start3A_37 = arith.constant 0 : i32
      %dma_start3A_38 = arith.constant 0 : i32
      %dma_start3A_39 = tpu.memref_slice %arg11[%dma_start3A_36, %dma_start3A_37, %dma_start3A_38] : memref<13x128x16xf32, #tpu.memory_space<vmem>> -> memref<1x128x16xf32, #tpu.memory_space<vmem>>
      %dma_start3A_40 = tpu.memref_squeeze %dma_start3A_39 : memref<1x128x16xf32, #tpu.memory_space<vmem>> -> memref<128x16xf32, #tpu.memory_space<vmem>>
      %dma_start3A_41 = arith.constant 0 : i32
      %dma_start3A_42 = tpu.memref_slice %arg9[%dma_start3A_35, %dma_start3A_41] : memref<13x128xi32, #tpu.memory_space<vmem>> -> memref<1x128xi32, #tpu.memory_space<vmem>>
      %dma_start3A_43 = tpu.memref_squeeze %dma_start3A_42 : memref<1x128xi32, #tpu.memory_space<vmem>> -> memref<128xi32, #tpu.memory_space<vmem>>
      %dma_start3A_44 = arith.constant 0 : i32
      %dma_start3A_45 = arith.constant 0 : i32
      %dma_start3A_46 = tpu.memref_slice %arg3[%dma_start3A_44, %dma_start3A_45] : memref<1300000x16xf32, #tpu.memory_space<hbm>> -> memref<1300000x16xf32, #tpu.memory_space<hbm>>
      tpu.enqueue_indirect_dma source(%dma_start3A_46 : memref<1300000x16xf32, #tpu.memory_space<hbm>>) target(%dma_start3A_40 : memref<128x16xf32, #tpu.memory_space<vmem>>) offsets(%dma_start3A_43 : memref<128xi32, #tpu.memory_space<vmem>>) semaphore(%arg14 : memref<!tpu.dma_semaphore, #tpu.memory_space<semaphore_mem>>)
      %dma_start3A_47 = arith.constant 1 : i32
      %dma_start3A_48 = arith.constant 1 : i32
      %dma_start3A_49 = arith.constant 0 : i32
      %dma_start3A_50 = arith.constant 0 : i32
      %dma_start3A_51 = tpu.memref_slice %arg10[%dma_start3A_48, %dma_start3A_49, %dma_start3A_50] : memref<13x128x16xf32, #tpu.memory_space<vmem>> -> memref<1x128x16xf32, #tpu.memory_space<vmem>>
      %dma_start3A_52 = tpu.memref_squeeze %dma_start3A_51 : memref<1x128x16xf32, #tpu.memory_space<vmem>> -> memref<128x16xf32, #tpu.memory_space<vmem>>
      %dma_start3A_53 = arith.constant 0 : i32
      %dma_start3A_54 = tpu.memref_slice %arg8[%dma_start3A_47, %dma_start3A_53] : memref<13x128xi32, #tpu.memory_space<vmem>> -> memref<1x128xi32, #tpu.memory_space<vmem>>
      %dma_start3A_55 = tpu.memref_squeeze %dma_start3A_54 : memref<1x128xi32, #tpu.memory_space<vmem>> -> memref<128xi32, #tpu.memory_space<vmem>>
      %dma_start3A_56 = arith.constant 0 : i32
      %dma_start3A_57 = arith.constant 0 : i32
      %dma_start3A_58 = tpu.memref_slice %arg2[%dma_start3A_56, %dma_start3A_57] : memref<1300000x16xf32, #tpu.memory_space<hbm>> -> memref<1300000x16xf32, #tpu.memory_space<hbm>>
      tpu.enqueue_indirect_dma source(%dma_start3A_58 : memref<1300000x16xf32, #tpu.memory_space<hbm>>) target(%dma_start3A_52 : memref<128x16xf32, #tpu.memory_space<vmem>>) offsets(%dma_start3A_55 : memref<128xi32, #tpu.memory_space<vmem>>) semaphore(%arg14 : memref<!tpu.dma_semaphore, #tpu.memory_space<semaphore_mem>>)
      %dma_start3A_59 = arith.constant 1 : i32
      %dma_start3A_60 = arith.constant 1 : i32
      %dma_start3A_61 = arith.constant 0 : i32
      %dma_start3A_62 = arith.constant 0 : i32
      %dma_start3A_63 = tpu.memref_slice %arg11[%dma_start3A_60, %dma_start3A_61, %dma_start3A_62] : memref<13x128x16xf32, #tpu.memory_space<vmem>> -> memref<1x128x16xf32, #tpu.memory_space<vmem>>
      %dma_start3A_64 = tpu.memref_squeeze %dma_start3A_63 : memref<1x128x16xf32, #tpu.memory_space<vmem>> -> memref<128x16xf32, #tpu.memory_space<vmem>>
      %dma_start3A_65 = arith.constant 0 : i32
      %dma_start3A_66 = tpu.memref_slice %arg9[%dma_start3A_59, %dma_start3A_65] : memref<13x128xi32, #tpu.memory_space<vmem>> -> memref<1x128xi32, #tpu.memory_space<vmem>>
      %dma_start3A_67 = tpu.memref_squeeze %dma_start3A_66 : memref<1x128xi32, #tpu.memory_space<vmem>> -> memref<128xi32, #tpu.memory_space<vmem>>
      %dma_start3A_68 = arith.constant 0 : i32
      %dma_start3A_69 = arith.constant 0 : i32
      %dma_start3A_70 = tpu.memref_slice %arg3[%dma_start3A_68, %dma_start3A_69] : memref<1300000x16xf32, #tpu.memory_space<hbm>> -> memref<1300000x16xf32, #tpu.memory_space<hbm>>
      tpu.enqueue_indirect_dma source(%dma_start3A_70 : memref<1300000x16xf32, #tpu.memory_space<hbm>>) target(%dma_start3A_64 : memref<128x16xf32, #tpu.memory_space<vmem>>) offsets(%dma_start3A_67 : memref<128xi32, #tpu.memory_space<vmem>>) semaphore(%arg14 : memref<!tpu.dma_semaphore, #tpu.memory_space<semaphore_mem>>)
      %dma_start3A_71 = arith.constant 2 : i32
      %dma_start3A_72 = arith.constant 2 : i32
      %dma_start3A_73 = arith.constant 0 : i32
      %dma_start3A_74 = arith.constant 0 : i32
      %dma_start3A_75 = tpu.memref_slice %arg10[%dma_start3A_72, %dma_start3A_73, %dma_start3A_74] : memref<13x128x16xf32, #tpu.memory_space<vmem>> -> memref<1x128x16xf32, #tpu.memory_space<vmem>>
      %dma_start3A_76 = tpu.memref_squeeze %dma_start3A_75 : memref<1x128x16xf32, #tpu.memory_space<vmem>> -> memref<128x16xf32, #tpu.memory_space<vmem>>
      %dma_start3A_77 = arith.constant 0 : i32
      %dma_start3A_78 = tpu.memref_slice %arg8[%dma_start3A_71, %dma_start3A_77] : memref<13x128xi32, #tpu.memory_space<vmem>> -> memref<1x128xi32, #tpu.memory_space<vmem>>
      %dma_start3A_79 = tpu.memref_squeeze %dma_start3A_78 : memref<1x128xi32, #tpu.memory_space<vmem>> -> memref<128xi32, #tpu.memory_space<vmem>>
      %dma_start3A_80 = arith.constant 0 : i32
      %dma_start3A_81 = arith.constant 0 : i32
      %dma_start3A_82 = tpu.memref_slice %arg2[%dma_start3A_80, %dma_start3A_81] : memref<1300000x16xf32, #tpu.memory_space<hbm>> -> memref<1300000x16xf32, #tpu.memory_space<hbm>>
      tpu.enqueue_indirect_dma source(%dma_start3A_82 : memref<1300000x16xf32, #tpu.memory_space<hbm>>) target(%dma_start3A_76 : memref<128x16xf32, #tpu.memory_space<vmem>>) offsets(%dma_start3A_79 : memref<128xi32, #tpu.memory_space<vmem>>) semaphore(%arg14 : memref<!tpu.dma_semaphore, #tpu.memory_space<semaphore_mem>>)
      %dma_start3A_83 = arith.constant 2 : i32
      %dma_start3A_84 = arith.constant 2 : i32
      %dma_start3A_85 = arith.constant 0 : i32
      %dma_start3A_86 = arith.constant 0 : i32
      %dma_start3A_87 = tpu.memref_slice %arg11[%dma_start3A_84, %dma_start3A_85, %dma_start3A_86] : memref<13x128x16xf32, #tpu.memory_space<vmem>> -> memref<1x128x16xf32, #tpu.memory_space<vmem>>
      %dma_start3A_88 = tpu.memref_squeeze %dma_start3A_87 : memref<1x128x16xf32, #tpu.memory_space<vmem>> -> memref<128x16xf32, #tpu.memory_space<vmem>>
      %dma_start3A_89 = arith.constant 0 : i32
      %dma_start3A_90 = tpu.memref_slice %arg9[%dma_start3A_83, %dma_start3A_89] : memref<13x128xi32, #tpu.memory_space<vmem>> -> memref<1x128xi32, #tpu.memory_space<vmem>>
      %dma_start3A_91 = tpu.memref_squeeze %dma_start3A_90 : memref<1x128xi32, #tpu.memory_space<vmem>> -> memref<128xi32, #tpu.memory_space<vmem>>
      %dma_start3A_92 = arith.constant 0 : i32
      %dma_start3A_93 = arith.constant 0 : i32
      %dma_start3A_94 = tpu.memref_slice %arg3[%dma_start3A_92, %dma_start3A_93] : memref<1300000x16xf32, #tpu.memory_space<hbm>> -> memref<1300000x16xf32, #tpu.memory_space<hbm>>
      tpu.enqueue_indirect_dma source(%dma_start3A_94 : memref<1300000x16xf32, #tpu.memory_space<hbm>>) target(%dma_start3A_88 : memref<128x16xf32, #tpu.memory_space<vmem>>) offsets(%dma_start3A_91 : memref<128xi32, #tpu.memory_space<vmem>>) semaphore(%arg14 : memref<!tpu.dma_semaphore, #tpu.memory_space<semaphore_mem>>)
      %dma_start3A_95 = arith.constant 3 : i32
      %dma_start3A_96 = arith.constant 3 : i32
      %dma_start3A_97 = arith.constant 0 : i32
      %dma_start3A_98 = arith.constant 0 : i32
      %dma_start3A_99 = tpu.memref_slice %arg10[%dma_start3A_96, %dma_start3A_97, %dma_start3A_98] : memref<13x128x16xf32, #tpu.memory_space<vmem>> -> memref<1x128x16xf32, #tpu.memory_space<vmem>>
      %dma_start3A_100 = tpu.memref_squeeze %dma_start3A_99 : memref<1x128x16xf32, #tpu.memory_space<vmem>> -> memref<128x16xf32, #tpu.memory_space<vmem>>
      %dma_start3A_101 = arith.constant 0 : i32
      %dma_start3A_102 = tpu.memref_slice %arg8[%dma_start3A_95, %dma_start3A_101] : memref<13x128xi32, #tpu.memory_space<vmem>> -> memref<1x128xi32, #tpu.memory_space<vmem>>
      %dma_start3A_103 = tpu.memref_squeeze %dma_start3A_102 : memref<1x128xi32, #tpu.memory_space<vmem>> -> memref<128xi32, #tpu.memory_space<vmem>>
      %dma_start3A_104 = arith.constant 0 : i32
      %dma_start3A_105 = arith.constant 0 : i32
      %dma_start3A_106 = tpu.memref_slice %arg2[%dma_start3A_104, %dma_start3A_105] : memref<1300000x16xf32, #tpu.memory_space<hbm>> -> memref<1300000x16xf32, #tpu.memory_space<hbm>>
      tpu.enqueue_indirect_dma source(%dma_start3A_106 : memref<1300000x16xf32, #tpu.memory_space<hbm>>) target(%dma_start3A_100 : memref<128x16xf32, #tpu.memory_space<vmem>>) offsets(%dma_start3A_103 : memref<128xi32, #tpu.memory_space<vmem>>) semaphore(%arg14 : memref<!tpu.dma_semaphore, #tpu.memory_space<semaphore_mem>>)
      %dma_start3A_107 = arith.constant 3 : i32
      %dma_start3A_108 = arith.constant 3 : i32
      %dma_start3A_109 = arith.constant 0 : i32
      %dma_start3A_110 = arith.constant 0 : i32
      %dma_start3A_111 = tpu.memref_slice %arg11[%dma_start3A_108, %dma_start3A_109, %dma_start3A_110] : memref<13x128x16xf32, #tpu.memory_space<vmem>> -> memref<1x128x16xf32, #tpu.memory_space<vmem>>
      %dma_start3A_112 = tpu.memref_squeeze %dma_start3A_111 : memref<1x128x16xf32, #tpu.memory_space<vmem>> -> memref<128x16xf32, #tpu.memory_space<vmem>>
      %dma_start3A_113 = arith.constant 0 : i32
      %dma_start3A_114 = tpu.memref_slice %arg9[%dma_start3A_107, %dma_start3A_113] : memref<13x128xi32, #tpu.memory_space<vmem>> -> memref<1x128xi32, #tpu.memory_space<vmem>>
      %dma_start3A_115 = tpu.memref_squeeze %dma_start3A_114 : memref<1x128xi32, #tpu.memory_space<vmem>> -> memref<128xi32, #tpu.memory_space<vmem>>
      %dma_start3A_116 = arith.constant 0 : i32
      %dma_start3A_117 = arith.constant 0 : i32
      %dma_start3A_118 = tpu.memref_slice %arg3[%dma_start3A_116, %dma_start3A_117] : memref<1300000x16xf32, #tpu.memory_space<hbm>> -> memref<1300000x16xf32, #tpu.memory_space<hbm>>
      tpu.enqueue_indirect_dma source(%dma_start3A_118 : memref<1300000x16xf32, #tpu.memory_space<hbm>>) target(%dma_start3A_112 : memref<128x16xf32, #tpu.memory_space<vmem>>) offsets(%dma_start3A_115 : memref<128xi32, #tpu.memory_space<vmem>>) semaphore(%arg14 : memref<!tpu.dma_semaphore, #tpu.memory_space<semaphore_mem>>)
      %dma_start3A_119 = arith.constant 4 : i32
      %dma_start3A_120 = arith.constant 4 : i32
      %dma_start3A_121 = arith.constant 0 : i32
      %dma_start3A_122 = arith.constant 0 : i32
      %dma_start3A_123 = tpu.memref_slice %arg10[%dma_start3A_120, %dma_start3A_121, %dma_start3A_122] : memref<13x128x16xf32, #tpu.memory_space<vmem>> -> memref<1x128x16xf32, #tpu.memory_space<vmem>>
      %dma_start3A_124 = tpu.memref_squeeze %dma_start3A_123 : memref<1x128x16xf32, #tpu.memory_space<vmem>> -> memref<128x16xf32, #tpu.memory_space<vmem>>
      %dma_start3A_125 = arith.constant 0 : i32
      %dma_start3A_126 = tpu.memref_slice %arg8[%dma_start3A_119, %dma_start3A_125] : memref<13x128xi32, #tpu.memory_space<vmem>> -> memref<1x128xi32, #tpu.memory_space<vmem>>
      %dma_start3A_127 = tpu.memref_squeeze %dma_start3A_126 : memref<1x128xi32, #tpu.memory_space<vmem>> -> memref<128xi32, #tpu.memory_space<vmem>>
      %dma_start3A_128 = arith.constant 0 : i32
      %dma_start3A_129 = arith.constant 0 : i32
      %dma_start3A_130 = tpu.memref_slice %arg2[%dma_start3A_128, %dma_start3A_129] : memref<1300000x16xf32, #tpu.memory_space<hbm>> -> memref<1300000x16xf32, #tpu.memory_space<hbm>>
      tpu.enqueue_indirect_dma source(%dma_start3A_130 : memref<1300000x16xf32, #tpu.memory_space<hbm>>) target(%dma_start3A_124 : memref<128x16xf32, #tpu.memory_space<vmem>>) offsets(%dma_start3A_127 : memref<128xi32, #tpu.memory_space<vmem>>) semaphore(%arg14 : memref<!tpu.dma_semaphore, #tpu.memory_space<semaphore_mem>>)
      %dma_start3A_131 = arith.constant 4 : i32
      %dma_start3A_132 = arith.constant 4 : i32
      %dma_start3A_133 = arith.constant 0 : i32
      %dma_start3A_134 = arith.constant 0 : i32
      %dma_start3A_135 = tpu.memref_slice %arg11[%dma_start3A_132, %dma_start3A_133, %dma_start3A_134] : memref<13x128x16xf32, #tpu.memory_space<vmem>> -> memref<1x128x16xf32, #tpu.memory_space<vmem>>
      %dma_start3A_136 = tpu.memref_squeeze %dma_start3A_135 : memref<1x128x16xf32, #tpu.memory_space<vmem>> -> memref<128x16xf32, #tpu.memory_space<vmem>>
      %dma_start3A_137 = arith.constant 0 : i32
      %dma_start3A_138 = tpu.memref_slice %arg9[%dma_start3A_131, %dma_start3A_137] : memref<13x128xi32, #tpu.memory_space<vmem>> -> memref<1x128xi32, #tpu.memory_space<vmem>>
      %dma_start3A_139 = tpu.memref_squeeze %dma_start3A_138 : memref<1x128xi32, #tpu.memory_space<vmem>> -> memref<128xi32, #tpu.memory_space<vmem>>
      %dma_start3A_140 = arith.constant 0 : i32
      %dma_start3A_141 = arith.constant 0 : i32
      %dma_start3A_142 = tpu.memref_slice %arg3[%dma_start3A_140, %dma_start3A_141] : memref<1300000x16xf32, #tpu.memory_space<hbm>> -> memref<1300000x16xf32, #tpu.memory_space<hbm>>
      tpu.enqueue_indirect_dma source(%dma_start3A_142 : memref<1300000x16xf32, #tpu.memory_space<hbm>>) target(%dma_start3A_136 : memref<128x16xf32, #tpu.memory_space<vmem>>) offsets(%dma_start3A_139 : memref<128xi32, #tpu.memory_space<vmem>>) semaphore(%arg14 : memref<!tpu.dma_semaphore, #tpu.memory_space<semaphore_mem>>)
      %dma_start3A_143 = arith.constant 5 : i32
      %dma_start3A_144 = arith.constant 5 : i32
      %dma_start3A_145 = arith.constant 0 : i32
      %dma_start3A_146 = arith.constant 0 : i32
      %dma_start3A_147 = tpu.memref_slice %arg10[%dma_start3A_144, %dma_start3A_145, %dma_start3A_146] : memref<13x128x16xf32, #tpu.memory_space<vmem>> -> memref<1x128x16xf32, #tpu.memory_space<vmem>>
      %dma_start3A_148 = tpu.memref_squeeze %dma_start3A_147 : memref<1x128x16xf32, #tpu.memory_space<vmem>> -> memref<128x16xf32, #tpu.memory_space<vmem>>
      %dma_start3A_149 = arith.constant 0 : i32
      %dma_start3A_150 = tpu.memref_slice %arg8[%dma_start3A_143, %dma_start3A_149] : memref<13x128xi32, #tpu.memory_space<vmem>> -> memref<1x128xi32, #tpu.memory_space<vmem>>
      %dma_start3A_151 = tpu.memref_squeeze %dma_start3A_150 : memref<1x128xi32, #tpu.memory_space<vmem>> -> memref<128xi32, #tpu.memory_space<vmem>>
      %dma_start3A_152 = arith.constant 0 : i32
      %dma_start3A_153 = arith.constant 0 : i32
      %dma_start3A_154 = tpu.memref_slice %arg2[%dma_start3A_152, %dma_start3A_153] : memref<1300000x16xf32, #tpu.memory_space<hbm>> -> memref<1300000x16xf32, #tpu.memory_space<hbm>>
      tpu.enqueue_indirect_dma source(%dma_start3A_154 : memref<1300000x16xf32, #tpu.memory_space<hbm>>) target(%dma_start3A_148 : memref<128x16xf32, #tpu.memory_space<vmem>>) offsets(%dma_start3A_151 : memref<128xi32, #tpu.memory_space<vmem>>) semaphore(%arg14 : memref<!tpu.dma_semaphore, #tpu.memory_space<semaphore_mem>>)
      %dma_start3A_155 = arith.constant 5 : i32
      %dma_start3A_156 = arith.constant 5 : i32
      %dma_start3A_157 = arith.constant 0 : i32
      %dma_start3A_158 = arith.constant 0 : i32
      %dma_start3A_159 = tpu.memref_slice %arg11[%dma_start3A_156, %dma_start3A_157, %dma_start3A_158] : memref<13x128x16xf32, #tpu.memory_space<vmem>> -> memref<1x128x16xf32, #tpu.memory_space<vmem>>
      %dma_start3A_160 = tpu.memref_squeeze %dma_start3A_159 : memref<1x128x16xf32, #tpu.memory_space<vmem>> -> memref<128x16xf32, #tpu.memory_space<vmem>>
      %dma_start3A_161 = arith.constant 0 : i32
      %dma_start3A_162 = tpu.memref_slice %arg9[%dma_start3A_155, %dma_start3A_161] : memref<13x128xi32, #tpu.memory_space<vmem>> -> memref<1x128xi32, #tpu.memory_space<vmem>>
      %dma_start3A_163 = tpu.memref_squeeze %dma_start3A_162 : memref<1x128xi32, #tpu.memory_space<vmem>> -> memref<128xi32, #tpu.memory_space<vmem>>
      %dma_start3A_164 = arith.constant 0 : i32
      %dma_start3A_165 = arith.constant 0 : i32
      %dma_start3A_166 = tpu.memref_slice %arg3[%dma_start3A_164, %dma_start3A_165] : memref<1300000x16xf32, #tpu.memory_space<hbm>> -> memref<1300000x16xf32, #tpu.memory_space<hbm>>
      tpu.enqueue_indirect_dma source(%dma_start3A_166 : memref<1300000x16xf32, #tpu.memory_space<hbm>>) target(%dma_start3A_160 : memref<128x16xf32, #tpu.memory_space<vmem>>) offsets(%dma_start3A_163 : memref<128xi32, #tpu.memory_space<vmem>>) semaphore(%arg14 : memref<!tpu.dma_semaphore, #tpu.memory_space<semaphore_mem>>)
      %dma_start3A_167 = arith.constant 6 : i32
      %dma_start3A_168 = arith.constant 6 : i32
      %dma_start3A_169 = arith.constant 0 : i32
      %dma_start3A_170 = arith.constant 0 : i32
      %dma_start3A_171 = tpu.memref_slice %arg10[%dma_start3A_168, %dma_start3A_169, %dma_start3A_170] : memref<13x128x16xf32, #tpu.memory_space<vmem>> -> memref<1x128x16xf32, #tpu.memory_space<vmem>>
      %dma_start3A_172 = tpu.memref_squeeze %dma_start3A_171 : memref<1x128x16xf32, #tpu.memory_space<vmem>> -> memref<128x16xf32, #tpu.memory_space<vmem>>
      %dma_start3A_173 = arith.constant 0 : i32
      %dma_start3A_174 = tpu.memref_slice %arg8[%dma_start3A_167, %dma_start3A_173] : memref<13x128xi32, #tpu.memory_space<vmem>> -> memref<1x128xi32, #tpu.memory_space<vmem>>
      %dma_start3A_175 = tpu.memref_squeeze %dma_start3A_174 : memref<1x128xi32, #tpu.memory_space<vmem>> -> memref<128xi32, #tpu.memory_space<vmem>>
      %dma_start3A_176 = arith.constant 0 : i32
      %dma_start3A_177 = arith.constant 0 : i32
      %dma_start3A_178 = tpu.memref_slice %arg2[%dma_start3A_176, %dma_start3A_177] : memref<1300000x16xf32, #tpu.memory_space<hbm>> -> memref<1300000x16xf32, #tpu.memory_space<hbm>>
      tpu.enqueue_indirect_dma source(%dma_start3A_178 : memref<1300000x16xf32, #tpu.memory_space<hbm>>) target(%dma_start3A_172 : memref<128x16xf32, #tpu.memory_space<vmem>>) offsets(%dma_start3A_175 : memref<128xi32, #tpu.memory_space<vmem>>) semaphore(%arg14 : memref<!tpu.dma_semaphore, #tpu.memory_space<semaphore_mem>>)
      %dma_start3A_179 = arith.constant 6 : i32
      %dma_start3A_180 = arith.constant 6 : i32
      %dma_start3A_181 = arith.constant 0 : i32
      %dma_start3A_182 = arith.constant 0 : i32
      %dma_start3A_183 = tpu.memref_slice %arg11[%dma_start3A_180, %dma_start3A_181, %dma_start3A_182] : memref<13x128x16xf32, #tpu.memory_space<vmem>> -> memref<1x128x16xf32, #tpu.memory_space<vmem>>
      %dma_start3A_184 = tpu.memref_squeeze %dma_start3A_183 : memref<1x128x16xf32, #tpu.memory_space<vmem>> -> memref<128x16xf32, #tpu.memory_space<vmem>>
      %dma_start3A_185 = arith.constant 0 : i32
      %dma_start3A_186 = tpu.memref_slice %arg9[%dma_start3A_179, %dma_start3A_185] : memref<13x128xi32, #tpu.memory_space<vmem>> -> memref<1x128xi32, #tpu.memory_space<vmem>>
      %dma_start3A_187 = tpu.memref_squeeze %dma_start3A_186 : memref<1x128xi32, #tpu.memory_space<vmem>> -> memref<128xi32, #tpu.memory_space<vmem>>
      %dma_start3A_188 = arith.constant 0 : i32
      %dma_start3A_189 = arith.constant 0 : i32
      %dma_start3A_190 = tpu.memref_slice %arg3[%dma_start3A_188, %dma_start3A_189] : memref<1300000x16xf32, #tpu.memory_space<hbm>> -> memref<1300000x16xf32, #tpu.memory_space<hbm>>
      tpu.enqueue_indirect_dma source(%dma_start3A_190 : memref<1300000x16xf32, #tpu.memory_space<hbm>>) target(%dma_start3A_184 : memref<128x16xf32, #tpu.memory_space<vmem>>) offsets(%dma_start3A_187 : memref<128xi32, #tpu.memory_space<vmem>>) semaphore(%arg14 : memref<!tpu.dma_semaphore, #tpu.memory_space<semaphore_mem>>)
      %dma_start3A_191 = arith.constant 7 : i32
      %dma_start3A_192 = arith.constant 7 : i32
      %dma_start3A_193 = arith.constant 0 : i32
      %dma_start3A_194 = arith.constant 0 : i32
      %dma_start3A_195 = tpu.memref_slice %arg10[%dma_start3A_192, %dma_start3A_193, %dma_start3A_194] : memref<13x128x16xf32, #tpu.memory_space<vmem>> -> memref<1x128x16xf32, #tpu.memory_space<vmem>>
      %dma_start3A_196 = tpu.memref_squeeze %dma_start3A_195 : memref<1x128x16xf32, #tpu.memory_space<vmem>> -> memref<128x16xf32, #tpu.memory_space<vmem>>
      %dma_start3A_197 = arith.constant 0 : i32
      %dma_start3A_198 = tpu.memref_slice %arg8[%dma_start3A_191, %dma_start3A_197] : memref<13x128xi32, #tpu.memory_space<vmem>> -> memref<1x128xi32, #tpu.memory_space<vmem>>
      %dma_start3A_199 = tpu.memref_squeeze %dma_start3A_198 : memref<1x128xi32, #tpu.memory_space<vmem>> -> memref<128xi32, #tpu.memory_space<vmem>>
      %dma_start3A_200 = arith.constant 0 : i32
      %dma_start3A_201 = arith.constant 0 : i32
      %dma_start3A_202 = tpu.memref_slice %arg2[%dma_start3A_200, %dma_start3A_201] : memref<1300000x16xf32, #tpu.memory_space<hbm>> -> memref<1300000x16xf32, #tpu.memory_space<hbm>>
      tpu.enqueue_indirect_dma source(%dma_start3A_202 : memref<1300000x16xf32, #tpu.memory_space<hbm>>) target(%dma_start3A_196 : memref<128x16xf32, #tpu.memory_space<vmem>>) offsets(%dma_start3A_199 : memref<128xi32, #tpu.memory_space<vmem>>) semaphore(%arg14 : memref<!tpu.dma_semaphore, #tpu.memory_space<semaphore_mem>>)
      %dma_start3A_203 = arith.constant 7 : i32
      %dma_start3A_204 = arith.constant 7 : i32
      %dma_start3A_205 = arith.constant 0 : i32
      %dma_start3A_206 = arith.constant 0 : i32
      %dma_start3A_207 = tpu.memref_slice %arg11[%dma_start3A_204, %dma_start3A_205, %dma_start3A_206] : memref<13x128x16xf32, #tpu.memory_space<vmem>> -> memref<1x128x16xf32, #tpu.memory_space<vmem>>
      %dma_start3A_208 = tpu.memref_squeeze %dma_start3A_207 : memref<1x128x16xf32, #tpu.memory_space<vmem>> -> memref<128x16xf32, #tpu.memory_space<vmem>>
      %dma_start3A_209 = arith.constant 0 : i32
      %dma_start3A_210 = tpu.memref_slice %arg9[%dma_start3A_203, %dma_start3A_209] : memref<13x128xi32, #tpu.memory_space<vmem>> -> memref<1x128xi32, #tpu.memory_space<vmem>>
      %dma_start3A_211 = tpu.memref_squeeze %dma_start3A_210 : memref<1x128xi32, #tpu.memory_space<vmem>> -> memref<128xi32, #tpu.memory_space<vmem>>
      %dma_start3A_212 = arith.constant 0 : i32
      %dma_start3A_213 = arith.constant 0 : i32
      %dma_start3A_214 = tpu.memref_slice %arg3[%dma_start3A_212, %dma_start3A_213] : memref<1300000x16xf32, #tpu.memory_space<hbm>> -> memref<1300000x16xf32, #tpu.memory_space<hbm>>
      tpu.enqueue_indirect_dma source(%dma_start3A_214 : memref<1300000x16xf32, #tpu.memory_space<hbm>>) target(%dma_start3A_208 : memref<128x16xf32, #tpu.memory_space<vmem>>) offsets(%dma_start3A_211 : memref<128xi32, #tpu.memory_space<vmem>>) semaphore(%arg14 : memref<!tpu.dma_semaphore, #tpu.memory_space<semaphore_mem>>)
      %dma_start3A_215 = arith.constant 8 : i32
      %dma_start3A_216 = arith.constant 8 : i32
      %dma_start3A_217 = arith.constant 0 : i32
      %dma_start3A_218 = arith.constant 0 : i32
      %dma_start3A_219 = tpu.memref_slice %arg10[%dma_start3A_216, %dma_start3A_217, %dma_start3A_218] : memref<13x128x16xf32, #tpu.memory_space<vmem>> -> memref<1x128x16xf32, #tpu.memory_space<vmem>>
      %dma_start3A_220 = tpu.memref_squeeze %dma_start3A_219 : memref<1x128x16xf32, #tpu.memory_space<vmem>> -> memref<128x16xf32, #tpu.memory_space<vmem>>
      %dma_start3A_221 = arith.constant 0 : i32
      %dma_start3A_222 = tpu.memref_slice %arg8[%dma_start3A_215, %dma_start3A_221] : memref<13x128xi32, #tpu.memory_space<vmem>> -> memref<1x128xi32, #tpu.memory_space<vmem>>
      %dma_start3A_223 = tpu.memref_squeeze %dma_start3A_222 : memref<1x128xi32, #tpu.memory_space<vmem>> -> memref<128xi32, #tpu.memory_space<vmem>>
      %dma_start3A_224 = arith.constant 0 : i32
      %dma_start3A_225 = arith.constant 0 : i32
      %dma_start3A_226 = tpu.memref_slice %arg2[%dma_start3A_224, %dma_start3A_225] : memref<1300000x16xf32, #tpu.memory_space<hbm>> -> memref<1300000x16xf32, #tpu.memory_space<hbm>>
      tpu.enqueue_indirect_dma source(%dma_start3A_226 : memref<1300000x16xf32, #tpu.memory_space<hbm>>) target(%dma_start3A_220 : memref<128x16xf32, #tpu.memory_space<vmem>>) offsets(%dma_start3A_223 : memref<128xi32, #tpu.memory_space<vmem>>) semaphore(%arg14 : memref<!tpu.dma_semaphore, #tpu.memory_space<semaphore_mem>>)
      %dma_start3A_227 = arith.constant 8 : i32
      %dma_start3A_228 = arith.constant 8 : i32
      %dma_start3A_229 = arith.constant 0 : i32
      %dma_start3A_230 = arith.constant 0 : i32
      %dma_start3A_231 = tpu.memref_slice %arg11[%dma_start3A_228, %dma_start3A_229, %dma_start3A_230] : memref<13x128x16xf32, #tpu.memory_space<vmem>> -> memref<1x128x16xf32, #tpu.memory_space<vmem>>
      %dma_start3A_232 = tpu.memref_squeeze %dma_start3A_231 : memref<1x128x16xf32, #tpu.memory_space<vmem>> -> memref<128x16xf32, #tpu.memory_space<vmem>>
      %dma_start3A_233 = arith.constant 0 : i32
      %dma_start3A_234 = tpu.memref_slice %arg9[%dma_start3A_227, %dma_start3A_233] : memref<13x128xi32, #tpu.memory_space<vmem>> -> memref<1x128xi32, #tpu.memory_space<vmem>>
      %dma_start3A_235 = tpu.memref_squeeze %dma_start3A_234 : memref<1x128xi32, #tpu.memory_space<vmem>> -> memref<128xi32, #tpu.memory_space<vmem>>
      %dma_start3A_236 = arith.constant 0 : i32
      %dma_start3A_237 = arith.constant 0 : i32
      %dma_start3A_238 = tpu.memref_slice %arg3[%dma_start3A_236, %dma_start3A_237] : memref<1300000x16xf32, #tpu.memory_space<hbm>> -> memref<1300000x16xf32, #tpu.memory_space<hbm>>
      tpu.enqueue_indirect_dma source(%dma_start3A_238 : memref<1300000x16xf32, #tpu.memory_space<hbm>>) target(%dma_start3A_232 : memref<128x16xf32, #tpu.memory_space<vmem>>) offsets(%dma_start3A_235 : memref<128xi32, #tpu.memory_space<vmem>>) semaphore(%arg14 : memref<!tpu.dma_semaphore, #tpu.memory_space<semaphore_mem>>)
      %dma_start3A_239 = arith.constant 9 : i32
      %dma_start3A_240 = arith.constant 9 : i32
      %dma_start3A_241 = arith.constant 0 : i32
      %dma_start3A_242 = arith.constant 0 : i32
      %dma_start3A_243 = tpu.memref_slice %arg10[%dma_start3A_240, %dma_start3A_241, %dma_start3A_242] : memref<13x128x16xf32, #tpu.memory_space<vmem>> -> memref<1x128x16xf32, #tpu.memory_space<vmem>>
      %dma_start3A_244 = tpu.memref_squeeze %dma_start3A_243 : memref<1x128x16xf32, #tpu.memory_space<vmem>> -> memref<128x16xf32, #tpu.memory_space<vmem>>
      %dma_start3A_245 = arith.constant 0 : i32
      %dma_start3A_246 = tpu.memref_slice %arg8[%dma_start3A_239, %dma_start3A_245] : memref<13x128xi32, #tpu.memory_space<vmem>> -> memref<1x128xi32, #tpu.memory_space<vmem>>
      %dma_start3A_247 = tpu.memref_squeeze %dma_start3A_246 : memref<1x128xi32, #tpu.memory_space<vmem>> -> memref<128xi32, #tpu.memory_space<vmem>>
      %dma_start3A_248 = arith.constant 0 : i32
      %dma_start3A_249 = arith.constant 0 : i32
      %dma_start3A_250 = tpu.memref_slice %arg2[%dma_start3A_248, %dma_start3A_249] : memref<1300000x16xf32, #tpu.memory_space<hbm>> -> memref<1300000x16xf32, #tpu.memory_space<hbm>>
      tpu.enqueue_indirect_dma source(%dma_start3A_250 : memref<1300000x16xf32, #tpu.memory_space<hbm>>) target(%dma_start3A_244 : memref<128x16xf32, #tpu.memory_space<vmem>>) offsets(%dma_start3A_247 : memref<128xi32, #tpu.memory_space<vmem>>) semaphore(%arg14 : memref<!tpu.dma_semaphore, #tpu.memory_space<semaphore_mem>>)
      %dma_start3A_251 = arith.constant 9 : i32
      %dma_start3A_252 = arith.constant 9 : i32
      %dma_start3A_253 = arith.constant 0 : i32
      %dma_start3A_254 = arith.constant 0 : i32
      %dma_start3A_255 = tpu.memref_slice %arg11[%dma_start3A_252, %dma_start3A_253, %dma_start3A_254] : memref<13x128x16xf32, #tpu.memory_space<vmem>> -> memref<1x128x16xf32, #tpu.memory_space<vmem>>
      %dma_start3A_256 = tpu.memref_squeeze %dma_start3A_255 : memref<1x128x16xf32, #tpu.memory_space<vmem>> -> memref<128x16xf32, #tpu.memory_space<vmem>>
      %dma_start3A_257 = arith.constant 0 : i32
      %dma_start3A_258 = tpu.memref_slice %arg9[%dma_start3A_251, %dma_start3A_257] : memref<13x128xi32, #tpu.memory_space<vmem>> -> memref<1x128xi32, #tpu.memory_space<vmem>>
      %dma_start3A_259 = tpu.memref_squeeze %dma_start3A_258 : memref<1x128xi32, #tpu.memory_space<vmem>> -> memref<128xi32, #tpu.memory_space<vmem>>
      %dma_start3A_260 = arith.constant 0 : i32
      %dma_start3A_261 = arith.constant 0 : i32
      %dma_start3A_262 = tpu.memref_slice %arg3[%dma_start3A_260, %dma_start3A_261] : memref<1300000x16xf32, #tpu.memory_space<hbm>> -> memref<1300000x16xf32, #tpu.memory_space<hbm>>
      tpu.enqueue_indirect_dma source(%dma_start3A_262 : memref<1300000x16xf32, #tpu.memory_space<hbm>>) target(%dma_start3A_256 : memref<128x16xf32, #tpu.memory_space<vmem>>) offsets(%dma_start3A_259 : memref<128xi32, #tpu.memory_space<vmem>>) semaphore(%arg14 : memref<!tpu.dma_semaphore, #tpu.memory_space<semaphore_mem>>)
      %dma_start3A_263 = arith.constant 10 : i32
      %dma_start3A_264 = arith.constant 10 : i32
      %dma_start3A_265 = arith.constant 0 : i32
      %dma_start3A_266 = arith.constant 0 : i32
      %dma_start3A_267 = tpu.memref_slice %arg10[%dma_start3A_264, %dma_start3A_265, %dma_start3A_266] : memref<13x128x16xf32, #tpu.memory_space<vmem>> -> memref<1x128x16xf32, #tpu.memory_space<vmem>>
      %dma_start3A_268 = tpu.memref_squeeze %dma_start3A_267 : memref<1x128x16xf32, #tpu.memory_space<vmem>> -> memref<128x16xf32, #tpu.memory_space<vmem>>
      %dma_start3A_269 = arith.constant 0 : i32
      %dma_start3A_270 = tpu.memref_slice %arg8[%dma_start3A_263, %dma_start3A_269] : memref<13x128xi32, #tpu.memory_space<vmem>> -> memref<1x128xi32, #tpu.memory_space<vmem>>
      %dma_start3A_271 = tpu.memref_squeeze %dma_start3A_270 : memref<1x128xi32, #tpu.memory_space<vmem>> -> memref<128xi32, #tpu.memory_space<vmem>>
      %dma_start3A_272 = arith.constant 0 : i32
      %dma_start3A_273 = arith.constant 0 : i32
      %dma_start3A_274 = tpu.memref_slice %arg2[%dma_start3A_272, %dma_start3A_273] : memref<1300000x16xf32, #tpu.memory_space<hbm>> -> memref<1300000x16xf32, #tpu.memory_space<hbm>>
      tpu.enqueue_indirect_dma source(%dma_start3A_274 : memref<1300000x16xf32, #tpu.memory_space<hbm>>) target(%dma_start3A_268 : memref<128x16xf32, #tpu.memory_space<vmem>>) offsets(%dma_start3A_271 : memref<128xi32, #tpu.memory_space<vmem>>) semaphore(%arg14 : memref<!tpu.dma_semaphore, #tpu.memory_space<semaphore_mem>>)
      %dma_start3A_275 = arith.constant 10 : i32
      %dma_start3A_276 = arith.constant 10 : i32
      %dma_start3A_277 = arith.constant 0 : i32
      %dma_start3A_278 = arith.constant 0 : i32
      %dma_start3A_279 = tpu.memref_slice %arg11[%dma_start3A_276, %dma_start3A_277, %dma_start3A_278] : memref<13x128x16xf32, #tpu.memory_space<vmem>> -> memref<1x128x16xf32, #tpu.memory_space<vmem>>
      %dma_start3A_280 = tpu.memref_squeeze %dma_start3A_279 : memref<1x128x16xf32, #tpu.memory_space<vmem>> -> memref<128x16xf32, #tpu.memory_space<vmem>>
      %dma_start3A_281 = arith.constant 0 : i32
      %dma_start3A_282 = tpu.memref_slice %arg9[%dma_start3A_275, %dma_start3A_281] : memref<13x128xi32, #tpu.memory_space<vmem>> -> memref<1x128xi32, #tpu.memory_space<vmem>>
      %dma_start3A_283 = tpu.memref_squeeze %dma_start3A_282 : memref<1x128xi32, #tpu.memory_space<vmem>> -> memref<128xi32, #tpu.memory_space<vmem>>
      %dma_start3A_284 = arith.constant 0 : i32
      %dma_start3A_285 = arith.constant 0 : i32
      %dma_start3A_286 = tpu.memref_slice %arg3[%dma_start3A_284, %dma_start3A_285] : memref<1300000x16xf32, #tpu.memory_space<hbm>> -> memref<1300000x16xf32, #tpu.memory_space<hbm>>
      tpu.enqueue_indirect_dma source(%dma_start3A_286 : memref<1300000x16xf32, #tpu.memory_space<hbm>>) target(%dma_start3A_280 : memref<128x16xf32, #tpu.memory_space<vmem>>) offsets(%dma_start3A_283 : memref<128xi32, #tpu.memory_space<vmem>>) semaphore(%arg14 : memref<!tpu.dma_semaphore, #tpu.memory_space<semaphore_mem>>)
      %dma_start3A_287 = arith.constant 11 : i32
      %dma_start3A_288 = arith.constant 11 : i32
      %dma_start3A_289 = arith.constant 0 : i32
      %dma_start3A_290 = arith.constant 0 : i32
      %dma_start3A_291 = tpu.memref_slice %arg10[%dma_start3A_288, %dma_start3A_289, %dma_start3A_290] : memref<13x128x16xf32, #tpu.memory_space<vmem>> -> memref<1x128x16xf32, #tpu.memory_space<vmem>>
      %dma_start3A_292 = tpu.memref_squeeze %dma_start3A_291 : memref<1x128x16xf32, #tpu.memory_space<vmem>> -> memref<128x16xf32, #tpu.memory_space<vmem>>
      %dma_start3A_293 = arith.constant 0 : i32
      %dma_start3A_294 = tpu.memref_slice %arg8[%dma_start3A_287, %dma_start3A_293] : memref<13x128xi32, #tpu.memory_space<vmem>> -> memref<1x128xi32, #tpu.memory_space<vmem>>
      %dma_start3A_295 = tpu.memref_squeeze %dma_start3A_294 : memref<1x128xi32, #tpu.memory_space<vmem>> -> memref<128xi32, #tpu.memory_space<vmem>>
      %dma_start3A_296 = arith.constant 0 : i32
      %dma_start3A_297 = arith.constant 0 : i32
      %dma_start3A_298 = tpu.memref_slice %arg2[%dma_start3A_296, %dma_start3A_297] : memref<1300000x16xf32, #tpu.memory_space<hbm>> -> memref<1300000x16xf32, #tpu.memory_space<hbm>>
      tpu.enqueue_indirect_dma source(%dma_start3A_298 : memref<1300000x16xf32, #tpu.memory_space<hbm>>) target(%dma_start3A_292 : memref<128x16xf32, #tpu.memory_space<vmem>>) offsets(%dma_start3A_295 : memref<128xi32, #tpu.memory_space<vmem>>) semaphore(%arg14 : memref<!tpu.dma_semaphore, #tpu.memory_space<semaphore_mem>>)
      %dma_start3A_299 = arith.constant 11 : i32
      %dma_start3A_300 = arith.constant 11 : i32
      %dma_start3A_301 = arith.constant 0 : i32
      %dma_start3A_302 = arith.constant 0 : i32
      %dma_start3A_303 = tpu.memref_slice %arg11[%dma_start3A_300, %dma_start3A_301, %dma_start3A_302] : memref<13x128x16xf32, #tpu.memory_space<vmem>> -> memref<1x128x16xf32, #tpu.memory_space<vmem>>
      %dma_start3A_304 = tpu.memref_squeeze %dma_start3A_303 : memref<1x128x16xf32, #tpu.memory_space<vmem>> -> memref<128x16xf32, #tpu.memory_space<vmem>>
      %dma_start3A_305 = arith.constant 0 : i32
      %dma_start3A_306 = tpu.memref_slice %arg9[%dma_start3A_299, %dma_start3A_305] : memref<13x128xi32, #tpu.memory_space<vmem>> -> memref<1x128xi32, #tpu.memory_space<vmem>>
      %dma_start3A_307 = tpu.memref_squeeze %dma_start3A_306 : memref<1x128xi32, #tpu.memory_space<vmem>> -> memref<128xi32, #tpu.memory_space<vmem>>
      %dma_start3A_308 = arith.constant 0 : i32
      %dma_start3A_309 = arith.constant 0 : i32
      %dma_start3A_310 = tpu.memref_slice %arg3[%dma_start3A_308, %dma_start3A_309] : memref<1300000x16xf32, #tpu.memory_space<hbm>> -> memref<1300000x16xf32, #tpu.memory_space<hbm>>
      tpu.enqueue_indirect_dma source(%dma_start3A_310 : memref<1300000x16xf32, #tpu.memory_space<hbm>>) target(%dma_start3A_304 : memref<128x16xf32, #tpu.memory_space<vmem>>) offsets(%dma_start3A_307 : memref<128xi32, #tpu.memory_space<vmem>>) semaphore(%arg14 : memref<!tpu.dma_semaphore, #tpu.memory_space<semaphore_mem>>)
      %dma_start3A_311 = arith.constant 12 : i32
      %dma_start3A_312 = arith.constant 12 : i32
      %dma_start3A_313 = arith.constant 0 : i32
      %dma_start3A_314 = arith.constant 0 : i32
      %dma_start3A_315 = tpu.memref_slice %arg10[%dma_start3A_312, %dma_start3A_313, %dma_start3A_314] : memref<13x128x16xf32, #tpu.memory_space<vmem>> -> memref<1x128x16xf32, #tpu.memory_space<vmem>>
      %dma_start3A_316 = tpu.memref_squeeze %dma_start3A_315 : memref<1x128x16xf32, #tpu.memory_space<vmem>> -> memref<128x16xf32, #tpu.memory_space<vmem>>
      %dma_start3A_317 = arith.constant 0 : i32
      %dma_start3A_318 = tpu.memref_slice %arg8[%dma_start3A_311, %dma_start3A_317] : memref<13x128xi32, #tpu.memory_space<vmem>> -> memref<1x128xi32, #tpu.memory_space<vmem>>
      %dma_start3A_319 = tpu.memref_squeeze %dma_start3A_318 : memref<1x128xi32, #tpu.memory_space<vmem>> -> memref<128xi32, #tpu.memory_space<vmem>>
      %dma_start3A_320 = arith.constant 0 : i32
      %dma_start3A_321 = arith.constant 0 : i32
      %dma_start3A_322 = tpu.memref_slice %arg2[%dma_start3A_320, %dma_start3A_321] : memref<1300000x16xf32, #tpu.memory_space<hbm>> -> memref<1300000x16xf32, #tpu.memory_space<hbm>>
      tpu.enqueue_indirect_dma source(%dma_start3A_322 : memref<1300000x16xf32, #tpu.memory_space<hbm>>) target(%dma_start3A_316 : memref<128x16xf32, #tpu.memory_space<vmem>>) offsets(%dma_start3A_319 : memref<128xi32, #tpu.memory_space<vmem>>) semaphore(%arg14 : memref<!tpu.dma_semaphore, #tpu.memory_space<semaphore_mem>>)
      %dma_start3A_323 = arith.constant 12 : i32
      %dma_start3A_324 = arith.constant 12 : i32
      %dma_start3A_325 = arith.constant 0 : i32
      %dma_start3A_326 = arith.constant 0 : i32
      %dma_start3A_327 = tpu.memref_slice %arg11[%dma_start3A_324, %dma_start3A_325, %dma_start3A_326] : memref<13x128x16xf32, #tpu.memory_space<vmem>> -> memref<1x128x16xf32, #tpu.memory_space<vmem>>
      %dma_start3A_328 = tpu.memref_squeeze %dma_start3A_327 : memref<1x128x16xf32, #tpu.memory_space<vmem>> -> memref<128x16xf32, #tpu.memory_space<vmem>>
      %dma_start3A_329 = arith.constant 0 : i32
      %dma_start3A_330 = tpu.memref_slice %arg9[%dma_start3A_323, %dma_start3A_329] : memref<13x128xi32, #tpu.memory_space<vmem>> -> memref<1x128xi32, #tpu.memory_space<vmem>>
      %dma_start3A_331 = tpu.memref_squeeze %dma_start3A_330 : memref<1x128xi32, #tpu.memory_space<vmem>> -> memref<128xi32, #tpu.memory_space<vmem>>
      %dma_start3A_332 = arith.constant 0 : i32
      %dma_start3A_333 = arith.constant 0 : i32
      %dma_start3A_334 = tpu.memref_slice %arg3[%dma_start3A_332, %dma_start3A_333] : memref<1300000x16xf32, #tpu.memory_space<hbm>> -> memref<1300000x16xf32, #tpu.memory_space<hbm>>
      tpu.enqueue_indirect_dma source(%dma_start3A_334 : memref<1300000x16xf32, #tpu.memory_space<hbm>>) target(%dma_start3A_328 : memref<128x16xf32, #tpu.memory_space<vmem>>) offsets(%dma_start3A_331 : memref<128xi32, #tpu.memory_space<vmem>>) semaphore(%arg14 : memref<!tpu.dma_semaphore, #tpu.memory_space<semaphore_mem>>)
      %dma_wait3A = arith.constant 0 : i32
      %dma_wait3A_335 = arith.constant 0 : i32
      %dma_wait3A_336 = arith.constant 0 : i32
      %dma_wait3A_337 = arith.constant 0 : i32
      %dma_wait3A_338 = tpu.memref_slice %arg10[%dma_wait3A_335, %dma_wait3A_336, %dma_wait3A_337] : memref<13x128x16xf32, #tpu.memory_space<vmem>> -> memref<1x128x16xf32, #tpu.memory_space<vmem>>
      %dma_wait3A_339 = tpu.memref_squeeze %dma_wait3A_338 : memref<1x128x16xf32, #tpu.memory_space<vmem>> -> memref<128x16xf32, #tpu.memory_space<vmem>>
      %dma_wait3A_340 = arith.constant 0 : i32
      %dma_wait3A_341 = tpu.memref_slice %arg8[%dma_wait3A, %dma_wait3A_340] : memref<13x128xi32, #tpu.memory_space<vmem>> -> memref<1x128xi32, #tpu.memory_space<vmem>>
      %dma_wait3A_342 = tpu.memref_squeeze %dma_wait3A_341 : memref<1x128xi32, #tpu.memory_space<vmem>> -> memref<128xi32, #tpu.memory_space<vmem>>
      %dma_wait3A_343 = arith.constant 0 : i32
      %dma_wait3A_344 = arith.constant 0 : i32
      %dma_wait3A_345 = tpu.memref_slice %arg2[%dma_wait3A_343, %dma_wait3A_344] : memref<1300000x16xf32, #tpu.memory_space<hbm>> -> memref<1300000x16xf32, #tpu.memory_space<hbm>>
      tpu.wait_indirect_dma semaphore(%arg14 : memref<!tpu.dma_semaphore, #tpu.memory_space<semaphore_mem>>) src(%dma_wait3A_345 : memref<1300000x16xf32, #tpu.memory_space<hbm>>) dst(%dma_wait3A_339 : memref<128x16xf32, #tpu.memory_space<vmem>>)
      %dma_wait3A_346 = arith.constant 0 : i32
      %dma_wait3A_347 = arith.constant 0 : i32
      %dma_wait3A_348 = arith.constant 0 : i32
      %dma_wait3A_349 = arith.constant 0 : i32
      %dma_wait3A_350 = tpu.memref_slice %arg11[%dma_wait3A_347, %dma_wait3A_348, %dma_wait3A_349] : memref<13x128x16xf32, #tpu.memory_space<vmem>> -> memref<1x128x16xf32, #tpu.memory_space<vmem>>
      %dma_wait3A_351 = tpu.memref_squeeze %dma_wait3A_350 : memref<1x128x16xf32, #tpu.memory_space<vmem>> -> memref<128x16xf32, #tpu.memory_space<vmem>>
      %dma_wait3A_352 = arith.constant 0 : i32
      %dma_wait3A_353 = tpu.memref_slice %arg9[%dma_wait3A_346, %dma_wait3A_352] : memref<13x128xi32, #tpu.memory_space<vmem>> -> memref<1x128xi32, #tpu.memory_space<vmem>>
      %dma_wait3A_354 = tpu.memref_squeeze %dma_wait3A_353 : memref<1x128xi32, #tpu.memory_space<vmem>> -> memref<128xi32, #tpu.memory_space<vmem>>
      %dma_wait3A_355 = arith.constant 0 : i32
      %dma_wait3A_356 = arith.constant 0 : i32
      %dma_wait3A_357 = tpu.memref_slice %arg3[%dma_wait3A_355, %dma_wait3A_356] : memref<1300000x16xf32, #tpu.memory_space<hbm>> -> memref<1300000x16xf32, #tpu.memory_space<hbm>>
      tpu.wait_indirect_dma semaphore(%arg14 : memref<!tpu.dma_semaphore, #tpu.memory_space<semaphore_mem>>) src(%dma_wait3A_357 : memref<1300000x16xf32, #tpu.memory_space<hbm>>) dst(%dma_wait3A_351 : memref<128x16xf32, #tpu.memory_space<vmem>>)
      %dma_wait3A_358 = arith.constant 1 : i32
      %dma_wait3A_359 = arith.constant 1 : i32
      %dma_wait3A_360 = arith.constant 0 : i32
      %dma_wait3A_361 = arith.constant 0 : i32
      %dma_wait3A_362 = tpu.memref_slice %arg10[%dma_wait3A_359, %dma_wait3A_360, %dma_wait3A_361] : memref<13x128x16xf32, #tpu.memory_space<vmem>> -> memref<1x128x16xf32, #tpu.memory_space<vmem>>
      %dma_wait3A_363 = tpu.memref_squeeze %dma_wait3A_362 : memref<1x128x16xf32, #tpu.memory_space<vmem>> -> memref<128x16xf32, #tpu.memory_space<vmem>>
      %dma_wait3A_364 = arith.constant 0 : i32
      %dma_wait3A_365 = tpu.memref_slice %arg8[%dma_wait3A_358, %dma_wait3A_364] : memref<13x128xi32, #tpu.memory_space<vmem>> -> memref<1x128xi32, #tpu.memory_space<vmem>>
      %dma_wait3A_366 = tpu.memref_squeeze %dma_wait3A_365 : memref<1x128xi32, #tpu.memory_space<vmem>> -> memref<128xi32, #tpu.memory_space<vmem>>
      %dma_wait3A_367 = arith.constant 0 : i32
      %dma_wait3A_368 = arith.constant 0 : i32
      %dma_wait3A_369 = tpu.memref_slice %arg2[%dma_wait3A_367, %dma_wait3A_368] : memref<1300000x16xf32, #tpu.memory_space<hbm>> -> memref<1300000x16xf32, #tpu.memory_space<hbm>>
      tpu.wait_indirect_dma semaphore(%arg14 : memref<!tpu.dma_semaphore, #tpu.memory_space<semaphore_mem>>) src(%dma_wait3A_369 : memref<1300000x16xf32, #tpu.memory_space<hbm>>) dst(%dma_wait3A_363 : memref<128x16xf32, #tpu.memory_space<vmem>>)
      %dma_wait3A_370 = arith.constant 1 : i32
      %dma_wait3A_371 = arith.constant 1 : i32
      %dma_wait3A_372 = arith.constant 0 : i32
      %dma_wait3A_373 = arith.constant 0 : i32
      %dma_wait3A_374 = tpu.memref_slice %arg11[%dma_wait3A_371, %dma_wait3A_372, %dma_wait3A_373] : memref<13x128x16xf32, #tpu.memory_space<vmem>> -> memref<1x128x16xf32, #tpu.memory_space<vmem>>
      %dma_wait3A_375 = tpu.memref_squeeze %dma_wait3A_374 : memref<1x128x16xf32, #tpu.memory_space<vmem>> -> memref<128x16xf32, #tpu.memory_space<vmem>>
      %dma_wait3A_376 = arith.constant 0 : i32
      %dma_wait3A_377 = tpu.memref_slice %arg9[%dma_wait3A_370, %dma_wait3A_376] : memref<13x128xi32, #tpu.memory_space<vmem>> -> memref<1x128xi32, #tpu.memory_space<vmem>>
      %dma_wait3A_378 = tpu.memref_squeeze %dma_wait3A_377 : memref<1x128xi32, #tpu.memory_space<vmem>> -> memref<128xi32, #tpu.memory_space<vmem>>
      %dma_wait3A_379 = arith.constant 0 : i32
      %dma_wait3A_380 = arith.constant 0 : i32
      %dma_wait3A_381 = tpu.memref_slice %arg3[%dma_wait3A_379, %dma_wait3A_380] : memref<1300000x16xf32, #tpu.memory_space<hbm>> -> memref<1300000x16xf32, #tpu.memory_space<hbm>>
      tpu.wait_indirect_dma semaphore(%arg14 : memref<!tpu.dma_semaphore, #tpu.memory_space<semaphore_mem>>) src(%dma_wait3A_381 : memref<1300000x16xf32, #tpu.memory_space<hbm>>) dst(%dma_wait3A_375 : memref<128x16xf32, #tpu.memory_space<vmem>>)
      %dma_wait3A_382 = arith.constant 2 : i32
      %dma_wait3A_383 = arith.constant 2 : i32
      %dma_wait3A_384 = arith.constant 0 : i32
      %dma_wait3A_385 = arith.constant 0 : i32
      %dma_wait3A_386 = tpu.memref_slice %arg10[%dma_wait3A_383, %dma_wait3A_384, %dma_wait3A_385] : memref<13x128x16xf32, #tpu.memory_space<vmem>> -> memref<1x128x16xf32, #tpu.memory_space<vmem>>
      %dma_wait3A_387 = tpu.memref_squeeze %dma_wait3A_386 : memref<1x128x16xf32, #tpu.memory_space<vmem>> -> memref<128x16xf32, #tpu.memory_space<vmem>>
      %dma_wait3A_388 = arith.constant 0 : i32
      %dma_wait3A_389 = tpu.memref_slice %arg8[%dma_wait3A_382, %dma_wait3A_388] : memref<13x128xi32, #tpu.memory_space<vmem>> -> memref<1x128xi32, #tpu.memory_space<vmem>>
      %dma_wait3A_390 = tpu.memref_squeeze %dma_wait3A_389 : memref<1x128xi32, #tpu.memory_space<vmem>> -> memref<128xi32, #tpu.memory_space<vmem>>
      %dma_wait3A_391 = arith.constant 0 : i32
      %dma_wait3A_392 = arith.constant 0 : i32
      %dma_wait3A_393 = tpu.memref_slice %arg2[%dma_wait3A_391, %dma_wait3A_392] : memref<1300000x16xf32, #tpu.memory_space<hbm>> -> memref<1300000x16xf32, #tpu.memory_space<hbm>>
      tpu.wait_indirect_dma semaphore(%arg14 : memref<!tpu.dma_semaphore, #tpu.memory_space<semaphore_mem>>) src(%dma_wait3A_393 : memref<1300000x16xf32, #tpu.memory_space<hbm>>) dst(%dma_wait3A_387 : memref<128x16xf32, #tpu.memory_space<vmem>>)
      %dma_wait3A_394 = arith.constant 2 : i32
      %dma_wait3A_395 = arith.constant 2 : i32
      %dma_wait3A_396 = arith.constant 0 : i32
      %dma_wait3A_397 = arith.constant 0 : i32
      %dma_wait3A_398 = tpu.memref_slice %arg11[%dma_wait3A_395, %dma_wait3A_396, %dma_wait3A_397] : memref<13x128x16xf32, #tpu.memory_space<vmem>> -> memref<1x128x16xf32, #tpu.memory_space<vmem>>
      %dma_wait3A_399 = tpu.memref_squeeze %dma_wait3A_398 : memref<1x128x16xf32, #tpu.memory_space<vmem>> -> memref<128x16xf32, #tpu.memory_space<vmem>>
      %dma_wait3A_400 = arith.constant 0 : i32
      %dma_wait3A_401 = tpu.memref_slice %arg9[%dma_wait3A_394, %dma_wait3A_400] : memref<13x128xi32, #tpu.memory_space<vmem>> -> memref<1x128xi32, #tpu.memory_space<vmem>>
      %dma_wait3A_402 = tpu.memref_squeeze %dma_wait3A_401 : memref<1x128xi32, #tpu.memory_space<vmem>> -> memref<128xi32, #tpu.memory_space<vmem>>
      %dma_wait3A_403 = arith.constant 0 : i32
      %dma_wait3A_404 = arith.constant 0 : i32
      %dma_wait3A_405 = tpu.memref_slice %arg3[%dma_wait3A_403, %dma_wait3A_404] : memref<1300000x16xf32, #tpu.memory_space<hbm>> -> memref<1300000x16xf32, #tpu.memory_space<hbm>>
      tpu.wait_indirect_dma semaphore(%arg14 : memref<!tpu.dma_semaphore, #tpu.memory_space<semaphore_mem>>) src(%dma_wait3A_405 : memref<1300000x16xf32, #tpu.memory_space<hbm>>) dst(%dma_wait3A_399 : memref<128x16xf32, #tpu.memory_space<vmem>>)
      %dma_wait3A_406 = arith.constant 3 : i32
      %dma_wait3A_407 = arith.constant 3 : i32
      %dma_wait3A_408 = arith.constant 0 : i32
      %dma_wait3A_409 = arith.constant 0 : i32
      %dma_wait3A_410 = tpu.memref_slice %arg10[%dma_wait3A_407, %dma_wait3A_408, %dma_wait3A_409] : memref<13x128x16xf32, #tpu.memory_space<vmem>> -> memref<1x128x16xf32, #tpu.memory_space<vmem>>
      %dma_wait3A_411 = tpu.memref_squeeze %dma_wait3A_410 : memref<1x128x16xf32, #tpu.memory_space<vmem>> -> memref<128x16xf32, #tpu.memory_space<vmem>>
      %dma_wait3A_412 = arith.constant 0 : i32
      %dma_wait3A_413 = tpu.memref_slice %arg8[%dma_wait3A_406, %dma_wait3A_412] : memref<13x128xi32, #tpu.memory_space<vmem>> -> memref<1x128xi32, #tpu.memory_space<vmem>>
      %dma_wait3A_414 = tpu.memref_squeeze %dma_wait3A_413 : memref<1x128xi32, #tpu.memory_space<vmem>> -> memref<128xi32, #tpu.memory_space<vmem>>
      %dma_wait3A_415 = arith.constant 0 : i32
      %dma_wait3A_416 = arith.constant 0 : i32
      %dma_wait3A_417 = tpu.memref_slice %arg2[%dma_wait3A_415, %dma_wait3A_416] : memref<1300000x16xf32, #tpu.memory_space<hbm>> -> memref<1300000x16xf32, #tpu.memory_space<hbm>>
      tpu.wait_indirect_dma semaphore(%arg14 : memref<!tpu.dma_semaphore, #tpu.memory_space<semaphore_mem>>) src(%dma_wait3A_417 : memref<1300000x16xf32, #tpu.memory_space<hbm>>) dst(%dma_wait3A_411 : memref<128x16xf32, #tpu.memory_space<vmem>>)
      %dma_wait3A_418 = arith.constant 3 : i32
      %dma_wait3A_419 = arith.constant 3 : i32
      %dma_wait3A_420 = arith.constant 0 : i32
      %dma_wait3A_421 = arith.constant 0 : i32
      %dma_wait3A_422 = tpu.memref_slice %arg11[%dma_wait3A_419, %dma_wait3A_420, %dma_wait3A_421] : memref<13x128x16xf32, #tpu.memory_space<vmem>> -> memref<1x128x16xf32, #tpu.memory_space<vmem>>
      %dma_wait3A_423 = tpu.memref_squeeze %dma_wait3A_422 : memref<1x128x16xf32, #tpu.memory_space<vmem>> -> memref<128x16xf32, #tpu.memory_space<vmem>>
      %dma_wait3A_424 = arith.constant 0 : i32
      %dma_wait3A_425 = tpu.memref_slice %arg9[%dma_wait3A_418, %dma_wait3A_424] : memref<13x128xi32, #tpu.memory_space<vmem>> -> memref<1x128xi32, #tpu.memory_space<vmem>>
      %dma_wait3A_426 = tpu.memref_squeeze %dma_wait3A_425 : memref<1x128xi32, #tpu.memory_space<vmem>> -> memref<128xi32, #tpu.memory_space<vmem>>
      %dma_wait3A_427 = arith.constant 0 : i32
      %dma_wait3A_428 = arith.constant 0 : i32
      %dma_wait3A_429 = tpu.memref_slice %arg3[%dma_wait3A_427, %dma_wait3A_428] : memref<1300000x16xf32, #tpu.memory_space<hbm>> -> memref<1300000x16xf32, #tpu.memory_space<hbm>>
      tpu.wait_indirect_dma semaphore(%arg14 : memref<!tpu.dma_semaphore, #tpu.memory_space<semaphore_mem>>) src(%dma_wait3A_429 : memref<1300000x16xf32, #tpu.memory_space<hbm>>) dst(%dma_wait3A_423 : memref<128x16xf32, #tpu.memory_space<vmem>>)
      %dma_wait3A_430 = arith.constant 4 : i32
      %dma_wait3A_431 = arith.constant 4 : i32
      %dma_wait3A_432 = arith.constant 0 : i32
      %dma_wait3A_433 = arith.constant 0 : i32
      %dma_wait3A_434 = tpu.memref_slice %arg10[%dma_wait3A_431, %dma_wait3A_432, %dma_wait3A_433] : memref<13x128x16xf32, #tpu.memory_space<vmem>> -> memref<1x128x16xf32, #tpu.memory_space<vmem>>
      %dma_wait3A_435 = tpu.memref_squeeze %dma_wait3A_434 : memref<1x128x16xf32, #tpu.memory_space<vmem>> -> memref<128x16xf32, #tpu.memory_space<vmem>>
      %dma_wait3A_436 = arith.constant 0 : i32
      %dma_wait3A_437 = tpu.memref_slice %arg8[%dma_wait3A_430, %dma_wait3A_436] : memref<13x128xi32, #tpu.memory_space<vmem>> -> memref<1x128xi32, #tpu.memory_space<vmem>>
      %dma_wait3A_438 = tpu.memref_squeeze %dma_wait3A_437 : memref<1x128xi32, #tpu.memory_space<vmem>> -> memref<128xi32, #tpu.memory_space<vmem>>
      %dma_wait3A_439 = arith.constant 0 : i32
      %dma_wait3A_440 = arith.constant 0 : i32
      %dma_wait3A_441 = tpu.memref_slice %arg2[%dma_wait3A_439, %dma_wait3A_440] : memref<1300000x16xf32, #tpu.memory_space<hbm>> -> memref<1300000x16xf32, #tpu.memory_space<hbm>>
      tpu.wait_indirect_dma semaphore(%arg14 : memref<!tpu.dma_semaphore, #tpu.memory_space<semaphore_mem>>) src(%dma_wait3A_441 : memref<1300000x16xf32, #tpu.memory_space<hbm>>) dst(%dma_wait3A_435 : memref<128x16xf32, #tpu.memory_space<vmem>>)
      %dma_wait3A_442 = arith.constant 4 : i32
      %dma_wait3A_443 = arith.constant 4 : i32
      %dma_wait3A_444 = arith.constant 0 : i32
      %dma_wait3A_445 = arith.constant 0 : i32
      %dma_wait3A_446 = tpu.memref_slice %arg11[%dma_wait3A_443, %dma_wait3A_444, %dma_wait3A_445] : memref<13x128x16xf32, #tpu.memory_space<vmem>> -> memref<1x128x16xf32, #tpu.memory_space<vmem>>
      %dma_wait3A_447 = tpu.memref_squeeze %dma_wait3A_446 : memref<1x128x16xf32, #tpu.memory_space<vmem>> -> memref<128x16xf32, #tpu.memory_space<vmem>>
      %dma_wait3A_448 = arith.constant 0 : i32
      %dma_wait3A_449 = tpu.memref_slice %arg9[%dma_wait3A_442, %dma_wait3A_448] : memref<13x128xi32, #tpu.memory_space<vmem>> -> memref<1x128xi32, #tpu.memory_space<vmem>>
      %dma_wait3A_450 = tpu.memref_squeeze %dma_wait3A_449 : memref<1x128xi32, #tpu.memory_space<vmem>> -> memref<128xi32, #tpu.memory_space<vmem>>
      %dma_wait3A_451 = arith.constant 0 : i32
      %dma_wait3A_452 = arith.constant 0 : i32
      %dma_wait3A_453 = tpu.memref_slice %arg3[%dma_wait3A_451, %dma_wait3A_452] : memref<1300000x16xf32, #tpu.memory_space<hbm>> -> memref<1300000x16xf32, #tpu.memory_space<hbm>>
      tpu.wait_indirect_dma semaphore(%arg14 : memref<!tpu.dma_semaphore, #tpu.memory_space<semaphore_mem>>) src(%dma_wait3A_453 : memref<1300000x16xf32, #tpu.memory_space<hbm>>) dst(%dma_wait3A_447 : memref<128x16xf32, #tpu.memory_space<vmem>>)
      %dma_wait3A_454 = arith.constant 5 : i32
      %dma_wait3A_455 = arith.constant 5 : i32
      %dma_wait3A_456 = arith.constant 0 : i32
      %dma_wait3A_457 = arith.constant 0 : i32
      %dma_wait3A_458 = tpu.memref_slice %arg10[%dma_wait3A_455, %dma_wait3A_456, %dma_wait3A_457] : memref<13x128x16xf32, #tpu.memory_space<vmem>> -> memref<1x128x16xf32, #tpu.memory_space<vmem>>
      %dma_wait3A_459 = tpu.memref_squeeze %dma_wait3A_458 : memref<1x128x16xf32, #tpu.memory_space<vmem>> -> memref<128x16xf32, #tpu.memory_space<vmem>>
      %dma_wait3A_460 = arith.constant 0 : i32
      %dma_wait3A_461 = tpu.memref_slice %arg8[%dma_wait3A_454, %dma_wait3A_460] : memref<13x128xi32, #tpu.memory_space<vmem>> -> memref<1x128xi32, #tpu.memory_space<vmem>>
      %dma_wait3A_462 = tpu.memref_squeeze %dma_wait3A_461 : memref<1x128xi32, #tpu.memory_space<vmem>> -> memref<128xi32, #tpu.memory_space<vmem>>
      %dma_wait3A_463 = arith.constant 0 : i32
      %dma_wait3A_464 = arith.constant 0 : i32
      %dma_wait3A_465 = tpu.memref_slice %arg2[%dma_wait3A_463, %dma_wait3A_464] : memref<1300000x16xf32, #tpu.memory_space<hbm>> -> memref<1300000x16xf32, #tpu.memory_space<hbm>>
      tpu.wait_indirect_dma semaphore(%arg14 : memref<!tpu.dma_semaphore, #tpu.memory_space<semaphore_mem>>) src(%dma_wait3A_465 : memref<1300000x16xf32, #tpu.memory_space<hbm>>) dst(%dma_wait3A_459 : memref<128x16xf32, #tpu.memory_space<vmem>>)
      %dma_wait3A_466 = arith.constant 5 : i32
      %dma_wait3A_467 = arith.constant 5 : i32
      %dma_wait3A_468 = arith.constant 0 : i32
      %dma_wait3A_469 = arith.constant 0 : i32
      %dma_wait3A_470 = tpu.memref_slice %arg11[%dma_wait3A_467, %dma_wait3A_468, %dma_wait3A_469] : memref<13x128x16xf32, #tpu.memory_space<vmem>> -> memref<1x128x16xf32, #tpu.memory_space<vmem>>
      %dma_wait3A_471 = tpu.memref_squeeze %dma_wait3A_470 : memref<1x128x16xf32, #tpu.memory_space<vmem>> -> memref<128x16xf32, #tpu.memory_space<vmem>>
      %dma_wait3A_472 = arith.constant 0 : i32
      %dma_wait3A_473 = tpu.memref_slice %arg9[%dma_wait3A_466, %dma_wait3A_472] : memref<13x128xi32, #tpu.memory_space<vmem>> -> memref<1x128xi32, #tpu.memory_space<vmem>>
      %dma_wait3A_474 = tpu.memref_squeeze %dma_wait3A_473 : memref<1x128xi32, #tpu.memory_space<vmem>> -> memref<128xi32, #tpu.memory_space<vmem>>
      %dma_wait3A_475 = arith.constant 0 : i32
      %dma_wait3A_476 = arith.constant 0 : i32
      %dma_wait3A_477 = tpu.memref_slice %arg3[%dma_wait3A_475, %dma_wait3A_476] : memref<1300000x16xf32, #tpu.memory_space<hbm>> -> memref<1300000x16xf32, #tpu.memory_space<hbm>>
      tpu.wait_indirect_dma semaphore(%arg14 : memref<!tpu.dma_semaphore, #tpu.memory_space<semaphore_mem>>) src(%dma_wait3A_477 : memref<1300000x16xf32, #tpu.memory_space<hbm>>) dst(%dma_wait3A_471 : memref<128x16xf32, #tpu.memory_space<vmem>>)
      %dma_wait3A_478 = arith.constant 6 : i32
      %dma_wait3A_479 = arith.constant 6 : i32
      %dma_wait3A_480 = arith.constant 0 : i32
      %dma_wait3A_481 = arith.constant 0 : i32
      %dma_wait3A_482 = tpu.memref_slice %arg10[%dma_wait3A_479, %dma_wait3A_480, %dma_wait3A_481] : memref<13x128x16xf32, #tpu.memory_space<vmem>> -> memref<1x128x16xf32, #tpu.memory_space<vmem>>
      %dma_wait3A_483 = tpu.memref_squeeze %dma_wait3A_482 : memref<1x128x16xf32, #tpu.memory_space<vmem>> -> memref<128x16xf32, #tpu.memory_space<vmem>>
      %dma_wait3A_484 = arith.constant 0 : i32
      %dma_wait3A_485 = tpu.memref_slice %arg8[%dma_wait3A_478, %dma_wait3A_484] : memref<13x128xi32, #tpu.memory_space<vmem>> -> memref<1x128xi32, #tpu.memory_space<vmem>>
      %dma_wait3A_486 = tpu.memref_squeeze %dma_wait3A_485 : memref<1x128xi32, #tpu.memory_space<vmem>> -> memref<128xi32, #tpu.memory_space<vmem>>
      %dma_wait3A_487 = arith.constant 0 : i32
      %dma_wait3A_488 = arith.constant 0 : i32
      %dma_wait3A_489 = tpu.memref_slice %arg2[%dma_wait3A_487, %dma_wait3A_488] : memref<1300000x16xf32, #tpu.memory_space<hbm>> -> memref<1300000x16xf32, #tpu.memory_space<hbm>>
      tpu.wait_indirect_dma semaphore(%arg14 : memref<!tpu.dma_semaphore, #tpu.memory_space<semaphore_mem>>) src(%dma_wait3A_489 : memref<1300000x16xf32, #tpu.memory_space<hbm>>) dst(%dma_wait3A_483 : memref<128x16xf32, #tpu.memory_space<vmem>>)
      %dma_wait3A_490 = arith.constant 6 : i32
      %dma_wait3A_491 = arith.constant 6 : i32
      %dma_wait3A_492 = arith.constant 0 : i32
      %dma_wait3A_493 = arith.constant 0 : i32
      %dma_wait3A_494 = tpu.memref_slice %arg11[%dma_wait3A_491, %dma_wait3A_492, %dma_wait3A_493] : memref<13x128x16xf32, #tpu.memory_space<vmem>> -> memref<1x128x16xf32, #tpu.memory_space<vmem>>
      %dma_wait3A_495 = tpu.memref_squeeze %dma_wait3A_494 : memref<1x128x16xf32, #tpu.memory_space<vmem>> -> memref<128x16xf32, #tpu.memory_space<vmem>>
      %dma_wait3A_496 = arith.constant 0 : i32
      %dma_wait3A_497 = tpu.memref_slice %arg9[%dma_wait3A_490, %dma_wait3A_496] : memref<13x128xi32, #tpu.memory_space<vmem>> -> memref<1x128xi32, #tpu.memory_space<vmem>>
      %dma_wait3A_498 = tpu.memref_squeeze %dma_wait3A_497 : memref<1x128xi32, #tpu.memory_space<vmem>> -> memref<128xi32, #tpu.memory_space<vmem>>
      %dma_wait3A_499 = arith.constant 0 : i32
      %dma_wait3A_500 = arith.constant 0 : i32
      %dma_wait3A_501 = tpu.memref_slice %arg3[%dma_wait3A_499, %dma_wait3A_500] : memref<1300000x16xf32, #tpu.memory_space<hbm>> -> memref<1300000x16xf32, #tpu.memory_space<hbm>>
      tpu.wait_indirect_dma semaphore(%arg14 : memref<!tpu.dma_semaphore, #tpu.memory_space<semaphore_mem>>) src(%dma_wait3A_501 : memref<1300000x16xf32, #tpu.memory_space<hbm>>) dst(%dma_wait3A_495 : memref<128x16xf32, #tpu.memory_space<vmem>>)
      %dma_wait3A_502 = arith.constant 7 : i32
      %dma_wait3A_503 = arith.constant 7 : i32
      %dma_wait3A_504 = arith.constant 0 : i32
      %dma_wait3A_505 = arith.constant 0 : i32
      %dma_wait3A_506 = tpu.memref_slice %arg10[%dma_wait3A_503, %dma_wait3A_504, %dma_wait3A_505] : memref<13x128x16xf32, #tpu.memory_space<vmem>> -> memref<1x128x16xf32, #tpu.memory_space<vmem>>
      %dma_wait3A_507 = tpu.memref_squeeze %dma_wait3A_506 : memref<1x128x16xf32, #tpu.memory_space<vmem>> -> memref<128x16xf32, #tpu.memory_space<vmem>>
      %dma_wait3A_508 = arith.constant 0 : i32
      %dma_wait3A_509 = tpu.memref_slice %arg8[%dma_wait3A_502, %dma_wait3A_508] : memref<13x128xi32, #tpu.memory_space<vmem>> -> memref<1x128xi32, #tpu.memory_space<vmem>>
      %dma_wait3A_510 = tpu.memref_squeeze %dma_wait3A_509 : memref<1x128xi32, #tpu.memory_space<vmem>> -> memref<128xi32, #tpu.memory_space<vmem>>
      %dma_wait3A_511 = arith.constant 0 : i32
      %dma_wait3A_512 = arith.constant 0 : i32
      %dma_wait3A_513 = tpu.memref_slice %arg2[%dma_wait3A_511, %dma_wait3A_512] : memref<1300000x16xf32, #tpu.memory_space<hbm>> -> memref<1300000x16xf32, #tpu.memory_space<hbm>>
      tpu.wait_indirect_dma semaphore(%arg14 : memref<!tpu.dma_semaphore, #tpu.memory_space<semaphore_mem>>) src(%dma_wait3A_513 : memref<1300000x16xf32, #tpu.memory_space<hbm>>) dst(%dma_wait3A_507 : memref<128x16xf32, #tpu.memory_space<vmem>>)
      %dma_wait3A_514 = arith.constant 7 : i32
      %dma_wait3A_515 = arith.constant 7 : i32
      %dma_wait3A_516 = arith.constant 0 : i32
      %dma_wait3A_517 = arith.constant 0 : i32
      %dma_wait3A_518 = tpu.memref_slice %arg11[%dma_wait3A_515, %dma_wait3A_516, %dma_wait3A_517] : memref<13x128x16xf32, #tpu.memory_space<vmem>> -> memref<1x128x16xf32, #tpu.memory_space<vmem>>
      %dma_wait3A_519 = tpu.memref_squeeze %dma_wait3A_518 : memref<1x128x16xf32, #tpu.memory_space<vmem>> -> memref<128x16xf32, #tpu.memory_space<vmem>>
      %dma_wait3A_520 = arith.constant 0 : i32
      %dma_wait3A_521 = tpu.memref_slice %arg9[%dma_wait3A_514, %dma_wait3A_520] : memref<13x128xi32, #tpu.memory_space<vmem>> -> memref<1x128xi32, #tpu.memory_space<vmem>>
      %dma_wait3A_522 = tpu.memref_squeeze %dma_wait3A_521 : memref<1x128xi32, #tpu.memory_space<vmem>> -> memref<128xi32, #tpu.memory_space<vmem>>
      %dma_wait3A_523 = arith.constant 0 : i32
      %dma_wait3A_524 = arith.constant 0 : i32
      %dma_wait3A_525 = tpu.memref_slice %arg3[%dma_wait3A_523, %dma_wait3A_524] : memref<1300000x16xf32, #tpu.memory_space<hbm>> -> memref<1300000x16xf32, #tpu.memory_space<hbm>>
      tpu.wait_indirect_dma semaphore(%arg14 : memref<!tpu.dma_semaphore, #tpu.memory_space<semaphore_mem>>) src(%dma_wait3A_525 : memref<1300000x16xf32, #tpu.memory_space<hbm>>) dst(%dma_wait3A_519 : memref<128x16xf32, #tpu.memory_space<vmem>>)
      %dma_wait3A_526 = arith.constant 8 : i32
      %dma_wait3A_527 = arith.constant 8 : i32
      %dma_wait3A_528 = arith.constant 0 : i32
      %dma_wait3A_529 = arith.constant 0 : i32
      %dma_wait3A_530 = tpu.memref_slice %arg10[%dma_wait3A_527, %dma_wait3A_528, %dma_wait3A_529] : memref<13x128x16xf32, #tpu.memory_space<vmem>> -> memref<1x128x16xf32, #tpu.memory_space<vmem>>
      %dma_wait3A_531 = tpu.memref_squeeze %dma_wait3A_530 : memref<1x128x16xf32, #tpu.memory_space<vmem>> -> memref<128x16xf32, #tpu.memory_space<vmem>>
      %dma_wait3A_532 = arith.constant 0 : i32
      %dma_wait3A_533 = tpu.memref_slice %arg8[%dma_wait3A_526, %dma_wait3A_532] : memref<13x128xi32, #tpu.memory_space<vmem>> -> memref<1x128xi32, #tpu.memory_space<vmem>>
      %dma_wait3A_534 = tpu.memref_squeeze %dma_wait3A_533 : memref<1x128xi32, #tpu.memory_space<vmem>> -> memref<128xi32, #tpu.memory_space<vmem>>
      %dma_wait3A_535 = arith.constant 0 : i32
      %dma_wait3A_536 = arith.constant 0 : i32
      %dma_wait3A_537 = tpu.memref_slice %arg2[%dma_wait3A_535, %dma_wait3A_536] : memref<1300000x16xf32, #tpu.memory_space<hbm>> -> memref<1300000x16xf32, #tpu.memory_space<hbm>>
      tpu.wait_indirect_dma semaphore(%arg14 : memref<!tpu.dma_semaphore, #tpu.memory_space<semaphore_mem>>) src(%dma_wait3A_537 : memref<1300000x16xf32, #tpu.memory_space<hbm>>) dst(%dma_wait3A_531 : memref<128x16xf32, #tpu.memory_space<vmem>>)
      %dma_wait3A_538 = arith.constant 8 : i32
      %dma_wait3A_539 = arith.constant 8 : i32
      %dma_wait3A_540 = arith.constant 0 : i32
      %dma_wait3A_541 = arith.constant 0 : i32
      %dma_wait3A_542 = tpu.memref_slice %arg11[%dma_wait3A_539, %dma_wait3A_540, %dma_wait3A_541] : memref<13x128x16xf32, #tpu.memory_space<vmem>> -> memref<1x128x16xf32, #tpu.memory_space<vmem>>
      %dma_wait3A_543 = tpu.memref_squeeze %dma_wait3A_542 : memref<1x128x16xf32, #tpu.memory_space<vmem>> -> memref<128x16xf32, #tpu.memory_space<vmem>>
      %dma_wait3A_544 = arith.constant 0 : i32
      %dma_wait3A_545 = tpu.memref_slice %arg9[%dma_wait3A_538, %dma_wait3A_544] : memref<13x128xi32, #tpu.memory_space<vmem>> -> memref<1x128xi32, #tpu.memory_space<vmem>>
      %dma_wait3A_546 = tpu.memref_squeeze %dma_wait3A_545 : memref<1x128xi32, #tpu.memory_space<vmem>> -> memref<128xi32, #tpu.memory_space<vmem>>
      %dma_wait3A_547 = arith.constant 0 : i32
      %dma_wait3A_548 = arith.constant 0 : i32
      %dma_wait3A_549 = tpu.memref_slice %arg3[%dma_wait3A_547, %dma_wait3A_548] : memref<1300000x16xf32, #tpu.memory_space<hbm>> -> memref<1300000x16xf32, #tpu.memory_space<hbm>>
      tpu.wait_indirect_dma semaphore(%arg14 : memref<!tpu.dma_semaphore, #tpu.memory_space<semaphore_mem>>) src(%dma_wait3A_549 : memref<1300000x16xf32, #tpu.memory_space<hbm>>) dst(%dma_wait3A_543 : memref<128x16xf32, #tpu.memory_space<vmem>>)
      %dma_wait3A_550 = arith.constant 9 : i32
      %dma_wait3A_551 = arith.constant 9 : i32
      %dma_wait3A_552 = arith.constant 0 : i32
      %dma_wait3A_553 = arith.constant 0 : i32
      %dma_wait3A_554 = tpu.memref_slice %arg10[%dma_wait3A_551, %dma_wait3A_552, %dma_wait3A_553] : memref<13x128x16xf32, #tpu.memory_space<vmem>> -> memref<1x128x16xf32, #tpu.memory_space<vmem>>
      %dma_wait3A_555 = tpu.memref_squeeze %dma_wait3A_554 : memref<1x128x16xf32, #tpu.memory_space<vmem>> -> memref<128x16xf32, #tpu.memory_space<vmem>>
      %dma_wait3A_556 = arith.constant 0 : i32
      %dma_wait3A_557 = tpu.memref_slice %arg8[%dma_wait3A_550, %dma_wait3A_556] : memref<13x128xi32, #tpu.memory_space<vmem>> -> memref<1x128xi32, #tpu.memory_space<vmem>>
      %dma_wait3A_558 = tpu.memref_squeeze %dma_wait3A_557 : memref<1x128xi32, #tpu.memory_space<vmem>> -> memref<128xi32, #tpu.memory_space<vmem>>
      %dma_wait3A_559 = arith.constant 0 : i32
      %dma_wait3A_560 = arith.constant 0 : i32
      %dma_wait3A_561 = tpu.memref_slice %arg2[%dma_wait3A_559, %dma_wait3A_560] : memref<1300000x16xf32, #tpu.memory_space<hbm>> -> memref<1300000x16xf32, #tpu.memory_space<hbm>>
      tpu.wait_indirect_dma semaphore(%arg14 : memref<!tpu.dma_semaphore, #tpu.memory_space<semaphore_mem>>) src(%dma_wait3A_561 : memref<1300000x16xf32, #tpu.memory_space<hbm>>) dst(%dma_wait3A_555 : memref<128x16xf32, #tpu.memory_space<vmem>>)
      %dma_wait3A_562 = arith.constant 9 : i32
      %dma_wait3A_563 = arith.constant 9 : i32
      %dma_wait3A_564 = arith.constant 0 : i32
      %dma_wait3A_565 = arith.constant 0 : i32
      %dma_wait3A_566 = tpu.memref_slice %arg11[%dma_wait3A_563, %dma_wait3A_564, %dma_wait3A_565] : memref<13x128x16xf32, #tpu.memory_space<vmem>> -> memref<1x128x16xf32, #tpu.memory_space<vmem>>
      %dma_wait3A_567 = tpu.memref_squeeze %dma_wait3A_566 : memref<1x128x16xf32, #tpu.memory_space<vmem>> -> memref<128x16xf32, #tpu.memory_space<vmem>>
      %dma_wait3A_568 = arith.constant 0 : i32
      %dma_wait3A_569 = tpu.memref_slice %arg9[%dma_wait3A_562, %dma_wait3A_568] : memref<13x128xi32, #tpu.memory_space<vmem>> -> memref<1x128xi32, #tpu.memory_space<vmem>>
      %dma_wait3A_570 = tpu.memref_squeeze %dma_wait3A_569 : memref<1x128xi32, #tpu.memory_space<vmem>> -> memref<128xi32, #tpu.memory_space<vmem>>
      %dma_wait3A_571 = arith.constant 0 : i32
      %dma_wait3A_572 = arith.constant 0 : i32
      %dma_wait3A_573 = tpu.memref_slice %arg3[%dma_wait3A_571, %dma_wait3A_572] : memref<1300000x16xf32, #tpu.memory_space<hbm>> -> memref<1300000x16xf32, #tpu.memory_space<hbm>>
      tpu.wait_indirect_dma semaphore(%arg14 : memref<!tpu.dma_semaphore, #tpu.memory_space<semaphore_mem>>) src(%dma_wait3A_573 : memref<1300000x16xf32, #tpu.memory_space<hbm>>) dst(%dma_wait3A_567 : memref<128x16xf32, #tpu.memory_space<vmem>>)
      %dma_wait3A_574 = arith.constant 10 : i32
      %dma_wait3A_575 = arith.constant 10 : i32
      %dma_wait3A_576 = arith.constant 0 : i32
      %dma_wait3A_577 = arith.constant 0 : i32
      %dma_wait3A_578 = tpu.memref_slice %arg10[%dma_wait3A_575, %dma_wait3A_576, %dma_wait3A_577] : memref<13x128x16xf32, #tpu.memory_space<vmem>> -> memref<1x128x16xf32, #tpu.memory_space<vmem>>
      %dma_wait3A_579 = tpu.memref_squeeze %dma_wait3A_578 : memref<1x128x16xf32, #tpu.memory_space<vmem>> -> memref<128x16xf32, #tpu.memory_space<vmem>>
      %dma_wait3A_580 = arith.constant 0 : i32
      %dma_wait3A_581 = tpu.memref_slice %arg8[%dma_wait3A_574, %dma_wait3A_580] : memref<13x128xi32, #tpu.memory_space<vmem>> -> memref<1x128xi32, #tpu.memory_space<vmem>>
      %dma_wait3A_582 = tpu.memref_squeeze %dma_wait3A_581 : memref<1x128xi32, #tpu.memory_space<vmem>> -> memref<128xi32, #tpu.memory_space<vmem>>
      %dma_wait3A_583 = arith.constant 0 : i32
      %dma_wait3A_584 = arith.constant 0 : i32
      %dma_wait3A_585 = tpu.memref_slice %arg2[%dma_wait3A_583, %dma_wait3A_584] : memref<1300000x16xf32, #tpu.memory_space<hbm>> -> memref<1300000x16xf32, #tpu.memory_space<hbm>>
      tpu.wait_indirect_dma semaphore(%arg14 : memref<!tpu.dma_semaphore, #tpu.memory_space<semaphore_mem>>) src(%dma_wait3A_585 : memref<1300000x16xf32, #tpu.memory_space<hbm>>) dst(%dma_wait3A_579 : memref<128x16xf32, #tpu.memory_space<vmem>>)
      %dma_wait3A_586 = arith.constant 10 : i32
      %dma_wait3A_587 = arith.constant 10 : i32
      %dma_wait3A_588 = arith.constant 0 : i32
      %dma_wait3A_589 = arith.constant 0 : i32
      %dma_wait3A_590 = tpu.memref_slice %arg11[%dma_wait3A_587, %dma_wait3A_588, %dma_wait3A_589] : memref<13x128x16xf32, #tpu.memory_space<vmem>> -> memref<1x128x16xf32, #tpu.memory_space<vmem>>
      %dma_wait3A_591 = tpu.memref_squeeze %dma_wait3A_590 : memref<1x128x16xf32, #tpu.memory_space<vmem>> -> memref<128x16xf32, #tpu.memory_space<vmem>>
      %dma_wait3A_592 = arith.constant 0 : i32
      %dma_wait3A_593 = tpu.memref_slice %arg9[%dma_wait3A_586, %dma_wait3A_592] : memref<13x128xi32, #tpu.memory_space<vmem>> -> memref<1x128xi32, #tpu.memory_space<vmem>>
      %dma_wait3A_594 = tpu.memref_squeeze %dma_wait3A_593 : memref<1x128xi32, #tpu.memory_space<vmem>> -> memref<128xi32, #tpu.memory_space<vmem>>
      %dma_wait3A_595 = arith.constant 0 : i32
      %dma_wait3A_596 = arith.constant 0 : i32
      %dma_wait3A_597 = tpu.memref_slice %arg3[%dma_wait3A_595, %dma_wait3A_596] : memref<1300000x16xf32, #tpu.memory_space<hbm>> -> memref<1300000x16xf32, #tpu.memory_space<hbm>>
      tpu.wait_indirect_dma semaphore(%arg14 : memref<!tpu.dma_semaphore, #tpu.memory_space<semaphore_mem>>) src(%dma_wait3A_597 : memref<1300000x16xf32, #tpu.memory_space<hbm>>) dst(%dma_wait3A_591 : memref<128x16xf32, #tpu.memory_space<vmem>>)
      %dma_wait3A_598 = arith.constant 11 : i32
      %dma_wait3A_599 = arith.constant 11 : i32
      %dma_wait3A_600 = arith.constant 0 : i32
      %dma_wait3A_601 = arith.constant 0 : i32
      %dma_wait3A_602 = tpu.memref_slice %arg10[%dma_wait3A_599, %dma_wait3A_600, %dma_wait3A_601] : memref<13x128x16xf32, #tpu.memory_space<vmem>> -> memref<1x128x16xf32, #tpu.memory_space<vmem>>
      %dma_wait3A_603 = tpu.memref_squeeze %dma_wait3A_602 : memref<1x128x16xf32, #tpu.memory_space<vmem>> -> memref<128x16xf32, #tpu.memory_space<vmem>>
      %dma_wait3A_604 = arith.constant 0 : i32
      %dma_wait3A_605 = tpu.memref_slice %arg8[%dma_wait3A_598, %dma_wait3A_604] : memref<13x128xi32, #tpu.memory_space<vmem>> -> memref<1x128xi32, #tpu.memory_space<vmem>>
      %dma_wait3A_606 = tpu.memref_squeeze %dma_wait3A_605 : memref<1x128xi32, #tpu.memory_space<vmem>> -> memref<128xi32, #tpu.memory_space<vmem>>
      %dma_wait3A_607 = arith.constant 0 : i32
      %dma_wait3A_608 = arith.constant 0 : i32
      %dma_wait3A_609 = tpu.memref_slice %arg2[%dma_wait3A_607, %dma_wait3A_608] : memref<1300000x16xf32, #tpu.memory_space<hbm>> -> memref<1300000x16xf32, #tpu.memory_space<hbm>>
      tpu.wait_indirect_dma semaphore(%arg14 : memref<!tpu.dma_semaphore, #tpu.memory_space<semaphore_mem>>) src(%dma_wait3A_609 : memref<1300000x16xf32, #tpu.memory_space<hbm>>) dst(%dma_wait3A_603 : memref<128x16xf32, #tpu.memory_space<vmem>>)
      %dma_wait3A_610 = arith.constant 11 : i32
      %dma_wait3A_611 = arith.constant 11 : i32
      %dma_wait3A_612 = arith.constant 0 : i32
      %dma_wait3A_613 = arith.constant 0 : i32
      %dma_wait3A_614 = tpu.memref_slice %arg11[%dma_wait3A_611, %dma_wait3A_612, %dma_wait3A_613] : memref<13x128x16xf32, #tpu.memory_space<vmem>> -> memref<1x128x16xf32, #tpu.memory_space<vmem>>
      %dma_wait3A_615 = tpu.memref_squeeze %dma_wait3A_614 : memref<1x128x16xf32, #tpu.memory_space<vmem>> -> memref<128x16xf32, #tpu.memory_space<vmem>>
      %dma_wait3A_616 = arith.constant 0 : i32
      %dma_wait3A_617 = tpu.memref_slice %arg9[%dma_wait3A_610, %dma_wait3A_616] : memref<13x128xi32, #tpu.memory_space<vmem>> -> memref<1x128xi32, #tpu.memory_space<vmem>>
      %dma_wait3A_618 = tpu.memref_squeeze %dma_wait3A_617 : memref<1x128xi32, #tpu.memory_space<vmem>> -> memref<128xi32, #tpu.memory_space<vmem>>
      %dma_wait3A_619 = arith.constant 0 : i32
      %dma_wait3A_620 = arith.constant 0 : i32
      %dma_wait3A_621 = tpu.memref_slice %arg3[%dma_wait3A_619, %dma_wait3A_620] : memref<1300000x16xf32, #tpu.memory_space<hbm>> -> memref<1300000x16xf32, #tpu.memory_space<hbm>>
      tpu.wait_indirect_dma semaphore(%arg14 : memref<!tpu.dma_semaphore, #tpu.memory_space<semaphore_mem>>) src(%dma_wait3A_621 : memref<1300000x16xf32, #tpu.memory_space<hbm>>) dst(%dma_wait3A_615 : memref<128x16xf32, #tpu.memory_space<vmem>>)
      %dma_wait3A_622 = arith.constant 12 : i32
      %dma_wait3A_623 = arith.constant 12 : i32
      %dma_wait3A_624 = arith.constant 0 : i32
      %dma_wait3A_625 = arith.constant 0 : i32
      %dma_wait3A_626 = tpu.memref_slice %arg10[%dma_wait3A_623, %dma_wait3A_624, %dma_wait3A_625] : memref<13x128x16xf32, #tpu.memory_space<vmem>> -> memref<1x128x16xf32, #tpu.memory_space<vmem>>
      %dma_wait3A_627 = tpu.memref_squeeze %dma_wait3A_626 : memref<1x128x16xf32, #tpu.memory_space<vmem>> -> memref<128x16xf32, #tpu.memory_space<vmem>>
      %dma_wait3A_628 = arith.constant 0 : i32
      %dma_wait3A_629 = tpu.memref_slice %arg8[%dma_wait3A_622, %dma_wait3A_628] : memref<13x128xi32, #tpu.memory_space<vmem>> -> memref<1x128xi32, #tpu.memory_space<vmem>>
      %dma_wait3A_630 = tpu.memref_squeeze %dma_wait3A_629 : memref<1x128xi32, #tpu.memory_space<vmem>> -> memref<128xi32, #tpu.memory_space<vmem>>
      %dma_wait3A_631 = arith.constant 0 : i32
      %dma_wait3A_632 = arith.constant 0 : i32
      %dma_wait3A_633 = tpu.memref_slice %arg2[%dma_wait3A_631, %dma_wait3A_632] : memref<1300000x16xf32, #tpu.memory_space<hbm>> -> memref<1300000x16xf32, #tpu.memory_space<hbm>>
      tpu.wait_indirect_dma semaphore(%arg14 : memref<!tpu.dma_semaphore, #tpu.memory_space<semaphore_mem>>) src(%dma_wait3A_633 : memref<1300000x16xf32, #tpu.memory_space<hbm>>) dst(%dma_wait3A_627 : memref<128x16xf32, #tpu.memory_space<vmem>>)
      %dma_wait3A_634 = arith.constant 12 : i32
      %dma_wait3A_635 = arith.constant 12 : i32
      %dma_wait3A_636 = arith.constant 0 : i32
      %dma_wait3A_637 = arith.constant 0 : i32
      %dma_wait3A_638 = tpu.memref_slice %arg11[%dma_wait3A_635, %dma_wait3A_636, %dma_wait3A_637] : memref<13x128x16xf32, #tpu.memory_space<vmem>> -> memref<1x128x16xf32, #tpu.memory_space<vmem>>
      %dma_wait3A_639 = tpu.memref_squeeze %dma_wait3A_638 : memref<1x128x16xf32, #tpu.memory_space<vmem>> -> memref<128x16xf32, #tpu.memory_space<vmem>>
      %dma_wait3A_640 = arith.constant 0 : i32
      %dma_wait3A_641 = tpu.memref_slice %arg9[%dma_wait3A_634, %dma_wait3A_640] : memref<13x128xi32, #tpu.memory_space<vmem>> -> memref<1x128xi32, #tpu.memory_space<vmem>>
      %dma_wait3A_642 = tpu.memref_squeeze %dma_wait3A_641 : memref<1x128xi32, #tpu.memory_space<vmem>> -> memref<128xi32, #tpu.memory_space<vmem>>
      %dma_wait3A_643 = arith.constant 0 : i32
      %dma_wait3A_644 = arith.constant 0 : i32
      %dma_wait3A_645 = tpu.memref_slice %arg3[%dma_wait3A_643, %dma_wait3A_644] : memref<1300000x16xf32, #tpu.memory_space<hbm>> -> memref<1300000x16xf32, #tpu.memory_space<hbm>>
      tpu.wait_indirect_dma semaphore(%arg14 : memref<!tpu.dma_semaphore, #tpu.memory_space<semaphore_mem>>) src(%dma_wait3A_645 : memref<1300000x16xf32, #tpu.memory_space<hbm>>) dst(%dma_wait3A_639 : memref<128x16xf32, #tpu.memory_space<vmem>>)
      %scan3A_646 = arith.constant 0 : i32
      %scan3A_647 = arith.constant 0 : i32
      %scan3A_648 = arith.constant 8 : i32
      %scan3A_649 = arith.addi %scan3A_647, %scan3A_648 : i32
      %scan3A_650 = arith.constant 1 : i32
      %scan3A_651 = scf.for %scan3A_654 = %scan3A_647 to %scan3A_649 step %scan3A_650 iter_args(%scan3A_655 = %scan3A_646) -> (i32)  : i32 {
        %broadcast_in_dim3A = arith.constant 0.000000e+00 : f32
        %broadcast_in_dim3A_656 = vector.broadcast %broadcast_in_dim3A : f32 to vector<16xf32>
        %mul3A_657 = arith.constant 16 : i32
        %mul3A_658 = arith.muli %scan3A_654, %mul3A_657 : i32
        %add3A_659 = arith.constant 0 : i32
        %add3A_660 = arith.addi %mul3A_658, %add3A_659 : i32
        %get3A_661 = arith.constant 0 : i32
        %get3A_662 = arith.index_cast %get3A_661 : i32 to index
        %get3A_663 = arith.index_cast %add3A_660 : i32 to index
        %get3A_664 = arith.constant 0 : index
        %get3A_665 = tpu.vector_load %arg10[%get3A_662, %get3A_663, %get3A_664] {strides = array<i32>} : memref<13x128x16xf32, #tpu.memory_space<vmem>>, vector<16xf32>,
        %get3A_666 = arith.constant 0 : i32
        %get3A_667 = arith.index_cast %get3A_666 : i32 to index
        %get3A_668 = arith.index_cast %add3A_660 : i32 to index
        %get3A_669 = arith.constant 0 : index
        %get3A_670 = tpu.vector_load %arg11[%get3A_667, %get3A_668, %get3A_669] {strides = array<i32>} : memref<13x128x16xf32, #tpu.memory_space<vmem>>, vector<16xf32>,
        %get3A_671 = arith.constant 1 : i32
        %get3A_672 = arith.index_cast %get3A_671 : i32 to index
        %get3A_673 = arith.index_cast %add3A_660 : i32 to index
        %get3A_674 = arith.constant 0 : index
        %get3A_675 = tpu.vector_load %arg10[%get3A_672, %get3A_673, %get3A_674] {strides = array<i32>} : memref<13x128x16xf32, #tpu.memory_space<vmem>>, vector<16xf32>,
        %add3A_676 = arith.addf %get3A_665, %get3A_675 : vector<16xf32>
        %get3A_677 = arith.constant 1 : i32
        %get3A_678 = arith.index_cast %get3A_677 : i32 to index
        %get3A_679 = arith.index_cast %add3A_660 : i32 to index
        %get3A_680 = arith.constant 0 : index
        %get3A_681 = tpu.vector_load %arg11[%get3A_678, %get3A_679, %get3A_680] {strides = array<i32>} : memref<13x128x16xf32, #tpu.memory_space<vmem>>, vector<16xf32>,
        %add3A_682 = arith.addf %get3A_670, %get3A_681 : vector<16xf32>
        %get3A_683 = arith.constant 2 : i32
        %get3A_684 = arith.index_cast %get3A_683 : i32 to index
        %get3A_685 = arith.index_cast %add3A_660 : i32 to index
        %get3A_686 = arith.constant 0 : index
        %get3A_687 = tpu.vector_load %arg10[%get3A_684, %get3A_685, %get3A_686] {strides = array<i32>} : memref<13x128x16xf32, #tpu.memory_space<vmem>>, vector<16xf32>,
        %add3A_688 = arith.addf %add3A_676, %get3A_687 : vector<16xf32>
        %get3A_689 = arith.constant 2 : i32
        %get3A_690 = arith.index_cast %get3A_689 : i32 to index
        %get3A_691 = arith.index_cast %add3A_660 : i32 to index
        %get3A_692 = arith.constant 0 : index
        %get3A_693 = tpu.vector_load %arg11[%get3A_690, %get3A_691, %get3A_692] {strides = array<i32>} : memref<13x128x16xf32, #tpu.memory_space<vmem>>, vector<16xf32>,
        %add3A_694 = arith.addf %add3A_682, %get3A_693 : vector<16xf32>
        %get3A_695 = arith.constant 3 : i32
        %get3A_696 = arith.index_cast %get3A_695 : i32 to index
        %get3A_697 = arith.index_cast %add3A_660 : i32 to index
        %get3A_698 = arith.constant 0 : index
        %get3A_699 = tpu.vector_load %arg10[%get3A_696, %get3A_697, %get3A_698] {strides = array<i32>} : memref<13x128x16xf32, #tpu.memory_space<vmem>>, vector<16xf32>,
        %add3A_700 = arith.addf %add3A_688, %get3A_699 : vector<16xf32>
        %get3A_701 = arith.constant 3 : i32
        %get3A_702 = arith.index_cast %get3A_701 : i32 to index
        %get3A_703 = arith.index_cast %add3A_660 : i32 to index
        %get3A_704 = arith.constant 0 : index
        %get3A_705 = tpu.vector_load %arg11[%get3A_702, %get3A_703, %get3A_704] {strides = array<i32>} : memref<13x128x16xf32, #tpu.memory_space<vmem>>, vector<16xf32>,
        %add3A_706 = arith.addf %add3A_694, %get3A_705 : vector<16xf32>
        %get3A_707 = arith.constant 4 : i32
        %get3A_708 = arith.index_cast %get3A_707 : i32 to index
        %get3A_709 = arith.index_cast %add3A_660 : i32 to index
        %get3A_710 = arith.constant 0 : index
        %get3A_711 = tpu.vector_load %arg10[%get3A_708, %get3A_709, %get3A_710] {strides = array<i32>} : memref<13x128x16xf32, #tpu.memory_space<vmem>>, vector<16xf32>,
        %add3A_712 = arith.addf %add3A_700, %get3A_711 : vector<16xf32>
        %get3A_713 = arith.constant 4 : i32
        %get3A_714 = arith.index_cast %get3A_713 : i32 to index
        %get3A_715 = arith.index_cast %add3A_660 : i32 to index
        %get3A_716 = arith.constant 0 : index
        %get3A_717 = tpu.vector_load %arg11[%get3A_714, %get3A_715, %get3A_716] {strides = array<i32>} : memref<13x128x16xf32, #tpu.memory_space<vmem>>, vector<16xf32>,
        %add3A_718 = arith.addf %add3A_706, %get3A_717 : vector<16xf32>
        %get3A_719 = arith.constant 5 : i32
        %get3A_720 = arith.index_cast %get3A_719 : i32 to index
        %get3A_721 = arith.index_cast %add3A_660 : i32 to index
        %get3A_722 = arith.constant 0 : index
        %get3A_723 = tpu.vector_load %arg10[%get3A_720, %get3A_721, %get3A_722] {strides = array<i32>} : memref<13x128x16xf32, #tpu.memory_space<vmem>>, vector<16xf32>,
        %add3A_724 = arith.addf %add3A_712, %get3A_723 : vector<16xf32>
        %get3A_725 = arith.constant 5 : i32
        %get3A_726 = arith.index_cast %get3A_725 : i32 to index
        %get3A_727 = arith.index_cast %add3A_660 : i32 to index
        %get3A_728 = arith.constant 0 : index
        %get3A_729 = tpu.vector_load %arg11[%get3A_726, %get3A_727, %get3A_728] {strides = array<i32>} : memref<13x128x16xf32, #tpu.memory_space<vmem>>, vector<16xf32>,
        %add3A_730 = arith.addf %add3A_718, %get3A_729 : vector<16xf32>
        %get3A_731 = arith.constant 6 : i32
        %get3A_732 = arith.index_cast %get3A_731 : i32 to index
        %get3A_733 = arith.index_cast %add3A_660 : i32 to index
        %get3A_734 = arith.constant 0 : index
        %get3A_735 = tpu.vector_load %arg10[%get3A_732, %get3A_733, %get3A_734] {strides = array<i32>} : memref<13x128x16xf32, #tpu.memory_space<vmem>>, vector<16xf32>,
        %add3A_736 = arith.addf %add3A_724, %get3A_735 : vector<16xf32>
        %get3A_737 = arith.constant 6 : i32
        %get3A_738 = arith.index_cast %get3A_737 : i32 to index
        %get3A_739 = arith.index_cast %add3A_660 : i32 to index
        %get3A_740 = arith.constant 0 : index
        %get3A_741 = tpu.vector_load %arg11[%get3A_738, %get3A_739, %get3A_740] {strides = array<i32>} : memref<13x128x16xf32, #tpu.memory_space<vmem>>, vector<16xf32>,
        %add3A_742 = arith.addf %add3A_730, %get3A_741 : vector<16xf32>
        %get3A_743 = arith.constant 7 : i32
        %get3A_744 = arith.index_cast %get3A_743 : i32 to index
        %get3A_745 = arith.index_cast %add3A_660 : i32 to index
        %get3A_746 = arith.constant 0 : index
        %get3A_747 = tpu.vector_load %arg10[%get3A_744, %get3A_745, %get3A_746] {strides = array<i32>} : memref<13x128x16xf32, #tpu.memory_space<vmem>>, vector<16xf32>,
        %add3A_748 = arith.addf %add3A_736, %get3A_747 : vector<16xf32>
        %get3A_749 = arith.constant 7 : i32
        %get3A_750 = arith.index_cast %get3A_749 : i32 to index
        %get3A_751 = arith.index_cast %add3A_660 : i32 to index
        %get3A_752 = arith.constant 0 : index
        %get3A_753 = tpu.vector_load %arg11[%get3A_750, %get3A_751, %get3A_752] {strides = array<i32>} : memref<13x128x16xf32, #tpu.memory_space<vmem>>, vector<16xf32>,
        %add3A_754 = arith.addf %add3A_742, %get3A_753 : vector<16xf32>
        %get3A_755 = arith.constant 8 : i32
        %get3A_756 = arith.index_cast %get3A_755 : i32 to index
        %get3A_757 = arith.index_cast %add3A_660 : i32 to index
        %get3A_758 = arith.constant 0 : index
        %get3A_759 = tpu.vector_load %arg10[%get3A_756, %get3A_757, %get3A_758] {strides = array<i32>} : memref<13x128x16xf32, #tpu.memory_space<vmem>>, vector<16xf32>,
        %add3A_760 = arith.addf %add3A_748, %get3A_759 : vector<16xf32>
        %get3A_761 = arith.constant 8 : i32
        %get3A_762 = arith.index_cast %get3A_761 : i32 to index
        %get3A_763 = arith.index_cast %add3A_660 : i32 to index
        %get3A_764 = arith.constant 0 : index
        %get3A_765 = tpu.vector_load %arg11[%get3A_762, %get3A_763, %get3A_764] {strides = array<i32>} : memref<13x128x16xf32, #tpu.memory_space<vmem>>, vector<16xf32>,
        %add3A_766 = arith.addf %add3A_754, %get3A_765 : vector<16xf32>
        %get3A_767 = arith.constant 9 : i32
        %get3A_768 = arith.index_cast %get3A_767 : i32 to index
        %get3A_769 = arith.index_cast %add3A_660 : i32 to index
        %get3A_770 = arith.constant 0 : index
        %get3A_771 = tpu.vector_load %arg10[%get3A_768, %get3A_769, %get3A_770] {strides = array<i32>} : memref<13x128x16xf32, #tpu.memory_space<vmem>>, vector<16xf32>,
        %add3A_772 = arith.addf %add3A_760, %get3A_771 : vector<16xf32>
        %get3A_773 = arith.constant 9 : i32
        %get3A_774 = arith.index_cast %get3A_773 : i32 to index
        %get3A_775 = arith.index_cast %add3A_660 : i32 to index
        %get3A_776 = arith.constant 0 : index
        %get3A_777 = tpu.vector_load %arg11[%get3A_774, %get3A_775, %get3A_776] {strides = array<i32>} : memref<13x128x16xf32, #tpu.memory_space<vmem>>, vector<16xf32>,
        %add3A_778 = arith.addf %add3A_766, %get3A_777 : vector<16xf32>
        %get3A_779 = arith.constant 10 : i32
        %get3A_780 = arith.index_cast %get3A_779 : i32 to index
        %get3A_781 = arith.index_cast %add3A_660 : i32 to index
        %get3A_782 = arith.constant 0 : index
        %get3A_783 = tpu.vector_load %arg10[%get3A_780, %get3A_781, %get3A_782] {strides = array<i32>} : memref<13x128x16xf32, #tpu.memory_space<vmem>>, vector<16xf32>,
        %add3A_784 = arith.addf %add3A_772, %get3A_783 : vector<16xf32>
        %get3A_785 = arith.constant 10 : i32
        %get3A_786 = arith.index_cast %get3A_785 : i32 to index
        %get3A_787 = arith.index_cast %add3A_660 : i32 to index
        %get3A_788 = arith.constant 0 : index
        %get3A_789 = tpu.vector_load %arg11[%get3A_786, %get3A_787, %get3A_788] {strides = array<i32>} : memref<13x128x16xf32, #tpu.memory_space<vmem>>, vector<16xf32>,
        %add3A_790 = arith.addf %add3A_778, %get3A_789 : vector<16xf32>
        %get3A_791 = arith.constant 11 : i32
        %get3A_792 = arith.index_cast %get3A_791 : i32 to index
        %get3A_793 = arith.index_cast %add3A_660 : i32 to index
        %get3A_794 = arith.constant 0 : index
        %get3A_795 = tpu.vector_load %arg10[%get3A_792, %get3A_793, %get3A_794] {strides = array<i32>} : memref<13x128x16xf32, #tpu.memory_space<vmem>>, vector<16xf32>,
        %add3A_796 = arith.addf %add3A_784, %get3A_795 : vector<16xf32>
        %get3A_797 = arith.constant 11 : i32
        %get3A_798 = arith.index_cast %get3A_797 : i32 to index
        %get3A_799 = arith.index_cast %add3A_660 : i32 to index
        %get3A_800 = arith.constant 0 : index
        %get3A_801 = tpu.vector_load %arg11[%get3A_798, %get3A_799, %get3A_800] {strides = array<i32>} : memref<13x128x16xf32, #tpu.memory_space<vmem>>, vector<16xf32>,
        %add3A_802 = arith.addf %add3A_790, %get3A_801 : vector<16xf32>
        %get3A_803 = arith.constant 12 : i32
        %get3A_804 = arith.index_cast %get3A_803 : i32 to index
        %get3A_805 = arith.index_cast %add3A_660 : i32 to index
        %get3A_806 = arith.constant 0 : index
        %get3A_807 = tpu.vector_load %arg10[%get3A_804, %get3A_805, %get3A_806] {strides = array<i32>} : memref<13x128x16xf32, #tpu.memory_space<vmem>>, vector<16xf32>,
        %add3A_808 = arith.addf %add3A_796, %get3A_807 : vector<16xf32>
        %get3A_809 = arith.constant 12 : i32
        %get3A_810 = arith.index_cast %get3A_809 : i32 to index
        %get3A_811 = arith.index_cast %add3A_660 : i32 to index
        %get3A_812 = arith.constant 0 : index
        %get3A_813 = tpu.vector_load %arg11[%get3A_810, %get3A_811, %get3A_812] {strides = array<i32>} : memref<13x128x16xf32, #tpu.memory_space<vmem>>, vector<16xf32>,
        %add3A_814 = arith.addf %add3A_802, %get3A_813 : vector<16xf32>
        %mul3A_815 = arith.mulf %add3A_808, %add3A_814 : vector<16xf32>
        %reduce_sum3A = arith.constant true
        %reduce_sum3A_816 = vector.broadcast %reduce_sum3A : i1 to vector<16xi1>
        %reduce_sum3A_817 = tpu.scan <sum>, %mul3A_815 masked %reduce_sum3A_816 : vector<16xf32>, vector<16xi1> -> vector<16xf32>
        %reduce_sum3A_818 = vector.extract %reduce_sum3A_817[15] : f32 from vector<16xf32>
        %eq3A = arith.constant 0 : i32
        %eq3A_819 = vector.broadcast %eq3A : i32 to vector<16xi32>
        %eq3A_820 = arith.cmpi eq, %iota3A, %eq3A_819 : vector<16xi32>
        %broadcast_in_dim3A_821 = vector.broadcast %reduce_sum3A_818 : f32 to vector<16xf32>
        %select_n3A = arith.select %eq3A_820, %broadcast_in_dim3A_821, %broadcast_in_dim3A_656 : vector<16xi1>, vector<16xf32>
        %mul3A_822 = arith.constant 16 : i32
        %mul3A_823 = arith.muli %scan3A_654, %mul3A_822 : i32
        %add3A_824 = arith.constant 1 : i32
        %add3A_825 = arith.addi %mul3A_823, %add3A_824 : i32
        %get3A_826 = arith.constant 0 : i32
        %get3A_827 = arith.index_cast %get3A_826 : i32 to index
        %get3A_828 = arith.index_cast %add3A_825 : i32 to index
        %get3A_829 = arith.constant 0 : index
        %get3A_830 = tpu.vector_load %arg10[%get3A_827, %get3A_828, %get3A_829] {strides = array<i32>} : memref<13x128x16xf32, #tpu.memory_space<vmem>>, vector<16xf32>,
        %get3A_831 = arith.constant 0 : i32
        %get3A_832 = arith.index_cast %get3A_831 : i32 to index
        %get3A_833 = arith.index_cast %add3A_825 : i32 to index
        %get3A_834 = arith.constant 0 : index
        %get3A_835 = tpu.vector_load %arg11[%get3A_832, %get3A_833, %get3A_834] {strides = array<i32>} : memref<13x128x16xf32, #tpu.memory_space<vmem>>, vector<16xf32>,
        %get3A_836 = arith.constant 1 : i32
        %get3A_837 = arith.index_cast %get3A_836 : i32 to index
        %get3A_838 = arith.index_cast %add3A_825 : i32 to index
        %get3A_839 = arith.constant 0 : index
        %get3A_840 = tpu.vector_load %arg10[%get3A_837, %get3A_838, %get3A_839] {strides = array<i32>} : memref<13x128x16xf32, #tpu.memory_space<vmem>>, vector<16xf32>,
        %add3A_841 = arith.addf %get3A_830, %get3A_840 : vector<16xf32>
        %get3A_842 = arith.constant 1 : i32
        %get3A_843 = arith.index_cast %get3A_842 : i32 to index
        %get3A_844 = arith.index_cast %add3A_825 : i32 to index
        %get3A_845 = arith.constant 0 : index
        %get3A_846 = tpu.vector_load %arg11[%get3A_843, %get3A_844, %get3A_845] {strides = array<i32>} : memref<13x128x16xf32, #tpu.memory_space<vmem>>, vector<16xf32>,
        %add3A_847 = arith.addf %get3A_835, %get3A_846 : vector<16xf32>
        %get3A_848 = arith.constant 2 : i32
        %get3A_849 = arith.index_cast %get3A_848 : i32 to index
        %get3A_850 = arith.index_cast %add3A_825 : i32 to index
        %get3A_851 = arith.constant 0 : index
        %get3A_852 = tpu.vector_load %arg10[%get3A_849, %get3A_850, %get3A_851] {strides = array<i32>} : memref<13x128x16xf32, #tpu.memory_space<vmem>>, vector<16xf32>,
        %add3A_853 = arith.addf %add3A_841, %get3A_852 : vector<16xf32>
        %get3A_854 = arith.constant 2 : i32
        %get3A_855 = arith.index_cast %get3A_854 : i32 to index
        %get3A_856 = arith.index_cast %add3A_825 : i32 to index
        %get3A_857 = arith.constant 0 : index
        %get3A_858 = tpu.vector_load %arg11[%get3A_855, %get3A_856, %get3A_857] {strides = array<i32>} : memref<13x128x16xf32, #tpu.memory_space<vmem>>, vector<16xf32>,
        %add3A_859 = arith.addf %add3A_847, %get3A_858 : vector<16xf32>
        %get3A_860 = arith.constant 3 : i32
        %get3A_861 = arith.index_cast %get3A_860 : i32 to index
        %get3A_862 = arith.index_cast %add3A_825 : i32 to index
        %get3A_863 = arith.constant 0 : index
        %get3A_864 = tpu.vector_load %arg10[%get3A_861, %get3A_862, %get3A_863] {strides = array<i32>} : memref<13x128x16xf32, #tpu.memory_space<vmem>>, vector<16xf32>,
        %add3A_865 = arith.addf %add3A_853, %get3A_864 : vector<16xf32>
        %get3A_866 = arith.constant 3 : i32
        %get3A_867 = arith.index_cast %get3A_866 : i32 to index
        %get3A_868 = arith.index_cast %add3A_825 : i32 to index
        %get3A_869 = arith.constant 0 : index
        %get3A_870 = tpu.vector_load %arg11[%get3A_867, %get3A_868, %get3A_869] {strides = array<i32>} : memref<13x128x16xf32, #tpu.memory_space<vmem>>, vector<16xf32>,
        %add3A_871 = arith.addf %add3A_859, %get3A_870 : vector<16xf32>
        %get3A_872 = arith.constant 4 : i32
        %get3A_873 = arith.index_cast %get3A_872 : i32 to index
        %get3A_874 = arith.index_cast %add3A_825 : i32 to index
        %get3A_875 = arith.constant 0 : index
        %get3A_876 = tpu.vector_load %arg10[%get3A_873, %get3A_874, %get3A_875] {strides = array<i32>} : memref<13x128x16xf32, #tpu.memory_space<vmem>>, vector<16xf32>,
        %add3A_877 = arith.addf %add3A_865, %get3A_876 : vector<16xf32>
        %get3A_878 = arith.constant 4 : i32
        %get3A_879 = arith.index_cast %get3A_878 : i32 to index
        %get3A_880 = arith.index_cast %add3A_825 : i32 to index
        %get3A_881 = arith.constant 0 : index
        %get3A_882 = tpu.vector_load %arg11[%get3A_879, %get3A_880, %get3A_881] {strides = array<i32>} : memref<13x128x16xf32, #tpu.memory_space<vmem>>, vector<16xf32>,
        %add3A_883 = arith.addf %add3A_871, %get3A_882 : vector<16xf32>
        %get3A_884 = arith.constant 5 : i32
        %get3A_885 = arith.index_cast %get3A_884 : i32 to index
        %get3A_886 = arith.index_cast %add3A_825 : i32 to index
        %get3A_887 = arith.constant 0 : index
        %get3A_888 = tpu.vector_load %arg10[%get3A_885, %get3A_886, %get3A_887] {strides = array<i32>} : memref<13x128x16xf32, #tpu.memory_space<vmem>>, vector<16xf32>,
        %add3A_889 = arith.addf %add3A_877, %get3A_888 : vector<16xf32>
        %get3A_890 = arith.constant 5 : i32
        %get3A_891 = arith.index_cast %get3A_890 : i32 to index
        %get3A_892 = arith.index_cast %add3A_825 : i32 to index
        %get3A_893 = arith.constant 0 : index
        %get3A_894 = tpu.vector_load %arg11[%get3A_891, %get3A_892, %get3A_893] {strides = array<i32>} : memref<13x128x16xf32, #tpu.memory_space<vmem>>, vector<16xf32>,
        %add3A_895 = arith.addf %add3A_883, %get3A_894 : vector<16xf32>
        %get3A_896 = arith.constant 6 : i32
        %get3A_897 = arith.index_cast %get3A_896 : i32 to index
        %get3A_898 = arith.index_cast %add3A_825 : i32 to index
        %get3A_899 = arith.constant 0 : index
        %get3A_900 = tpu.vector_load %arg10[%get3A_897, %get3A_898, %get3A_899] {strides = array<i32>} : memref<13x128x16xf32, #tpu.memory_space<vmem>>, vector<16xf32>,
        %add3A_901 = arith.addf %add3A_889, %get3A_900 : vector<16xf32>
        %get3A_902 = arith.constant 6 : i32
        %get3A_903 = arith.index_cast %get3A_902 : i32 to index
        %get3A_904 = arith.index_cast %add3A_825 : i32 to index
        %get3A_905 = arith.constant 0 : index
        %get3A_906 = tpu.vector_load %arg11[%get3A_903, %get3A_904, %get3A_905] {strides = array<i32>} : memref<13x128x16xf32, #tpu.memory_space<vmem>>, vector<16xf32>,
        %add3A_907 = arith.addf %add3A_895, %get3A_906 : vector<16xf32>
        %get3A_908 = arith.constant 7 : i32
        %get3A_909 = arith.index_cast %get3A_908 : i32 to index
        %get3A_910 = arith.index_cast %add3A_825 : i32 to index
        %get3A_911 = arith.constant 0 : index
        %get3A_912 = tpu.vector_load %arg10[%get3A_909, %get3A_910, %get3A_911] {strides = array<i32>} : memref<13x128x16xf32, #tpu.memory_space<vmem>>, vector<16xf32>,
        %add3A_913 = arith.addf %add3A_901, %get3A_912 : vector<16xf32>
        %get3A_914 = arith.constant 7 : i32
        %get3A_915 = arith.index_cast %get3A_914 : i32 to index
        %get3A_916 = arith.index_cast %add3A_825 : i32 to index
        %get3A_917 = arith.constant 0 : index
        %get3A_918 = tpu.vector_load %arg11[%get3A_915, %get3A_916, %get3A_917] {strides = array<i32>} : memref<13x128x16xf32, #tpu.memory_space<vmem>>, vector<16xf32>,
        %add3A_919 = arith.addf %add3A_907, %get3A_918 : vector<16xf32>
        %get3A_920 = arith.constant 8 : i32
        %get3A_921 = arith.index_cast %get3A_920 : i32 to index
        %get3A_922 = arith.index_cast %add3A_825 : i32 to index
        %get3A_923 = arith.constant 0 : index
        %get3A_924 = tpu.vector_load %arg10[%get3A_921, %get3A_922, %get3A_923] {strides = array<i32>} : memref<13x128x16xf32, #tpu.memory_space<vmem>>, vector<16xf32>,
        %add3A_925 = arith.addf %add3A_913, %get3A_924 : vector<16xf32>
        %get3A_926 = arith.constant 8 : i32
        %get3A_927 = arith.index_cast %get3A_926 : i32 to index
        %get3A_928 = arith.index_cast %add3A_825 : i32 to index
        %get3A_929 = arith.constant 0 : index
        %get3A_930 = tpu.vector_load %arg11[%get3A_927, %get3A_928, %get3A_929] {strides = array<i32>} : memref<13x128x16xf32, #tpu.memory_space<vmem>>, vector<16xf32>,
        %add3A_931 = arith.addf %add3A_919, %get3A_930 : vector<16xf32>
        %get3A_932 = arith.constant 9 : i32
        %get3A_933 = arith.index_cast %get3A_932 : i32 to index
        %get3A_934 = arith.index_cast %add3A_825 : i32 to index
        %get3A_935 = arith.constant 0 : index
        %get3A_936 = tpu.vector_load %arg10[%get3A_933, %get3A_934, %get3A_935] {strides = array<i32>} : memref<13x128x16xf32, #tpu.memory_space<vmem>>, vector<16xf32>,
        %add3A_937 = arith.addf %add3A_925, %get3A_936 : vector<16xf32>
        %get3A_938 = arith.constant 9 : i32
        %get3A_939 = arith.index_cast %get3A_938 : i32 to index
        %get3A_940 = arith.index_cast %add3A_825 : i32 to index
        %get3A_941 = arith.constant 0 : index
        %get3A_942 = tpu.vector_load %arg11[%get3A_939, %get3A_940, %get3A_941] {strides = array<i32>} : memref<13x128x16xf32, #tpu.memory_space<vmem>>, vector<16xf32>,
        %add3A_943 = arith.addf %add3A_931, %get3A_942 : vector<16xf32>
        %get3A_944 = arith.constant 10 : i32
        %get3A_945 = arith.index_cast %get3A_944 : i32 to index
        %get3A_946 = arith.index_cast %add3A_825 : i32 to index
        %get3A_947 = arith.constant 0 : index
        %get3A_948 = tpu.vector_load %arg10[%get3A_945, %get3A_946, %get3A_947] {strides = array<i32>} : memref<13x128x16xf32, #tpu.memory_space<vmem>>, vector<16xf32>,
        %add3A_949 = arith.addf %add3A_937, %get3A_948 : vector<16xf32>
        %get3A_950 = arith.constant 10 : i32
        %get3A_951 = arith.index_cast %get3A_950 : i32 to index
        %get3A_952 = arith.index_cast %add3A_825 : i32 to index
        %get3A_953 = arith.constant 0 : index
        %get3A_954 = tpu.vector_load %arg11[%get3A_951, %get3A_952, %get3A_953] {strides = array<i32>} : memref<13x128x16xf32, #tpu.memory_space<vmem>>, vector<16xf32>,
        %add3A_955 = arith.addf %add3A_943, %get3A_954 : vector<16xf32>
        %get3A_956 = arith.constant 11 : i32
        %get3A_957 = arith.index_cast %get3A_956 : i32 to index
        %get3A_958 = arith.index_cast %add3A_825 : i32 to index
        %get3A_959 = arith.constant 0 : index
        %get3A_960 = tpu.vector_load %arg10[%get3A_957, %get3A_958, %get3A_959] {strides = array<i32>} : memref<13x128x16xf32, #tpu.memory_space<vmem>>, vector<16xf32>,
        %add3A_961 = arith.addf %add3A_949, %get3A_960 : vector<16xf32>
        %get3A_962 = arith.constant 11 : i32
        %get3A_963 = arith.index_cast %get3A_962 : i32 to index
        %get3A_964 = arith.index_cast %add3A_825 : i32 to index
        %get3A_965 = arith.constant 0 : index
        %get3A_966 = tpu.vector_load %arg11[%get3A_963, %get3A_964, %get3A_965] {strides = array<i32>} : memref<13x128x16xf32, #tpu.memory_space<vmem>>, vector<16xf32>,
        %add3A_967 = arith.addf %add3A_955, %get3A_966 : vector<16xf32>
        %get3A_968 = arith.constant 12 : i32
        %get3A_969 = arith.index_cast %get3A_968 : i32 to index
        %get3A_970 = arith.index_cast %add3A_825 : i32 to index
        %get3A_971 = arith.constant 0 : index
        %get3A_972 = tpu.vector_load %arg10[%get3A_969, %get3A_970, %get3A_971] {strides = array<i32>} : memref<13x128x16xf32, #tpu.memory_space<vmem>>, vector<16xf32>,
        %add3A_973 = arith.addf %add3A_961, %get3A_972 : vector<16xf32>
        %get3A_974 = arith.constant 12 : i32
        %get3A_975 = arith.index_cast %get3A_974 : i32 to index
        %get3A_976 = arith.index_cast %add3A_825 : i32 to index
        %get3A_977 = arith.constant 0 : index
        %get3A_978 = tpu.vector_load %arg11[%get3A_975, %get3A_976, %get3A_977] {strides = array<i32>} : memref<13x128x16xf32, #tpu.memory_space<vmem>>, vector<16xf32>,
        %add3A_979 = arith.addf %add3A_967, %get3A_978 : vector<16xf32>
        %mul3A_980 = arith.mulf %add3A_973, %add3A_979 : vector<16xf32>
        %reduce_sum3A_981 = arith.constant true
        %reduce_sum3A_982 = vector.broadcast %reduce_sum3A_981 : i1 to vector<16xi1>
        %reduce_sum3A_983 = tpu.scan <sum>, %mul3A_980 masked %reduce_sum3A_982 : vector<16xf32>, vector<16xi1> -> vector<16xf32>
        %reduce_sum3A_984 = vector.extract %reduce_sum3A_983[15] : f32 from vector<16xf32>
        %eq3A_985 = arith.constant 1 : i32
        %eq3A_986 = vector.broadcast %eq3A_985 : i32 to vector<16xi32>
        %eq3A_987 = arith.cmpi eq, %iota3A, %eq3A_986 : vector<16xi32>
        %broadcast_in_dim3A_988 = vector.broadcast %reduce_sum3A_984 : f32 to vector<16xf32>
        %select_n3A_989 = arith.select %eq3A_987, %broadcast_in_dim3A_988, %select_n3A : vector<16xi1>, vector<16xf32>
        %mul3A_990 = arith.constant 16 : i32
        %mul3A_991 = arith.muli %scan3A_654, %mul3A_990 : i32
        %add3A_992 = arith.constant 2 : i32
        %add3A_993 = arith.addi %mul3A_991, %add3A_992 : i32
        %get3A_994 = arith.constant 0 : i32
        %get3A_995 = arith.index_cast %get3A_994 : i32 to index
        %get3A_996 = arith.index_cast %add3A_993 : i32 to index
        %get3A_997 = arith.constant 0 : index
        %get3A_998 = tpu.vector_load %arg10[%get3A_995, %get3A_996, %get3A_997] {strides = array<i32>} : memref<13x128x16xf32, #tpu.memory_space<vmem>>, vector<16xf32>,
        %get3A_999 = arith.constant 0 : i32
        %get3A_1000 = arith.index_cast %get3A_999 : i32 to index
        %get3A_1001 = arith.index_cast %add3A_993 : i32 to index
        %get3A_1002 = arith.constant 0 : index
        %get3A_1003 = tpu.vector_load %arg11[%get3A_1000, %get3A_1001, %get3A_1002] {strides = array<i32>} : memref<13x128x16xf32, #tpu.memory_space<vmem>>, vector<16xf32>,
        %get3A_1004 = arith.constant 1 : i32
        %get3A_1005 = arith.index_cast %get3A_1004 : i32 to index
        %get3A_1006 = arith.index_cast %add3A_993 : i32 to index
        %get3A_1007 = arith.constant 0 : index
        %get3A_1008 = tpu.vector_load %arg10[%get3A_1005, %get3A_1006, %get3A_1007] {strides = array<i32>} : memref<13x128x16xf32, #tpu.memory_space<vmem>>, vector<16xf32>,
        %add3A_1009 = arith.addf %get3A_998, %get3A_1008 : vector<16xf32>
        %get3A_1010 = arith.constant 1 : i32
        %get3A_1011 = arith.index_cast %get3A_1010 : i32 to index
        %get3A_1012 = arith.index_cast %add3A_993 : i32 to index
        %get3A_1013 = arith.constant 0 : index
        %get3A_1014 = tpu.vector_load %arg11[%get3A_1011, %get3A_1012, %get3A_1013] {strides = array<i32>} : memref<13x128x16xf32, #tpu.memory_space<vmem>>, vector<16xf32>,
        %add3A_1015 = arith.addf %get3A_1003, %get3A_1014 : vector<16xf32>
        %get3A_1016 = arith.constant 2 : i32
        %get3A_1017 = arith.index_cast %get3A_1016 : i32 to index
        %get3A_1018 = arith.index_cast %add3A_993 : i32 to index
        %get3A_1019 = arith.constant 0 : index
        %get3A_1020 = tpu.vector_load %arg10[%get3A_1017, %get3A_1018, %get3A_1019] {strides = array<i32>} : memref<13x128x16xf32, #tpu.memory_space<vmem>>, vector<16xf32>,
        %add3A_1021 = arith.addf %add3A_1009, %get3A_1020 : vector<16xf32>
        %get3A_1022 = arith.constant 2 : i32
        %get3A_1023 = arith.index_cast %get3A_1022 : i32 to index
        %get3A_1024 = arith.index_cast %add3A_993 : i32 to index
        %get3A_1025 = arith.constant 0 : index
        %get3A_1026 = tpu.vector_load %arg11[%get3A_1023, %get3A_1024, %get3A_1025] {strides = array<i32>} : memref<13x128x16xf32, #tpu.memory_space<vmem>>, vector<16xf32>,
        %add3A_1027 = arith.addf %add3A_1015, %get3A_1026 : vector<16xf32>
        %get3A_1028 = arith.constant 3 : i32
        %get3A_1029 = arith.index_cast %get3A_1028 : i32 to index
        %get3A_1030 = arith.index_cast %add3A_993 : i32 to index
        %get3A_1031 = arith.constant 0 : index
        %get3A_1032 = tpu.vector_load %arg10[%get3A_1029, %get3A_1030, %get3A_1031] {strides = array<i32>} : memref<13x128x16xf32, #tpu.memory_space<vmem>>, vector<16xf32>,
        %add3A_1033 = arith.addf %add3A_1021, %get3A_1032 : vector<16xf32>
        %get3A_1034 = arith.constant 3 : i32
        %get3A_1035 = arith.index_cast %get3A_1034 : i32 to index
        %get3A_1036 = arith.index_cast %add3A_993 : i32 to index
        %get3A_1037 = arith.constant 0 : index
        %get3A_1038 = tpu.vector_load %arg11[%get3A_1035, %get3A_1036, %get3A_1037] {strides = array<i32>} : memref<13x128x16xf32, #tpu.memory_space<vmem>>, vector<16xf32>,
        %add3A_1039 = arith.addf %add3A_1027, %get3A_1038 : vector<16xf32>
        %get3A_1040 = arith.constant 4 : i32
        %get3A_1041 = arith.index_cast %get3A_1040 : i32 to index
        %get3A_1042 = arith.index_cast %add3A_993 : i32 to index
        %get3A_1043 = arith.constant 0 : index
        %get3A_1044 = tpu.vector_load %arg10[%get3A_1041, %get3A_1042, %get3A_1043] {strides = array<i32>} : memref<13x128x16xf32, #tpu.memory_space<vmem>>, vector<16xf32>,
        %add3A_1045 = arith.addf %add3A_1033, %get3A_1044 : vector<16xf32>
        %get3A_1046 = arith.constant 4 : i32
        %get3A_1047 = arith.index_cast %get3A_1046 : i32 to index
        %get3A_1048 = arith.index_cast %add3A_993 : i32 to index
        %get3A_1049 = arith.constant 0 : index
        %get3A_1050 = tpu.vector_load %arg11[%get3A_1047, %get3A_1048, %get3A_1049] {strides = array<i32>} : memref<13x128x16xf32, #tpu.memory_space<vmem>>, vector<16xf32>,
        %add3A_1051 = arith.addf %add3A_1039, %get3A_1050 : vector<16xf32>
        %get3A_1052 = arith.constant 5 : i32
        %get3A_1053 = arith.index_cast %get3A_1052 : i32 to index
        %get3A_1054 = arith.index_cast %add3A_993 : i32 to index
        %get3A_1055 = arith.constant 0 : index
        %get3A_1056 = tpu.vector_load %arg10[%get3A_1053, %get3A_1054, %get3A_1055] {strides = array<i32>} : memref<13x128x16xf32, #tpu.memory_space<vmem>>, vector<16xf32>,
        %add3A_1057 = arith.addf %add3A_1045, %get3A_1056 : vector<16xf32>
        %get3A_1058 = arith.constant 5 : i32
        %get3A_1059 = arith.index_cast %get3A_1058 : i32 to index
        %get3A_1060 = arith.index_cast %add3A_993 : i32 to index
        %get3A_1061 = arith.constant 0 : index
        %get3A_1062 = tpu.vector_load %arg11[%get3A_1059, %get3A_1060, %get3A_1061] {strides = array<i32>} : memref<13x128x16xf32, #tpu.memory_space<vmem>>, vector<16xf32>,
        %add3A_1063 = arith.addf %add3A_1051, %get3A_1062 : vector<16xf32>
        %get3A_1064 = arith.constant 6 : i32
        %get3A_1065 = arith.index_cast %get3A_1064 : i32 to index
        %get3A_1066 = arith.index_cast %add3A_993 : i32 to index
        %get3A_1067 = arith.constant 0 : index
        %get3A_1068 = tpu.vector_load %arg10[%get3A_1065, %get3A_1066, %get3A_1067] {strides = array<i32>} : memref<13x128x16xf32, #tpu.memory_space<vmem>>, vector<16xf32>,
        %add3A_1069 = arith.addf %add3A_1057, %get3A_1068 : vector<16xf32>
        %get3A_1070 = arith.constant 6 : i32
        %get3A_1071 = arith.index_cast %get3A_1070 : i32 to index
        %get3A_1072 = arith.index_cast %add3A_993 : i32 to index
        %get3A_1073 = arith.constant 0 : index
        %get3A_1074 = tpu.vector_load %arg11[%get3A_1071, %get3A_1072, %get3A_1073] {strides = array<i32>} : memref<13x128x16xf32, #tpu.memory_space<vmem>>, vector<16xf32>,
        %add3A_1075 = arith.addf %add3A_1063, %get3A_1074 : vector<16xf32>
        %get3A_1076 = arith.constant 7 : i32
        %get3A_1077 = arith.index_cast %get3A_1076 : i32 to index
        %get3A_1078 = arith.index_cast %add3A_993 : i32 to index
        %get3A_1079 = arith.constant 0 : index
        %get3A_1080 = tpu.vector_load %arg10[%get3A_1077, %get3A_1078, %get3A_1079] {strides = array<i32>} : memref<13x128x16xf32, #tpu.memory_space<vmem>>, vector<16xf32>,
        %add3A_1081 = arith.addf %add3A_1069, %get3A_1080 : vector<16xf32>
        %get3A_1082 = arith.constant 7 : i32
        %get3A_1083 = arith.index_cast %get3A_1082 : i32 to index
        %get3A_1084 = arith.index_cast %add3A_993 : i32 to index
        %get3A_1085 = arith.constant 0 : index
        %get3A_1086 = tpu.vector_load %arg11[%get3A_1083, %get3A_1084, %get3A_1085] {strides = array<i32>} : memref<13x128x16xf32, #tpu.memory_space<vmem>>, vector<16xf32>,
        %add3A_1087 = arith.addf %add3A_1075, %get3A_1086 : vector<16xf32>
        %get3A_1088 = arith.constant 8 : i32
        %get3A_1089 = arith.index_cast %get3A_1088 : i32 to index
        %get3A_1090 = arith.index_cast %add3A_993 : i32 to index
        %get3A_1091 = arith.constant 0 : index
        %get3A_1092 = tpu.vector_load %arg10[%get3A_1089, %get3A_1090, %get3A_1091] {strides = array<i32>} : memref<13x128x16xf32, #tpu.memory_space<vmem>>, vector<16xf32>,
        %add3A_1093 = arith.addf %add3A_1081, %get3A_1092 : vector<16xf32>
        %get3A_1094 = arith.constant 8 : i32
        %get3A_1095 = arith.index_cast %get3A_1094 : i32 to index
        %get3A_1096 = arith.index_cast %add3A_993 : i32 to index
        %get3A_1097 = arith.constant 0 : index
        %get3A_1098 = tpu.vector_load %arg11[%get3A_1095, %get3A_1096, %get3A_1097] {strides = array<i32>} : memref<13x128x16xf32, #tpu.memory_space<vmem>>, vector<16xf32>,
        %add3A_1099 = arith.addf %add3A_1087, %get3A_1098 : vector<16xf32>
        %get3A_1100 = arith.constant 9 : i32
        %get3A_1101 = arith.index_cast %get3A_1100 : i32 to index
        %get3A_1102 = arith.index_cast %add3A_993 : i32 to index
        %get3A_1103 = arith.constant 0 : index
        %get3A_1104 = tpu.vector_load %arg10[%get3A_1101, %get3A_1102, %get3A_1103] {strides = array<i32>} : memref<13x128x16xf32, #tpu.memory_space<vmem>>, vector<16xf32>,
        %add3A_1105 = arith.addf %add3A_1093, %get3A_1104 : vector<16xf32>
        %get3A_1106 = arith.constant 9 : i32
        %get3A_1107 = arith.index_cast %get3A_1106 : i32 to index
        %get3A_1108 = arith.index_cast %add3A_993 : i32 to index
        %get3A_1109 = arith.constant 0 : index
        %get3A_1110 = tpu.vector_load %arg11[%get3A_1107, %get3A_1108, %get3A_1109] {strides = array<i32>} : memref<13x128x16xf32, #tpu.memory_space<vmem>>, vector<16xf32>,
        %add3A_1111 = arith.addf %add3A_1099, %get3A_1110 : vector<16xf32>
        %get3A_1112 = arith.constant 10 : i32
        %get3A_1113 = arith.index_cast %get3A_1112 : i32 to index
        %get3A_1114 = arith.index_cast %add3A_993 : i32 to index
        %get3A_1115 = arith.constant 0 : index
        %get3A_1116 = tpu.vector_load %arg10[%get3A_1113, %get3A_1114, %get3A_1115] {strides = array<i32>} : memref<13x128x16xf32, #tpu.memory_space<vmem>>, vector<16xf32>,
        %add3A_1117 = arith.addf %add3A_1105, %get3A_1116 : vector<16xf32>
        %get3A_1118 = arith.constant 10 : i32
        %get3A_1119 = arith.index_cast %get3A_1118 : i32 to index
        %get3A_1120 = arith.index_cast %add3A_993 : i32 to index
        %get3A_1121 = arith.constant 0 : index
        %get3A_1122 = tpu.vector_load %arg11[%get3A_1119, %get3A_1120, %get3A_1121] {strides = array<i32>} : memref<13x128x16xf32, #tpu.memory_space<vmem>>, vector<16xf32>,
        %add3A_1123 = arith.addf %add3A_1111, %get3A_1122 : vector<16xf32>
        %get3A_1124 = arith.constant 11 : i32
        %get3A_1125 = arith.index_cast %get3A_1124 : i32 to index
        %get3A_1126 = arith.index_cast %add3A_993 : i32 to index
        %get3A_1127 = arith.constant 0 : index
        %get3A_1128 = tpu.vector_load %arg10[%get3A_1125, %get3A_1126, %get3A_1127] {strides = array<i32>} : memref<13x128x16xf32, #tpu.memory_space<vmem>>, vector<16xf32>,
        %add3A_1129 = arith.addf %add3A_1117, %get3A_1128 : vector<16xf32>
        %get3A_1130 = arith.constant 11 : i32
        %get3A_1131 = arith.index_cast %get3A_1130 : i32 to index
        %get3A_1132 = arith.index_cast %add3A_993 : i32 to index
        %get3A_1133 = arith.constant 0 : index
        %get3A_1134 = tpu.vector_load %arg11[%get3A_1131, %get3A_1132, %get3A_1133] {strides = array<i32>} : memref<13x128x16xf32, #tpu.memory_space<vmem>>, vector<16xf32>,
        %add3A_1135 = arith.addf %add3A_1123, %get3A_1134 : vector<16xf32>
        %get3A_1136 = arith.constant 12 : i32
        %get3A_1137 = arith.index_cast %get3A_1136 : i32 to index
        %get3A_1138 = arith.index_cast %add3A_993 : i32 to index
        %get3A_1139 = arith.constant 0 : index
        %get3A_1140 = tpu.vector_load %arg10[%get3A_1137, %get3A_1138, %get3A_1139] {strides = array<i32>} : memref<13x128x16xf32, #tpu.memory_space<vmem>>, vector<16xf32>,
        %add3A_1141 = arith.addf %add3A_1129, %get3A_1140 : vector<16xf32>
        %get3A_1142 = arith.constant 12 : i32
        %get3A_1143 = arith.index_cast %get3A_1142 : i32 to index
        %get3A_1144 = arith.index_cast %add3A_993 : i32 to index
        %get3A_1145 = arith.constant 0 : index
        %get3A_1146 = tpu.vector_load %arg11[%get3A_1143, %get3A_1144, %get3A_1145] {strides = array<i32>} : memref<13x128x16xf32, #tpu.memory_space<vmem>>, vector<16xf32>,
        %add3A_1147 = arith.addf %add3A_1135, %get3A_1146 : vector<16xf32>
        %mul3A_1148 = arith.mulf %add3A_1141, %add3A_1147 : vector<16xf32>
        %reduce_sum3A_1149 = arith.constant true
        %reduce_sum3A_1150 = vector.broadcast %reduce_sum3A_1149 : i1 to vector<16xi1>
        %reduce_sum3A_1151 = tpu.scan <sum>, %mul3A_1148 masked %reduce_sum3A_1150 : vector<16xf32>, vector<16xi1> -> vector<16xf32>
        %reduce_sum3A_1152 = vector.extract %reduce_sum3A_1151[15] : f32 from vector<16xf32>
        %eq3A_1153 = arith.constant 2 : i32
        %eq3A_1154 = vector.broadcast %eq3A_1153 : i32 to vector<16xi32>
        %eq3A_1155 = arith.cmpi eq, %iota3A, %eq3A_1154 : vector<16xi32>
        %broadcast_in_dim3A_1156 = vector.broadcast %reduce_sum3A_1152 : f32 to vector<16xf32>
        %select_n3A_1157 = arith.select %eq3A_1155, %broadcast_in_dim3A_1156, %select_n3A_989 : vector<16xi1>, vector<16xf32>
        %mul3A_1158 = arith.constant 16 : i32
        %mul3A_1159 = arith.muli %scan3A_654, %mul3A_1158 : i32
        %add3A_1160 = arith.constant 3 : i32
        %add3A_1161 = arith.addi %mul3A_1159, %add3A_1160 : i32
        %get3A_1162 = arith.constant 0 : i32
        %get3A_1163 = arith.index_cast %get3A_1162 : i32 to index
        %get3A_1164 = arith.index_cast %add3A_1161 : i32 to index
        %get3A_1165 = arith.constant 0 : index
        %get3A_1166 = tpu.vector_load %arg10[%get3A_1163, %get3A_1164, %get3A_1165] {strides = array<i32>} : memref<13x128x16xf32, #tpu.memory_space<vmem>>, vector<16xf32>,
        %get3A_1167 = arith.constant 0 : i32
        %get3A_1168 = arith.index_cast %get3A_1167 : i32 to index
        %get3A_1169 = arith.index_cast %add3A_1161 : i32 to index
        %get3A_1170 = arith.constant 0 : index
        %get3A_1171 = tpu.vector_load %arg11[%get3A_1168, %get3A_1169, %get3A_1170] {strides = array<i32>} : memref<13x128x16xf32, #tpu.memory_space<vmem>>, vector<16xf32>,
        %get3A_1172 = arith.constant 1 : i32
        %get3A_1173 = arith.index_cast %get3A_1172 : i32 to index
        %get3A_1174 = arith.index_cast %add3A_1161 : i32 to index
        %get3A_1175 = arith.constant 0 : index
        %get3A_1176 = tpu.vector_load %arg10[%get3A_1173, %get3A_1174, %get3A_1175] {strides = array<i32>} : memref<13x128x16xf32, #tpu.memory_space<vmem>>, vector<16xf32>,
        %add3A_1177 = arith.addf %get3A_1166, %get3A_1176 : vector<16xf32>
        %get3A_1178 = arith.constant 1 : i32
        %get3A_1179 = arith.index_cast %get3A_1178 : i32 to index
        %get3A_1180 = arith.index_cast %add3A_1161 : i32 to index
        %get3A_1181 = arith.constant 0 : index
        %get3A_1182 = tpu.vector_load %arg11[%get3A_1179, %get3A_1180, %get3A_1181] {strides = array<i32>} : memref<13x128x16xf32, #tpu.memory_space<vmem>>, vector<16xf32>,
        %add3A_1183 = arith.addf %get3A_1171, %get3A_1182 : vector<16xf32>
        %get3A_1184 = arith.constant 2 : i32
        %get3A_1185 = arith.index_cast %get3A_1184 : i32 to index
        %get3A_1186 = arith.index_cast %add3A_1161 : i32 to index
        %get3A_1187 = arith.constant 0 : index
        %get3A_1188 = tpu.vector_load %arg10[%get3A_1185, %get3A_1186, %get3A_1187] {strides = array<i32>} : memref<13x128x16xf32, #tpu.memory_space<vmem>>, vector<16xf32>,
        %add3A_1189 = arith.addf %add3A_1177, %get3A_1188 : vector<16xf32>
        %get3A_1190 = arith.constant 2 : i32
        %get3A_1191 = arith.index_cast %get3A_1190 : i32 to index
        %get3A_1192 = arith.index_cast %add3A_1161 : i32 to index
        %get3A_1193 = arith.constant 0 : index
        %get3A_1194 = tpu.vector_load %arg11[%get3A_1191, %get3A_1192, %get3A_1193] {strides = array<i32>} : memref<13x128x16xf32, #tpu.memory_space<vmem>>, vector<16xf32>,
        %add3A_1195 = arith.addf %add3A_1183, %get3A_1194 : vector<16xf32>
        %get3A_1196 = arith.constant 3 : i32
        %get3A_1197 = arith.index_cast %get3A_1196 : i32 to index
        %get3A_1198 = arith.index_cast %add3A_1161 : i32 to index
        %get3A_1199 = arith.constant 0 : index
        %get3A_1200 = tpu.vector_load %arg10[%get3A_1197, %get3A_1198, %get3A_1199] {strides = array<i32>} : memref<13x128x16xf32, #tpu.memory_space<vmem>>, vector<16xf32>,
        %add3A_1201 = arith.addf %add3A_1189, %get3A_1200 : vector<16xf32>
        %get3A_1202 = arith.constant 3 : i32
        %get3A_1203 = arith.index_cast %get3A_1202 : i32 to index
        %get3A_1204 = arith.index_cast %add3A_1161 : i32 to index
        %get3A_1205 = arith.constant 0 : index
        %get3A_1206 = tpu.vector_load %arg11[%get3A_1203, %get3A_1204, %get3A_1205] {strides = array<i32>} : memref<13x128x16xf32, #tpu.memory_space<vmem>>, vector<16xf32>,
        %add3A_1207 = arith.addf %add3A_1195, %get3A_1206 : vector<16xf32>
        %get3A_1208 = arith.constant 4 : i32
        %get3A_1209 = arith.index_cast %get3A_1208 : i32 to index
        %get3A_1210 = arith.index_cast %add3A_1161 : i32 to index
        %get3A_1211 = arith.constant 0 : index
        %get3A_1212 = tpu.vector_load %arg10[%get3A_1209, %get3A_1210, %get3A_1211] {strides = array<i32>} : memref<13x128x16xf32, #tpu.memory_space<vmem>>, vector<16xf32>,
        %add3A_1213 = arith.addf %add3A_1201, %get3A_1212 : vector<16xf32>
        %get3A_1214 = arith.constant 4 : i32
        %get3A_1215 = arith.index_cast %get3A_1214 : i32 to index
        %get3A_1216 = arith.index_cast %add3A_1161 : i32 to index
        %get3A_1217 = arith.constant 0 : index
        %get3A_1218 = tpu.vector_load %arg11[%get3A_1215, %get3A_1216, %get3A_1217] {strides = array<i32>} : memref<13x128x16xf32, #tpu.memory_space<vmem>>, vector<16xf32>,
        %add3A_1219 = arith.addf %add3A_1207, %get3A_1218 : vector<16xf32>
        %get3A_1220 = arith.constant 5 : i32
        %get3A_1221 = arith.index_cast %get3A_1220 : i32 to index
        %get3A_1222 = arith.index_cast %add3A_1161 : i32 to index
        %get3A_1223 = arith.constant 0 : index
        %get3A_1224 = tpu.vector_load %arg10[%get3A_1221, %get3A_1222, %get3A_1223] {strides = array<i32>} : memref<13x128x16xf32, #tpu.memory_space<vmem>>, vector<16xf32>,
        %add3A_1225 = arith.addf %add3A_1213, %get3A_1224 : vector<16xf32>
        %get3A_1226 = arith.constant 5 : i32
        %get3A_1227 = arith.index_cast %get3A_1226 : i32 to index
        %get3A_1228 = arith.index_cast %add3A_1161 : i32 to index
        %get3A_1229 = arith.constant 0 : index
        %get3A_1230 = tpu.vector_load %arg11[%get3A_1227, %get3A_1228, %get3A_1229] {strides = array<i32>} : memref<13x128x16xf32, #tpu.memory_space<vmem>>, vector<16xf32>,
        %add3A_1231 = arith.addf %add3A_1219, %get3A_1230 : vector<16xf32>
        %get3A_1232 = arith.constant 6 : i32
        %get3A_1233 = arith.index_cast %get3A_1232 : i32 to index
        %get3A_1234 = arith.index_cast %add3A_1161 : i32 to index
        %get3A_1235 = arith.constant 0 : index
        %get3A_1236 = tpu.vector_load %arg10[%get3A_1233, %get3A_1234, %get3A_1235] {strides = array<i32>} : memref<13x128x16xf32, #tpu.memory_space<vmem>>, vector<16xf32>,
        %add3A_1237 = arith.addf %add3A_1225, %get3A_1236 : vector<16xf32>
        %get3A_1238 = arith.constant 6 : i32
        %get3A_1239 = arith.index_cast %get3A_1238 : i32 to index
        %get3A_1240 = arith.index_cast %add3A_1161 : i32 to index
        %get3A_1241 = arith.constant 0 : index
        %get3A_1242 = tpu.vector_load %arg11[%get3A_1239, %get3A_1240, %get3A_1241] {strides = array<i32>} : memref<13x128x16xf32, #tpu.memory_space<vmem>>, vector<16xf32>,
        %add3A_1243 = arith.addf %add3A_1231, %get3A_1242 : vector<16xf32>
        %get3A_1244 = arith.constant 7 : i32
        %get3A_1245 = arith.index_cast %get3A_1244 : i32 to index
        %get3A_1246 = arith.index_cast %add3A_1161 : i32 to index
        %get3A_1247 = arith.constant 0 : index
        %get3A_1248 = tpu.vector_load %arg10[%get3A_1245, %get3A_1246, %get3A_1247] {strides = array<i32>} : memref<13x128x16xf32, #tpu.memory_space<vmem>>, vector<16xf32>,
        %add3A_1249 = arith.addf %add3A_1237, %get3A_1248 : vector<16xf32>
        %get3A_1250 = arith.constant 7 : i32
        %get3A_1251 = arith.index_cast %get3A_1250 : i32 to index
        %get3A_1252 = arith.index_cast %add3A_1161 : i32 to index
        %get3A_1253 = arith.constant 0 : index
        %get3A_1254 = tpu.vector_load %arg11[%get3A_1251, %get3A_1252, %get3A_1253] {strides = array<i32>} : memref<13x128x16xf32, #tpu.memory_space<vmem>>, vector<16xf32>,
        %add3A_1255 = arith.addf %add3A_1243, %get3A_1254 : vector<16xf32>
        %get3A_1256 = arith.constant 8 : i32
        %get3A_1257 = arith.index_cast %get3A_1256 : i32 to index
        %get3A_1258 = arith.index_cast %add3A_1161 : i32 to index
        %get3A_1259 = arith.constant 0 : index
        %get3A_1260 = tpu.vector_load %arg10[%get3A_1257, %get3A_1258, %get3A_1259] {strides = array<i32>} : memref<13x128x16xf32, #tpu.memory_space<vmem>>, vector<16xf32>,
        %add3A_1261 = arith.addf %add3A_1249, %get3A_1260 : vector<16xf32>
        %get3A_1262 = arith.constant 8 : i32
        %get3A_1263 = arith.index_cast %get3A_1262 : i32 to index
        %get3A_1264 = arith.index_cast %add3A_1161 : i32 to index
        %get3A_1265 = arith.constant 0 : index
        %get3A_1266 = tpu.vector_load %arg11[%get3A_1263, %get3A_1264, %get3A_1265] {strides = array<i32>} : memref<13x128x16xf32, #tpu.memory_space<vmem>>, vector<16xf32>,
        %add3A_1267 = arith.addf %add3A_1255, %get3A_1266 : vector<16xf32>
        %get3A_1268 = arith.constant 9 : i32
        %get3A_1269 = arith.index_cast %get3A_1268 : i32 to index
        %get3A_1270 = arith.index_cast %add3A_1161 : i32 to index
        %get3A_1271 = arith.constant 0 : index
        %get3A_1272 = tpu.vector_load %arg10[%get3A_1269, %get3A_1270, %get3A_1271] {strides = array<i32>} : memref<13x128x16xf32, #tpu.memory_space<vmem>>, vector<16xf32>,
        %add3A_1273 = arith.addf %add3A_1261, %get3A_1272 : vector<16xf32>
        %get3A_1274 = arith.constant 9 : i32
        %get3A_1275 = arith.index_cast %get3A_1274 : i32 to index
        %get3A_1276 = arith.index_cast %add3A_1161 : i32 to index
        %get3A_1277 = arith.constant 0 : index
        %get3A_1278 = tpu.vector_load %arg11[%get3A_1275, %get3A_1276, %get3A_1277] {strides = array<i32>} : memref<13x128x16xf32, #tpu.memory_space<vmem>>, vector<16xf32>,
        %add3A_1279 = arith.addf %add3A_1267, %get3A_1278 : vector<16xf32>
        %get3A_1280 = arith.constant 10 : i32
        %get3A_1281 = arith.index_cast %get3A_1280 : i32 to index
        %get3A_1282 = arith.index_cast %add3A_1161 : i32 to index
        %get3A_1283 = arith.constant 0 : index
        %get3A_1284 = tpu.vector_load %arg10[%get3A_1281, %get3A_1282, %get3A_1283] {strides = array<i32>} : memref<13x128x16xf32, #tpu.memory_space<vmem>>, vector<16xf32>,
        %add3A_1285 = arith.addf %add3A_1273, %get3A_1284 : vector<16xf32>
        %get3A_1286 = arith.constant 10 : i32
        %get3A_1287 = arith.index_cast %get3A_1286 : i32 to index
        %get3A_1288 = arith.index_cast %add3A_1161 : i32 to index
        %get3A_1289 = arith.constant 0 : index
        %get3A_1290 = tpu.vector_load %arg11[%get3A_1287, %get3A_1288, %get3A_1289] {strides = array<i32>} : memref<13x128x16xf32, #tpu.memory_space<vmem>>, vector<16xf32>,
        %add3A_1291 = arith.addf %add3A_1279, %get3A_1290 : vector<16xf32>
        %get3A_1292 = arith.constant 11 : i32
        %get3A_1293 = arith.index_cast %get3A_1292 : i32 to index
        %get3A_1294 = arith.index_cast %add3A_1161 : i32 to index
        %get3A_1295 = arith.constant 0 : index
        %get3A_1296 = tpu.vector_load %arg10[%get3A_1293, %get3A_1294, %get3A_1295] {strides = array<i32>} : memref<13x128x16xf32, #tpu.memory_space<vmem>>, vector<16xf32>,
        %add3A_1297 = arith.addf %add3A_1285, %get3A_1296 : vector<16xf32>
        %get3A_1298 = arith.constant 11 : i32
        %get3A_1299 = arith.index_cast %get3A_1298 : i32 to index
        %get3A_1300 = arith.index_cast %add3A_1161 : i32 to index
        %get3A_1301 = arith.constant 0 : index
        %get3A_1302 = tpu.vector_load %arg11[%get3A_1299, %get3A_1300, %get3A_1301] {strides = array<i32>} : memref<13x128x16xf32, #tpu.memory_space<vmem>>, vector<16xf32>,
        %add3A_1303 = arith.addf %add3A_1291, %get3A_1302 : vector<16xf32>
        %get3A_1304 = arith.constant 12 : i32
        %get3A_1305 = arith.index_cast %get3A_1304 : i32 to index
        %get3A_1306 = arith.index_cast %add3A_1161 : i32 to index
        %get3A_1307 = arith.constant 0 : index
        %get3A_1308 = tpu.vector_load %arg10[%get3A_1305, %get3A_1306, %get3A_1307] {strides = array<i32>} : memref<13x128x16xf32, #tpu.memory_space<vmem>>, vector<16xf32>,
        %add3A_1309 = arith.addf %add3A_1297, %get3A_1308 : vector<16xf32>
        %get3A_1310 = arith.constant 12 : i32
        %get3A_1311 = arith.index_cast %get3A_1310 : i32 to index
        %get3A_1312 = arith.index_cast %add3A_1161 : i32 to index
        %get3A_1313 = arith.constant 0 : index
        %get3A_1314 = tpu.vector_load %arg11[%get3A_1311, %get3A_1312, %get3A_1313] {strides = array<i32>} : memref<13x128x16xf32, #tpu.memory_space<vmem>>, vector<16xf32>,
        %add3A_1315 = arith.addf %add3A_1303, %get3A_1314 : vector<16xf32>
        %mul3A_1316 = arith.mulf %add3A_1309, %add3A_1315 : vector<16xf32>
        %reduce_sum3A_1317 = arith.constant true
        %reduce_sum3A_1318 = vector.broadcast %reduce_sum3A_1317 : i1 to vector<16xi1>
        %reduce_sum3A_1319 = tpu.scan <sum>, %mul3A_1316 masked %reduce_sum3A_1318 : vector<16xf32>, vector<16xi1> -> vector<16xf32>
        %reduce_sum3A_1320 = vector.extract %reduce_sum3A_1319[15] : f32 from vector<16xf32>
        %eq3A_1321 = arith.constant 3 : i32
        %eq3A_1322 = vector.broadcast %eq3A_1321 : i32 to vector<16xi32>
        %eq3A_1323 = arith.cmpi eq, %iota3A, %eq3A_1322 : vector<16xi32>
        %broadcast_in_dim3A_1324 = vector.broadcast %reduce_sum3A_1320 : f32 to vector<16xf32>
        %select_n3A_1325 = arith.select %eq3A_1323, %broadcast_in_dim3A_1324, %select_n3A_1157 : vector<16xi1>, vector<16xf32>
        %mul3A_1326 = arith.constant 16 : i32
        %mul3A_1327 = arith.muli %scan3A_654, %mul3A_1326 : i32
        %add3A_1328 = arith.constant 4 : i32
        %add3A_1329 = arith.addi %mul3A_1327, %add3A_1328 : i32
        %get3A_1330 = arith.constant 0 : i32
        %get3A_1331 = arith.index_cast %get3A_1330 : i32 to index
        %get3A_1332 = arith.index_cast %add3A_1329 : i32 to index
        %get3A_1333 = arith.constant 0 : index
        %get3A_1334 = tpu.vector_load %arg10[%get3A_1331, %get3A_1332, %get3A_1333] {strides = array<i32>} : memref<13x128x16xf32, #tpu.memory_space<vmem>>, vector<16xf32>,
        %get3A_1335 = arith.constant 0 : i32
        %get3A_1336 = arith.index_cast %get3A_1335 : i32 to index
        %get3A_1337 = arith.index_cast %add3A_1329 : i32 to index
        %get3A_1338 = arith.constant 0 : index
        %get3A_1339 = tpu.vector_load %arg11[%get3A_1336, %get3A_1337, %get3A_1338] {strides = array<i32>} : memref<13x128x16xf32, #tpu.memory_space<vmem>>, vector<16xf32>,
        %get3A_1340 = arith.constant 1 : i32
        %get3A_1341 = arith.index_cast %get3A_1340 : i32 to index
        %get3A_1342 = arith.index_cast %add3A_1329 : i32 to index
        %get3A_1343 = arith.constant 0 : index
        %get3A_1344 = tpu.vector_load %arg10[%get3A_1341, %get3A_1342, %get3A_1343] {strides = array<i32>} : memref<13x128x16xf32, #tpu.memory_space<vmem>>, vector<16xf32>,
        %add3A_1345 = arith.addf %get3A_1334, %get3A_1344 : vector<16xf32>
        %get3A_1346 = arith.constant 1 : i32
        %get3A_1347 = arith.index_cast %get3A_1346 : i32 to index
        %get3A_1348 = arith.index_cast %add3A_1329 : i32 to index
        %get3A_1349 = arith.constant 0 : index
        %get3A_1350 = tpu.vector_load %arg11[%get3A_1347, %get3A_1348, %get3A_1349] {strides = array<i32>} : memref<13x128x16xf32, #tpu.memory_space<vmem>>, vector<16xf32>,
        %add3A_1351 = arith.addf %get3A_1339, %get3A_1350 : vector<16xf32>
        %get3A_1352 = arith.constant 2 : i32
        %get3A_1353 = arith.index_cast %get3A_1352 : i32 to index
        %get3A_1354 = arith.index_cast %add3A_1329 : i32 to index
        %get3A_1355 = arith.constant 0 : index
        %get3A_1356 = tpu.vector_load %arg10[%get3A_1353, %get3A_1354, %get3A_1355] {strides = array<i32>} : memref<13x128x16xf32, #tpu.memory_space<vmem>>, vector<16xf32>,
        %add3A_1357 = arith.addf %add3A_1345, %get3A_1356 : vector<16xf32>
        %get3A_1358 = arith.constant 2 : i32
        %get3A_1359 = arith.index_cast %get3A_1358 : i32 to index
        %get3A_1360 = arith.index_cast %add3A_1329 : i32 to index
        %get3A_1361 = arith.constant 0 : index
        %get3A_1362 = tpu.vector_load %arg11[%get3A_1359, %get3A_1360, %get3A_1361] {strides = array<i32>} : memref<13x128x16xf32, #tpu.memory_space<vmem>>, vector<16xf32>,
        %add3A_1363 = arith.addf %add3A_1351, %get3A_1362 : vector<16xf32>
        %get3A_1364 = arith.constant 3 : i32
        %get3A_1365 = arith.index_cast %get3A_1364 : i32 to index
        %get3A_1366 = arith.index_cast %add3A_1329 : i32 to index
        %get3A_1367 = arith.constant 0 : index
        %get3A_1368 = tpu.vector_load %arg10[%get3A_1365, %get3A_1366, %get3A_1367] {strides = array<i32>} : memref<13x128x16xf32, #tpu.memory_space<vmem>>, vector<16xf32>,
        %add3A_1369 = arith.addf %add3A_1357, %get3A_1368 : vector<16xf32>
        %get3A_1370 = arith.constant 3 : i32
        %get3A_1371 = arith.index_cast %get3A_1370 : i32 to index
        %get3A_1372 = arith.index_cast %add3A_1329 : i32 to index
        %get3A_1373 = arith.constant 0 : index
        %get3A_1374 = tpu.vector_load %arg11[%get3A_1371, %get3A_1372, %get3A_1373] {strides = array<i32>} : memref<13x128x16xf32, #tpu.memory_space<vmem>>, vector<16xf32>,
        %add3A_1375 = arith.addf %add3A_1363, %get3A_1374 : vector<16xf32>
        %get3A_1376 = arith.constant 4 : i32
        %get3A_1377 = arith.index_cast %get3A_1376 : i32 to index
        %get3A_1378 = arith.index_cast %add3A_1329 : i32 to index
        %get3A_1379 = arith.constant 0 : index
        %get3A_1380 = tpu.vector_load %arg10[%get3A_1377, %get3A_1378, %get3A_1379] {strides = array<i32>} : memref<13x128x16xf32, #tpu.memory_space<vmem>>, vector<16xf32>,
        %add3A_1381 = arith.addf %add3A_1369, %get3A_1380 : vector<16xf32>
        %get3A_1382 = arith.constant 4 : i32
        %get3A_1383 = arith.index_cast %get3A_1382 : i32 to index
        %get3A_1384 = arith.index_cast %add3A_1329 : i32 to index
        %get3A_1385 = arith.constant 0 : index
        %get3A_1386 = tpu.vector_load %arg11[%get3A_1383, %get3A_1384, %get3A_1385] {strides = array<i32>} : memref<13x128x16xf32, #tpu.memory_space<vmem>>, vector<16xf32>,
        %add3A_1387 = arith.addf %add3A_1375, %get3A_1386 : vector<16xf32>
        %get3A_1388 = arith.constant 5 : i32
        %get3A_1389 = arith.index_cast %get3A_1388 : i32 to index
        %get3A_1390 = arith.index_cast %add3A_1329 : i32 to index
        %get3A_1391 = arith.constant 0 : index
        %get3A_1392 = tpu.vector_load %arg10[%get3A_1389, %get3A_1390, %get3A_1391] {strides = array<i32>} : memref<13x128x16xf32, #tpu.memory_space<vmem>>, vector<16xf32>,
        %add3A_1393 = arith.addf %add3A_1381, %get3A_1392 : vector<16xf32>
        %get3A_1394 = arith.constant 5 : i32
        %get3A_1395 = arith.index_cast %get3A_1394 : i32 to index
        %get3A_1396 = arith.index_cast %add3A_1329 : i32 to index
        %get3A_1397 = arith.constant 0 : index
        %get3A_1398 = tpu.vector_load %arg11[%get3A_1395, %get3A_1396, %get3A_1397] {strides = array<i32>} : memref<13x128x16xf32, #tpu.memory_space<vmem>>, vector<16xf32>,
        %add3A_1399 = arith.addf %add3A_1387, %get3A_1398 : vector<16xf32>
        %get3A_1400 = arith.constant 6 : i32
        %get3A_1401 = arith.index_cast %get3A_1400 : i32 to index
        %get3A_1402 = arith.index_cast %add3A_1329 : i32 to index
        %get3A_1403 = arith.constant 0 : index
        %get3A_1404 = tpu.vector_load %arg10[%get3A_1401, %get3A_1402, %get3A_1403] {strides = array<i32>} : memref<13x128x16xf32, #tpu.memory_space<vmem>>, vector<16xf32>,
        %add3A_1405 = arith.addf %add3A_1393, %get3A_1404 : vector<16xf32>
        %get3A_1406 = arith.constant 6 : i32
        %get3A_1407 = arith.index_cast %get3A_1406 : i32 to index
        %get3A_1408 = arith.index_cast %add3A_1329 : i32 to index
        %get3A_1409 = arith.constant 0 : index
        %get3A_1410 = tpu.vector_load %arg11[%get3A_1407, %get3A_1408, %get3A_1409] {strides = array<i32>} : memref<13x128x16xf32, #tpu.memory_space<vmem>>, vector<16xf32>,
        %add3A_1411 = arith.addf %add3A_1399, %get3A_1410 : vector<16xf32>
        %get3A_1412 = arith.constant 7 : i32
        %get3A_1413 = arith.index_cast %get3A_1412 : i32 to index
        %get3A_1414 = arith.index_cast %add3A_1329 : i32 to index
        %get3A_1415 = arith.constant 0 : index
        %get3A_1416 = tpu.vector_load %arg10[%get3A_1413, %get3A_1414, %get3A_1415] {strides = array<i32>} : memref<13x128x16xf32, #tpu.memory_space<vmem>>, vector<16xf32>,
        %add3A_1417 = arith.addf %add3A_1405, %get3A_1416 : vector<16xf32>
        %get3A_1418 = arith.constant 7 : i32
        %get3A_1419 = arith.index_cast %get3A_1418 : i32 to index
        %get3A_1420 = arith.index_cast %add3A_1329 : i32 to index
        %get3A_1421 = arith.constant 0 : index
        %get3A_1422 = tpu.vector_load %arg11[%get3A_1419, %get3A_1420, %get3A_1421] {strides = array<i32>} : memref<13x128x16xf32, #tpu.memory_space<vmem>>, vector<16xf32>,
        %add3A_1423 = arith.addf %add3A_1411, %get3A_1422 : vector<16xf32>
        %get3A_1424 = arith.constant 8 : i32
        %get3A_1425 = arith.index_cast %get3A_1424 : i32 to index
        %get3A_1426 = arith.index_cast %add3A_1329 : i32 to index
        %get3A_1427 = arith.constant 0 : index
        %get3A_1428 = tpu.vector_load %arg10[%get3A_1425, %get3A_1426, %get3A_1427] {strides = array<i32>} : memref<13x128x16xf32, #tpu.memory_space<vmem>>, vector<16xf32>,
        %add3A_1429 = arith.addf %add3A_1417, %get3A_1428 : vector<16xf32>
        %get3A_1430 = arith.constant 8 : i32
        %get3A_1431 = arith.index_cast %get3A_1430 : i32 to index
        %get3A_1432 = arith.index_cast %add3A_1329 : i32 to index
        %get3A_1433 = arith.constant 0 : index
        %get3A_1434 = tpu.vector_load %arg11[%get3A_1431, %get3A_1432, %get3A_1433] {strides = array<i32>} : memref<13x128x16xf32, #tpu.memory_space<vmem>>, vector<16xf32>,
        %add3A_1435 = arith.addf %add3A_1423, %get3A_1434 : vector<16xf32>
        %get3A_1436 = arith.constant 9 : i32
        %get3A_1437 = arith.index_cast %get3A_1436 : i32 to index
        %get3A_1438 = arith.index_cast %add3A_1329 : i32 to index
        %get3A_1439 = arith.constant 0 : index
        %get3A_1440 = tpu.vector_load %arg10[%get3A_1437, %get3A_1438, %get3A_1439] {strides = array<i32>} : memref<13x128x16xf32, #tpu.memory_space<vmem>>, vector<16xf32>,
        %add3A_1441 = arith.addf %add3A_1429, %get3A_1440 : vector<16xf32>
        %get3A_1442 = arith.constant 9 : i32
        %get3A_1443 = arith.index_cast %get3A_1442 : i32 to index
        %get3A_1444 = arith.index_cast %add3A_1329 : i32 to index
        %get3A_1445 = arith.constant 0 : index
        %get3A_1446 = tpu.vector_load %arg11[%get3A_1443, %get3A_1444, %get3A_1445] {strides = array<i32>} : memref<13x128x16xf32, #tpu.memory_space<vmem>>, vector<16xf32>,
        %add3A_1447 = arith.addf %add3A_1435, %get3A_1446 : vector<16xf32>
        %get3A_1448 = arith.constant 10 : i32
        %get3A_1449 = arith.index_cast %get3A_1448 : i32 to index
        %get3A_1450 = arith.index_cast %add3A_1329 : i32 to index
        %get3A_1451 = arith.constant 0 : index
        %get3A_1452 = tpu.vector_load %arg10[%get3A_1449, %get3A_1450, %get3A_1451] {strides = array<i32>} : memref<13x128x16xf32, #tpu.memory_space<vmem>>, vector<16xf32>,
        %add3A_1453 = arith.addf %add3A_1441, %get3A_1452 : vector<16xf32>
        %get3A_1454 = arith.constant 10 : i32
        %get3A_1455 = arith.index_cast %get3A_1454 : i32 to index
        %get3A_1456 = arith.index_cast %add3A_1329 : i32 to index
        %get3A_1457 = arith.constant 0 : index
        %get3A_1458 = tpu.vector_load %arg11[%get3A_1455, %get3A_1456, %get3A_1457] {strides = array<i32>} : memref<13x128x16xf32, #tpu.memory_space<vmem>>, vector<16xf32>,
        %add3A_1459 = arith.addf %add3A_1447, %get3A_1458 : vector<16xf32>
        %get3A_1460 = arith.constant 11 : i32
        %get3A_1461 = arith.index_cast %get3A_1460 : i32 to index
        %get3A_1462 = arith.index_cast %add3A_1329 : i32 to index
        %get3A_1463 = arith.constant 0 : index
        %get3A_1464 = tpu.vector_load %arg10[%get3A_1461, %get3A_1462, %get3A_1463] {strides = array<i32>} : memref<13x128x16xf32, #tpu.memory_space<vmem>>, vector<16xf32>,
        %add3A_1465 = arith.addf %add3A_1453, %get3A_1464 : vector<16xf32>
        %get3A_1466 = arith.constant 11 : i32
        %get3A_1467 = arith.index_cast %get3A_1466 : i32 to index
        %get3A_1468 = arith.index_cast %add3A_1329 : i32 to index
        %get3A_1469 = arith.constant 0 : index
        %get3A_1470 = tpu.vector_load %arg11[%get3A_1467, %get3A_1468, %get3A_1469] {strides = array<i32>} : memref<13x128x16xf32, #tpu.memory_space<vmem>>, vector<16xf32>,
        %add3A_1471 = arith.addf %add3A_1459, %get3A_1470 : vector<16xf32>
        %get3A_1472 = arith.constant 12 : i32
        %get3A_1473 = arith.index_cast %get3A_1472 : i32 to index
        %get3A_1474 = arith.index_cast %add3A_1329 : i32 to index
        %get3A_1475 = arith.constant 0 : index
        %get3A_1476 = tpu.vector_load %arg10[%get3A_1473, %get3A_1474, %get3A_1475] {strides = array<i32>} : memref<13x128x16xf32, #tpu.memory_space<vmem>>, vector<16xf32>,
        %add3A_1477 = arith.addf %add3A_1465, %get3A_1476 : vector<16xf32>
        %get3A_1478 = arith.constant 12 : i32
        %get3A_1479 = arith.index_cast %get3A_1478 : i32 to index
        %get3A_1480 = arith.index_cast %add3A_1329 : i32 to index
        %get3A_1481 = arith.constant 0 : index
        %get3A_1482 = tpu.vector_load %arg11[%get3A_1479, %get3A_1480, %get3A_1481] {strides = array<i32>} : memref<13x128x16xf32, #tpu.memory_space<vmem>>, vector<16xf32>,
        %add3A_1483 = arith.addf %add3A_1471, %get3A_1482 : vector<16xf32>
        %mul3A_1484 = arith.mulf %add3A_1477, %add3A_1483 : vector<16xf32>
        %reduce_sum3A_1485 = arith.constant true
        %reduce_sum3A_1486 = vector.broadcast %reduce_sum3A_1485 : i1 to vector<16xi1>
        %reduce_sum3A_1487 = tpu.scan <sum>, %mul3A_1484 masked %reduce_sum3A_1486 : vector<16xf32>, vector<16xi1> -> vector<16xf32>
        %reduce_sum3A_1488 = vector.extract %reduce_sum3A_1487[15] : f32 from vector<16xf32>
        %eq3A_1489 = arith.constant 4 : i32
        %eq3A_1490 = vector.broadcast %eq3A_1489 : i32 to vector<16xi32>
        %eq3A_1491 = arith.cmpi eq, %iota3A, %eq3A_1490 : vector<16xi32>
        %broadcast_in_dim3A_1492 = vector.broadcast %reduce_sum3A_1488 : f32 to vector<16xf32>
        %select_n3A_1493 = arith.select %eq3A_1491, %broadcast_in_dim3A_1492, %select_n3A_1325 : vector<16xi1>, vector<16xf32>
        %mul3A_1494 = arith.constant 16 : i32
        %mul3A_1495 = arith.muli %scan3A_654, %mul3A_1494 : i32
        %add3A_1496 = arith.constant 5 : i32
        %add3A_1497 = arith.addi %mul3A_1495, %add3A_1496 : i32
        %get3A_1498 = arith.constant 0 : i32
        %get3A_1499 = arith.index_cast %get3A_1498 : i32 to index
        %get3A_1500 = arith.index_cast %add3A_1497 : i32 to index
        %get3A_1501 = arith.constant 0 : index
        %get3A_1502 = tpu.vector_load %arg10[%get3A_1499, %get3A_1500, %get3A_1501] {strides = array<i32>} : memref<13x128x16xf32, #tpu.memory_space<vmem>>, vector<16xf32>,
        %get3A_1503 = arith.constant 0 : i32
        %get3A_1504 = arith.index_cast %get3A_1503 : i32 to index
        %get3A_1505 = arith.index_cast %add3A_1497 : i32 to index
        %get3A_1506 = arith.constant 0 : index
        %get3A_1507 = tpu.vector_load %arg11[%get3A_1504, %get3A_1505, %get3A_1506] {strides = array<i32>} : memref<13x128x16xf32, #tpu.memory_space<vmem>>, vector<16xf32>,
        %get3A_1508 = arith.constant 1 : i32
        %get3A_1509 = arith.index_cast %get3A_1508 : i32 to index
        %get3A_1510 = arith.index_cast %add3A_1497 : i32 to index
        %get3A_1511 = arith.constant 0 : index
        %get3A_1512 = tpu.vector_load %arg10[%get3A_1509, %get3A_1510, %get3A_1511] {strides = array<i32>} : memref<13x128x16xf32, #tpu.memory_space<vmem>>, vector<16xf32>,
        %add3A_1513 = arith.addf %get3A_1502, %get3A_1512 : vector<16xf32>
        %get3A_1514 = arith.constant 1 : i32
        %get3A_1515 = arith.index_cast %get3A_1514 : i32 to index
        %get3A_1516 = arith.index_cast %add3A_1497 : i32 to index
        %get3A_1517 = arith.constant 0 : index
        %get3A_1518 = tpu.vector_load %arg11[%get3A_1515, %get3A_1516, %get3A_1517] {strides = array<i32>} : memref<13x128x16xf32, #tpu.memory_space<vmem>>, vector<16xf32>,
        %add3A_1519 = arith.addf %get3A_1507, %get3A_1518 : vector<16xf32>
        %get3A_1520 = arith.constant 2 : i32
        %get3A_1521 = arith.index_cast %get3A_1520 : i32 to index
        %get3A_1522 = arith.index_cast %add3A_1497 : i32 to index
        %get3A_1523 = arith.constant 0 : index
        %get3A_1524 = tpu.vector_load %arg10[%get3A_1521, %get3A_1522, %get3A_1523] {strides = array<i32>} : memref<13x128x16xf32, #tpu.memory_space<vmem>>, vector<16xf32>,
        %add3A_1525 = arith.addf %add3A_1513, %get3A_1524 : vector<16xf32>
        %get3A_1526 = arith.constant 2 : i32
        %get3A_1527 = arith.index_cast %get3A_1526 : i32 to index
        %get3A_1528 = arith.index_cast %add3A_1497 : i32 to index
        %get3A_1529 = arith.constant 0 : index
        %get3A_1530 = tpu.vector_load %arg11[%get3A_1527, %get3A_1528, %get3A_1529] {strides = array<i32>} : memref<13x128x16xf32, #tpu.memory_space<vmem>>, vector<16xf32>,
        %add3A_1531 = arith.addf %add3A_1519, %get3A_1530 : vector<16xf32>
        %get3A_1532 = arith.constant 3 : i32
        %get3A_1533 = arith.index_cast %get3A_1532 : i32 to index
        %get3A_1534 = arith.index_cast %add3A_1497 : i32 to index
        %get3A_1535 = arith.constant 0 : index
        %get3A_1536 = tpu.vector_load %arg10[%get3A_1533, %get3A_1534, %get3A_1535] {strides = array<i32>} : memref<13x128x16xf32, #tpu.memory_space<vmem>>, vector<16xf32>,
        %add3A_1537 = arith.addf %add3A_1525, %get3A_1536 : vector<16xf32>
        %get3A_1538 = arith.constant 3 : i32
        %get3A_1539 = arith.index_cast %get3A_1538 : i32 to index
        %get3A_1540 = arith.index_cast %add3A_1497 : i32 to index
        %get3A_1541 = arith.constant 0 : index
        %get3A_1542 = tpu.vector_load %arg11[%get3A_1539, %get3A_1540, %get3A_1541] {strides = array<i32>} : memref<13x128x16xf32, #tpu.memory_space<vmem>>, vector<16xf32>,
        %add3A_1543 = arith.addf %add3A_1531, %get3A_1542 : vector<16xf32>
        %get3A_1544 = arith.constant 4 : i32
        %get3A_1545 = arith.index_cast %get3A_1544 : i32 to index
        %get3A_1546 = arith.index_cast %add3A_1497 : i32 to index
        %get3A_1547 = arith.constant 0 : index
        %get3A_1548 = tpu.vector_load %arg10[%get3A_1545, %get3A_1546, %get3A_1547] {strides = array<i32>} : memref<13x128x16xf32, #tpu.memory_space<vmem>>, vector<16xf32>,
        %add3A_1549 = arith.addf %add3A_1537, %get3A_1548 : vector<16xf32>
        %get3A_1550 = arith.constant 4 : i32
        %get3A_1551 = arith.index_cast %get3A_1550 : i32 to index
        %get3A_1552 = arith.index_cast %add3A_1497 : i32 to index
        %get3A_1553 = arith.constant 0 : index
        %get3A_1554 = tpu.vector_load %arg11[%get3A_1551, %get3A_1552, %get3A_1553] {strides = array<i32>} : memref<13x128x16xf32, #tpu.memory_space<vmem>>, vector<16xf32>,
        %add3A_1555 = arith.addf %add3A_1543, %get3A_1554 : vector<16xf32>
        %get3A_1556 = arith.constant 5 : i32
        %get3A_1557 = arith.index_cast %get3A_1556 : i32 to index
        %get3A_1558 = arith.index_cast %add3A_1497 : i32 to index
        %get3A_1559 = arith.constant 0 : index
        %get3A_1560 = tpu.vector_load %arg10[%get3A_1557, %get3A_1558, %get3A_1559] {strides = array<i32>} : memref<13x128x16xf32, #tpu.memory_space<vmem>>, vector<16xf32>,
        %add3A_1561 = arith.addf %add3A_1549, %get3A_1560 : vector<16xf32>
        %get3A_1562 = arith.constant 5 : i32
        %get3A_1563 = arith.index_cast %get3A_1562 : i32 to index
        %get3A_1564 = arith.index_cast %add3A_1497 : i32 to index
        %get3A_1565 = arith.constant 0 : index
        %get3A_1566 = tpu.vector_load %arg11[%get3A_1563, %get3A_1564, %get3A_1565] {strides = array<i32>} : memref<13x128x16xf32, #tpu.memory_space<vmem>>, vector<16xf32>,
        %add3A_1567 = arith.addf %add3A_1555, %get3A_1566 : vector<16xf32>
        %get3A_1568 = arith.constant 6 : i32
        %get3A_1569 = arith.index_cast %get3A_1568 : i32 to index
        %get3A_1570 = arith.index_cast %add3A_1497 : i32 to index
        %get3A_1571 = arith.constant 0 : index
        %get3A_1572 = tpu.vector_load %arg10[%get3A_1569, %get3A_1570, %get3A_1571] {strides = array<i32>} : memref<13x128x16xf32, #tpu.memory_space<vmem>>, vector<16xf32>,
        %add3A_1573 = arith.addf %add3A_1561, %get3A_1572 : vector<16xf32>
        %get3A_1574 = arith.constant 6 : i32
        %get3A_1575 = arith.index_cast %get3A_1574 : i32 to index
        %get3A_1576 = arith.index_cast %add3A_1497 : i32 to index
        %get3A_1577 = arith.constant 0 : index
        %get3A_1578 = tpu.vector_load %arg11[%get3A_1575, %get3A_1576, %get3A_1577] {strides = array<i32>} : memref<13x128x16xf32, #tpu.memory_space<vmem>>, vector<16xf32>,
        %add3A_1579 = arith.addf %add3A_1567, %get3A_1578 : vector<16xf32>
        %get3A_1580 = arith.constant 7 : i32
        %get3A_1581 = arith.index_cast %get3A_1580 : i32 to index
        %get3A_1582 = arith.index_cast %add3A_1497 : i32 to index
        %get3A_1583 = arith.constant 0 : index
        %get3A_1584 = tpu.vector_load %arg10[%get3A_1581, %get3A_1582, %get3A_1583] {strides = array<i32>} : memref<13x128x16xf32, #tpu.memory_space<vmem>>, vector<16xf32>,
        %add3A_1585 = arith.addf %add3A_1573, %get3A_1584 : vector<16xf32>
        %get3A_1586 = arith.constant 7 : i32
        %get3A_1587 = arith.index_cast %get3A_1586 : i32 to index
        %get3A_1588 = arith.index_cast %add3A_1497 : i32 to index
        %get3A_1589 = arith.constant 0 : index
        %get3A_1590 = tpu.vector_load %arg11[%get3A_1587, %get3A_1588, %get3A_1589] {strides = array<i32>} : memref<13x128x16xf32, #tpu.memory_space<vmem>>, vector<16xf32>,
        %add3A_1591 = arith.addf %add3A_1579, %get3A_1590 : vector<16xf32>
        %get3A_1592 = arith.constant 8 : i32
        %get3A_1593 = arith.index_cast %get3A_1592 : i32 to index
        %get3A_1594 = arith.index_cast %add3A_1497 : i32 to index
        %get3A_1595 = arith.constant 0 : index
        %get3A_1596 = tpu.vector_load %arg10[%get3A_1593, %get3A_1594, %get3A_1595] {strides = array<i32>} : memref<13x128x16xf32, #tpu.memory_space<vmem>>, vector<16xf32>,
        %add3A_1597 = arith.addf %add3A_1585, %get3A_1596 : vector<16xf32>
        %get3A_1598 = arith.constant 8 : i32
        %get3A_1599 = arith.index_cast %get3A_1598 : i32 to index
        %get3A_1600 = arith.index_cast %add3A_1497 : i32 to index
        %get3A_1601 = arith.constant 0 : index
        %get3A_1602 = tpu.vector_load %arg11[%get3A_1599, %get3A_1600, %get3A_1601] {strides = array<i32>} : memref<13x128x16xf32, #tpu.memory_space<vmem>>, vector<16xf32>,
        %add3A_1603 = arith.addf %add3A_1591, %get3A_1602 : vector<16xf32>
        %get3A_1604 = arith.constant 9 : i32
        %get3A_1605 = arith.index_cast %get3A_1604 : i32 to index
        %get3A_1606 = arith.index_cast %add3A_1497 : i32 to index
        %get3A_1607 = arith.constant 0 : index
        %get3A_1608 = tpu.vector_load %arg10[%get3A_1605, %get3A_1606, %get3A_1607] {strides = array<i32>} : memref<13x128x16xf32, #tpu.memory_space<vmem>>, vector<16xf32>,
        %add3A_1609 = arith.addf %add3A_1597, %get3A_1608 : vector<16xf32>
        %get3A_1610 = arith.constant 9 : i32
        %get3A_1611 = arith.index_cast %get3A_1610 : i32 to index
        %get3A_1612 = arith.index_cast %add3A_1497 : i32 to index
        %get3A_1613 = arith.constant 0 : index
        %get3A_1614 = tpu.vector_load %arg11[%get3A_1611, %get3A_1612, %get3A_1613] {strides = array<i32>} : memref<13x128x16xf32, #tpu.memory_space<vmem>>, vector<16xf32>,
        %add3A_1615 = arith.addf %add3A_1603, %get3A_1614 : vector<16xf32>
        %get3A_1616 = arith.constant 10 : i32
        %get3A_1617 = arith.index_cast %get3A_1616 : i32 to index
        %get3A_1618 = arith.index_cast %add3A_1497 : i32 to index
        %get3A_1619 = arith.constant 0 : index
        %get3A_1620 = tpu.vector_load %arg10[%get3A_1617, %get3A_1618, %get3A_1619] {strides = array<i32>} : memref<13x128x16xf32, #tpu.memory_space<vmem>>, vector<16xf32>,
        %add3A_1621 = arith.addf %add3A_1609, %get3A_1620 : vector<16xf32>
        %get3A_1622 = arith.constant 10 : i32
        %get3A_1623 = arith.index_cast %get3A_1622 : i32 to index
        %get3A_1624 = arith.index_cast %add3A_1497 : i32 to index
        %get3A_1625 = arith.constant 0 : index
        %get3A_1626 = tpu.vector_load %arg11[%get3A_1623, %get3A_1624, %get3A_1625] {strides = array<i32>} : memref<13x128x16xf32, #tpu.memory_space<vmem>>, vector<16xf32>,
        %add3A_1627 = arith.addf %add3A_1615, %get3A_1626 : vector<16xf32>
        %get3A_1628 = arith.constant 11 : i32
        %get3A_1629 = arith.index_cast %get3A_1628 : i32 to index
        %get3A_1630 = arith.index_cast %add3A_1497 : i32 to index
        %get3A_1631 = arith.constant 0 : index
        %get3A_1632 = tpu.vector_load %arg10[%get3A_1629, %get3A_1630, %get3A_1631] {strides = array<i32>} : memref<13x128x16xf32, #tpu.memory_space<vmem>>, vector<16xf32>,
        %add3A_1633 = arith.addf %add3A_1621, %get3A_1632 : vector<16xf32>
        %get3A_1634 = arith.constant 11 : i32
        %get3A_1635 = arith.index_cast %get3A_1634 : i32 to index
        %get3A_1636 = arith.index_cast %add3A_1497 : i32 to index
        %get3A_1637 = arith.constant 0 : index
        %get3A_1638 = tpu.vector_load %arg11[%get3A_1635, %get3A_1636, %get3A_1637] {strides = array<i32>} : memref<13x128x16xf32, #tpu.memory_space<vmem>>, vector<16xf32>,
        %add3A_1639 = arith.addf %add3A_1627, %get3A_1638 : vector<16xf32>
        %get3A_1640 = arith.constant 12 : i32
        %get3A_1641 = arith.index_cast %get3A_1640 : i32 to index
        %get3A_1642 = arith.index_cast %add3A_1497 : i32 to index
        %get3A_1643 = arith.constant 0 : index
        %get3A_1644 = tpu.vector_load %arg10[%get3A_1641, %get3A_1642, %get3A_1643] {strides = array<i32>} : memref<13x128x16xf32, #tpu.memory_space<vmem>>, vector<16xf32>,
        %add3A_1645 = arith.addf %add3A_1633, %get3A_1644 : vector<16xf32>
        %get3A_1646 = arith.constant 12 : i32
        %get3A_1647 = arith.index_cast %get3A_1646 : i32 to index
        %get3A_1648 = arith.index_cast %add3A_1497 : i32 to index
        %get3A_1649 = arith.constant 0 : index
        %get3A_1650 = tpu.vector_load %arg11[%get3A_1647, %get3A_1648, %get3A_1649] {strides = array<i32>} : memref<13x128x16xf32, #tpu.memory_space<vmem>>, vector<16xf32>,
        %add3A_1651 = arith.addf %add3A_1639, %get3A_1650 : vector<16xf32>
        %mul3A_1652 = arith.mulf %add3A_1645, %add3A_1651 : vector<16xf32>
        %reduce_sum3A_1653 = arith.constant true
        %reduce_sum3A_1654 = vector.broadcast %reduce_sum3A_1653 : i1 to vector<16xi1>
        %reduce_sum3A_1655 = tpu.scan <sum>, %mul3A_1652 masked %reduce_sum3A_1654 : vector<16xf32>, vector<16xi1> -> vector<16xf32>
        %reduce_sum3A_1656 = vector.extract %reduce_sum3A_1655[15] : f32 from vector<16xf32>
        %eq3A_1657 = arith.constant 5 : i32
        %eq3A_1658 = vector.broadcast %eq3A_1657 : i32 to vector<16xi32>
        %eq3A_1659 = arith.cmpi eq, %iota3A, %eq3A_1658 : vector<16xi32>
        %broadcast_in_dim3A_1660 = vector.broadcast %reduce_sum3A_1656 : f32 to vector<16xf32>
        %select_n3A_1661 = arith.select %eq3A_1659, %broadcast_in_dim3A_1660, %select_n3A_1493 : vector<16xi1>, vector<16xf32>
        %mul3A_1662 = arith.constant 16 : i32
        %mul3A_1663 = arith.muli %scan3A_654, %mul3A_1662 : i32
        %add3A_1664 = arith.constant 6 : i32
        %add3A_1665 = arith.addi %mul3A_1663, %add3A_1664 : i32
        %get3A_1666 = arith.constant 0 : i32
        %get3A_1667 = arith.index_cast %get3A_1666 : i32 to index
        %get3A_1668 = arith.index_cast %add3A_1665 : i32 to index
        %get3A_1669 = arith.constant 0 : index
        %get3A_1670 = tpu.vector_load %arg10[%get3A_1667, %get3A_1668, %get3A_1669] {strides = array<i32>} : memref<13x128x16xf32, #tpu.memory_space<vmem>>, vector<16xf32>,
        %get3A_1671 = arith.constant 0 : i32
        %get3A_1672 = arith.index_cast %get3A_1671 : i32 to index
        %get3A_1673 = arith.index_cast %add3A_1665 : i32 to index
        %get3A_1674 = arith.constant 0 : index
        %get3A_1675 = tpu.vector_load %arg11[%get3A_1672, %get3A_1673, %get3A_1674] {strides = array<i32>} : memref<13x128x16xf32, #tpu.memory_space<vmem>>, vector<16xf32>,
        %get3A_1676 = arith.constant 1 : i32
        %get3A_1677 = arith.index_cast %get3A_1676 : i32 to index
        %get3A_1678 = arith.index_cast %add3A_1665 : i32 to index
        %get3A_1679 = arith.constant 0 : index
        %get3A_1680 = tpu.vector_load %arg10[%get3A_1677, %get3A_1678, %get3A_1679] {strides = array<i32>} : memref<13x128x16xf32, #tpu.memory_space<vmem>>, vector<16xf32>,
        %add3A_1681 = arith.addf %get3A_1670, %get3A_1680 : vector<16xf32>
        %get3A_1682 = arith.constant 1 : i32
        %get3A_1683 = arith.index_cast %get3A_1682 : i32 to index
        %get3A_1684 = arith.index_cast %add3A_1665 : i32 to index
        %get3A_1685 = arith.constant 0 : index
        %get3A_1686 = tpu.vector_load %arg11[%get3A_1683, %get3A_1684, %get3A_1685] {strides = array<i32>} : memref<13x128x16xf32, #tpu.memory_space<vmem>>, vector<16xf32>,
        %add3A_1687 = arith.addf %get3A_1675, %get3A_1686 : vector<16xf32>
        %get3A_1688 = arith.constant 2 : i32
        %get3A_1689 = arith.index_cast %get3A_1688 : i32 to index
        %get3A_1690 = arith.index_cast %add3A_1665 : i32 to index
        %get3A_1691 = arith.constant 0 : index
        %get3A_1692 = tpu.vector_load %arg10[%get3A_1689, %get3A_1690, %get3A_1691] {strides = array<i32>} : memref<13x128x16xf32, #tpu.memory_space<vmem>>, vector<16xf32>,
        %add3A_1693 = arith.addf %add3A_1681, %get3A_1692 : vector<16xf32>
        %get3A_1694 = arith.constant 2 : i32
        %get3A_1695 = arith.index_cast %get3A_1694 : i32 to index
        %get3A_1696 = arith.index_cast %add3A_1665 : i32 to index
        %get3A_1697 = arith.constant 0 : index
        %get3A_1698 = tpu.vector_load %arg11[%get3A_1695, %get3A_1696, %get3A_1697] {strides = array<i32>} : memref<13x128x16xf32, #tpu.memory_space<vmem>>, vector<16xf32>,
        %add3A_1699 = arith.addf %add3A_1687, %get3A_1698 : vector<16xf32>
        %get3A_1700 = arith.constant 3 : i32
        %get3A_1701 = arith.index_cast %get3A_1700 : i32 to index
        %get3A_1702 = arith.index_cast %add3A_1665 : i32 to index
        %get3A_1703 = arith.constant 0 : index
        %get3A_1704 = tpu.vector_load %arg10[%get3A_1701, %get3A_1702, %get3A_1703] {strides = array<i32>} : memref<13x128x16xf32, #tpu.memory_space<vmem>>, vector<16xf32>,
        %add3A_1705 = arith.addf %add3A_1693, %get3A_1704 : vector<16xf32>
        %get3A_1706 = arith.constant 3 : i32
        %get3A_1707 = arith.index_cast %get3A_1706 : i32 to index
        %get3A_1708 = arith.index_cast %add3A_1665 : i32 to index
        %get3A_1709 = arith.constant 0 : index
        %get3A_1710 = tpu.vector_load %arg11[%get3A_1707, %get3A_1708, %get3A_1709] {strides = array<i32>} : memref<13x128x16xf32, #tpu.memory_space<vmem>>, vector<16xf32>,
        %add3A_1711 = arith.addf %add3A_1699, %get3A_1710 : vector<16xf32>
        %get3A_1712 = arith.constant 4 : i32
        %get3A_1713 = arith.index_cast %get3A_1712 : i32 to index
        %get3A_1714 = arith.index_cast %add3A_1665 : i32 to index
        %get3A_1715 = arith.constant 0 : index
        %get3A_1716 = tpu.vector_load %arg10[%get3A_1713, %get3A_1714, %get3A_1715] {strides = array<i32>} : memref<13x128x16xf32, #tpu.memory_space<vmem>>, vector<16xf32>,
        %add3A_1717 = arith.addf %add3A_1705, %get3A_1716 : vector<16xf32>
        %get3A_1718 = arith.constant 4 : i32
        %get3A_1719 = arith.index_cast %get3A_1718 : i32 to index
        %get3A_1720 = arith.index_cast %add3A_1665 : i32 to index
        %get3A_1721 = arith.constant 0 : index
        %get3A_1722 = tpu.vector_load %arg11[%get3A_1719, %get3A_1720, %get3A_1721] {strides = array<i32>} : memref<13x128x16xf32, #tpu.memory_space<vmem>>, vector<16xf32>,
        %add3A_1723 = arith.addf %add3A_1711, %get3A_1722 : vector<16xf32>
        %get3A_1724 = arith.constant 5 : i32
        %get3A_1725 = arith.index_cast %get3A_1724 : i32 to index
        %get3A_1726 = arith.index_cast %add3A_1665 : i32 to index
        %get3A_1727 = arith.constant 0 : index
        %get3A_1728 = tpu.vector_load %arg10[%get3A_1725, %get3A_1726, %get3A_1727] {strides = array<i32>} : memref<13x128x16xf32, #tpu.memory_space<vmem>>, vector<16xf32>,
        %add3A_1729 = arith.addf %add3A_1717, %get3A_1728 : vector<16xf32>
        %get3A_1730 = arith.constant 5 : i32
        %get3A_1731 = arith.index_cast %get3A_1730 : i32 to index
        %get3A_1732 = arith.index_cast %add3A_1665 : i32 to index
        %get3A_1733 = arith.constant 0 : index
        %get3A_1734 = tpu.vector_load %arg11[%get3A_1731, %get3A_1732, %get3A_1733] {strides = array<i32>} : memref<13x128x16xf32, #tpu.memory_space<vmem>>, vector<16xf32>,
        %add3A_1735 = arith.addf %add3A_1723, %get3A_1734 : vector<16xf32>
        %get3A_1736 = arith.constant 6 : i32
        %get3A_1737 = arith.index_cast %get3A_1736 : i32 to index
        %get3A_1738 = arith.index_cast %add3A_1665 : i32 to index
        %get3A_1739 = arith.constant 0 : index
        %get3A_1740 = tpu.vector_load %arg10[%get3A_1737, %get3A_1738, %get3A_1739] {strides = array<i32>} : memref<13x128x16xf32, #tpu.memory_space<vmem>>, vector<16xf32>,
        %add3A_1741 = arith.addf %add3A_1729, %get3A_1740 : vector<16xf32>
        %get3A_1742 = arith.constant 6 : i32
        %get3A_1743 = arith.index_cast %get3A_1742 : i32 to index
        %get3A_1744 = arith.index_cast %add3A_1665 : i32 to index
        %get3A_1745 = arith.constant 0 : index
        %get3A_1746 = tpu.vector_load %arg11[%get3A_1743, %get3A_1744, %get3A_1745] {strides = array<i32>} : memref<13x128x16xf32, #tpu.memory_space<vmem>>, vector<16xf32>,
        %add3A_1747 = arith.addf %add3A_1735, %get3A_1746 : vector<16xf32>
        %get3A_1748 = arith.constant 7 : i32
        %get3A_1749 = arith.index_cast %get3A_1748 : i32 to index
        %get3A_1750 = arith.index_cast %add3A_1665 : i32 to index
        %get3A_1751 = arith.constant 0 : index
        %get3A_1752 = tpu.vector_load %arg10[%get3A_1749, %get3A_1750, %get3A_1751] {strides = array<i32>} : memref<13x128x16xf32, #tpu.memory_space<vmem>>, vector<16xf32>,
        %add3A_1753 = arith.addf %add3A_1741, %get3A_1752 : vector<16xf32>
        %get3A_1754 = arith.constant 7 : i32
        %get3A_1755 = arith.index_cast %get3A_1754 : i32 to index
        %get3A_1756 = arith.index_cast %add3A_1665 : i32 to index
        %get3A_1757 = arith.constant 0 : index
        %get3A_1758 = tpu.vector_load %arg11[%get3A_1755, %get3A_1756, %get3A_1757] {strides = array<i32>} : memref<13x128x16xf32, #tpu.memory_space<vmem>>, vector<16xf32>,
        %add3A_1759 = arith.addf %add3A_1747, %get3A_1758 : vector<16xf32>
        %get3A_1760 = arith.constant 8 : i32
        %get3A_1761 = arith.index_cast %get3A_1760 : i32 to index
        %get3A_1762 = arith.index_cast %add3A_1665 : i32 to index
        %get3A_1763 = arith.constant 0 : index
        %get3A_1764 = tpu.vector_load %arg10[%get3A_1761, %get3A_1762, %get3A_1763] {strides = array<i32>} : memref<13x128x16xf32, #tpu.memory_space<vmem>>, vector<16xf32>,
        %add3A_1765 = arith.addf %add3A_1753, %get3A_1764 : vector<16xf32>
        %get3A_1766 = arith.constant 8 : i32
        %get3A_1767 = arith.index_cast %get3A_1766 : i32 to index
        %get3A_1768 = arith.index_cast %add3A_1665 : i32 to index
        %get3A_1769 = arith.constant 0 : index
        %get3A_1770 = tpu.vector_load %arg11[%get3A_1767, %get3A_1768, %get3A_1769] {strides = array<i32>} : memref<13x128x16xf32, #tpu.memory_space<vmem>>, vector<16xf32>,
        %add3A_1771 = arith.addf %add3A_1759, %get3A_1770 : vector<16xf32>
        %get3A_1772 = arith.constant 9 : i32
        %get3A_1773 = arith.index_cast %get3A_1772 : i32 to index
        %get3A_1774 = arith.index_cast %add3A_1665 : i32 to index
        %get3A_1775 = arith.constant 0 : index
        %get3A_1776 = tpu.vector_load %arg10[%get3A_1773, %get3A_1774, %get3A_1775] {strides = array<i32>} : memref<13x128x16xf32, #tpu.memory_space<vmem>>, vector<16xf32>,
        %add3A_1777 = arith.addf %add3A_1765, %get3A_1776 : vector<16xf32>
        %get3A_1778 = arith.constant 9 : i32
        %get3A_1779 = arith.index_cast %get3A_1778 : i32 to index
        %get3A_1780 = arith.index_cast %add3A_1665 : i32 to index
        %get3A_1781 = arith.constant 0 : index
        %get3A_1782 = tpu.vector_load %arg11[%get3A_1779, %get3A_1780, %get3A_1781] {strides = array<i32>} : memref<13x128x16xf32, #tpu.memory_space<vmem>>, vector<16xf32>,
        %add3A_1783 = arith.addf %add3A_1771, %get3A_1782 : vector<16xf32>
        %get3A_1784 = arith.constant 10 : i32
        %get3A_1785 = arith.index_cast %get3A_1784 : i32 to index
        %get3A_1786 = arith.index_cast %add3A_1665 : i32 to index
        %get3A_1787 = arith.constant 0 : index
        %get3A_1788 = tpu.vector_load %arg10[%get3A_1785, %get3A_1786, %get3A_1787] {strides = array<i32>} : memref<13x128x16xf32, #tpu.memory_space<vmem>>, vector<16xf32>,
        %add3A_1789 = arith.addf %add3A_1777, %get3A_1788 : vector<16xf32>
        %get3A_1790 = arith.constant 10 : i32
        %get3A_1791 = arith.index_cast %get3A_1790 : i32 to index
        %get3A_1792 = arith.index_cast %add3A_1665 : i32 to index
        %get3A_1793 = arith.constant 0 : index
        %get3A_1794 = tpu.vector_load %arg11[%get3A_1791, %get3A_1792, %get3A_1793] {strides = array<i32>} : memref<13x128x16xf32, #tpu.memory_space<vmem>>, vector<16xf32>,
        %add3A_1795 = arith.addf %add3A_1783, %get3A_1794 : vector<16xf32>
        %get3A_1796 = arith.constant 11 : i32
        %get3A_1797 = arith.index_cast %get3A_1796 : i32 to index
        %get3A_1798 = arith.index_cast %add3A_1665 : i32 to index
        %get3A_1799 = arith.constant 0 : index
        %get3A_1800 = tpu.vector_load %arg10[%get3A_1797, %get3A_1798, %get3A_1799] {strides = array<i32>} : memref<13x128x16xf32, #tpu.memory_space<vmem>>, vector<16xf32>,
        %add3A_1801 = arith.addf %add3A_1789, %get3A_1800 : vector<16xf32>
        %get3A_1802 = arith.constant 11 : i32
        %get3A_1803 = arith.index_cast %get3A_1802 : i32 to index
        %get3A_1804 = arith.index_cast %add3A_1665 : i32 to index
        %get3A_1805 = arith.constant 0 : index
        %get3A_1806 = tpu.vector_load %arg11[%get3A_1803, %get3A_1804, %get3A_1805] {strides = array<i32>} : memref<13x128x16xf32, #tpu.memory_space<vmem>>, vector<16xf32>,
        %add3A_1807 = arith.addf %add3A_1795, %get3A_1806 : vector<16xf32>
        %get3A_1808 = arith.constant 12 : i32
        %get3A_1809 = arith.index_cast %get3A_1808 : i32 to index
        %get3A_1810 = arith.index_cast %add3A_1665 : i32 to index
        %get3A_1811 = arith.constant 0 : index
        %get3A_1812 = tpu.vector_load %arg10[%get3A_1809, %get3A_1810, %get3A_1811] {strides = array<i32>} : memref<13x128x16xf32, #tpu.memory_space<vmem>>, vector<16xf32>,
        %add3A_1813 = arith.addf %add3A_1801, %get3A_1812 : vector<16xf32>
        %get3A_1814 = arith.constant 12 : i32
        %get3A_1815 = arith.index_cast %get3A_1814 : i32 to index
        %get3A_1816 = arith.index_cast %add3A_1665 : i32 to index
        %get3A_1817 = arith.constant 0 : index
        %get3A_1818 = tpu.vector_load %arg11[%get3A_1815, %get3A_1816, %get3A_1817] {strides = array<i32>} : memref<13x128x16xf32, #tpu.memory_space<vmem>>, vector<16xf32>,
        %add3A_1819 = arith.addf %add3A_1807, %get3A_1818 : vector<16xf32>
        %mul3A_1820 = arith.mulf %add3A_1813, %add3A_1819 : vector<16xf32>
        %reduce_sum3A_1821 = arith.constant true
        %reduce_sum3A_1822 = vector.broadcast %reduce_sum3A_1821 : i1 to vector<16xi1>
        %reduce_sum3A_1823 = tpu.scan <sum>, %mul3A_1820 masked %reduce_sum3A_1822 : vector<16xf32>, vector<16xi1> -> vector<16xf32>
        %reduce_sum3A_1824 = vector.extract %reduce_sum3A_1823[15] : f32 from vector<16xf32>
        %eq3A_1825 = arith.constant 6 : i32
        %eq3A_1826 = vector.broadcast %eq3A_1825 : i32 to vector<16xi32>
        %eq3A_1827 = arith.cmpi eq, %iota3A, %eq3A_1826 : vector<16xi32>
        %broadcast_in_dim3A_1828 = vector.broadcast %reduce_sum3A_1824 : f32 to vector<16xf32>
        %select_n3A_1829 = arith.select %eq3A_1827, %broadcast_in_dim3A_1828, %select_n3A_1661 : vector<16xi1>, vector<16xf32>
        %mul3A_1830 = arith.constant 16 : i32
        %mul3A_1831 = arith.muli %scan3A_654, %mul3A_1830 : i32
        %add3A_1832 = arith.constant 7 : i32
        %add3A_1833 = arith.addi %mul3A_1831, %add3A_1832 : i32
        %get3A_1834 = arith.constant 0 : i32
        %get3A_1835 = arith.index_cast %get3A_1834 : i32 to index
        %get3A_1836 = arith.index_cast %add3A_1833 : i32 to index
        %get3A_1837 = arith.constant 0 : index
        %get3A_1838 = tpu.vector_load %arg10[%get3A_1835, %get3A_1836, %get3A_1837] {strides = array<i32>} : memref<13x128x16xf32, #tpu.memory_space<vmem>>, vector<16xf32>,
        %get3A_1839 = arith.constant 0 : i32
        %get3A_1840 = arith.index_cast %get3A_1839 : i32 to index
        %get3A_1841 = arith.index_cast %add3A_1833 : i32 to index
        %get3A_1842 = arith.constant 0 : index
        %get3A_1843 = tpu.vector_load %arg11[%get3A_1840, %get3A_1841, %get3A_1842] {strides = array<i32>} : memref<13x128x16xf32, #tpu.memory_space<vmem>>, vector<16xf32>,
        %get3A_1844 = arith.constant 1 : i32
        %get3A_1845 = arith.index_cast %get3A_1844 : i32 to index
        %get3A_1846 = arith.index_cast %add3A_1833 : i32 to index
        %get3A_1847 = arith.constant 0 : index
        %get3A_1848 = tpu.vector_load %arg10[%get3A_1845, %get3A_1846, %get3A_1847] {strides = array<i32>} : memref<13x128x16xf32, #tpu.memory_space<vmem>>, vector<16xf32>,
        %add3A_1849 = arith.addf %get3A_1838, %get3A_1848 : vector<16xf32>
        %get3A_1850 = arith.constant 1 : i32
        %get3A_1851 = arith.index_cast %get3A_1850 : i32 to index
        %get3A_1852 = arith.index_cast %add3A_1833 : i32 to index
        %get3A_1853 = arith.constant 0 : index
        %get3A_1854 = tpu.vector_load %arg11[%get3A_1851, %get3A_1852, %get3A_1853] {strides = array<i32>} : memref<13x128x16xf32, #tpu.memory_space<vmem>>, vector<16xf32>,
        %add3A_1855 = arith.addf %get3A_1843, %get3A_1854 : vector<16xf32>
        %get3A_1856 = arith.constant 2 : i32
        %get3A_1857 = arith.index_cast %get3A_1856 : i32 to index
        %get3A_1858 = arith.index_cast %add3A_1833 : i32 to index
        %get3A_1859 = arith.constant 0 : index
        %get3A_1860 = tpu.vector_load %arg10[%get3A_1857, %get3A_1858, %get3A_1859] {strides = array<i32>} : memref<13x128x16xf32, #tpu.memory_space<vmem>>, vector<16xf32>,
        %add3A_1861 = arith.addf %add3A_1849, %get3A_1860 : vector<16xf32>
        %get3A_1862 = arith.constant 2 : i32
        %get3A_1863 = arith.index_cast %get3A_1862 : i32 to index
        %get3A_1864 = arith.index_cast %add3A_1833 : i32 to index
        %get3A_1865 = arith.constant 0 : index
        %get3A_1866 = tpu.vector_load %arg11[%get3A_1863, %get3A_1864, %get3A_1865] {strides = array<i32>} : memref<13x128x16xf32, #tpu.memory_space<vmem>>, vector<16xf32>,
        %add3A_1867 = arith.addf %add3A_1855, %get3A_1866 : vector<16xf32>
        %get3A_1868 = arith.constant 3 : i32
        %get3A_1869 = arith.index_cast %get3A_1868 : i32 to index
        %get3A_1870 = arith.index_cast %add3A_1833 : i32 to index
        %get3A_1871 = arith.constant 0 : index
        %get3A_1872 = tpu.vector_load %arg10[%get3A_1869, %get3A_1870, %get3A_1871] {strides = array<i32>} : memref<13x128x16xf32, #tpu.memory_space<vmem>>, vector<16xf32>,
        %add3A_1873 = arith.addf %add3A_1861, %get3A_1872 : vector<16xf32>
        %get3A_1874 = arith.constant 3 : i32
        %get3A_1875 = arith.index_cast %get3A_1874 : i32 to index
        %get3A_1876 = arith.index_cast %add3A_1833 : i32 to index
        %get3A_1877 = arith.constant 0 : index
        %get3A_1878 = tpu.vector_load %arg11[%get3A_1875, %get3A_1876, %get3A_1877] {strides = array<i32>} : memref<13x128x16xf32, #tpu.memory_space<vmem>>, vector<16xf32>,
        %add3A_1879 = arith.addf %add3A_1867, %get3A_1878 : vector<16xf32>
        %get3A_1880 = arith.constant 4 : i32
        %get3A_1881 = arith.index_cast %get3A_1880 : i32 to index
        %get3A_1882 = arith.index_cast %add3A_1833 : i32 to index
        %get3A_1883 = arith.constant 0 : index
        %get3A_1884 = tpu.vector_load %arg10[%get3A_1881, %get3A_1882, %get3A_1883] {strides = array<i32>} : memref<13x128x16xf32, #tpu.memory_space<vmem>>, vector<16xf32>,
        %add3A_1885 = arith.addf %add3A_1873, %get3A_1884 : vector<16xf32>
        %get3A_1886 = arith.constant 4 : i32
        %get3A_1887 = arith.index_cast %get3A_1886 : i32 to index
        %get3A_1888 = arith.index_cast %add3A_1833 : i32 to index
        %get3A_1889 = arith.constant 0 : index
        %get3A_1890 = tpu.vector_load %arg11[%get3A_1887, %get3A_1888, %get3A_1889] {strides = array<i32>} : memref<13x128x16xf32, #tpu.memory_space<vmem>>, vector<16xf32>,
        %add3A_1891 = arith.addf %add3A_1879, %get3A_1890 : vector<16xf32>
        %get3A_1892 = arith.constant 5 : i32
        %get3A_1893 = arith.index_cast %get3A_1892 : i32 to index
        %get3A_1894 = arith.index_cast %add3A_1833 : i32 to index
        %get3A_1895 = arith.constant 0 : index
        %get3A_1896 = tpu.vector_load %arg10[%get3A_1893, %get3A_1894, %get3A_1895] {strides = array<i32>} : memref<13x128x16xf32, #tpu.memory_space<vmem>>, vector<16xf32>,
        %add3A_1897 = arith.addf %add3A_1885, %get3A_1896 : vector<16xf32>
        %get3A_1898 = arith.constant 5 : i32
        %get3A_1899 = arith.index_cast %get3A_1898 : i32 to index
        %get3A_1900 = arith.index_cast %add3A_1833 : i32 to index
        %get3A_1901 = arith.constant 0 : index
        %get3A_1902 = tpu.vector_load %arg11[%get3A_1899, %get3A_1900, %get3A_1901] {strides = array<i32>} : memref<13x128x16xf32, #tpu.memory_space<vmem>>, vector<16xf32>,
        %add3A_1903 = arith.addf %add3A_1891, %get3A_1902 : vector<16xf32>
        %get3A_1904 = arith.constant 6 : i32
        %get3A_1905 = arith.index_cast %get3A_1904 : i32 to index
        %get3A_1906 = arith.index_cast %add3A_1833 : i32 to index
        %get3A_1907 = arith.constant 0 : index
        %get3A_1908 = tpu.vector_load %arg10[%get3A_1905, %get3A_1906, %get3A_1907] {strides = array<i32>} : memref<13x128x16xf32, #tpu.memory_space<vmem>>, vector<16xf32>,
        %add3A_1909 = arith.addf %add3A_1897, %get3A_1908 : vector<16xf32>
        %get3A_1910 = arith.constant 6 : i32
        %get3A_1911 = arith.index_cast %get3A_1910 : i32 to index
        %get3A_1912 = arith.index_cast %add3A_1833 : i32 to index
        %get3A_1913 = arith.constant 0 : index
        %get3A_1914 = tpu.vector_load %arg11[%get3A_1911, %get3A_1912, %get3A_1913] {strides = array<i32>} : memref<13x128x16xf32, #tpu.memory_space<vmem>>, vector<16xf32>,
        %add3A_1915 = arith.addf %add3A_1903, %get3A_1914 : vector<16xf32>
        %get3A_1916 = arith.constant 7 : i32
        %get3A_1917 = arith.index_cast %get3A_1916 : i32 to index
        %get3A_1918 = arith.index_cast %add3A_1833 : i32 to index
        %get3A_1919 = arith.constant 0 : index
        %get3A_1920 = tpu.vector_load %arg10[%get3A_1917, %get3A_1918, %get3A_1919] {strides = array<i32>} : memref<13x128x16xf32, #tpu.memory_space<vmem>>, vector<16xf32>,
        %add3A_1921 = arith.addf %add3A_1909, %get3A_1920 : vector<16xf32>
        %get3A_1922 = arith.constant 7 : i32
        %get3A_1923 = arith.index_cast %get3A_1922 : i32 to index
        %get3A_1924 = arith.index_cast %add3A_1833 : i32 to index
        %get3A_1925 = arith.constant 0 : index
        %get3A_1926 = tpu.vector_load %arg11[%get3A_1923, %get3A_1924, %get3A_1925] {strides = array<i32>} : memref<13x128x16xf32, #tpu.memory_space<vmem>>, vector<16xf32>,
        %add3A_1927 = arith.addf %add3A_1915, %get3A_1926 : vector<16xf32>
        %get3A_1928 = arith.constant 8 : i32
        %get3A_1929 = arith.index_cast %get3A_1928 : i32 to index
        %get3A_1930 = arith.index_cast %add3A_1833 : i32 to index
        %get3A_1931 = arith.constant 0 : index
        %get3A_1932 = tpu.vector_load %arg10[%get3A_1929, %get3A_1930, %get3A_1931] {strides = array<i32>} : memref<13x128x16xf32, #tpu.memory_space<vmem>>, vector<16xf32>,
        %add3A_1933 = arith.addf %add3A_1921, %get3A_1932 : vector<16xf32>
        %get3A_1934 = arith.constant 8 : i32
        %get3A_1935 = arith.index_cast %get3A_1934 : i32 to index
        %get3A_1936 = arith.index_cast %add3A_1833 : i32 to index
        %get3A_1937 = arith.constant 0 : index
        %get3A_1938 = tpu.vector_load %arg11[%get3A_1935, %get3A_1936, %get3A_1937] {strides = array<i32>} : memref<13x128x16xf32, #tpu.memory_space<vmem>>, vector<16xf32>,
        %add3A_1939 = arith.addf %add3A_1927, %get3A_1938 : vector<16xf32>
        %get3A_1940 = arith.constant 9 : i32
        %get3A_1941 = arith.index_cast %get3A_1940 : i32 to index
        %get3A_1942 = arith.index_cast %add3A_1833 : i32 to index
        %get3A_1943 = arith.constant 0 : index
        %get3A_1944 = tpu.vector_load %arg10[%get3A_1941, %get3A_1942, %get3A_1943] {strides = array<i32>} : memref<13x128x16xf32, #tpu.memory_space<vmem>>, vector<16xf32>,
        %add3A_1945 = arith.addf %add3A_1933, %get3A_1944 : vector<16xf32>
        %get3A_1946 = arith.constant 9 : i32
        %get3A_1947 = arith.index_cast %get3A_1946 : i32 to index
        %get3A_1948 = arith.index_cast %add3A_1833 : i32 to index
        %get3A_1949 = arith.constant 0 : index
        %get3A_1950 = tpu.vector_load %arg11[%get3A_1947, %get3A_1948, %get3A_1949] {strides = array<i32>} : memref<13x128x16xf32, #tpu.memory_space<vmem>>, vector<16xf32>,
        %add3A_1951 = arith.addf %add3A_1939, %get3A_1950 : vector<16xf32>
        %get3A_1952 = arith.constant 10 : i32
        %get3A_1953 = arith.index_cast %get3A_1952 : i32 to index
        %get3A_1954 = arith.index_cast %add3A_1833 : i32 to index
        %get3A_1955 = arith.constant 0 : index
        %get3A_1956 = tpu.vector_load %arg10[%get3A_1953, %get3A_1954, %get3A_1955] {strides = array<i32>} : memref<13x128x16xf32, #tpu.memory_space<vmem>>, vector<16xf32>,
        %add3A_1957 = arith.addf %add3A_1945, %get3A_1956 : vector<16xf32>
        %get3A_1958 = arith.constant 10 : i32
        %get3A_1959 = arith.index_cast %get3A_1958 : i32 to index
        %get3A_1960 = arith.index_cast %add3A_1833 : i32 to index
        %get3A_1961 = arith.constant 0 : index
        %get3A_1962 = tpu.vector_load %arg11[%get3A_1959, %get3A_1960, %get3A_1961] {strides = array<i32>} : memref<13x128x16xf32, #tpu.memory_space<vmem>>, vector<16xf32>,
        %add3A_1963 = arith.addf %add3A_1951, %get3A_1962 : vector<16xf32>
        %get3A_1964 = arith.constant 11 : i32
        %get3A_1965 = arith.index_cast %get3A_1964 : i32 to index
        %get3A_1966 = arith.index_cast %add3A_1833 : i32 to index
        %get3A_1967 = arith.constant 0 : index
        %get3A_1968 = tpu.vector_load %arg10[%get3A_1965, %get3A_1966, %get3A_1967] {strides = array<i32>} : memref<13x128x16xf32, #tpu.memory_space<vmem>>, vector<16xf32>,
        %add3A_1969 = arith.addf %add3A_1957, %get3A_1968 : vector<16xf32>
        %get3A_1970 = arith.constant 11 : i32
        %get3A_1971 = arith.index_cast %get3A_1970 : i32 to index
        %get3A_1972 = arith.index_cast %add3A_1833 : i32 to index
        %get3A_1973 = arith.constant 0 : index
        %get3A_1974 = tpu.vector_load %arg11[%get3A_1971, %get3A_1972, %get3A_1973] {strides = array<i32>} : memref<13x128x16xf32, #tpu.memory_space<vmem>>, vector<16xf32>,
        %add3A_1975 = arith.addf %add3A_1963, %get3A_1974 : vector<16xf32>
        %get3A_1976 = arith.constant 12 : i32
        %get3A_1977 = arith.index_cast %get3A_1976 : i32 to index
        %get3A_1978 = arith.index_cast %add3A_1833 : i32 to index
        %get3A_1979 = arith.constant 0 : index
        %get3A_1980 = tpu.vector_load %arg10[%get3A_1977, %get3A_1978, %get3A_1979] {strides = array<i32>} : memref<13x128x16xf32, #tpu.memory_space<vmem>>, vector<16xf32>,
        %add3A_1981 = arith.addf %add3A_1969, %get3A_1980 : vector<16xf32>
        %get3A_1982 = arith.constant 12 : i32
        %get3A_1983 = arith.index_cast %get3A_1982 : i32 to index
        %get3A_1984 = arith.index_cast %add3A_1833 : i32 to index
        %get3A_1985 = arith.constant 0 : index
        %get3A_1986 = tpu.vector_load %arg11[%get3A_1983, %get3A_1984, %get3A_1985] {strides = array<i32>} : memref<13x128x16xf32, #tpu.memory_space<vmem>>, vector<16xf32>,
        %add3A_1987 = arith.addf %add3A_1975, %get3A_1986 : vector<16xf32>
        %mul3A_1988 = arith.mulf %add3A_1981, %add3A_1987 : vector<16xf32>
        %reduce_sum3A_1989 = arith.constant true
        %reduce_sum3A_1990 = vector.broadcast %reduce_sum3A_1989 : i1 to vector<16xi1>
        %reduce_sum3A_1991 = tpu.scan <sum>, %mul3A_1988 masked %reduce_sum3A_1990 : vector<16xf32>, vector<16xi1> -> vector<16xf32>
        %reduce_sum3A_1992 = vector.extract %reduce_sum3A_1991[15] : f32 from vector<16xf32>
        %eq3A_1993 = arith.constant 7 : i32
        %eq3A_1994 = vector.broadcast %eq3A_1993 : i32 to vector<16xi32>
        %eq3A_1995 = arith.cmpi eq, %iota3A, %eq3A_1994 : vector<16xi32>
        %broadcast_in_dim3A_1996 = vector.broadcast %reduce_sum3A_1992 : f32 to vector<16xf32>
        %select_n3A_1997 = arith.select %eq3A_1995, %broadcast_in_dim3A_1996, %select_n3A_1829 : vector<16xi1>, vector<16xf32>
        %mul3A_1998 = arith.constant 16 : i32
        %mul3A_1999 = arith.muli %scan3A_654, %mul3A_1998 : i32
        %add3A_2000 = arith.constant 8 : i32
        %add3A_2001 = arith.addi %mul3A_1999, %add3A_2000 : i32
        %get3A_2002 = arith.constant 0 : i32
        %get3A_2003 = arith.index_cast %get3A_2002 : i32 to index
        %get3A_2004 = arith.index_cast %add3A_2001 : i32 to index
        %get3A_2005 = arith.constant 0 : index
        %get3A_2006 = tpu.vector_load %arg10[%get3A_2003, %get3A_2004, %get3A_2005] {strides = array<i32>} : memref<13x128x16xf32, #tpu.memory_space<vmem>>, vector<16xf32>,
        %get3A_2007 = arith.constant 0 : i32
        %get3A_2008 = arith.index_cast %get3A_2007 : i32 to index
        %get3A_2009 = arith.index_cast %add3A_2001 : i32 to index
        %get3A_2010 = arith.constant 0 : index
        %get3A_2011 = tpu.vector_load %arg11[%get3A_2008, %get3A_2009, %get3A_2010] {strides = array<i32>} : memref<13x128x16xf32, #tpu.memory_space<vmem>>, vector<16xf32>,
        %get3A_2012 = arith.constant 1 : i32
        %get3A_2013 = arith.index_cast %get3A_2012 : i32 to index
        %get3A_2014 = arith.index_cast %add3A_2001 : i32 to index
        %get3A_2015 = arith.constant 0 : index
        %get3A_2016 = tpu.vector_load %arg10[%get3A_2013, %get3A_2014, %get3A_2015] {strides = array<i32>} : memref<13x128x16xf32, #tpu.memory_space<vmem>>, vector<16xf32>,
        %add3A_2017 = arith.addf %get3A_2006, %get3A_2016 : vector<16xf32>
        %get3A_2018 = arith.constant 1 : i32
        %get3A_2019 = arith.index_cast %get3A_2018 : i32 to index
        %get3A_2020 = arith.index_cast %add3A_2001 : i32 to index
        %get3A_2021 = arith.constant 0 : index
        %get3A_2022 = tpu.vector_load %arg11[%get3A_2019, %get3A_2020, %get3A_2021] {strides = array<i32>} : memref<13x128x16xf32, #tpu.memory_space<vmem>>, vector<16xf32>,
        %add3A_2023 = arith.addf %get3A_2011, %get3A_2022 : vector<16xf32>
        %get3A_2024 = arith.constant 2 : i32
        %get3A_2025 = arith.index_cast %get3A_2024 : i32 to index
        %get3A_2026 = arith.index_cast %add3A_2001 : i32 to index
        %get3A_2027 = arith.constant 0 : index
        %get3A_2028 = tpu.vector_load %arg10[%get3A_2025, %get3A_2026, %get3A_2027] {strides = array<i32>} : memref<13x128x16xf32, #tpu.memory_space<vmem>>, vector<16xf32>,
        %add3A_2029 = arith.addf %add3A_2017, %get3A_2028 : vector<16xf32>
        %get3A_2030 = arith.constant 2 : i32
        %get3A_2031 = arith.index_cast %get3A_2030 : i32 to index
        %get3A_2032 = arith.index_cast %add3A_2001 : i32 to index
        %get3A_2033 = arith.constant 0 : index
        %get3A_2034 = tpu.vector_load %arg11[%get3A_2031, %get3A_2032, %get3A_2033] {strides = array<i32>} : memref<13x128x16xf32, #tpu.memory_space<vmem>>, vector<16xf32>,
        %add3A_2035 = arith.addf %add3A_2023, %get3A_2034 : vector<16xf32>
        %get3A_2036 = arith.constant 3 : i32
        %get3A_2037 = arith.index_cast %get3A_2036 : i32 to index
        %get3A_2038 = arith.index_cast %add3A_2001 : i32 to index
        %get3A_2039 = arith.constant 0 : index
        %get3A_2040 = tpu.vector_load %arg10[%get3A_2037, %get3A_2038, %get3A_2039] {strides = array<i32>} : memref<13x128x16xf32, #tpu.memory_space<vmem>>, vector<16xf32>,
        %add3A_2041 = arith.addf %add3A_2029, %get3A_2040 : vector<16xf32>
        %get3A_2042 = arith.constant 3 : i32
        %get3A_2043 = arith.index_cast %get3A_2042 : i32 to index
        %get3A_2044 = arith.index_cast %add3A_2001 : i32 to index
        %get3A_2045 = arith.constant 0 : index
        %get3A_2046 = tpu.vector_load %arg11[%get3A_2043, %get3A_2044, %get3A_2045] {strides = array<i32>} : memref<13x128x16xf32, #tpu.memory_space<vmem>>, vector<16xf32>,
        %add3A_2047 = arith.addf %add3A_2035, %get3A_2046 : vector<16xf32>
        %get3A_2048 = arith.constant 4 : i32
        %get3A_2049 = arith.index_cast %get3A_2048 : i32 to index
        %get3A_2050 = arith.index_cast %add3A_2001 : i32 to index
        %get3A_2051 = arith.constant 0 : index
        %get3A_2052 = tpu.vector_load %arg10[%get3A_2049, %get3A_2050, %get3A_2051] {strides = array<i32>} : memref<13x128x16xf32, #tpu.memory_space<vmem>>, vector<16xf32>,
        %add3A_2053 = arith.addf %add3A_2041, %get3A_2052 : vector<16xf32>
        %get3A_2054 = arith.constant 4 : i32
        %get3A_2055 = arith.index_cast %get3A_2054 : i32 to index
        %get3A_2056 = arith.index_cast %add3A_2001 : i32 to index
        %get3A_2057 = arith.constant 0 : index
        %get3A_2058 = tpu.vector_load %arg11[%get3A_2055, %get3A_2056, %get3A_2057] {strides = array<i32>} : memref<13x128x16xf32, #tpu.memory_space<vmem>>, vector<16xf32>,
        %add3A_2059 = arith.addf %add3A_2047, %get3A_2058 : vector<16xf32>
        %get3A_2060 = arith.constant 5 : i32
        %get3A_2061 = arith.index_cast %get3A_2060 : i32 to index
        %get3A_2062 = arith.index_cast %add3A_2001 : i32 to index
        %get3A_2063 = arith.constant 0 : index
        %get3A_2064 = tpu.vector_load %arg10[%get3A_2061, %get3A_2062, %get3A_2063] {strides = array<i32>} : memref<13x128x16xf32, #tpu.memory_space<vmem>>, vector<16xf32>,
        %add3A_2065 = arith.addf %add3A_2053, %get3A_2064 : vector<16xf32>
        %get3A_2066 = arith.constant 5 : i32
        %get3A_2067 = arith.index_cast %get3A_2066 : i32 to index
        %get3A_2068 = arith.index_cast %add3A_2001 : i32 to index
        %get3A_2069 = arith.constant 0 : index
        %get3A_2070 = tpu.vector_load %arg11[%get3A_2067, %get3A_2068, %get3A_2069] {strides = array<i32>} : memref<13x128x16xf32, #tpu.memory_space<vmem>>, vector<16xf32>,
        %add3A_2071 = arith.addf %add3A_2059, %get3A_2070 : vector<16xf32>
        %get3A_2072 = arith.constant 6 : i32
        %get3A_2073 = arith.index_cast %get3A_2072 : i32 to index
        %get3A_2074 = arith.index_cast %add3A_2001 : i32 to index
        %get3A_2075 = arith.constant 0 : index
        %get3A_2076 = tpu.vector_load %arg10[%get3A_2073, %get3A_2074, %get3A_2075] {strides = array<i32>} : memref<13x128x16xf32, #tpu.memory_space<vmem>>, vector<16xf32>,
        %add3A_2077 = arith.addf %add3A_2065, %get3A_2076 : vector<16xf32>
        %get3A_2078 = arith.constant 6 : i32
        %get3A_2079 = arith.index_cast %get3A_2078 : i32 to index
        %get3A_2080 = arith.index_cast %add3A_2001 : i32 to index
        %get3A_2081 = arith.constant 0 : index
        %get3A_2082 = tpu.vector_load %arg11[%get3A_2079, %get3A_2080, %get3A_2081] {strides = array<i32>} : memref<13x128x16xf32, #tpu.memory_space<vmem>>, vector<16xf32>,
        %add3A_2083 = arith.addf %add3A_2071, %get3A_2082 : vector<16xf32>
        %get3A_2084 = arith.constant 7 : i32
        %get3A_2085 = arith.index_cast %get3A_2084 : i32 to index
        %get3A_2086 = arith.index_cast %add3A_2001 : i32 to index
        %get3A_2087 = arith.constant 0 : index
        %get3A_2088 = tpu.vector_load %arg10[%get3A_2085, %get3A_2086, %get3A_2087] {strides = array<i32>} : memref<13x128x16xf32, #tpu.memory_space<vmem>>, vector<16xf32>,
        %add3A_2089 = arith.addf %add3A_2077, %get3A_2088 : vector<16xf32>
        %get3A_2090 = arith.constant 7 : i32
        %get3A_2091 = arith.index_cast %get3A_2090 : i32 to index
        %get3A_2092 = arith.index_cast %add3A_2001 : i32 to index
        %get3A_2093 = arith.constant 0 : index
        %get3A_2094 = tpu.vector_load %arg11[%get3A_2091, %get3A_2092, %get3A_2093] {strides = array<i32>} : memref<13x128x16xf32, #tpu.memory_space<vmem>>, vector<16xf32>,
        %add3A_2095 = arith.addf %add3A_2083, %get3A_2094 : vector<16xf32>
        %get3A_2096 = arith.constant 8 : i32
        %get3A_2097 = arith.index_cast %get3A_2096 : i32 to index
        %get3A_2098 = arith.index_cast %add3A_2001 : i32 to index
        %get3A_2099 = arith.constant 0 : index
        %get3A_2100 = tpu.vector_load %arg10[%get3A_2097, %get3A_2098, %get3A_2099] {strides = array<i32>} : memref<13x128x16xf32, #tpu.memory_space<vmem>>, vector<16xf32>,
        %add3A_2101 = arith.addf %add3A_2089, %get3A_2100 : vector<16xf32>
        %get3A_2102 = arith.constant 8 : i32
        %get3A_2103 = arith.index_cast %get3A_2102 : i32 to index
        %get3A_2104 = arith.index_cast %add3A_2001 : i32 to index
        %get3A_2105 = arith.constant 0 : index
        %get3A_2106 = tpu.vector_load %arg11[%get3A_2103, %get3A_2104, %get3A_2105] {strides = array<i32>} : memref<13x128x16xf32, #tpu.memory_space<vmem>>, vector<16xf32>,
        %add3A_2107 = arith.addf %add3A_2095, %get3A_2106 : vector<16xf32>
        %get3A_2108 = arith.constant 9 : i32
        %get3A_2109 = arith.index_cast %get3A_2108 : i32 to index
        %get3A_2110 = arith.index_cast %add3A_2001 : i32 to index
        %get3A_2111 = arith.constant 0 : index
        %get3A_2112 = tpu.vector_load %arg10[%get3A_2109, %get3A_2110, %get3A_2111] {strides = array<i32>} : memref<13x128x16xf32, #tpu.memory_space<vmem>>, vector<16xf32>,
        %add3A_2113 = arith.addf %add3A_2101, %get3A_2112 : vector<16xf32>
        %get3A_2114 = arith.constant 9 : i32
        %get3A_2115 = arith.index_cast %get3A_2114 : i32 to index
        %get3A_2116 = arith.index_cast %add3A_2001 : i32 to index
        %get3A_2117 = arith.constant 0 : index
        %get3A_2118 = tpu.vector_load %arg11[%get3A_2115, %get3A_2116, %get3A_2117] {strides = array<i32>} : memref<13x128x16xf32, #tpu.memory_space<vmem>>, vector<16xf32>,
        %add3A_2119 = arith.addf %add3A_2107, %get3A_2118 : vector<16xf32>
        %get3A_2120 = arith.constant 10 : i32
        %get3A_2121 = arith.index_cast %get3A_2120 : i32 to index
        %get3A_2122 = arith.index_cast %add3A_2001 : i32 to index
        %get3A_2123 = arith.constant 0 : index
        %get3A_2124 = tpu.vector_load %arg10[%get3A_2121, %get3A_2122, %get3A_2123] {strides = array<i32>} : memref<13x128x16xf32, #tpu.memory_space<vmem>>, vector<16xf32>,
        %add3A_2125 = arith.addf %add3A_2113, %get3A_2124 : vector<16xf32>
        %get3A_2126 = arith.constant 10 : i32
        %get3A_2127 = arith.index_cast %get3A_2126 : i32 to index
        %get3A_2128 = arith.index_cast %add3A_2001 : i32 to index
        %get3A_2129 = arith.constant 0 : index
        %get3A_2130 = tpu.vector_load %arg11[%get3A_2127, %get3A_2128, %get3A_2129] {strides = array<i32>} : memref<13x128x16xf32, #tpu.memory_space<vmem>>, vector<16xf32>,
        %add3A_2131 = arith.addf %add3A_2119, %get3A_2130 : vector<16xf32>
        %get3A_2132 = arith.constant 11 : i32
        %get3A_2133 = arith.index_cast %get3A_2132 : i32 to index
        %get3A_2134 = arith.index_cast %add3A_2001 : i32 to index
        %get3A_2135 = arith.constant 0 : index
        %get3A_2136 = tpu.vector_load %arg10[%get3A_2133, %get3A_2134, %get3A_2135] {strides = array<i32>} : memref<13x128x16xf32, #tpu.memory_space<vmem>>, vector<16xf32>,
        %add3A_2137 = arith.addf %add3A_2125, %get3A_2136 : vector<16xf32>
        %get3A_2138 = arith.constant 11 : i32
        %get3A_2139 = arith.index_cast %get3A_2138 : i32 to index
        %get3A_2140 = arith.index_cast %add3A_2001 : i32 to index
        %get3A_2141 = arith.constant 0 : index
        %get3A_2142 = tpu.vector_load %arg11[%get3A_2139, %get3A_2140, %get3A_2141] {strides = array<i32>} : memref<13x128x16xf32, #tpu.memory_space<vmem>>, vector<16xf32>,
        %add3A_2143 = arith.addf %add3A_2131, %get3A_2142 : vector<16xf32>
        %get3A_2144 = arith.constant 12 : i32
        %get3A_2145 = arith.index_cast %get3A_2144 : i32 to index
        %get3A_2146 = arith.index_cast %add3A_2001 : i32 to index
        %get3A_2147 = arith.constant 0 : index
        %get3A_2148 = tpu.vector_load %arg10[%get3A_2145, %get3A_2146, %get3A_2147] {strides = array<i32>} : memref<13x128x16xf32, #tpu.memory_space<vmem>>, vector<16xf32>,
        %add3A_2149 = arith.addf %add3A_2137, %get3A_2148 : vector<16xf32>
        %get3A_2150 = arith.constant 12 : i32
        %get3A_2151 = arith.index_cast %get3A_2150 : i32 to index
        %get3A_2152 = arith.index_cast %add3A_2001 : i32 to index
        %get3A_2153 = arith.constant 0 : index
        %get3A_2154 = tpu.vector_load %arg11[%get3A_2151, %get3A_2152, %get3A_2153] {strides = array<i32>} : memref<13x128x16xf32, #tpu.memory_space<vmem>>, vector<16xf32>,
        %add3A_2155 = arith.addf %add3A_2143, %get3A_2154 : vector<16xf32>
        %mul3A_2156 = arith.mulf %add3A_2149, %add3A_2155 : vector<16xf32>
        %reduce_sum3A_2157 = arith.constant true
        %reduce_sum3A_2158 = vector.broadcast %reduce_sum3A_2157 : i1 to vector<16xi1>
        %reduce_sum3A_2159 = tpu.scan <sum>, %mul3A_2156 masked %reduce_sum3A_2158 : vector<16xf32>, vector<16xi1> -> vector<16xf32>
        %reduce_sum3A_2160 = vector.extract %reduce_sum3A_2159[15] : f32 from vector<16xf32>
        %eq3A_2161 = arith.constant 8 : i32
        %eq3A_2162 = vector.broadcast %eq3A_2161 : i32 to vector<16xi32>
        %eq3A_2163 = arith.cmpi eq, %iota3A, %eq3A_2162 : vector<16xi32>
        %broadcast_in_dim3A_2164 = vector.broadcast %reduce_sum3A_2160 : f32 to vector<16xf32>
        %select_n3A_2165 = arith.select %eq3A_2163, %broadcast_in_dim3A_2164, %select_n3A_1997 : vector<16xi1>, vector<16xf32>
        %mul3A_2166 = arith.constant 16 : i32
        %mul3A_2167 = arith.muli %scan3A_654, %mul3A_2166 : i32
        %add3A_2168 = arith.constant 9 : i32
        %add3A_2169 = arith.addi %mul3A_2167, %add3A_2168 : i32
        %get3A_2170 = arith.constant 0 : i32
        %get3A_2171 = arith.index_cast %get3A_2170 : i32 to index
        %get3A_2172 = arith.index_cast %add3A_2169 : i32 to index
        %get3A_2173 = arith.constant 0 : index
        %get3A_2174 = tpu.vector_load %arg10[%get3A_2171, %get3A_2172, %get3A_2173] {strides = array<i32>} : memref<13x128x16xf32, #tpu.memory_space<vmem>>, vector<16xf32>,
        %get3A_2175 = arith.constant 0 : i32
        %get3A_2176 = arith.index_cast %get3A_2175 : i32 to index
        %get3A_2177 = arith.index_cast %add3A_2169 : i32 to index
        %get3A_2178 = arith.constant 0 : index
        %get3A_2179 = tpu.vector_load %arg11[%get3A_2176, %get3A_2177, %get3A_2178] {strides = array<i32>} : memref<13x128x16xf32, #tpu.memory_space<vmem>>, vector<16xf32>,
        %get3A_2180 = arith.constant 1 : i32
        %get3A_2181 = arith.index_cast %get3A_2180 : i32 to index
        %get3A_2182 = arith.index_cast %add3A_2169 : i32 to index
        %get3A_2183 = arith.constant 0 : index
        %get3A_2184 = tpu.vector_load %arg10[%get3A_2181, %get3A_2182, %get3A_2183] {strides = array<i32>} : memref<13x128x16xf32, #tpu.memory_space<vmem>>, vector<16xf32>,
        %add3A_2185 = arith.addf %get3A_2174, %get3A_2184 : vector<16xf32>
        %get3A_2186 = arith.constant 1 : i32
        %get3A_2187 = arith.index_cast %get3A_2186 : i32 to index
        %get3A_2188 = arith.index_cast %add3A_2169 : i32 to index
        %get3A_2189 = arith.constant 0 : index
        %get3A_2190 = tpu.vector_load %arg11[%get3A_2187, %get3A_2188, %get3A_2189] {strides = array<i32>} : memref<13x128x16xf32, #tpu.memory_space<vmem>>, vector<16xf32>,
        %add3A_2191 = arith.addf %get3A_2179, %get3A_2190 : vector<16xf32>
        %get3A_2192 = arith.constant 2 : i32
        %get3A_2193 = arith.index_cast %get3A_2192 : i32 to index
        %get3A_2194 = arith.index_cast %add3A_2169 : i32 to index
        %get3A_2195 = arith.constant 0 : index
        %get3A_2196 = tpu.vector_load %arg10[%get3A_2193, %get3A_2194, %get3A_2195] {strides = array<i32>} : memref<13x128x16xf32, #tpu.memory_space<vmem>>, vector<16xf32>,
        %add3A_2197 = arith.addf %add3A_2185, %get3A_2196 : vector<16xf32>
        %get3A_2198 = arith.constant 2 : i32
        %get3A_2199 = arith.index_cast %get3A_2198 : i32 to index
        %get3A_2200 = arith.index_cast %add3A_2169 : i32 to index
        %get3A_2201 = arith.constant 0 : index
        %get3A_2202 = tpu.vector_load %arg11[%get3A_2199, %get3A_2200, %get3A_2201] {strides = array<i32>} : memref<13x128x16xf32, #tpu.memory_space<vmem>>, vector<16xf32>,
        %add3A_2203 = arith.addf %add3A_2191, %get3A_2202 : vector<16xf32>
        %get3A_2204 = arith.constant 3 : i32
        %get3A_2205 = arith.index_cast %get3A_2204 : i32 to index
        %get3A_2206 = arith.index_cast %add3A_2169 : i32 to index
        %get3A_2207 = arith.constant 0 : index
        %get3A_2208 = tpu.vector_load %arg10[%get3A_2205, %get3A_2206, %get3A_2207] {strides = array<i32>} : memref<13x128x16xf32, #tpu.memory_space<vmem>>, vector<16xf32>,
        %add3A_2209 = arith.addf %add3A_2197, %get3A_2208 : vector<16xf32>
        %get3A_2210 = arith.constant 3 : i32
        %get3A_2211 = arith.index_cast %get3A_2210 : i32 to index
        %get3A_2212 = arith.index_cast %add3A_2169 : i32 to index
        %get3A_2213 = arith.constant 0 : index
        %get3A_2214 = tpu.vector_load %arg11[%get3A_2211, %get3A_2212, %get3A_2213] {strides = array<i32>} : memref<13x128x16xf32, #tpu.memory_space<vmem>>, vector<16xf32>,
        %add3A_2215 = arith.addf %add3A_2203, %get3A_2214 : vector<16xf32>
        %get3A_2216 = arith.constant 4 : i32
        %get3A_2217 = arith.index_cast %get3A_2216 : i32 to index
        %get3A_2218 = arith.index_cast %add3A_2169 : i32 to index
        %get3A_2219 = arith.constant 0 : index
        %get3A_2220 = tpu.vector_load %arg10[%get3A_2217, %get3A_2218, %get3A_2219] {strides = array<i32>} : memref<13x128x16xf32, #tpu.memory_space<vmem>>, vector<16xf32>,
        %add3A_2221 = arith.addf %add3A_2209, %get3A_2220 : vector<16xf32>
        %get3A_2222 = arith.constant 4 : i32
        %get3A_2223 = arith.index_cast %get3A_2222 : i32 to index
        %get3A_2224 = arith.index_cast %add3A_2169 : i32 to index
        %get3A_2225 = arith.constant 0 : index
        %get3A_2226 = tpu.vector_load %arg11[%get3A_2223, %get3A_2224, %get3A_2225] {strides = array<i32>} : memref<13x128x16xf32, #tpu.memory_space<vmem>>, vector<16xf32>,
        %add3A_2227 = arith.addf %add3A_2215, %get3A_2226 : vector<16xf32>
        %get3A_2228 = arith.constant 5 : i32
        %get3A_2229 = arith.index_cast %get3A_2228 : i32 to index
        %get3A_2230 = arith.index_cast %add3A_2169 : i32 to index
        %get3A_2231 = arith.constant 0 : index
        %get3A_2232 = tpu.vector_load %arg10[%get3A_2229, %get3A_2230, %get3A_2231] {strides = array<i32>} : memref<13x128x16xf32, #tpu.memory_space<vmem>>, vector<16xf32>,
        %add3A_2233 = arith.addf %add3A_2221, %get3A_2232 : vector<16xf32>
        %get3A_2234 = arith.constant 5 : i32
        %get3A_2235 = arith.index_cast %get3A_2234 : i32 to index
        %get3A_2236 = arith.index_cast %add3A_2169 : i32 to index
        %get3A_2237 = arith.constant 0 : index
        %get3A_2238 = tpu.vector_load %arg11[%get3A_2235, %get3A_2236, %get3A_2237] {strides = array<i32>} : memref<13x128x16xf32, #tpu.memory_space<vmem>>, vector<16xf32>,
        %add3A_2239 = arith.addf %add3A_2227, %get3A_2238 : vector<16xf32>
        %get3A_2240 = arith.constant 6 : i32
        %get3A_2241 = arith.index_cast %get3A_2240 : i32 to index
        %get3A_2242 = arith.index_cast %add3A_2169 : i32 to index
        %get3A_2243 = arith.constant 0 : index
        %get3A_2244 = tpu.vector_load %arg10[%get3A_2241, %get3A_2242, %get3A_2243] {strides = array<i32>} : memref<13x128x16xf32, #tpu.memory_space<vmem>>, vector<16xf32>,
        %add3A_2245 = arith.addf %add3A_2233, %get3A_2244 : vector<16xf32>
        %get3A_2246 = arith.constant 6 : i32
        %get3A_2247 = arith.index_cast %get3A_2246 : i32 to index
        %get3A_2248 = arith.index_cast %add3A_2169 : i32 to index
        %get3A_2249 = arith.constant 0 : index
        %get3A_2250 = tpu.vector_load %arg11[%get3A_2247, %get3A_2248, %get3A_2249] {strides = array<i32>} : memref<13x128x16xf32, #tpu.memory_space<vmem>>, vector<16xf32>,
        %add3A_2251 = arith.addf %add3A_2239, %get3A_2250 : vector<16xf32>
        %get3A_2252 = arith.constant 7 : i32
        %get3A_2253 = arith.index_cast %get3A_2252 : i32 to index
        %get3A_2254 = arith.index_cast %add3A_2169 : i32 to index
        %get3A_2255 = arith.constant 0 : index
        %get3A_2256 = tpu.vector_load %arg10[%get3A_2253, %get3A_2254, %get3A_2255] {strides = array<i32>} : memref<13x128x16xf32, #tpu.memory_space<vmem>>, vector<16xf32>,
        %add3A_2257 = arith.addf %add3A_2245, %get3A_2256 : vector<16xf32>
        %get3A_2258 = arith.constant 7 : i32
        %get3A_2259 = arith.index_cast %get3A_2258 : i32 to index
        %get3A_2260 = arith.index_cast %add3A_2169 : i32 to index
        %get3A_2261 = arith.constant 0 : index
        %get3A_2262 = tpu.vector_load %arg11[%get3A_2259, %get3A_2260, %get3A_2261] {strides = array<i32>} : memref<13x128x16xf32, #tpu.memory_space<vmem>>, vector<16xf32>,
        %add3A_2263 = arith.addf %add3A_2251, %get3A_2262 : vector<16xf32>
        %get3A_2264 = arith.constant 8 : i32
        %get3A_2265 = arith.index_cast %get3A_2264 : i32 to index
        %get3A_2266 = arith.index_cast %add3A_2169 : i32 to index
        %get3A_2267 = arith.constant 0 : index
        %get3A_2268 = tpu.vector_load %arg10[%get3A_2265, %get3A_2266, %get3A_2267] {strides = array<i32>} : memref<13x128x16xf32, #tpu.memory_space<vmem>>, vector<16xf32>,
        %add3A_2269 = arith.addf %add3A_2257, %get3A_2268 : vector<16xf32>
        %get3A_2270 = arith.constant 8 : i32
        %get3A_2271 = arith.index_cast %get3A_2270 : i32 to index
        %get3A_2272 = arith.index_cast %add3A_2169 : i32 to index
        %get3A_2273 = arith.constant 0 : index
        %get3A_2274 = tpu.vector_load %arg11[%get3A_2271, %get3A_2272, %get3A_2273] {strides = array<i32>} : memref<13x128x16xf32, #tpu.memory_space<vmem>>, vector<16xf32>,
        %add3A_2275 = arith.addf %add3A_2263, %get3A_2274 : vector<16xf32>
        %get3A_2276 = arith.constant 9 : i32
        %get3A_2277 = arith.index_cast %get3A_2276 : i32 to index
        %get3A_2278 = arith.index_cast %add3A_2169 : i32 to index
        %get3A_2279 = arith.constant 0 : index
        %get3A_2280 = tpu.vector_load %arg10[%get3A_2277, %get3A_2278, %get3A_2279] {strides = array<i32>} : memref<13x128x16xf32, #tpu.memory_space<vmem>>, vector<16xf32>,
        %add3A_2281 = arith.addf %add3A_2269, %get3A_2280 : vector<16xf32>
        %get3A_2282 = arith.constant 9 : i32
        %get3A_2283 = arith.index_cast %get3A_2282 : i32 to index
        %get3A_2284 = arith.index_cast %add3A_2169 : i32 to index
        %get3A_2285 = arith.constant 0 : index
        %get3A_2286 = tpu.vector_load %arg11[%get3A_2283, %get3A_2284, %get3A_2285] {strides = array<i32>} : memref<13x128x16xf32, #tpu.memory_space<vmem>>, vector<16xf32>,
        %add3A_2287 = arith.addf %add3A_2275, %get3A_2286 : vector<16xf32>
        %get3A_2288 = arith.constant 10 : i32
        %get3A_2289 = arith.index_cast %get3A_2288 : i32 to index
        %get3A_2290 = arith.index_cast %add3A_2169 : i32 to index
        %get3A_2291 = arith.constant 0 : index
        %get3A_2292 = tpu.vector_load %arg10[%get3A_2289, %get3A_2290, %get3A_2291] {strides = array<i32>} : memref<13x128x16xf32, #tpu.memory_space<vmem>>, vector<16xf32>,
        %add3A_2293 = arith.addf %add3A_2281, %get3A_2292 : vector<16xf32>
        %get3A_2294 = arith.constant 10 : i32
        %get3A_2295 = arith.index_cast %get3A_2294 : i32 to index
        %get3A_2296 = arith.index_cast %add3A_2169 : i32 to index
        %get3A_2297 = arith.constant 0 : index
        %get3A_2298 = tpu.vector_load %arg11[%get3A_2295, %get3A_2296, %get3A_2297] {strides = array<i32>} : memref<13x128x16xf32, #tpu.memory_space<vmem>>, vector<16xf32>,
        %add3A_2299 = arith.addf %add3A_2287, %get3A_2298 : vector<16xf32>
        %get3A_2300 = arith.constant 11 : i32
        %get3A_2301 = arith.index_cast %get3A_2300 : i32 to index
        %get3A_2302 = arith.index_cast %add3A_2169 : i32 to index
        %get3A_2303 = arith.constant 0 : index
        %get3A_2304 = tpu.vector_load %arg10[%get3A_2301, %get3A_2302, %get3A_2303] {strides = array<i32>} : memref<13x128x16xf32, #tpu.memory_space<vmem>>, vector<16xf32>,
        %add3A_2305 = arith.addf %add3A_2293, %get3A_2304 : vector<16xf32>
        %get3A_2306 = arith.constant 11 : i32
        %get3A_2307 = arith.index_cast %get3A_2306 : i32 to index
        %get3A_2308 = arith.index_cast %add3A_2169 : i32 to index
        %get3A_2309 = arith.constant 0 : index
        %get3A_2310 = tpu.vector_load %arg11[%get3A_2307, %get3A_2308, %get3A_2309] {strides = array<i32>} : memref<13x128x16xf32, #tpu.memory_space<vmem>>, vector<16xf32>,
        %add3A_2311 = arith.addf %add3A_2299, %get3A_2310 : vector<16xf32>
        %get3A_2312 = arith.constant 12 : i32
        %get3A_2313 = arith.index_cast %get3A_2312 : i32 to index
        %get3A_2314 = arith.index_cast %add3A_2169 : i32 to index
        %get3A_2315 = arith.constant 0 : index
        %get3A_2316 = tpu.vector_load %arg10[%get3A_2313, %get3A_2314, %get3A_2315] {strides = array<i32>} : memref<13x128x16xf32, #tpu.memory_space<vmem>>, vector<16xf32>,
        %add3A_2317 = arith.addf %add3A_2305, %get3A_2316 : vector<16xf32>
        %get3A_2318 = arith.constant 12 : i32
        %get3A_2319 = arith.index_cast %get3A_2318 : i32 to index
        %get3A_2320 = arith.index_cast %add3A_2169 : i32 to index
        %get3A_2321 = arith.constant 0 : index
        %get3A_2322 = tpu.vector_load %arg11[%get3A_2319, %get3A_2320, %get3A_2321] {strides = array<i32>} : memref<13x128x16xf32, #tpu.memory_space<vmem>>, vector<16xf32>,
        %add3A_2323 = arith.addf %add3A_2311, %get3A_2322 : vector<16xf32>
        %mul3A_2324 = arith.mulf %add3A_2317, %add3A_2323 : vector<16xf32>
        %reduce_sum3A_2325 = arith.constant true
        %reduce_sum3A_2326 = vector.broadcast %reduce_sum3A_2325 : i1 to vector<16xi1>
        %reduce_sum3A_2327 = tpu.scan <sum>, %mul3A_2324 masked %reduce_sum3A_2326 : vector<16xf32>, vector<16xi1> -> vector<16xf32>
        %reduce_sum3A_2328 = vector.extract %reduce_sum3A_2327[15] : f32 from vector<16xf32>
        %eq3A_2329 = arith.constant 9 : i32
        %eq3A_2330 = vector.broadcast %eq3A_2329 : i32 to vector<16xi32>
        %eq3A_2331 = arith.cmpi eq, %iota3A, %eq3A_2330 : vector<16xi32>
        %broadcast_in_dim3A_2332 = vector.broadcast %reduce_sum3A_2328 : f32 to vector<16xf32>
        %select_n3A_2333 = arith.select %eq3A_2331, %broadcast_in_dim3A_2332, %select_n3A_2165 : vector<16xi1>, vector<16xf32>
        %mul3A_2334 = arith.constant 16 : i32
        %mul3A_2335 = arith.muli %scan3A_654, %mul3A_2334 : i32
        %add3A_2336 = arith.constant 10 : i32
        %add3A_2337 = arith.addi %mul3A_2335, %add3A_2336 : i32
        %get3A_2338 = arith.constant 0 : i32
        %get3A_2339 = arith.index_cast %get3A_2338 : i32 to index
        %get3A_2340 = arith.index_cast %add3A_2337 : i32 to index
        %get3A_2341 = arith.constant 0 : index
        %get3A_2342 = tpu.vector_load %arg10[%get3A_2339, %get3A_2340, %get3A_2341] {strides = array<i32>} : memref<13x128x16xf32, #tpu.memory_space<vmem>>, vector<16xf32>,
        %get3A_2343 = arith.constant 0 : i32
        %get3A_2344 = arith.index_cast %get3A_2343 : i32 to index
        %get3A_2345 = arith.index_cast %add3A_2337 : i32 to index
        %get3A_2346 = arith.constant 0 : index
        %get3A_2347 = tpu.vector_load %arg11[%get3A_2344, %get3A_2345, %get3A_2346] {strides = array<i32>} : memref<13x128x16xf32, #tpu.memory_space<vmem>>, vector<16xf32>,
        %get3A_2348 = arith.constant 1 : i32
        %get3A_2349 = arith.index_cast %get3A_2348 : i32 to index
        %get3A_2350 = arith.index_cast %add3A_2337 : i32 to index
        %get3A_2351 = arith.constant 0 : index
        %get3A_2352 = tpu.vector_load %arg10[%get3A_2349, %get3A_2350, %get3A_2351] {strides = array<i32>} : memref<13x128x16xf32, #tpu.memory_space<vmem>>, vector<16xf32>,
        %add3A_2353 = arith.addf %get3A_2342, %get3A_2352 : vector<16xf32>
        %get3A_2354 = arith.constant 1 : i32
        %get3A_2355 = arith.index_cast %get3A_2354 : i32 to index
        %get3A_2356 = arith.index_cast %add3A_2337 : i32 to index
        %get3A_2357 = arith.constant 0 : index
        %get3A_2358 = tpu.vector_load %arg11[%get3A_2355, %get3A_2356, %get3A_2357] {strides = array<i32>} : memref<13x128x16xf32, #tpu.memory_space<vmem>>, vector<16xf32>,
        %add3A_2359 = arith.addf %get3A_2347, %get3A_2358 : vector<16xf32>
        %get3A_2360 = arith.constant 2 : i32
        %get3A_2361 = arith.index_cast %get3A_2360 : i32 to index
        %get3A_2362 = arith.index_cast %add3A_2337 : i32 to index
        %get3A_2363 = arith.constant 0 : index
        %get3A_2364 = tpu.vector_load %arg10[%get3A_2361, %get3A_2362, %get3A_2363] {strides = array<i32>} : memref<13x128x16xf32, #tpu.memory_space<vmem>>, vector<16xf32>,
        %add3A_2365 = arith.addf %add3A_2353, %get3A_2364 : vector<16xf32>
        %get3A_2366 = arith.constant 2 : i32
        %get3A_2367 = arith.index_cast %get3A_2366 : i32 to index
        %get3A_2368 = arith.index_cast %add3A_2337 : i32 to index
        %get3A_2369 = arith.constant 0 : index
        %get3A_2370 = tpu.vector_load %arg11[%get3A_2367, %get3A_2368, %get3A_2369] {strides = array<i32>} : memref<13x128x16xf32, #tpu.memory_space<vmem>>, vector<16xf32>,
        %add3A_2371 = arith.addf %add3A_2359, %get3A_2370 : vector<16xf32>
        %get3A_2372 = arith.constant 3 : i32
        %get3A_2373 = arith.index_cast %get3A_2372 : i32 to index
        %get3A_2374 = arith.index_cast %add3A_2337 : i32 to index
        %get3A_2375 = arith.constant 0 : index
        %get3A_2376 = tpu.vector_load %arg10[%get3A_2373, %get3A_2374, %get3A_2375] {strides = array<i32>} : memref<13x128x16xf32, #tpu.memory_space<vmem>>, vector<16xf32>,
        %add3A_2377 = arith.addf %add3A_2365, %get3A_2376 : vector<16xf32>
        %get3A_2378 = arith.constant 3 : i32
        %get3A_2379 = arith.index_cast %get3A_2378 : i32 to index
        %get3A_2380 = arith.index_cast %add3A_2337 : i32 to index
        %get3A_2381 = arith.constant 0 : index
        %get3A_2382 = tpu.vector_load %arg11[%get3A_2379, %get3A_2380, %get3A_2381] {strides = array<i32>} : memref<13x128x16xf32, #tpu.memory_space<vmem>>, vector<16xf32>,
        %add3A_2383 = arith.addf %add3A_2371, %get3A_2382 : vector<16xf32>
        %get3A_2384 = arith.constant 4 : i32
        %get3A_2385 = arith.index_cast %get3A_2384 : i32 to index
        %get3A_2386 = arith.index_cast %add3A_2337 : i32 to index
        %get3A_2387 = arith.constant 0 : index
        %get3A_2388 = tpu.vector_load %arg10[%get3A_2385, %get3A_2386, %get3A_2387] {strides = array<i32>} : memref<13x128x16xf32, #tpu.memory_space<vmem>>, vector<16xf32>,
        %add3A_2389 = arith.addf %add3A_2377, %get3A_2388 : vector<16xf32>
        %get3A_2390 = arith.constant 4 : i32
        %get3A_2391 = arith.index_cast %get3A_2390 : i32 to index
        %get3A_2392 = arith.index_cast %add3A_2337 : i32 to index
        %get3A_2393 = arith.constant 0 : index
        %get3A_2394 = tpu.vector_load %arg11[%get3A_2391, %get3A_2392, %get3A_2393] {strides = array<i32>} : memref<13x128x16xf32, #tpu.memory_space<vmem>>, vector<16xf32>,
        %add3A_2395 = arith.addf %add3A_2383, %get3A_2394 : vector<16xf32>
        %get3A_2396 = arith.constant 5 : i32
        %get3A_2397 = arith.index_cast %get3A_2396 : i32 to index
        %get3A_2398 = arith.index_cast %add3A_2337 : i32 to index
        %get3A_2399 = arith.constant 0 : index
        %get3A_2400 = tpu.vector_load %arg10[%get3A_2397, %get3A_2398, %get3A_2399] {strides = array<i32>} : memref<13x128x16xf32, #tpu.memory_space<vmem>>, vector<16xf32>,
        %add3A_2401 = arith.addf %add3A_2389, %get3A_2400 : vector<16xf32>
        %get3A_2402 = arith.constant 5 : i32
        %get3A_2403 = arith.index_cast %get3A_2402 : i32 to index
        %get3A_2404 = arith.index_cast %add3A_2337 : i32 to index
        %get3A_2405 = arith.constant 0 : index
        %get3A_2406 = tpu.vector_load %arg11[%get3A_2403, %get3A_2404, %get3A_2405] {strides = array<i32>} : memref<13x128x16xf32, #tpu.memory_space<vmem>>, vector<16xf32>,
        %add3A_2407 = arith.addf %add3A_2395, %get3A_2406 : vector<16xf32>
        %get3A_2408 = arith.constant 6 : i32
        %get3A_2409 = arith.index_cast %get3A_2408 : i32 to index
        %get3A_2410 = arith.index_cast %add3A_2337 : i32 to index
        %get3A_2411 = arith.constant 0 : index
        %get3A_2412 = tpu.vector_load %arg10[%get3A_2409, %get3A_2410, %get3A_2411] {strides = array<i32>} : memref<13x128x16xf32, #tpu.memory_space<vmem>>, vector<16xf32>,
        %add3A_2413 = arith.addf %add3A_2401, %get3A_2412 : vector<16xf32>
        %get3A_2414 = arith.constant 6 : i32
        %get3A_2415 = arith.index_cast %get3A_2414 : i32 to index
        %get3A_2416 = arith.index_cast %add3A_2337 : i32 to index
        %get3A_2417 = arith.constant 0 : index
        %get3A_2418 = tpu.vector_load %arg11[%get3A_2415, %get3A_2416, %get3A_2417] {strides = array<i32>} : memref<13x128x16xf32, #tpu.memory_space<vmem>>, vector<16xf32>,
        %add3A_2419 = arith.addf %add3A_2407, %get3A_2418 : vector<16xf32>
        %get3A_2420 = arith.constant 7 : i32
        %get3A_2421 = arith.index_cast %get3A_2420 : i32 to index
        %get3A_2422 = arith.index_cast %add3A_2337 : i32 to index
        %get3A_2423 = arith.constant 0 : index
        %get3A_2424 = tpu.vector_load %arg10[%get3A_2421, %get3A_2422, %get3A_2423] {strides = array<i32>} : memref<13x128x16xf32, #tpu.memory_space<vmem>>, vector<16xf32>,
        %add3A_2425 = arith.addf %add3A_2413, %get3A_2424 : vector<16xf32>
        %get3A_2426 = arith.constant 7 : i32
        %get3A_2427 = arith.index_cast %get3A_2426 : i32 to index
        %get3A_2428 = arith.index_cast %add3A_2337 : i32 to index
        %get3A_2429 = arith.constant 0 : index
        %get3A_2430 = tpu.vector_load %arg11[%get3A_2427, %get3A_2428, %get3A_2429] {strides = array<i32>} : memref<13x128x16xf32, #tpu.memory_space<vmem>>, vector<16xf32>,
        %add3A_2431 = arith.addf %add3A_2419, %get3A_2430 : vector<16xf32>
        %get3A_2432 = arith.constant 8 : i32
        %get3A_2433 = arith.index_cast %get3A_2432 : i32 to index
        %get3A_2434 = arith.index_cast %add3A_2337 : i32 to index
        %get3A_2435 = arith.constant 0 : index
        %get3A_2436 = tpu.vector_load %arg10[%get3A_2433, %get3A_2434, %get3A_2435] {strides = array<i32>} : memref<13x128x16xf32, #tpu.memory_space<vmem>>, vector<16xf32>,
        %add3A_2437 = arith.addf %add3A_2425, %get3A_2436 : vector<16xf32>
        %get3A_2438 = arith.constant 8 : i32
        %get3A_2439 = arith.index_cast %get3A_2438 : i32 to index
        %get3A_2440 = arith.index_cast %add3A_2337 : i32 to index
        %get3A_2441 = arith.constant 0 : index
        %get3A_2442 = tpu.vector_load %arg11[%get3A_2439, %get3A_2440, %get3A_2441] {strides = array<i32>} : memref<13x128x16xf32, #tpu.memory_space<vmem>>, vector<16xf32>,
        %add3A_2443 = arith.addf %add3A_2431, %get3A_2442 : vector<16xf32>
        %get3A_2444 = arith.constant 9 : i32
        %get3A_2445 = arith.index_cast %get3A_2444 : i32 to index
        %get3A_2446 = arith.index_cast %add3A_2337 : i32 to index
        %get3A_2447 = arith.constant 0 : index
        %get3A_2448 = tpu.vector_load %arg10[%get3A_2445, %get3A_2446, %get3A_2447] {strides = array<i32>} : memref<13x128x16xf32, #tpu.memory_space<vmem>>, vector<16xf32>,
        %add3A_2449 = arith.addf %add3A_2437, %get3A_2448 : vector<16xf32>
        %get3A_2450 = arith.constant 9 : i32
        %get3A_2451 = arith.index_cast %get3A_2450 : i32 to index
        %get3A_2452 = arith.index_cast %add3A_2337 : i32 to index
        %get3A_2453 = arith.constant 0 : index
        %get3A_2454 = tpu.vector_load %arg11[%get3A_2451, %get3A_2452, %get3A_2453] {strides = array<i32>} : memref<13x128x16xf32, #tpu.memory_space<vmem>>, vector<16xf32>,
        %add3A_2455 = arith.addf %add3A_2443, %get3A_2454 : vector<16xf32>
        %get3A_2456 = arith.constant 10 : i32
        %get3A_2457 = arith.index_cast %get3A_2456 : i32 to index
        %get3A_2458 = arith.index_cast %add3A_2337 : i32 to index
        %get3A_2459 = arith.constant 0 : index
        %get3A_2460 = tpu.vector_load %arg10[%get3A_2457, %get3A_2458, %get3A_2459] {strides = array<i32>} : memref<13x128x16xf32, #tpu.memory_space<vmem>>, vector<16xf32>,
        %add3A_2461 = arith.addf %add3A_2449, %get3A_2460 : vector<16xf32>
        %get3A_2462 = arith.constant 10 : i32
        %get3A_2463 = arith.index_cast %get3A_2462 : i32 to index
        %get3A_2464 = arith.index_cast %add3A_2337 : i32 to index
        %get3A_2465 = arith.constant 0 : index
        %get3A_2466 = tpu.vector_load %arg11[%get3A_2463, %get3A_2464, %get3A_2465] {strides = array<i32>} : memref<13x128x16xf32, #tpu.memory_space<vmem>>, vector<16xf32>,
        %add3A_2467 = arith.addf %add3A_2455, %get3A_2466 : vector<16xf32>
        %get3A_2468 = arith.constant 11 : i32
        %get3A_2469 = arith.index_cast %get3A_2468 : i32 to index
        %get3A_2470 = arith.index_cast %add3A_2337 : i32 to index
        %get3A_2471 = arith.constant 0 : index
        %get3A_2472 = tpu.vector_load %arg10[%get3A_2469, %get3A_2470, %get3A_2471] {strides = array<i32>} : memref<13x128x16xf32, #tpu.memory_space<vmem>>, vector<16xf32>,
        %add3A_2473 = arith.addf %add3A_2461, %get3A_2472 : vector<16xf32>
        %get3A_2474 = arith.constant 11 : i32
        %get3A_2475 = arith.index_cast %get3A_2474 : i32 to index
        %get3A_2476 = arith.index_cast %add3A_2337 : i32 to index
        %get3A_2477 = arith.constant 0 : index
        %get3A_2478 = tpu.vector_load %arg11[%get3A_2475, %get3A_2476, %get3A_2477] {strides = array<i32>} : memref<13x128x16xf32, #tpu.memory_space<vmem>>, vector<16xf32>,
        %add3A_2479 = arith.addf %add3A_2467, %get3A_2478 : vector<16xf32>
        %get3A_2480 = arith.constant 12 : i32
        %get3A_2481 = arith.index_cast %get3A_2480 : i32 to index
        %get3A_2482 = arith.index_cast %add3A_2337 : i32 to index
        %get3A_2483 = arith.constant 0 : index
        %get3A_2484 = tpu.vector_load %arg10[%get3A_2481, %get3A_2482, %get3A_2483] {strides = array<i32>} : memref<13x128x16xf32, #tpu.memory_space<vmem>>, vector<16xf32>,
        %add3A_2485 = arith.addf %add3A_2473, %get3A_2484 : vector<16xf32>
        %get3A_2486 = arith.constant 12 : i32
        %get3A_2487 = arith.index_cast %get3A_2486 : i32 to index
        %get3A_2488 = arith.index_cast %add3A_2337 : i32 to index
        %get3A_2489 = arith.constant 0 : index
        %get3A_2490 = tpu.vector_load %arg11[%get3A_2487, %get3A_2488, %get3A_2489] {strides = array<i32>} : memref<13x128x16xf32, #tpu.memory_space<vmem>>, vector<16xf32>,
        %add3A_2491 = arith.addf %add3A_2479, %get3A_2490 : vector<16xf32>
        %mul3A_2492 = arith.mulf %add3A_2485, %add3A_2491 : vector<16xf32>
        %reduce_sum3A_2493 = arith.constant true
        %reduce_sum3A_2494 = vector.broadcast %reduce_sum3A_2493 : i1 to vector<16xi1>
        %reduce_sum3A_2495 = tpu.scan <sum>, %mul3A_2492 masked %reduce_sum3A_2494 : vector<16xf32>, vector<16xi1> -> vector<16xf32>
        %reduce_sum3A_2496 = vector.extract %reduce_sum3A_2495[15] : f32 from vector<16xf32>
        %eq3A_2497 = arith.constant 10 : i32
        %eq3A_2498 = vector.broadcast %eq3A_2497 : i32 to vector<16xi32>
        %eq3A_2499 = arith.cmpi eq, %iota3A, %eq3A_2498 : vector<16xi32>
        %broadcast_in_dim3A_2500 = vector.broadcast %reduce_sum3A_2496 : f32 to vector<16xf32>
        %select_n3A_2501 = arith.select %eq3A_2499, %broadcast_in_dim3A_2500, %select_n3A_2333 : vector<16xi1>, vector<16xf32>
        %mul3A_2502 = arith.constant 16 : i32
        %mul3A_2503 = arith.muli %scan3A_654, %mul3A_2502 : i32
        %add3A_2504 = arith.constant 11 : i32
        %add3A_2505 = arith.addi %mul3A_2503, %add3A_2504 : i32
        %get3A_2506 = arith.constant 0 : i32
        %get3A_2507 = arith.index_cast %get3A_2506 : i32 to index
        %get3A_2508 = arith.index_cast %add3A_2505 : i32 to index
        %get3A_2509 = arith.constant 0 : index
        %get3A_2510 = tpu.vector_load %arg10[%get3A_2507, %get3A_2508, %get3A_2509] {strides = array<i32>} : memref<13x128x16xf32, #tpu.memory_space<vmem>>, vector<16xf32>,
        %get3A_2511 = arith.constant 0 : i32
        %get3A_2512 = arith.index_cast %get3A_2511 : i32 to index
        %get3A_2513 = arith.index_cast %add3A_2505 : i32 to index
        %get3A_2514 = arith.constant 0 : index
        %get3A_2515 = tpu.vector_load %arg11[%get3A_2512, %get3A_2513, %get3A_2514] {strides = array<i32>} : memref<13x128x16xf32, #tpu.memory_space<vmem>>, vector<16xf32>,
        %get3A_2516 = arith.constant 1 : i32
        %get3A_2517 = arith.index_cast %get3A_2516 : i32 to index
        %get3A_2518 = arith.index_cast %add3A_2505 : i32 to index
        %get3A_2519 = arith.constant 0 : index
        %get3A_2520 = tpu.vector_load %arg10[%get3A_2517, %get3A_2518, %get3A_2519] {strides = array<i32>} : memref<13x128x16xf32, #tpu.memory_space<vmem>>, vector<16xf32>,
        %add3A_2521 = arith.addf %get3A_2510, %get3A_2520 : vector<16xf32>
        %get3A_2522 = arith.constant 1 : i32
        %get3A_2523 = arith.index_cast %get3A_2522 : i32 to index
        %get3A_2524 = arith.index_cast %add3A_2505 : i32 to index
        %get3A_2525 = arith.constant 0 : index
        %get3A_2526 = tpu.vector_load %arg11[%get3A_2523, %get3A_2524, %get3A_2525] {strides = array<i32>} : memref<13x128x16xf32, #tpu.memory_space<vmem>>, vector<16xf32>,
        %add3A_2527 = arith.addf %get3A_2515, %get3A_2526 : vector<16xf32>
        %get3A_2528 = arith.constant 2 : i32
        %get3A_2529 = arith.index_cast %get3A_2528 : i32 to index
        %get3A_2530 = arith.index_cast %add3A_2505 : i32 to index
        %get3A_2531 = arith.constant 0 : index
        %get3A_2532 = tpu.vector_load %arg10[%get3A_2529, %get3A_2530, %get3A_2531] {strides = array<i32>} : memref<13x128x16xf32, #tpu.memory_space<vmem>>, vector<16xf32>,
        %add3A_2533 = arith.addf %add3A_2521, %get3A_2532 : vector<16xf32>
        %get3A_2534 = arith.constant 2 : i32
        %get3A_2535 = arith.index_cast %get3A_2534 : i32 to index
        %get3A_2536 = arith.index_cast %add3A_2505 : i32 to index
        %get3A_2537 = arith.constant 0 : index
        %get3A_2538 = tpu.vector_load %arg11[%get3A_2535, %get3A_2536, %get3A_2537] {strides = array<i32>} : memref<13x128x16xf32, #tpu.memory_space<vmem>>, vector<16xf32>,
        %add3A_2539 = arith.addf %add3A_2527, %get3A_2538 : vector<16xf32>
        %get3A_2540 = arith.constant 3 : i32
        %get3A_2541 = arith.index_cast %get3A_2540 : i32 to index
        %get3A_2542 = arith.index_cast %add3A_2505 : i32 to index
        %get3A_2543 = arith.constant 0 : index
        %get3A_2544 = tpu.vector_load %arg10[%get3A_2541, %get3A_2542, %get3A_2543] {strides = array<i32>} : memref<13x128x16xf32, #tpu.memory_space<vmem>>, vector<16xf32>,
        %add3A_2545 = arith.addf %add3A_2533, %get3A_2544 : vector<16xf32>
        %get3A_2546 = arith.constant 3 : i32
        %get3A_2547 = arith.index_cast %get3A_2546 : i32 to index
        %get3A_2548 = arith.index_cast %add3A_2505 : i32 to index
        %get3A_2549 = arith.constant 0 : index
        %get3A_2550 = tpu.vector_load %arg11[%get3A_2547, %get3A_2548, %get3A_2549] {strides = array<i32>} : memref<13x128x16xf32, #tpu.memory_space<vmem>>, vector<16xf32>,
        %add3A_2551 = arith.addf %add3A_2539, %get3A_2550 : vector<16xf32>
        %get3A_2552 = arith.constant 4 : i32
        %get3A_2553 = arith.index_cast %get3A_2552 : i32 to index
        %get3A_2554 = arith.index_cast %add3A_2505 : i32 to index
        %get3A_2555 = arith.constant 0 : index
        %get3A_2556 = tpu.vector_load %arg10[%get3A_2553, %get3A_2554, %get3A_2555] {strides = array<i32>} : memref<13x128x16xf32, #tpu.memory_space<vmem>>, vector<16xf32>,
        %add3A_2557 = arith.addf %add3A_2545, %get3A_2556 : vector<16xf32>
        %get3A_2558 = arith.constant 4 : i32
        %get3A_2559 = arith.index_cast %get3A_2558 : i32 to index
        %get3A_2560 = arith.index_cast %add3A_2505 : i32 to index
        %get3A_2561 = arith.constant 0 : index
        %get3A_2562 = tpu.vector_load %arg11[%get3A_2559, %get3A_2560, %get3A_2561] {strides = array<i32>} : memref<13x128x16xf32, #tpu.memory_space<vmem>>, vector<16xf32>,
        %add3A_2563 = arith.addf %add3A_2551, %get3A_2562 : vector<16xf32>
        %get3A_2564 = arith.constant 5 : i32
        %get3A_2565 = arith.index_cast %get3A_2564 : i32 to index
        %get3A_2566 = arith.index_cast %add3A_2505 : i32 to index
        %get3A_2567 = arith.constant 0 : index
        %get3A_2568 = tpu.vector_load %arg10[%get3A_2565, %get3A_2566, %get3A_2567] {strides = array<i32>} : memref<13x128x16xf32, #tpu.memory_space<vmem>>, vector<16xf32>,
        %add3A_2569 = arith.addf %add3A_2557, %get3A_2568 : vector<16xf32>
        %get3A_2570 = arith.constant 5 : i32
        %get3A_2571 = arith.index_cast %get3A_2570 : i32 to index
        %get3A_2572 = arith.index_cast %add3A_2505 : i32 to index
        %get3A_2573 = arith.constant 0 : index
        %get3A_2574 = tpu.vector_load %arg11[%get3A_2571, %get3A_2572, %get3A_2573] {strides = array<i32>} : memref<13x128x16xf32, #tpu.memory_space<vmem>>, vector<16xf32>,
        %add3A_2575 = arith.addf %add3A_2563, %get3A_2574 : vector<16xf32>
        %get3A_2576 = arith.constant 6 : i32
        %get3A_2577 = arith.index_cast %get3A_2576 : i32 to index
        %get3A_2578 = arith.index_cast %add3A_2505 : i32 to index
        %get3A_2579 = arith.constant 0 : index
        %get3A_2580 = tpu.vector_load %arg10[%get3A_2577, %get3A_2578, %get3A_2579] {strides = array<i32>} : memref<13x128x16xf32, #tpu.memory_space<vmem>>, vector<16xf32>,
        %add3A_2581 = arith.addf %add3A_2569, %get3A_2580 : vector<16xf32>
        %get3A_2582 = arith.constant 6 : i32
        %get3A_2583 = arith.index_cast %get3A_2582 : i32 to index
        %get3A_2584 = arith.index_cast %add3A_2505 : i32 to index
        %get3A_2585 = arith.constant 0 : index
        %get3A_2586 = tpu.vector_load %arg11[%get3A_2583, %get3A_2584, %get3A_2585] {strides = array<i32>} : memref<13x128x16xf32, #tpu.memory_space<vmem>>, vector<16xf32>,
        %add3A_2587 = arith.addf %add3A_2575, %get3A_2586 : vector<16xf32>
        %get3A_2588 = arith.constant 7 : i32
        %get3A_2589 = arith.index_cast %get3A_2588 : i32 to index
        %get3A_2590 = arith.index_cast %add3A_2505 : i32 to index
        %get3A_2591 = arith.constant 0 : index
        %get3A_2592 = tpu.vector_load %arg10[%get3A_2589, %get3A_2590, %get3A_2591] {strides = array<i32>} : memref<13x128x16xf32, #tpu.memory_space<vmem>>, vector<16xf32>,
        %add3A_2593 = arith.addf %add3A_2581, %get3A_2592 : vector<16xf32>
        %get3A_2594 = arith.constant 7 : i32
        %get3A_2595 = arith.index_cast %get3A_2594 : i32 to index
        %get3A_2596 = arith.index_cast %add3A_2505 : i32 to index
        %get3A_2597 = arith.constant 0 : index
        %get3A_2598 = tpu.vector_load %arg11[%get3A_2595, %get3A_2596, %get3A_2597] {strides = array<i32>} : memref<13x128x16xf32, #tpu.memory_space<vmem>>, vector<16xf32>,
        %add3A_2599 = arith.addf %add3A_2587, %get3A_2598 : vector<16xf32>
        %get3A_2600 = arith.constant 8 : i32
        %get3A_2601 = arith.index_cast %get3A_2600 : i32 to index
        %get3A_2602 = arith.index_cast %add3A_2505 : i32 to index
        %get3A_2603 = arith.constant 0 : index
        %get3A_2604 = tpu.vector_load %arg10[%get3A_2601, %get3A_2602, %get3A_2603] {strides = array<i32>} : memref<13x128x16xf32, #tpu.memory_space<vmem>>, vector<16xf32>,
        %add3A_2605 = arith.addf %add3A_2593, %get3A_2604 : vector<16xf32>
        %get3A_2606 = arith.constant 8 : i32
        %get3A_2607 = arith.index_cast %get3A_2606 : i32 to index
        %get3A_2608 = arith.index_cast %add3A_2505 : i32 to index
        %get3A_2609 = arith.constant 0 : index
        %get3A_2610 = tpu.vector_load %arg11[%get3A_2607, %get3A_2608, %get3A_2609] {strides = array<i32>} : memref<13x128x16xf32, #tpu.memory_space<vmem>>, vector<16xf32>,
        %add3A_2611 = arith.addf %add3A_2599, %get3A_2610 : vector<16xf32>
        %get3A_2612 = arith.constant 9 : i32
        %get3A_2613 = arith.index_cast %get3A_2612 : i32 to index
        %get3A_2614 = arith.index_cast %add3A_2505 : i32 to index
        %get3A_2615 = arith.constant 0 : index
        %get3A_2616 = tpu.vector_load %arg10[%get3A_2613, %get3A_2614, %get3A_2615] {strides = array<i32>} : memref<13x128x16xf32, #tpu.memory_space<vmem>>, vector<16xf32>,
        %add3A_2617 = arith.addf %add3A_2605, %get3A_2616 : vector<16xf32>
        %get3A_2618 = arith.constant 9 : i32
        %get3A_2619 = arith.index_cast %get3A_2618 : i32 to index
        %get3A_2620 = arith.index_cast %add3A_2505 : i32 to index
        %get3A_2621 = arith.constant 0 : index
        %get3A_2622 = tpu.vector_load %arg11[%get3A_2619, %get3A_2620, %get3A_2621] {strides = array<i32>} : memref<13x128x16xf32, #tpu.memory_space<vmem>>, vector<16xf32>,
        %add3A_2623 = arith.addf %add3A_2611, %get3A_2622 : vector<16xf32>
        %get3A_2624 = arith.constant 10 : i32
        %get3A_2625 = arith.index_cast %get3A_2624 : i32 to index
        %get3A_2626 = arith.index_cast %add3A_2505 : i32 to index
        %get3A_2627 = arith.constant 0 : index
        %get3A_2628 = tpu.vector_load %arg10[%get3A_2625, %get3A_2626, %get3A_2627] {strides = array<i32>} : memref<13x128x16xf32, #tpu.memory_space<vmem>>, vector<16xf32>,
        %add3A_2629 = arith.addf %add3A_2617, %get3A_2628 : vector<16xf32>
        %get3A_2630 = arith.constant 10 : i32
        %get3A_2631 = arith.index_cast %get3A_2630 : i32 to index
        %get3A_2632 = arith.index_cast %add3A_2505 : i32 to index
        %get3A_2633 = arith.constant 0 : index
        %get3A_2634 = tpu.vector_load %arg11[%get3A_2631, %get3A_2632, %get3A_2633] {strides = array<i32>} : memref<13x128x16xf32, #tpu.memory_space<vmem>>, vector<16xf32>,
        %add3A_2635 = arith.addf %add3A_2623, %get3A_2634 : vector<16xf32>
        %get3A_2636 = arith.constant 11 : i32
        %get3A_2637 = arith.index_cast %get3A_2636 : i32 to index
        %get3A_2638 = arith.index_cast %add3A_2505 : i32 to index
        %get3A_2639 = arith.constant 0 : index
        %get3A_2640 = tpu.vector_load %arg10[%get3A_2637, %get3A_2638, %get3A_2639] {strides = array<i32>} : memref<13x128x16xf32, #tpu.memory_space<vmem>>, vector<16xf32>,
        %add3A_2641 = arith.addf %add3A_2629, %get3A_2640 : vector<16xf32>
        %get3A_2642 = arith.constant 11 : i32
        %get3A_2643 = arith.index_cast %get3A_2642 : i32 to index
        %get3A_2644 = arith.index_cast %add3A_2505 : i32 to index
        %get3A_2645 = arith.constant 0 : index
        %get3A_2646 = tpu.vector_load %arg11[%get3A_2643, %get3A_2644, %get3A_2645] {strides = array<i32>} : memref<13x128x16xf32, #tpu.memory_space<vmem>>, vector<16xf32>,
        %add3A_2647 = arith.addf %add3A_2635, %get3A_2646 : vector<16xf32>
        %get3A_2648 = arith.constant 12 : i32
        %get3A_2649 = arith.index_cast %get3A_2648 : i32 to index
        %get3A_2650 = arith.index_cast %add3A_2505 : i32 to index
        %get3A_2651 = arith.constant 0 : index
        %get3A_2652 = tpu.vector_load %arg10[%get3A_2649, %get3A_2650, %get3A_2651] {strides = array<i32>} : memref<13x128x16xf32, #tpu.memory_space<vmem>>, vector<16xf32>,
        %add3A_2653 = arith.addf %add3A_2641, %get3A_2652 : vector<16xf32>
        %get3A_2654 = arith.constant 12 : i32
        %get3A_2655 = arith.index_cast %get3A_2654 : i32 to index
        %get3A_2656 = arith.index_cast %add3A_2505 : i32 to index
        %get3A_2657 = arith.constant 0 : index
        %get3A_2658 = tpu.vector_load %arg11[%get3A_2655, %get3A_2656, %get3A_2657] {strides = array<i32>} : memref<13x128x16xf32, #tpu.memory_space<vmem>>, vector<16xf32>,
        %add3A_2659 = arith.addf %add3A_2647, %get3A_2658 : vector<16xf32>
        %mul3A_2660 = arith.mulf %add3A_2653, %add3A_2659 : vector<16xf32>
        %reduce_sum3A_2661 = arith.constant true
        %reduce_sum3A_2662 = vector.broadcast %reduce_sum3A_2661 : i1 to vector<16xi1>
        %reduce_sum3A_2663 = tpu.scan <sum>, %mul3A_2660 masked %reduce_sum3A_2662 : vector<16xf32>, vector<16xi1> -> vector<16xf32>
        %reduce_sum3A_2664 = vector.extract %reduce_sum3A_2663[15] : f32 from vector<16xf32>
        %eq3A_2665 = arith.constant 11 : i32
        %eq3A_2666 = vector.broadcast %eq3A_2665 : i32 to vector<16xi32>
        %eq3A_2667 = arith.cmpi eq, %iota3A, %eq3A_2666 : vector<16xi32>
        %broadcast_in_dim3A_2668 = vector.broadcast %reduce_sum3A_2664 : f32 to vector<16xf32>
        %select_n3A_2669 = arith.select %eq3A_2667, %broadcast_in_dim3A_2668, %select_n3A_2501 : vector<16xi1>, vector<16xf32>
        %mul3A_2670 = arith.constant 16 : i32
        %mul3A_2671 = arith.muli %scan3A_654, %mul3A_2670 : i32
        %add3A_2672 = arith.constant 12 : i32
        %add3A_2673 = arith.addi %mul3A_2671, %add3A_2672 : i32
        %get3A_2674 = arith.constant 0 : i32
        %get3A_2675 = arith.index_cast %get3A_2674 : i32 to index
        %get3A_2676 = arith.index_cast %add3A_2673 : i32 to index
        %get3A_2677 = arith.constant 0 : index
        %get3A_2678 = tpu.vector_load %arg10[%get3A_2675, %get3A_2676, %get3A_2677] {strides = array<i32>} : memref<13x128x16xf32, #tpu.memory_space<vmem>>, vector<16xf32>,
        %get3A_2679 = arith.constant 0 : i32
        %get3A_2680 = arith.index_cast %get3A_2679 : i32 to index
        %get3A_2681 = arith.index_cast %add3A_2673 : i32 to index
        %get3A_2682 = arith.constant 0 : index
        %get3A_2683 = tpu.vector_load %arg11[%get3A_2680, %get3A_2681, %get3A_2682] {strides = array<i32>} : memref<13x128x16xf32, #tpu.memory_space<vmem>>, vector<16xf32>,
        %get3A_2684 = arith.constant 1 : i32
        %get3A_2685 = arith.index_cast %get3A_2684 : i32 to index
        %get3A_2686 = arith.index_cast %add3A_2673 : i32 to index
        %get3A_2687 = arith.constant 0 : index
        %get3A_2688 = tpu.vector_load %arg10[%get3A_2685, %get3A_2686, %get3A_2687] {strides = array<i32>} : memref<13x128x16xf32, #tpu.memory_space<vmem>>, vector<16xf32>,
        %add3A_2689 = arith.addf %get3A_2678, %get3A_2688 : vector<16xf32>
        %get3A_2690 = arith.constant 1 : i32
        %get3A_2691 = arith.index_cast %get3A_2690 : i32 to index
        %get3A_2692 = arith.index_cast %add3A_2673 : i32 to index
        %get3A_2693 = arith.constant 0 : index
        %get3A_2694 = tpu.vector_load %arg11[%get3A_2691, %get3A_2692, %get3A_2693] {strides = array<i32>} : memref<13x128x16xf32, #tpu.memory_space<vmem>>, vector<16xf32>,
        %add3A_2695 = arith.addf %get3A_2683, %get3A_2694 : vector<16xf32>
        %get3A_2696 = arith.constant 2 : i32
        %get3A_2697 = arith.index_cast %get3A_2696 : i32 to index
        %get3A_2698 = arith.index_cast %add3A_2673 : i32 to index
        %get3A_2699 = arith.constant 0 : index
        %get3A_2700 = tpu.vector_load %arg10[%get3A_2697, %get3A_2698, %get3A_2699] {strides = array<i32>} : memref<13x128x16xf32, #tpu.memory_space<vmem>>, vector<16xf32>,
        %add3A_2701 = arith.addf %add3A_2689, %get3A_2700 : vector<16xf32>
        %get3A_2702 = arith.constant 2 : i32
        %get3A_2703 = arith.index_cast %get3A_2702 : i32 to index
        %get3A_2704 = arith.index_cast %add3A_2673 : i32 to index
        %get3A_2705 = arith.constant 0 : index
        %get3A_2706 = tpu.vector_load %arg11[%get3A_2703, %get3A_2704, %get3A_2705] {strides = array<i32>} : memref<13x128x16xf32, #tpu.memory_space<vmem>>, vector<16xf32>,
        %add3A_2707 = arith.addf %add3A_2695, %get3A_2706 : vector<16xf32>
        %get3A_2708 = arith.constant 3 : i32
        %get3A_2709 = arith.index_cast %get3A_2708 : i32 to index
        %get3A_2710 = arith.index_cast %add3A_2673 : i32 to index
        %get3A_2711 = arith.constant 0 : index
        %get3A_2712 = tpu.vector_load %arg10[%get3A_2709, %get3A_2710, %get3A_2711] {strides = array<i32>} : memref<13x128x16xf32, #tpu.memory_space<vmem>>, vector<16xf32>,
        %add3A_2713 = arith.addf %add3A_2701, %get3A_2712 : vector<16xf32>
        %get3A_2714 = arith.constant 3 : i32
        %get3A_2715 = arith.index_cast %get3A_2714 : i32 to index
        %get3A_2716 = arith.index_cast %add3A_2673 : i32 to index
        %get3A_2717 = arith.constant 0 : index
        %get3A_2718 = tpu.vector_load %arg11[%get3A_2715, %get3A_2716, %get3A_2717] {strides = array<i32>} : memref<13x128x16xf32, #tpu.memory_space<vmem>>, vector<16xf32>,
        %add3A_2719 = arith.addf %add3A_2707, %get3A_2718 : vector<16xf32>
        %get3A_2720 = arith.constant 4 : i32
        %get3A_2721 = arith.index_cast %get3A_2720 : i32 to index
        %get3A_2722 = arith.index_cast %add3A_2673 : i32 to index
        %get3A_2723 = arith.constant 0 : index
        %get3A_2724 = tpu.vector_load %arg10[%get3A_2721, %get3A_2722, %get3A_2723] {strides = array<i32>} : memref<13x128x16xf32, #tpu.memory_space<vmem>>, vector<16xf32>,
        %add3A_2725 = arith.addf %add3A_2713, %get3A_2724 : vector<16xf32>
        %get3A_2726 = arith.constant 4 : i32
        %get3A_2727 = arith.index_cast %get3A_2726 : i32 to index
        %get3A_2728 = arith.index_cast %add3A_2673 : i32 to index
        %get3A_2729 = arith.constant 0 : index
        %get3A_2730 = tpu.vector_load %arg11[%get3A_2727, %get3A_2728, %get3A_2729] {strides = array<i32>} : memref<13x128x16xf32, #tpu.memory_space<vmem>>, vector<16xf32>,
        %add3A_2731 = arith.addf %add3A_2719, %get3A_2730 : vector<16xf32>
        %get3A_2732 = arith.constant 5 : i32
        %get3A_2733 = arith.index_cast %get3A_2732 : i32 to index
        %get3A_2734 = arith.index_cast %add3A_2673 : i32 to index
        %get3A_2735 = arith.constant 0 : index
        %get3A_2736 = tpu.vector_load %arg10[%get3A_2733, %get3A_2734, %get3A_2735] {strides = array<i32>} : memref<13x128x16xf32, #tpu.memory_space<vmem>>, vector<16xf32>,
        %add3A_2737 = arith.addf %add3A_2725, %get3A_2736 : vector<16xf32>
        %get3A_2738 = arith.constant 5 : i32
        %get3A_2739 = arith.index_cast %get3A_2738 : i32 to index
        %get3A_2740 = arith.index_cast %add3A_2673 : i32 to index
        %get3A_2741 = arith.constant 0 : index
        %get3A_2742 = tpu.vector_load %arg11[%get3A_2739, %get3A_2740, %get3A_2741] {strides = array<i32>} : memref<13x128x16xf32, #tpu.memory_space<vmem>>, vector<16xf32>,
        %add3A_2743 = arith.addf %add3A_2731, %get3A_2742 : vector<16xf32>
        %get3A_2744 = arith.constant 6 : i32
        %get3A_2745 = arith.index_cast %get3A_2744 : i32 to index
        %get3A_2746 = arith.index_cast %add3A_2673 : i32 to index
        %get3A_2747 = arith.constant 0 : index
        %get3A_2748 = tpu.vector_load %arg10[%get3A_2745, %get3A_2746, %get3A_2747] {strides = array<i32>} : memref<13x128x16xf32, #tpu.memory_space<vmem>>, vector<16xf32>,
        %add3A_2749 = arith.addf %add3A_2737, %get3A_2748 : vector<16xf32>
        %get3A_2750 = arith.constant 6 : i32
        %get3A_2751 = arith.index_cast %get3A_2750 : i32 to index
        %get3A_2752 = arith.index_cast %add3A_2673 : i32 to index
        %get3A_2753 = arith.constant 0 : index
        %get3A_2754 = tpu.vector_load %arg11[%get3A_2751, %get3A_2752, %get3A_2753] {strides = array<i32>} : memref<13x128x16xf32, #tpu.memory_space<vmem>>, vector<16xf32>,
        %add3A_2755 = arith.addf %add3A_2743, %get3A_2754 : vector<16xf32>
        %get3A_2756 = arith.constant 7 : i32
        %get3A_2757 = arith.index_cast %get3A_2756 : i32 to index
        %get3A_2758 = arith.index_cast %add3A_2673 : i32 to index
        %get3A_2759 = arith.constant 0 : index
        %get3A_2760 = tpu.vector_load %arg10[%get3A_2757, %get3A_2758, %get3A_2759] {strides = array<i32>} : memref<13x128x16xf32, #tpu.memory_space<vmem>>, vector<16xf32>,
        %add3A_2761 = arith.addf %add3A_2749, %get3A_2760 : vector<16xf32>
        %get3A_2762 = arith.constant 7 : i32
        %get3A_2763 = arith.index_cast %get3A_2762 : i32 to index
        %get3A_2764 = arith.index_cast %add3A_2673 : i32 to index
        %get3A_2765 = arith.constant 0 : index
        %get3A_2766 = tpu.vector_load %arg11[%get3A_2763, %get3A_2764, %get3A_2765] {strides = array<i32>} : memref<13x128x16xf32, #tpu.memory_space<vmem>>, vector<16xf32>,
        %add3A_2767 = arith.addf %add3A_2755, %get3A_2766 : vector<16xf32>
        %get3A_2768 = arith.constant 8 : i32
        %get3A_2769 = arith.index_cast %get3A_2768 : i32 to index
        %get3A_2770 = arith.index_cast %add3A_2673 : i32 to index
        %get3A_2771 = arith.constant 0 : index
        %get3A_2772 = tpu.vector_load %arg10[%get3A_2769, %get3A_2770, %get3A_2771] {strides = array<i32>} : memref<13x128x16xf32, #tpu.memory_space<vmem>>, vector<16xf32>,
        %add3A_2773 = arith.addf %add3A_2761, %get3A_2772 : vector<16xf32>
        %get3A_2774 = arith.constant 8 : i32
        %get3A_2775 = arith.index_cast %get3A_2774 : i32 to index
        %get3A_2776 = arith.index_cast %add3A_2673 : i32 to index
        %get3A_2777 = arith.constant 0 : index
        %get3A_2778 = tpu.vector_load %arg11[%get3A_2775, %get3A_2776, %get3A_2777] {strides = array<i32>} : memref<13x128x16xf32, #tpu.memory_space<vmem>>, vector<16xf32>,
        %add3A_2779 = arith.addf %add3A_2767, %get3A_2778 : vector<16xf32>
        %get3A_2780 = arith.constant 9 : i32
        %get3A_2781 = arith.index_cast %get3A_2780 : i32 to index
        %get3A_2782 = arith.index_cast %add3A_2673 : i32 to index
        %get3A_2783 = arith.constant 0 : index
        %get3A_2784 = tpu.vector_load %arg10[%get3A_2781, %get3A_2782, %get3A_2783] {strides = array<i32>} : memref<13x128x16xf32, #tpu.memory_space<vmem>>, vector<16xf32>,
        %add3A_2785 = arith.addf %add3A_2773, %get3A_2784 : vector<16xf32>
        %get3A_2786 = arith.constant 9 : i32
        %get3A_2787 = arith.index_cast %get3A_2786 : i32 to index
        %get3A_2788 = arith.index_cast %add3A_2673 : i32 to index
        %get3A_2789 = arith.constant 0 : index
        %get3A_2790 = tpu.vector_load %arg11[%get3A_2787, %get3A_2788, %get3A_2789] {strides = array<i32>} : memref<13x128x16xf32, #tpu.memory_space<vmem>>, vector<16xf32>,
        %add3A_2791 = arith.addf %add3A_2779, %get3A_2790 : vector<16xf32>
        %get3A_2792 = arith.constant 10 : i32
        %get3A_2793 = arith.index_cast %get3A_2792 : i32 to index
        %get3A_2794 = arith.index_cast %add3A_2673 : i32 to index
        %get3A_2795 = arith.constant 0 : index
        %get3A_2796 = tpu.vector_load %arg10[%get3A_2793, %get3A_2794, %get3A_2795] {strides = array<i32>} : memref<13x128x16xf32, #tpu.memory_space<vmem>>, vector<16xf32>,
        %add3A_2797 = arith.addf %add3A_2785, %get3A_2796 : vector<16xf32>
        %get3A_2798 = arith.constant 10 : i32
        %get3A_2799 = arith.index_cast %get3A_2798 : i32 to index
        %get3A_2800 = arith.index_cast %add3A_2673 : i32 to index
        %get3A_2801 = arith.constant 0 : index
        %get3A_2802 = tpu.vector_load %arg11[%get3A_2799, %get3A_2800, %get3A_2801] {strides = array<i32>} : memref<13x128x16xf32, #tpu.memory_space<vmem>>, vector<16xf32>,
        %add3A_2803 = arith.addf %add3A_2791, %get3A_2802 : vector<16xf32>
        %get3A_2804 = arith.constant 11 : i32
        %get3A_2805 = arith.index_cast %get3A_2804 : i32 to index
        %get3A_2806 = arith.index_cast %add3A_2673 : i32 to index
        %get3A_2807 = arith.constant 0 : index
        %get3A_2808 = tpu.vector_load %arg10[%get3A_2805, %get3A_2806, %get3A_2807] {strides = array<i32>} : memref<13x128x16xf32, #tpu.memory_space<vmem>>, vector<16xf32>,
        %add3A_2809 = arith.addf %add3A_2797, %get3A_2808 : vector<16xf32>
        %get3A_2810 = arith.constant 11 : i32
        %get3A_2811 = arith.index_cast %get3A_2810 : i32 to index
        %get3A_2812 = arith.index_cast %add3A_2673 : i32 to index
        %get3A_2813 = arith.constant 0 : index
        %get3A_2814 = tpu.vector_load %arg11[%get3A_2811, %get3A_2812, %get3A_2813] {strides = array<i32>} : memref<13x128x16xf32, #tpu.memory_space<vmem>>, vector<16xf32>,
        %add3A_2815 = arith.addf %add3A_2803, %get3A_2814 : vector<16xf32>
        %get3A_2816 = arith.constant 12 : i32
        %get3A_2817 = arith.index_cast %get3A_2816 : i32 to index
        %get3A_2818 = arith.index_cast %add3A_2673 : i32 to index
        %get3A_2819 = arith.constant 0 : index
        %get3A_2820 = tpu.vector_load %arg10[%get3A_2817, %get3A_2818, %get3A_2819] {strides = array<i32>} : memref<13x128x16xf32, #tpu.memory_space<vmem>>, vector<16xf32>,
        %add3A_2821 = arith.addf %add3A_2809, %get3A_2820 : vector<16xf32>
        %get3A_2822 = arith.constant 12 : i32
        %get3A_2823 = arith.index_cast %get3A_2822 : i32 to index
        %get3A_2824 = arith.index_cast %add3A_2673 : i32 to index
        %get3A_2825 = arith.constant 0 : index
        %get3A_2826 = tpu.vector_load %arg11[%get3A_2823, %get3A_2824, %get3A_2825] {strides = array<i32>} : memref<13x128x16xf32, #tpu.memory_space<vmem>>, vector<16xf32>,
        %add3A_2827 = arith.addf %add3A_2815, %get3A_2826 : vector<16xf32>
        %mul3A_2828 = arith.mulf %add3A_2821, %add3A_2827 : vector<16xf32>
        %reduce_sum3A_2829 = arith.constant true
        %reduce_sum3A_2830 = vector.broadcast %reduce_sum3A_2829 : i1 to vector<16xi1>
        %reduce_sum3A_2831 = tpu.scan <sum>, %mul3A_2828 masked %reduce_sum3A_2830 : vector<16xf32>, vector<16xi1> -> vector<16xf32>
        %reduce_sum3A_2832 = vector.extract %reduce_sum3A_2831[15] : f32 from vector<16xf32>
        %eq3A_2833 = arith.constant 12 : i32
        %eq3A_2834 = vector.broadcast %eq3A_2833 : i32 to vector<16xi32>
        %eq3A_2835 = arith.cmpi eq, %iota3A, %eq3A_2834 : vector<16xi32>
        %broadcast_in_dim3A_2836 = vector.broadcast %reduce_sum3A_2832 : f32 to vector<16xf32>
        %select_n3A_2837 = arith.select %eq3A_2835, %broadcast_in_dim3A_2836, %select_n3A_2669 : vector<16xi1>, vector<16xf32>
        %mul3A_2838 = arith.constant 16 : i32
        %mul3A_2839 = arith.muli %scan3A_654, %mul3A_2838 : i32
        %add3A_2840 = arith.constant 13 : i32
        %add3A_2841 = arith.addi %mul3A_2839, %add3A_2840 : i32
        %get3A_2842 = arith.constant 0 : i32
        %get3A_2843 = arith.index_cast %get3A_2842 : i32 to index
        %get3A_2844 = arith.index_cast %add3A_2841 : i32 to index
        %get3A_2845 = arith.constant 0 : index
        %get3A_2846 = tpu.vector_load %arg10[%get3A_2843, %get3A_2844, %get3A_2845] {strides = array<i32>} : memref<13x128x16xf32, #tpu.memory_space<vmem>>, vector<16xf32>,
        %get3A_2847 = arith.constant 0 : i32
        %get3A_2848 = arith.index_cast %get3A_2847 : i32 to index
        %get3A_2849 = arith.index_cast %add3A_2841 : i32 to index
        %get3A_2850 = arith.constant 0 : index
        %get3A_2851 = tpu.vector_load %arg11[%get3A_2848, %get3A_2849, %get3A_2850] {strides = array<i32>} : memref<13x128x16xf32, #tpu.memory_space<vmem>>, vector<16xf32>,
        %get3A_2852 = arith.constant 1 : i32
        %get3A_2853 = arith.index_cast %get3A_2852 : i32 to index
        %get3A_2854 = arith.index_cast %add3A_2841 : i32 to index
        %get3A_2855 = arith.constant 0 : index
        %get3A_2856 = tpu.vector_load %arg10[%get3A_2853, %get3A_2854, %get3A_2855] {strides = array<i32>} : memref<13x128x16xf32, #tpu.memory_space<vmem>>, vector<16xf32>,
        %add3A_2857 = arith.addf %get3A_2846, %get3A_2856 : vector<16xf32>
        %get3A_2858 = arith.constant 1 : i32
        %get3A_2859 = arith.index_cast %get3A_2858 : i32 to index
        %get3A_2860 = arith.index_cast %add3A_2841 : i32 to index
        %get3A_2861 = arith.constant 0 : index
        %get3A_2862 = tpu.vector_load %arg11[%get3A_2859, %get3A_2860, %get3A_2861] {strides = array<i32>} : memref<13x128x16xf32, #tpu.memory_space<vmem>>, vector<16xf32>,
        %add3A_2863 = arith.addf %get3A_2851, %get3A_2862 : vector<16xf32>
        %get3A_2864 = arith.constant 2 : i32
        %get3A_2865 = arith.index_cast %get3A_2864 : i32 to index
        %get3A_2866 = arith.index_cast %add3A_2841 : i32 to index
        %get3A_2867 = arith.constant 0 : index
        %get3A_2868 = tpu.vector_load %arg10[%get3A_2865, %get3A_2866, %get3A_2867] {strides = array<i32>} : memref<13x128x16xf32, #tpu.memory_space<vmem>>, vector<16xf32>,
        %add3A_2869 = arith.addf %add3A_2857, %get3A_2868 : vector<16xf32>
        %get3A_2870 = arith.constant 2 : i32
        %get3A_2871 = arith.index_cast %get3A_2870 : i32 to index
        %get3A_2872 = arith.index_cast %add3A_2841 : i32 to index
        %get3A_2873 = arith.constant 0 : index
        %get3A_2874 = tpu.vector_load %arg11[%get3A_2871, %get3A_2872, %get3A_2873] {strides = array<i32>} : memref<13x128x16xf32, #tpu.memory_space<vmem>>, vector<16xf32>,
        %add3A_2875 = arith.addf %add3A_2863, %get3A_2874 : vector<16xf32>
        %get3A_2876 = arith.constant 3 : i32
        %get3A_2877 = arith.index_cast %get3A_2876 : i32 to index
        %get3A_2878 = arith.index_cast %add3A_2841 : i32 to index
        %get3A_2879 = arith.constant 0 : index
        %get3A_2880 = tpu.vector_load %arg10[%get3A_2877, %get3A_2878, %get3A_2879] {strides = array<i32>} : memref<13x128x16xf32, #tpu.memory_space<vmem>>, vector<16xf32>,
        %add3A_2881 = arith.addf %add3A_2869, %get3A_2880 : vector<16xf32>
        %get3A_2882 = arith.constant 3 : i32
        %get3A_2883 = arith.index_cast %get3A_2882 : i32 to index
        %get3A_2884 = arith.index_cast %add3A_2841 : i32 to index
        %get3A_2885 = arith.constant 0 : index
        %get3A_2886 = tpu.vector_load %arg11[%get3A_2883, %get3A_2884, %get3A_2885] {strides = array<i32>} : memref<13x128x16xf32, #tpu.memory_space<vmem>>, vector<16xf32>,
        %add3A_2887 = arith.addf %add3A_2875, %get3A_2886 : vector<16xf32>
        %get3A_2888 = arith.constant 4 : i32
        %get3A_2889 = arith.index_cast %get3A_2888 : i32 to index
        %get3A_2890 = arith.index_cast %add3A_2841 : i32 to index
        %get3A_2891 = arith.constant 0 : index
        %get3A_2892 = tpu.vector_load %arg10[%get3A_2889, %get3A_2890, %get3A_2891] {strides = array<i32>} : memref<13x128x16xf32, #tpu.memory_space<vmem>>, vector<16xf32>,
        %add3A_2893 = arith.addf %add3A_2881, %get3A_2892 : vector<16xf32>
        %get3A_2894 = arith.constant 4 : i32
        %get3A_2895 = arith.index_cast %get3A_2894 : i32 to index
        %get3A_2896 = arith.index_cast %add3A_2841 : i32 to index
        %get3A_2897 = arith.constant 0 : index
        %get3A_2898 = tpu.vector_load %arg11[%get3A_2895, %get3A_2896, %get3A_2897] {strides = array<i32>} : memref<13x128x16xf32, #tpu.memory_space<vmem>>, vector<16xf32>,
        %add3A_2899 = arith.addf %add3A_2887, %get3A_2898 : vector<16xf32>
        %get3A_2900 = arith.constant 5 : i32
        %get3A_2901 = arith.index_cast %get3A_2900 : i32 to index
        %get3A_2902 = arith.index_cast %add3A_2841 : i32 to index
        %get3A_2903 = arith.constant 0 : index
        %get3A_2904 = tpu.vector_load %arg10[%get3A_2901, %get3A_2902, %get3A_2903] {strides = array<i32>} : memref<13x128x16xf32, #tpu.memory_space<vmem>>, vector<16xf32>,
        %add3A_2905 = arith.addf %add3A_2893, %get3A_2904 : vector<16xf32>
        %get3A_2906 = arith.constant 5 : i32
        %get3A_2907 = arith.index_cast %get3A_2906 : i32 to index
        %get3A_2908 = arith.index_cast %add3A_2841 : i32 to index
        %get3A_2909 = arith.constant 0 : index
        %get3A_2910 = tpu.vector_load %arg11[%get3A_2907, %get3A_2908, %get3A_2909] {strides = array<i32>} : memref<13x128x16xf32, #tpu.memory_space<vmem>>, vector<16xf32>,
        %add3A_2911 = arith.addf %add3A_2899, %get3A_2910 : vector<16xf32>
        %get3A_2912 = arith.constant 6 : i32
        %get3A_2913 = arith.index_cast %get3A_2912 : i32 to index
        %get3A_2914 = arith.index_cast %add3A_2841 : i32 to index
        %get3A_2915 = arith.constant 0 : index
        %get3A_2916 = tpu.vector_load %arg10[%get3A_2913, %get3A_2914, %get3A_2915] {strides = array<i32>} : memref<13x128x16xf32, #tpu.memory_space<vmem>>, vector<16xf32>,
        %add3A_2917 = arith.addf %add3A_2905, %get3A_2916 : vector<16xf32>
        %get3A_2918 = arith.constant 6 : i32
        %get3A_2919 = arith.index_cast %get3A_2918 : i32 to index
        %get3A_2920 = arith.index_cast %add3A_2841 : i32 to index
        %get3A_2921 = arith.constant 0 : index
        %get3A_2922 = tpu.vector_load %arg11[%get3A_2919, %get3A_2920, %get3A_2921] {strides = array<i32>} : memref<13x128x16xf32, #tpu.memory_space<vmem>>, vector<16xf32>,
        %add3A_2923 = arith.addf %add3A_2911, %get3A_2922 : vector<16xf32>
        %get3A_2924 = arith.constant 7 : i32
        %get3A_2925 = arith.index_cast %get3A_2924 : i32 to index
        %get3A_2926 = arith.index_cast %add3A_2841 : i32 to index
        %get3A_2927 = arith.constant 0 : index
        %get3A_2928 = tpu.vector_load %arg10[%get3A_2925, %get3A_2926, %get3A_2927] {strides = array<i32>} : memref<13x128x16xf32, #tpu.memory_space<vmem>>, vector<16xf32>,
        %add3A_2929 = arith.addf %add3A_2917, %get3A_2928 : vector<16xf32>
        %get3A_2930 = arith.constant 7 : i32
        %get3A_2931 = arith.index_cast %get3A_2930 : i32 to index
        %get3A_2932 = arith.index_cast %add3A_2841 : i32 to index
        %get3A_2933 = arith.constant 0 : index
        %get3A_2934 = tpu.vector_load %arg11[%get3A_2931, %get3A_2932, %get3A_2933] {strides = array<i32>} : memref<13x128x16xf32, #tpu.memory_space<vmem>>, vector<16xf32>,
        %add3A_2935 = arith.addf %add3A_2923, %get3A_2934 : vector<16xf32>
        %get3A_2936 = arith.constant 8 : i32
        %get3A_2937 = arith.index_cast %get3A_2936 : i32 to index
        %get3A_2938 = arith.index_cast %add3A_2841 : i32 to index
        %get3A_2939 = arith.constant 0 : index
        %get3A_2940 = tpu.vector_load %arg10[%get3A_2937, %get3A_2938, %get3A_2939] {strides = array<i32>} : memref<13x128x16xf32, #tpu.memory_space<vmem>>, vector<16xf32>,
        %add3A_2941 = arith.addf %add3A_2929, %get3A_2940 : vector<16xf32>
        %get3A_2942 = arith.constant 8 : i32
        %get3A_2943 = arith.index_cast %get3A_2942 : i32 to index
        %get3A_2944 = arith.index_cast %add3A_2841 : i32 to index
        %get3A_2945 = arith.constant 0 : index
        %get3A_2946 = tpu.vector_load %arg11[%get3A_2943, %get3A_2944, %get3A_2945] {strides = array<i32>} : memref<13x128x16xf32, #tpu.memory_space<vmem>>, vector<16xf32>,
        %add3A_2947 = arith.addf %add3A_2935, %get3A_2946 : vector<16xf32>
        %get3A_2948 = arith.constant 9 : i32
        %get3A_2949 = arith.index_cast %get3A_2948 : i32 to index
        %get3A_2950 = arith.index_cast %add3A_2841 : i32 to index
        %get3A_2951 = arith.constant 0 : index
        %get3A_2952 = tpu.vector_load %arg10[%get3A_2949, %get3A_2950, %get3A_2951] {strides = array<i32>} : memref<13x128x16xf32, #tpu.memory_space<vmem>>, vector<16xf32>,
        %add3A_2953 = arith.addf %add3A_2941, %get3A_2952 : vector<16xf32>
        %get3A_2954 = arith.constant 9 : i32
        %get3A_2955 = arith.index_cast %get3A_2954 : i32 to index
        %get3A_2956 = arith.index_cast %add3A_2841 : i32 to index
        %get3A_2957 = arith.constant 0 : index
        %get3A_2958 = tpu.vector_load %arg11[%get3A_2955, %get3A_2956, %get3A_2957] {strides = array<i32>} : memref<13x128x16xf32, #tpu.memory_space<vmem>>, vector<16xf32>,
        %add3A_2959 = arith.addf %add3A_2947, %get3A_2958 : vector<16xf32>
        %get3A_2960 = arith.constant 10 : i32
        %get3A_2961 = arith.index_cast %get3A_2960 : i32 to index
        %get3A_2962 = arith.index_cast %add3A_2841 : i32 to index
        %get3A_2963 = arith.constant 0 : index
        %get3A_2964 = tpu.vector_load %arg10[%get3A_2961, %get3A_2962, %get3A_2963] {strides = array<i32>} : memref<13x128x16xf32, #tpu.memory_space<vmem>>, vector<16xf32>,
        %add3A_2965 = arith.addf %add3A_2953, %get3A_2964 : vector<16xf32>
        %get3A_2966 = arith.constant 10 : i32
        %get3A_2967 = arith.index_cast %get3A_2966 : i32 to index
        %get3A_2968 = arith.index_cast %add3A_2841 : i32 to index
        %get3A_2969 = arith.constant 0 : index
        %get3A_2970 = tpu.vector_load %arg11[%get3A_2967, %get3A_2968, %get3A_2969] {strides = array<i32>} : memref<13x128x16xf32, #tpu.memory_space<vmem>>, vector<16xf32>,
        %add3A_2971 = arith.addf %add3A_2959, %get3A_2970 : vector<16xf32>
        %get3A_2972 = arith.constant 11 : i32
        %get3A_2973 = arith.index_cast %get3A_2972 : i32 to index
        %get3A_2974 = arith.index_cast %add3A_2841 : i32 to index
        %get3A_2975 = arith.constant 0 : index
        %get3A_2976 = tpu.vector_load %arg10[%get3A_2973, %get3A_2974, %get3A_2975] {strides = array<i32>} : memref<13x128x16xf32, #tpu.memory_space<vmem>>, vector<16xf32>,
        %add3A_2977 = arith.addf %add3A_2965, %get3A_2976 : vector<16xf32>
        %get3A_2978 = arith.constant 11 : i32
        %get3A_2979 = arith.index_cast %get3A_2978 : i32 to index
        %get3A_2980 = arith.index_cast %add3A_2841 : i32 to index
        %get3A_2981 = arith.constant 0 : index
        %get3A_2982 = tpu.vector_load %arg11[%get3A_2979, %get3A_2980, %get3A_2981] {strides = array<i32>} : memref<13x128x16xf32, #tpu.memory_space<vmem>>, vector<16xf32>,
        %add3A_2983 = arith.addf %add3A_2971, %get3A_2982 : vector<16xf32>
        %get3A_2984 = arith.constant 12 : i32
        %get3A_2985 = arith.index_cast %get3A_2984 : i32 to index
        %get3A_2986 = arith.index_cast %add3A_2841 : i32 to index
        %get3A_2987 = arith.constant 0 : index
        %get3A_2988 = tpu.vector_load %arg10[%get3A_2985, %get3A_2986, %get3A_2987] {strides = array<i32>} : memref<13x128x16xf32, #tpu.memory_space<vmem>>, vector<16xf32>,
        %add3A_2989 = arith.addf %add3A_2977, %get3A_2988 : vector<16xf32>
        %get3A_2990 = arith.constant 12 : i32
        %get3A_2991 = arith.index_cast %get3A_2990 : i32 to index
        %get3A_2992 = arith.index_cast %add3A_2841 : i32 to index
        %get3A_2993 = arith.constant 0 : index
        %get3A_2994 = tpu.vector_load %arg11[%get3A_2991, %get3A_2992, %get3A_2993] {strides = array<i32>} : memref<13x128x16xf32, #tpu.memory_space<vmem>>, vector<16xf32>,
        %add3A_2995 = arith.addf %add3A_2983, %get3A_2994 : vector<16xf32>
        %mul3A_2996 = arith.mulf %add3A_2989, %add3A_2995 : vector<16xf32>
        %reduce_sum3A_2997 = arith.constant true
        %reduce_sum3A_2998 = vector.broadcast %reduce_sum3A_2997 : i1 to vector<16xi1>
        %reduce_sum3A_2999 = tpu.scan <sum>, %mul3A_2996 masked %reduce_sum3A_2998 : vector<16xf32>, vector<16xi1> -> vector<16xf32>
        %reduce_sum3A_3000 = vector.extract %reduce_sum3A_2999[15] : f32 from vector<16xf32>
        %eq3A_3001 = arith.constant 13 : i32
        %eq3A_3002 = vector.broadcast %eq3A_3001 : i32 to vector<16xi32>
        %eq3A_3003 = arith.cmpi eq, %iota3A, %eq3A_3002 : vector<16xi32>
        %broadcast_in_dim3A_3004 = vector.broadcast %reduce_sum3A_3000 : f32 to vector<16xf32>
        %select_n3A_3005 = arith.select %eq3A_3003, %broadcast_in_dim3A_3004, %select_n3A_2837 : vector<16xi1>, vector<16xf32>
        %mul3A_3006 = arith.constant 16 : i32
        %mul3A_3007 = arith.muli %scan3A_654, %mul3A_3006 : i32
        %add3A_3008 = arith.constant 14 : i32
        %add3A_3009 = arith.addi %mul3A_3007, %add3A_3008 : i32
        %get3A_3010 = arith.constant 0 : i32
        %get3A_3011 = arith.index_cast %get3A_3010 : i32 to index
        %get3A_3012 = arith.index_cast %add3A_3009 : i32 to index
        %get3A_3013 = arith.constant 0 : index
        %get3A_3014 = tpu.vector_load %arg10[%get3A_3011, %get3A_3012, %get3A_3013] {strides = array<i32>} : memref<13x128x16xf32, #tpu.memory_space<vmem>>, vector<16xf32>,
        %get3A_3015 = arith.constant 0 : i32
        %get3A_3016 = arith.index_cast %get3A_3015 : i32 to index
        %get3A_3017 = arith.index_cast %add3A_3009 : i32 to index
        %get3A_3018 = arith.constant 0 : index
        %get3A_3019 = tpu.vector_load %arg11[%get3A_3016, %get3A_3017, %get3A_3018] {strides = array<i32>} : memref<13x128x16xf32, #tpu.memory_space<vmem>>, vector<16xf32>,
        %get3A_3020 = arith.constant 1 : i32
        %get3A_3021 = arith.index_cast %get3A_3020 : i32 to index
        %get3A_3022 = arith.index_cast %add3A_3009 : i32 to index
        %get3A_3023 = arith.constant 0 : index
        %get3A_3024 = tpu.vector_load %arg10[%get3A_3021, %get3A_3022, %get3A_3023] {strides = array<i32>} : memref<13x128x16xf32, #tpu.memory_space<vmem>>, vector<16xf32>,
        %add3A_3025 = arith.addf %get3A_3014, %get3A_3024 : vector<16xf32>
        %get3A_3026 = arith.constant 1 : i32
        %get3A_3027 = arith.index_cast %get3A_3026 : i32 to index
        %get3A_3028 = arith.index_cast %add3A_3009 : i32 to index
        %get3A_3029 = arith.constant 0 : index
        %get3A_3030 = tpu.vector_load %arg11[%get3A_3027, %get3A_3028, %get3A_3029] {strides = array<i32>} : memref<13x128x16xf32, #tpu.memory_space<vmem>>, vector<16xf32>,
        %add3A_3031 = arith.addf %get3A_3019, %get3A_3030 : vector<16xf32>
        %get3A_3032 = arith.constant 2 : i32
        %get3A_3033 = arith.index_cast %get3A_3032 : i32 to index
        %get3A_3034 = arith.index_cast %add3A_3009 : i32 to index
        %get3A_3035 = arith.constant 0 : index
        %get3A_3036 = tpu.vector_load %arg10[%get3A_3033, %get3A_3034, %get3A_3035] {strides = array<i32>} : memref<13x128x16xf32, #tpu.memory_space<vmem>>, vector<16xf32>,
        %add3A_3037 = arith.addf %add3A_3025, %get3A_3036 : vector<16xf32>
        %get3A_3038 = arith.constant 2 : i32
        %get3A_3039 = arith.index_cast %get3A_3038 : i32 to index
        %get3A_3040 = arith.index_cast %add3A_3009 : i32 to index
        %get3A_3041 = arith.constant 0 : index
        %get3A_3042 = tpu.vector_load %arg11[%get3A_3039, %get3A_3040, %get3A_3041] {strides = array<i32>} : memref<13x128x16xf32, #tpu.memory_space<vmem>>, vector<16xf32>,
        %add3A_3043 = arith.addf %add3A_3031, %get3A_3042 : vector<16xf32>
        %get3A_3044 = arith.constant 3 : i32
        %get3A_3045 = arith.index_cast %get3A_3044 : i32 to index
        %get3A_3046 = arith.index_cast %add3A_3009 : i32 to index
        %get3A_3047 = arith.constant 0 : index
        %get3A_3048 = tpu.vector_load %arg10[%get3A_3045, %get3A_3046, %get3A_3047] {strides = array<i32>} : memref<13x128x16xf32, #tpu.memory_space<vmem>>, vector<16xf32>,
        %add3A_3049 = arith.addf %add3A_3037, %get3A_3048 : vector<16xf32>
        %get3A_3050 = arith.constant 3 : i32
        %get3A_3051 = arith.index_cast %get3A_3050 : i32 to index
        %get3A_3052 = arith.index_cast %add3A_3009 : i32 to index
        %get3A_3053 = arith.constant 0 : index
        %get3A_3054 = tpu.vector_load %arg11[%get3A_3051, %get3A_3052, %get3A_3053] {strides = array<i32>} : memref<13x128x16xf32, #tpu.memory_space<vmem>>, vector<16xf32>,
        %add3A_3055 = arith.addf %add3A_3043, %get3A_3054 : vector<16xf32>
        %get3A_3056 = arith.constant 4 : i32
        %get3A_3057 = arith.index_cast %get3A_3056 : i32 to index
        %get3A_3058 = arith.index_cast %add3A_3009 : i32 to index
        %get3A_3059 = arith.constant 0 : index
        %get3A_3060 = tpu.vector_load %arg10[%get3A_3057, %get3A_3058, %get3A_3059] {strides = array<i32>} : memref<13x128x16xf32, #tpu.memory_space<vmem>>, vector<16xf32>,
        %add3A_3061 = arith.addf %add3A_3049, %get3A_3060 : vector<16xf32>
        %get3A_3062 = arith.constant 4 : i32
        %get3A_3063 = arith.index_cast %get3A_3062 : i32 to index
        %get3A_3064 = arith.index_cast %add3A_3009 : i32 to index
        %get3A_3065 = arith.constant 0 : index
        %get3A_3066 = tpu.vector_load %arg11[%get3A_3063, %get3A_3064, %get3A_3065] {strides = array<i32>} : memref<13x128x16xf32, #tpu.memory_space<vmem>>, vector<16xf32>,
        %add3A_3067 = arith.addf %add3A_3055, %get3A_3066 : vector<16xf32>
        %get3A_3068 = arith.constant 5 : i32
        %get3A_3069 = arith.index_cast %get3A_3068 : i32 to index
        %get3A_3070 = arith.index_cast %add3A_3009 : i32 to index
        %get3A_3071 = arith.constant 0 : index
        %get3A_3072 = tpu.vector_load %arg10[%get3A_3069, %get3A_3070, %get3A_3071] {strides = array<i32>} : memref<13x128x16xf32, #tpu.memory_space<vmem>>, vector<16xf32>,
        %add3A_3073 = arith.addf %add3A_3061, %get3A_3072 : vector<16xf32>
        %get3A_3074 = arith.constant 5 : i32
        %get3A_3075 = arith.index_cast %get3A_3074 : i32 to index
        %get3A_3076 = arith.index_cast %add3A_3009 : i32 to index
        %get3A_3077 = arith.constant 0 : index
        %get3A_3078 = tpu.vector_load %arg11[%get3A_3075, %get3A_3076, %get3A_3077] {strides = array<i32>} : memref<13x128x16xf32, #tpu.memory_space<vmem>>, vector<16xf32>,
        %add3A_3079 = arith.addf %add3A_3067, %get3A_3078 : vector<16xf32>
        %get3A_3080 = arith.constant 6 : i32
        %get3A_3081 = arith.index_cast %get3A_3080 : i32 to index
        %get3A_3082 = arith.index_cast %add3A_3009 : i32 to index
        %get3A_3083 = arith.constant 0 : index
        %get3A_3084 = tpu.vector_load %arg10[%get3A_3081, %get3A_3082, %get3A_3083] {strides = array<i32>} : memref<13x128x16xf32, #tpu.memory_space<vmem>>, vector<16xf32>,
        %add3A_3085 = arith.addf %add3A_3073, %get3A_3084 : vector<16xf32>
        %get3A_3086 = arith.constant 6 : i32
        %get3A_3087 = arith.index_cast %get3A_3086 : i32 to index
        %get3A_3088 = arith.index_cast %add3A_3009 : i32 to index
        %get3A_3089 = arith.constant 0 : index
        %get3A_3090 = tpu.vector_load %arg11[%get3A_3087, %get3A_3088, %get3A_3089] {strides = array<i32>} : memref<13x128x16xf32, #tpu.memory_space<vmem>>, vector<16xf32>,
        %add3A_3091 = arith.addf %add3A_3079, %get3A_3090 : vector<16xf32>
        %get3A_3092 = arith.constant 7 : i32
        %get3A_3093 = arith.index_cast %get3A_3092 : i32 to index
        %get3A_3094 = arith.index_cast %add3A_3009 : i32 to index
        %get3A_3095 = arith.constant 0 : index
        %get3A_3096 = tpu.vector_load %arg10[%get3A_3093, %get3A_3094, %get3A_3095] {strides = array<i32>} : memref<13x128x16xf32, #tpu.memory_space<vmem>>, vector<16xf32>,
        %add3A_3097 = arith.addf %add3A_3085, %get3A_3096 : vector<16xf32>
        %get3A_3098 = arith.constant 7 : i32
        %get3A_3099 = arith.index_cast %get3A_3098 : i32 to index
        %get3A_3100 = arith.index_cast %add3A_3009 : i32 to index
        %get3A_3101 = arith.constant 0 : index
        %get3A_3102 = tpu.vector_load %arg11[%get3A_3099, %get3A_3100, %get3A_3101] {strides = array<i32>} : memref<13x128x16xf32, #tpu.memory_space<vmem>>, vector<16xf32>,
        %add3A_3103 = arith.addf %add3A_3091, %get3A_3102 : vector<16xf32>
        %get3A_3104 = arith.constant 8 : i32
        %get3A_3105 = arith.index_cast %get3A_3104 : i32 to index
        %get3A_3106 = arith.index_cast %add3A_3009 : i32 to index
        %get3A_3107 = arith.constant 0 : index
        %get3A_3108 = tpu.vector_load %arg10[%get3A_3105, %get3A_3106, %get3A_3107] {strides = array<i32>} : memref<13x128x16xf32, #tpu.memory_space<vmem>>, vector<16xf32>,
        %add3A_3109 = arith.addf %add3A_3097, %get3A_3108 : vector<16xf32>
        %get3A_3110 = arith.constant 8 : i32
        %get3A_3111 = arith.index_cast %get3A_3110 : i32 to index
        %get3A_3112 = arith.index_cast %add3A_3009 : i32 to index
        %get3A_3113 = arith.constant 0 : index
        %get3A_3114 = tpu.vector_load %arg11[%get3A_3111, %get3A_3112, %get3A_3113] {strides = array<i32>} : memref<13x128x16xf32, #tpu.memory_space<vmem>>, vector<16xf32>,
        %add3A_3115 = arith.addf %add3A_3103, %get3A_3114 : vector<16xf32>
        %get3A_3116 = arith.constant 9 : i32
        %get3A_3117 = arith.index_cast %get3A_3116 : i32 to index
        %get3A_3118 = arith.index_cast %add3A_3009 : i32 to index
        %get3A_3119 = arith.constant 0 : index
        %get3A_3120 = tpu.vector_load %arg10[%get3A_3117, %get3A_3118, %get3A_3119] {strides = array<i32>} : memref<13x128x16xf32, #tpu.memory_space<vmem>>, vector<16xf32>,
        %add3A_3121 = arith.addf %add3A_3109, %get3A_3120 : vector<16xf32>
        %get3A_3122 = arith.constant 9 : i32
        %get3A_3123 = arith.index_cast %get3A_3122 : i32 to index
        %get3A_3124 = arith.index_cast %add3A_3009 : i32 to index
        %get3A_3125 = arith.constant 0 : index
        %get3A_3126 = tpu.vector_load %arg11[%get3A_3123, %get3A_3124, %get3A_3125] {strides = array<i32>} : memref<13x128x16xf32, #tpu.memory_space<vmem>>, vector<16xf32>,
        %add3A_3127 = arith.addf %add3A_3115, %get3A_3126 : vector<16xf32>
        %get3A_3128 = arith.constant 10 : i32
        %get3A_3129 = arith.index_cast %get3A_3128 : i32 to index
        %get3A_3130 = arith.index_cast %add3A_3009 : i32 to index
        %get3A_3131 = arith.constant 0 : index
        %get3A_3132 = tpu.vector_load %arg10[%get3A_3129, %get3A_3130, %get3A_3131] {strides = array<i32>} : memref<13x128x16xf32, #tpu.memory_space<vmem>>, vector<16xf32>,
        %add3A_3133 = arith.addf %add3A_3121, %get3A_3132 : vector<16xf32>
        %get3A_3134 = arith.constant 10 : i32
        %get3A_3135 = arith.index_cast %get3A_3134 : i32 to index
        %get3A_3136 = arith.index_cast %add3A_3009 : i32 to index
        %get3A_3137 = arith.constant 0 : index
        %get3A_3138 = tpu.vector_load %arg11[%get3A_3135, %get3A_3136, %get3A_3137] {strides = array<i32>} : memref<13x128x16xf32, #tpu.memory_space<vmem>>, vector<16xf32>,
        %add3A_3139 = arith.addf %add3A_3127, %get3A_3138 : vector<16xf32>
        %get3A_3140 = arith.constant 11 : i32
        %get3A_3141 = arith.index_cast %get3A_3140 : i32 to index
        %get3A_3142 = arith.index_cast %add3A_3009 : i32 to index
        %get3A_3143 = arith.constant 0 : index
        %get3A_3144 = tpu.vector_load %arg10[%get3A_3141, %get3A_3142, %get3A_3143] {strides = array<i32>} : memref<13x128x16xf32, #tpu.memory_space<vmem>>, vector<16xf32>,
        %add3A_3145 = arith.addf %add3A_3133, %get3A_3144 : vector<16xf32>
        %get3A_3146 = arith.constant 11 : i32
        %get3A_3147 = arith.index_cast %get3A_3146 : i32 to index
        %get3A_3148 = arith.index_cast %add3A_3009 : i32 to index
        %get3A_3149 = arith.constant 0 : index
        %get3A_3150 = tpu.vector_load %arg11[%get3A_3147, %get3A_3148, %get3A_3149] {strides = array<i32>} : memref<13x128x16xf32, #tpu.memory_space<vmem>>, vector<16xf32>,
        %add3A_3151 = arith.addf %add3A_3139, %get3A_3150 : vector<16xf32>
        %get3A_3152 = arith.constant 12 : i32
        %get3A_3153 = arith.index_cast %get3A_3152 : i32 to index
        %get3A_3154 = arith.index_cast %add3A_3009 : i32 to index
        %get3A_3155 = arith.constant 0 : index
        %get3A_3156 = tpu.vector_load %arg10[%get3A_3153, %get3A_3154, %get3A_3155] {strides = array<i32>} : memref<13x128x16xf32, #tpu.memory_space<vmem>>, vector<16xf32>,
        %add3A_3157 = arith.addf %add3A_3145, %get3A_3156 : vector<16xf32>
        %get3A_3158 = arith.constant 12 : i32
        %get3A_3159 = arith.index_cast %get3A_3158 : i32 to index
        %get3A_3160 = arith.index_cast %add3A_3009 : i32 to index
        %get3A_3161 = arith.constant 0 : index
        %get3A_3162 = tpu.vector_load %arg11[%get3A_3159, %get3A_3160, %get3A_3161] {strides = array<i32>} : memref<13x128x16xf32, #tpu.memory_space<vmem>>, vector<16xf32>,
        %add3A_3163 = arith.addf %add3A_3151, %get3A_3162 : vector<16xf32>
        %mul3A_3164 = arith.mulf %add3A_3157, %add3A_3163 : vector<16xf32>
        %reduce_sum3A_3165 = arith.constant true
        %reduce_sum3A_3166 = vector.broadcast %reduce_sum3A_3165 : i1 to vector<16xi1>
        %reduce_sum3A_3167 = tpu.scan <sum>, %mul3A_3164 masked %reduce_sum3A_3166 : vector<16xf32>, vector<16xi1> -> vector<16xf32>
        %reduce_sum3A_3168 = vector.extract %reduce_sum3A_3167[15] : f32 from vector<16xf32>
        %eq3A_3169 = arith.constant 14 : i32
        %eq3A_3170 = vector.broadcast %eq3A_3169 : i32 to vector<16xi32>
        %eq3A_3171 = arith.cmpi eq, %iota3A, %eq3A_3170 : vector<16xi32>
        %broadcast_in_dim3A_3172 = vector.broadcast %reduce_sum3A_3168 : f32 to vector<16xf32>
        %select_n3A_3173 = arith.select %eq3A_3171, %broadcast_in_dim3A_3172, %select_n3A_3005 : vector<16xi1>, vector<16xf32>
        %mul3A_3174 = arith.constant 16 : i32
        %mul3A_3175 = arith.muli %scan3A_654, %mul3A_3174 : i32
        %add3A_3176 = arith.constant 15 : i32
        %add3A_3177 = arith.addi %mul3A_3175, %add3A_3176 : i32
        %get3A_3178 = arith.constant 0 : i32
        %get3A_3179 = arith.index_cast %get3A_3178 : i32 to index
        %get3A_3180 = arith.index_cast %add3A_3177 : i32 to index
        %get3A_3181 = arith.constant 0 : index
        %get3A_3182 = tpu.vector_load %arg10[%get3A_3179, %get3A_3180, %get3A_3181] {strides = array<i32>} : memref<13x128x16xf32, #tpu.memory_space<vmem>>, vector<16xf32>,
        %get3A_3183 = arith.constant 0 : i32
        %get3A_3184 = arith.index_cast %get3A_3183 : i32 to index
        %get3A_3185 = arith.index_cast %add3A_3177 : i32 to index
        %get3A_3186 = arith.constant 0 : index
        %get3A_3187 = tpu.vector_load %arg11[%get3A_3184, %get3A_3185, %get3A_3186] {strides = array<i32>} : memref<13x128x16xf32, #tpu.memory_space<vmem>>, vector<16xf32>,
        %get3A_3188 = arith.constant 1 : i32
        %get3A_3189 = arith.index_cast %get3A_3188 : i32 to index
        %get3A_3190 = arith.index_cast %add3A_3177 : i32 to index
        %get3A_3191 = arith.constant 0 : index
        %get3A_3192 = tpu.vector_load %arg10[%get3A_3189, %get3A_3190, %get3A_3191] {strides = array<i32>} : memref<13x128x16xf32, #tpu.memory_space<vmem>>, vector<16xf32>,
        %add3A_3193 = arith.addf %get3A_3182, %get3A_3192 : vector<16xf32>
        %get3A_3194 = arith.constant 1 : i32
        %get3A_3195 = arith.index_cast %get3A_3194 : i32 to index
        %get3A_3196 = arith.index_cast %add3A_3177 : i32 to index
        %get3A_3197 = arith.constant 0 : index
        %get3A_3198 = tpu.vector_load %arg11[%get3A_3195, %get3A_3196, %get3A_3197] {strides = array<i32>} : memref<13x128x16xf32, #tpu.memory_space<vmem>>, vector<16xf32>,
        %add3A_3199 = arith.addf %get3A_3187, %get3A_3198 : vector<16xf32>
        %get3A_3200 = arith.constant 2 : i32
        %get3A_3201 = arith.index_cast %get3A_3200 : i32 to index
        %get3A_3202 = arith.index_cast %add3A_3177 : i32 to index
        %get3A_3203 = arith.constant 0 : index
        %get3A_3204 = tpu.vector_load %arg10[%get3A_3201, %get3A_3202, %get3A_3203] {strides = array<i32>} : memref<13x128x16xf32, #tpu.memory_space<vmem>>, vector<16xf32>,
        %add3A_3205 = arith.addf %add3A_3193, %get3A_3204 : vector<16xf32>
        %get3A_3206 = arith.constant 2 : i32
        %get3A_3207 = arith.index_cast %get3A_3206 : i32 to index
        %get3A_3208 = arith.index_cast %add3A_3177 : i32 to index
        %get3A_3209 = arith.constant 0 : index
        %get3A_3210 = tpu.vector_load %arg11[%get3A_3207, %get3A_3208, %get3A_3209] {strides = array<i32>} : memref<13x128x16xf32, #tpu.memory_space<vmem>>, vector<16xf32>,
        %add3A_3211 = arith.addf %add3A_3199, %get3A_3210 : vector<16xf32>
        %get3A_3212 = arith.constant 3 : i32
        %get3A_3213 = arith.index_cast %get3A_3212 : i32 to index
        %get3A_3214 = arith.index_cast %add3A_3177 : i32 to index
        %get3A_3215 = arith.constant 0 : index
        %get3A_3216 = tpu.vector_load %arg10[%get3A_3213, %get3A_3214, %get3A_3215] {strides = array<i32>} : memref<13x128x16xf32, #tpu.memory_space<vmem>>, vector<16xf32>,
        %add3A_3217 = arith.addf %add3A_3205, %get3A_3216 : vector<16xf32>
        %get3A_3218 = arith.constant 3 : i32
        %get3A_3219 = arith.index_cast %get3A_3218 : i32 to index
        %get3A_3220 = arith.index_cast %add3A_3177 : i32 to index
        %get3A_3221 = arith.constant 0 : index
        %get3A_3222 = tpu.vector_load %arg11[%get3A_3219, %get3A_3220, %get3A_3221] {strides = array<i32>} : memref<13x128x16xf32, #tpu.memory_space<vmem>>, vector<16xf32>,
        %add3A_3223 = arith.addf %add3A_3211, %get3A_3222 : vector<16xf32>
        %get3A_3224 = arith.constant 4 : i32
        %get3A_3225 = arith.index_cast %get3A_3224 : i32 to index
        %get3A_3226 = arith.index_cast %add3A_3177 : i32 to index
        %get3A_3227 = arith.constant 0 : index
        %get3A_3228 = tpu.vector_load %arg10[%get3A_3225, %get3A_3226, %get3A_3227] {strides = array<i32>} : memref<13x128x16xf32, #tpu.memory_space<vmem>>, vector<16xf32>,
        %add3A_3229 = arith.addf %add3A_3217, %get3A_3228 : vector<16xf32>
        %get3A_3230 = arith.constant 4 : i32
        %get3A_3231 = arith.index_cast %get3A_3230 : i32 to index
        %get3A_3232 = arith.index_cast %add3A_3177 : i32 to index
        %get3A_3233 = arith.constant 0 : index
        %get3A_3234 = tpu.vector_load %arg11[%get3A_3231, %get3A_3232, %get3A_3233] {strides = array<i32>} : memref<13x128x16xf32, #tpu.memory_space<vmem>>, vector<16xf32>,
        %add3A_3235 = arith.addf %add3A_3223, %get3A_3234 : vector<16xf32>
        %get3A_3236 = arith.constant 5 : i32
        %get3A_3237 = arith.index_cast %get3A_3236 : i32 to index
        %get3A_3238 = arith.index_cast %add3A_3177 : i32 to index
        %get3A_3239 = arith.constant 0 : index
        %get3A_3240 = tpu.vector_load %arg10[%get3A_3237, %get3A_3238, %get3A_3239] {strides = array<i32>} : memref<13x128x16xf32, #tpu.memory_space<vmem>>, vector<16xf32>,
        %add3A_3241 = arith.addf %add3A_3229, %get3A_3240 : vector<16xf32>
        %get3A_3242 = arith.constant 5 : i32
        %get3A_3243 = arith.index_cast %get3A_3242 : i32 to index
        %get3A_3244 = arith.index_cast %add3A_3177 : i32 to index
        %get3A_3245 = arith.constant 0 : index
        %get3A_3246 = tpu.vector_load %arg11[%get3A_3243, %get3A_3244, %get3A_3245] {strides = array<i32>} : memref<13x128x16xf32, #tpu.memory_space<vmem>>, vector<16xf32>,
        %add3A_3247 = arith.addf %add3A_3235, %get3A_3246 : vector<16xf32>
        %get3A_3248 = arith.constant 6 : i32
        %get3A_3249 = arith.index_cast %get3A_3248 : i32 to index
        %get3A_3250 = arith.index_cast %add3A_3177 : i32 to index
        %get3A_3251 = arith.constant 0 : index
        %get3A_3252 = tpu.vector_load %arg10[%get3A_3249, %get3A_3250, %get3A_3251] {strides = array<i32>} : memref<13x128x16xf32, #tpu.memory_space<vmem>>, vector<16xf32>,
        %add3A_3253 = arith.addf %add3A_3241, %get3A_3252 : vector<16xf32>
        %get3A_3254 = arith.constant 6 : i32
        %get3A_3255 = arith.index_cast %get3A_3254 : i32 to index
        %get3A_3256 = arith.index_cast %add3A_3177 : i32 to index
        %get3A_3257 = arith.constant 0 : index
        %get3A_3258 = tpu.vector_load %arg11[%get3A_3255, %get3A_3256, %get3A_3257] {strides = array<i32>} : memref<13x128x16xf32, #tpu.memory_space<vmem>>, vector<16xf32>,
        %add3A_3259 = arith.addf %add3A_3247, %get3A_3258 : vector<16xf32>
        %get3A_3260 = arith.constant 7 : i32
        %get3A_3261 = arith.index_cast %get3A_3260 : i32 to index
        %get3A_3262 = arith.index_cast %add3A_3177 : i32 to index
        %get3A_3263 = arith.constant 0 : index
        %get3A_3264 = tpu.vector_load %arg10[%get3A_3261, %get3A_3262, %get3A_3263] {strides = array<i32>} : memref<13x128x16xf32, #tpu.memory_space<vmem>>, vector<16xf32>,
        %add3A_3265 = arith.addf %add3A_3253, %get3A_3264 : vector<16xf32>
        %get3A_3266 = arith.constant 7 : i32
        %get3A_3267 = arith.index_cast %get3A_3266 : i32 to index
        %get3A_3268 = arith.index_cast %add3A_3177 : i32 to index
        %get3A_3269 = arith.constant 0 : index
        %get3A_3270 = tpu.vector_load %arg11[%get3A_3267, %get3A_3268, %get3A_3269] {strides = array<i32>} : memref<13x128x16xf32, #tpu.memory_space<vmem>>, vector<16xf32>,
        %add3A_3271 = arith.addf %add3A_3259, %get3A_3270 : vector<16xf32>
        %get3A_3272 = arith.constant 8 : i32
        %get3A_3273 = arith.index_cast %get3A_3272 : i32 to index
        %get3A_3274 = arith.index_cast %add3A_3177 : i32 to index
        %get3A_3275 = arith.constant 0 : index
        %get3A_3276 = tpu.vector_load %arg10[%get3A_3273, %get3A_3274, %get3A_3275] {strides = array<i32>} : memref<13x128x16xf32, #tpu.memory_space<vmem>>, vector<16xf32>,
        %add3A_3277 = arith.addf %add3A_3265, %get3A_3276 : vector<16xf32>
        %get3A_3278 = arith.constant 8 : i32
        %get3A_3279 = arith.index_cast %get3A_3278 : i32 to index
        %get3A_3280 = arith.index_cast %add3A_3177 : i32 to index
        %get3A_3281 = arith.constant 0 : index
        %get3A_3282 = tpu.vector_load %arg11[%get3A_3279, %get3A_3280, %get3A_3281] {strides = array<i32>} : memref<13x128x16xf32, #tpu.memory_space<vmem>>, vector<16xf32>,
        %add3A_3283 = arith.addf %add3A_3271, %get3A_3282 : vector<16xf32>
        %get3A_3284 = arith.constant 9 : i32
        %get3A_3285 = arith.index_cast %get3A_3284 : i32 to index
        %get3A_3286 = arith.index_cast %add3A_3177 : i32 to index
        %get3A_3287 = arith.constant 0 : index
        %get3A_3288 = tpu.vector_load %arg10[%get3A_3285, %get3A_3286, %get3A_3287] {strides = array<i32>} : memref<13x128x16xf32, #tpu.memory_space<vmem>>, vector<16xf32>,
        %add3A_3289 = arith.addf %add3A_3277, %get3A_3288 : vector<16xf32>
        %get3A_3290 = arith.constant 9 : i32
        %get3A_3291 = arith.index_cast %get3A_3290 : i32 to index
        %get3A_3292 = arith.index_cast %add3A_3177 : i32 to index
        %get3A_3293 = arith.constant 0 : index
        %get3A_3294 = tpu.vector_load %arg11[%get3A_3291, %get3A_3292, %get3A_3293] {strides = array<i32>} : memref<13x128x16xf32, #tpu.memory_space<vmem>>, vector<16xf32>,
        %add3A_3295 = arith.addf %add3A_3283, %get3A_3294 : vector<16xf32>
        %get3A_3296 = arith.constant 10 : i32
        %get3A_3297 = arith.index_cast %get3A_3296 : i32 to index
        %get3A_3298 = arith.index_cast %add3A_3177 : i32 to index
        %get3A_3299 = arith.constant 0 : index
        %get3A_3300 = tpu.vector_load %arg10[%get3A_3297, %get3A_3298, %get3A_3299] {strides = array<i32>} : memref<13x128x16xf32, #tpu.memory_space<vmem>>, vector<16xf32>,
        %add3A_3301 = arith.addf %add3A_3289, %get3A_3300 : vector<16xf32>
        %get3A_3302 = arith.constant 10 : i32
        %get3A_3303 = arith.index_cast %get3A_3302 : i32 to index
        %get3A_3304 = arith.index_cast %add3A_3177 : i32 to index
        %get3A_3305 = arith.constant 0 : index
        %get3A_3306 = tpu.vector_load %arg11[%get3A_3303, %get3A_3304, %get3A_3305] {strides = array<i32>} : memref<13x128x16xf32, #tpu.memory_space<vmem>>, vector<16xf32>,
        %add3A_3307 = arith.addf %add3A_3295, %get3A_3306 : vector<16xf32>
        %get3A_3308 = arith.constant 11 : i32
        %get3A_3309 = arith.index_cast %get3A_3308 : i32 to index
        %get3A_3310 = arith.index_cast %add3A_3177 : i32 to index
        %get3A_3311 = arith.constant 0 : index
        %get3A_3312 = tpu.vector_load %arg10[%get3A_3309, %get3A_3310, %get3A_3311] {strides = array<i32>} : memref<13x128x16xf32, #tpu.memory_space<vmem>>, vector<16xf32>,
        %add3A_3313 = arith.addf %add3A_3301, %get3A_3312 : vector<16xf32>
        %get3A_3314 = arith.constant 11 : i32
        %get3A_3315 = arith.index_cast %get3A_3314 : i32 to index
        %get3A_3316 = arith.index_cast %add3A_3177 : i32 to index
        %get3A_3317 = arith.constant 0 : index
        %get3A_3318 = tpu.vector_load %arg11[%get3A_3315, %get3A_3316, %get3A_3317] {strides = array<i32>} : memref<13x128x16xf32, #tpu.memory_space<vmem>>, vector<16xf32>,
        %add3A_3319 = arith.addf %add3A_3307, %get3A_3318 : vector<16xf32>
        %get3A_3320 = arith.constant 12 : i32
        %get3A_3321 = arith.index_cast %get3A_3320 : i32 to index
        %get3A_3322 = arith.index_cast %add3A_3177 : i32 to index
        %get3A_3323 = arith.constant 0 : index
        %get3A_3324 = tpu.vector_load %arg10[%get3A_3321, %get3A_3322, %get3A_3323] {strides = array<i32>} : memref<13x128x16xf32, #tpu.memory_space<vmem>>, vector<16xf32>,
        %add3A_3325 = arith.addf %add3A_3313, %get3A_3324 : vector<16xf32>
        %get3A_3326 = arith.constant 12 : i32
        %get3A_3327 = arith.index_cast %get3A_3326 : i32 to index
        %get3A_3328 = arith.index_cast %add3A_3177 : i32 to index
        %get3A_3329 = arith.constant 0 : index
        %get3A_3330 = tpu.vector_load %arg11[%get3A_3327, %get3A_3328, %get3A_3329] {strides = array<i32>} : memref<13x128x16xf32, #tpu.memory_space<vmem>>, vector<16xf32>,
        %add3A_3331 = arith.addf %add3A_3319, %get3A_3330 : vector<16xf32>
        %mul3A_3332 = arith.mulf %add3A_3325, %add3A_3331 : vector<16xf32>
        %reduce_sum3A_3333 = arith.constant true
        %reduce_sum3A_3334 = vector.broadcast %reduce_sum3A_3333 : i1 to vector<16xi1>
        %reduce_sum3A_3335 = tpu.scan <sum>, %mul3A_3332 masked %reduce_sum3A_3334 : vector<16xf32>, vector<16xi1> -> vector<16xf32>
        %reduce_sum3A_3336 = vector.extract %reduce_sum3A_3335[15] : f32 from vector<16xf32>
        %eq3A_3337 = arith.constant 15 : i32
        %eq3A_3338 = vector.broadcast %eq3A_3337 : i32 to vector<16xi32>
        %eq3A_3339 = arith.cmpi eq, %iota3A, %eq3A_3338 : vector<16xi32>
        %broadcast_in_dim3A_3340 = vector.broadcast %reduce_sum3A_3336 : f32 to vector<16xf32>
        %select_n3A_3341 = arith.select %eq3A_3339, %broadcast_in_dim3A_3340, %select_n3A_3173 : vector<16xi1>, vector<16xf32>
        %mul3A_3342 = vector.broadcast %squeeze3A : f32 to vector<16xf32>
        %mul3A_3343 = arith.mulf %select_n3A_3341, %mul3A_3342 : vector<16xf32>
        %add3A_3344 = vector.broadcast %squeeze3A_5 : f32 to vector<16xf32>
        %add3A_3345 = arith.addf %mul3A_3343, %add3A_3344 : vector<16xf32>
        %neg3A = arith.constant 0.000000e+00 : f32
        %neg3A_3346 = vector.broadcast %neg3A : f32 to vector<16xf32>
        %neg3A_3347 = arith.subf %neg3A_3346, %add3A_3345 : vector<16xf32>
        %exp3A = math.exp %neg3A_3347 : vector<16xf32>
        %add3A_3348 = arith.constant 1.000000e+00 : f32
        %add3A_3349 = vector.broadcast %add3A_3348 : f32 to vector<16xf32>
        %add3A_3350 = arith.addf %add3A_3349, %exp3A : vector<16xf32>
        %div3A = arith.constant 1.000000e+00 : f32
        %div3A_3351 = vector.broadcast %div3A : f32 to vector<16xf32>
        %div3A_3352 = arith.divf %div3A_3351, %add3A_3350 : vector<16xf32>
        %mul3A_3353 = arith.constant 16 : i32
        %mul3A_3354 = arith.muli %scan3A_654, %mul3A_3353 : i32
        %swap3A = arith.index_cast %mul3A_3354 : i32 to index
        %swap3A_3355 = tpu.vector_load %arg12[%swap3A] {strides = array<i32>} : memref<128xf32, #tpu.memory_space<vmem>>, vector<16xf32>,
        tpu.vector_store %arg12[%swap3A], %div3A_3352 {strides = array<i32>} : memref<128xf32, #tpu.memory_space<vmem>>, vector<16xf32>,
        %scan3A_3356 = arith.constant 0 : i32
        scf.yield %scan3A_3356 : i32
      }
      %scan3A_652 = arith.constant 8 : i32
      "tpu.region"() ({
        %run_scoped3A = tpu.sem_alloc : memref<!tpu.dma_semaphore, #tpu.memory_space<semaphore_mem>>
        %dma_start3A_654 = tpu.memref_slice %arg7[%add3A_16] : memref<16384xf32, #tpu.memory_space<hbm>> -> memref<128xf32, #tpu.memory_space<hbm>>
        %dma_start3A_655 = tpu.memref_slice %arg7[%add3A_16] : memref<16384xf32, #tpu.memory_space<hbm>> -> memref<128xf32, #tpu.memory_space<hbm>>
        tpu.enqueue_dma source(%arg12 : memref<128xf32, #tpu.memory_space<vmem>>) target(%dma_start3A_655 : memref<128xf32, #tpu.memory_space<hbm>>) target_semaphore(%run_scoped3A : memref<!tpu.dma_semaphore, #tpu.memory_space<semaphore_mem>>)
        %dma_wait3A_656 = tpu.memref_slice %arg7[%add3A_16] : memref<16384xf32, #tpu.memory_space<hbm>> -> memref<128xf32, #tpu.memory_space<hbm>>
        %dma_wait3A_657 = tpu.memref_slice %arg7[%add3A_16] : memref<16384xf32, #tpu.memory_space<hbm>> -> memref<128xf32, #tpu.memory_space<hbm>>
        tpu.wait_dma2 semaphore(%run_scoped3A : memref<!tpu.dma_semaphore, #tpu.memory_space<semaphore_mem>>) src(%arg12 : memref<128xf32, #tpu.memory_space<vmem>>) dst(%dma_wait3A_657 : memref<128xf32, #tpu.memory_space<hbm>>)
        tpu.yield
      }) : () -> ()
      %scan3A_653 = arith.constant 0 : i32
      scf.yield %scan3A_653 : i32
    }
    %scan3A_11 = arith.constant 4 : i32
    return
  }
}

</mosaic_0001>

<sc_bundles>
// kernel: kernel.3.cloned.1.call-start
scs
__scs_entry_jumppad:
0x0: {  	(pc) =	sbr.rel $0x88, $3  }
0x1: {  	(tag) =	ssettag $0x0;
	lr =	simm.s32 $0x1  }
0x2: {  	[smem:$0x3F9B] =	sst lr;
	_ =	strace $0xD0000000  }
0x3: {  	_ = 	snop  }
0x4: {  	_ = 	snop  }
0x5: {  	_ = 	snop  }
0x6: {  	_ = 	snop  }
0x7: {  	_ = 	snop  }
__scs_overlays_trampoline_lowered:
0x8: {  	[smem:$0x3FAA] =	sst s0  }
0x9: {  	[smem:$0x3FAB] =	sst s1  }
0xa: {  	[smem:$0x3FAC] =	sst s2  }
0xb: {  	[smem:$0x3FAD] =	sst s3  }
0xc: {  	[smem:$0x3FAE] =	sst s4  }
0xd: {  	[smem:$0x3FAF] =	sst s5  }
0xe: {  	[smem:$0x3FB0] =	sst s6  }
0xf: {  	[smem:$0x3FB1] =	sst s7  }
0x10: {  	[smem:$0x3FB2] =	sst s8  }
0x11: {  	[smem:$0x3FB3] =	sst s9;
	s0 =	simm.s32 @!p0 $0x0  }
0x12: {  	s1 =	sld [smem:$0x3F99];
	s0 =	simm.s32 @p0 $0x1  }
0x13: {  	[smem:$0x3FB4] =	sst s0;
	s0 =	simm.s32 @!p1 $0x0  }
0x14: {  	s2 =	sld [smem:$0x3F98];
	s0 =	simm.s32 @p1 $0x1  }
0x15: {  	[smem:$0x3FB5] =	sst s0;
	s0 =	simm.s32 @!p2 $0x0  }
0x16: {  	s3 =	sld [smem:$0x3FDB];
	s0 =	simm.s32 @p2 $0x1  }
0x17: {  	s4 =	simm.s32 $0x1BF5;
	[smem:$0x3FB7] =	sst s0  }
0x18: {  	s0 =	sld [smem:$0x3F9A];
	_ =	swait.ge [sflag:s4], $0x0  }
0x19: {  	s7 =	sld [smem:$0x3F9B]  }
0x1a: {  	s8 =	sadd.s32 $0xFFFFE003, lr  }
0x1b: {  	s9 =	sadd.s32 $0xFFFFFEF7, lr;
	s5 =	simm.s32 $0xFFFFFFFF;
	p2 =	slt.u32 s8, $0xFFFFF086  }
0x1c: {  	p1 =	slt.u32 s9, $0xF7A;
	s5 =	simm.s32 @!p2 $0x0  }
0x1d: {  	s5 =	simm.s32 @p1 $0x1;
	p0 =	seq.s32 s7, s2  }
0x1e: {  	s7 =	smul.u32 @!p0 $0xF7A, s2;
	p2 =	seq.s32 @!p0 s5, $0x0  }
0x1f: {  	s9 =	smul.u32 $0xF7A, s1;
	s8 =	simm.s32 @!p0 $0x1BF5;
	p2 =	por !p2, p0  }
0x20: {  	[sflag:s8] =	ssyncset.s32 @!p0 $0xFFFFF086;
	s6 =	sadd.s32 @!p0 s3, s7;
	s7 =	simm.s32 @!p0 $0x108  }
0x21: {  	s3 =	sadd.s32 s3, s9;
	s6 =	sadd.s32 @!p0 $0x88, s6;
	s7 =	simm.s32 @p2 $0x1082  }
0x22: {  	[simem:s7], [sflag:s8] =	dma.local @!p0 [hbm:s6], $0xF7A  }
0x23: {  	s9 =	sor.u32 $0xD0000000, s2;
	s6 =	simm.s32 $0x108;
	_ =	swait.ge @!p0 [sflag:s8], $0x0  }
0x24: {  	s3 =	sadd.s32 $0x88, s3;
	s6 =	simm.s32 @!p1 $0x1082;
	[sflag:s4] =	ssyncset.s32 $0xFFFFF086  }
0x25: {  	[simem:s6], [sflag:s4] =	dma.local [hbm:s3], $0xF7A  }
0x26: {  	[smem:$0x3F9B] =	sst s1;
	(tag) =	ssettag s2;
	_ =	strace s9  }
0x27: {  	s1 =	sld [smem:$0x3FAB]  }
0x28: {  	s2 =	sld [smem:$0x3FAC]  }
0x29: {  	s4 =	sld [smem:$0x3FAE]  }
0x2a: {  	p0 =	seq.s32 s5, $0x0;
	s5 =	sld [smem:$0x3FAF]  }
0x2b: {  	s6 =	sld [smem:$0x3FB0]  }
0x2c: {  	s7 =	sld [smem:$0x3FB1]  }
0x2d: {  	s3 =	simm.s32 $0x108;
	s8 =	sld [smem:$0x3FB2]  }
0x2e: {  	s3 =	simm.s32 @!p0 $0x1082;
	s9 =	sld [smem:$0x3FB3]  }
0x2f: {  	lr =	sadd.s32 s0, s3;
	s0 =	sld [smem:$0x3FAA]  }
0x30: {  	s3 =	sld [smem:$0x3FAD]  }
0x31: {  	[smem:$0x3FB6] =	sst s10  }
0x32: {  	s10 =	sld [smem:$0x3FB4];
	_ =	sdelay $0x3  }
0x33: {  	p0 =	seq.s32 s10, $0x1;
	s10 =	sld [smem:$0x3FB6];
	_ =	sdelay $0x3  }
0x34: {  	[smem:$0x3FB6] =	sst s10  }
0x35: {  	s10 =	sld [smem:$0x3FB5];
	_ =	sdelay $0x3  }
0x36: {  	p1 =	seq.s32 s10, $0x1;
	s10 =	sld [smem:$0x3FB6];
	_ =	sdelay $0x3  }
0x37: {  	[smem:$0x3FB6] =	sst s10  }
0x38: {  	s10 =	sld [smem:$0x3FB7]  }
0x39: {  	_ = 	snop;
	(pc) =	sbr.ind lr, $3  }
0x3a: {  	_ = 	snop  }
0x3b: {  	_ = 	snop  }
0x3c: {  	p2 =	seq.s32 s10, $0x1;
	s10 =	sld [smem:$0x3FB6]  }
0x3d: {  	_ =	shalt  }
0x3e: {  	_ =	shalt  }
0x3f: {  	_ =	shalt  }
0x40: {  	_ =	shalt  }
0x41: {  	_ =	shalt  }
0x42: {  	_ =	shalt  }
0x43: {  	_ =	shalt  }
0x44: {  	_ =	shalt  }
0x45: {  	_ =	shalt  }
0x46: {  	_ =	shalt  }
0x47: {  	_ =	shalt  }
0x48: {  	_ =	shalt  }
0x49: {  	_ =	shalt  }
0x4a: {  	_ =	shalt  }
0x4b: {  	_ =	shalt  }
0x4c: {  	_ =	shalt  }
0x4d: {  	_ =	shalt  }
0x4e: {  	_ =	shalt  }
0x4f: {  	_ =	shalt  }
0x50: {  	_ =	shalt  }
0x51: {  	_ =	shalt  }
0x52: {  	_ =	shalt  }
0x53: {  	_ =	shalt  }
0x54: {  	_ =	shalt  }
0x55: {  	_ =	shalt  }
0x56: {  	_ =	shalt  }
0x57: {  	_ =	shalt  }
0x58: {  	_ =	shalt  }
0x59: {  	_ =	shalt  }
0x5a: {  	_ =	shalt  }
0x5b: {  	_ =	shalt  }
0x5c: {  	_ =	shalt  }
0x5d: {  	_ =	shalt  }
0x5e: {  	_ =	shalt  }
0x5f: {  	_ =	shalt  }
0x60: {  	_ =	shalt  }
0x61: {  	_ =	shalt  }
0x62: {  	_ =	shalt  }
0x63: {  	_ =	shalt  }
0x64: {  	_ =	shalt  }
0x65: {  	_ =	shalt  }
0x66: {  	_ =	shalt  }
0x67: {  	_ =	shalt  }
0x68: {  	_ =	shalt  }
0x69: {  	_ =	shalt  }
0x6a: {  	_ =	shalt  }
0x6b: {  	_ =	shalt  }
0x6c: {  	_ =	shalt  }
0x6d: {  	_ =	shalt  }
0x6e: {  	_ =	shalt  }
0x6f: {  	_ =	shalt  }
0x70: {  	_ =	shalt  }
0x71: {  	_ =	shalt  }
0x72: {  	_ =	shalt  }
0x73: {  	_ =	shalt  }
0x74: {  	_ =	shalt  }
0x75: {  	_ =	shalt  }
0x76: {  	_ =	shalt  }
0x77: {  	_ =	shalt  }
0x78: {  	_ =	shalt  }
0x79: {  	_ =	shalt  }
0x7a: {  	_ =	shalt  }
0x7b: {  	_ =	shalt  }
0x7c: {  	_ =	shalt  }
0x7d: {  	_ =	shalt  }
0x7e: {  	_ =	shalt  }
0x7f: {  	_ =	shalt  }
0x80: {  	_ =	shalt  }
0x81: {  	_ =	shalt  }
0x82: {  	_ =	shalt  }
0x83: {  	_ =	shalt  }
0x84: {  	_ =	shalt  }
0x85: {  	_ =	shalt  }
0x86: {  	_ =	shalt  }
0x87: {  	_ =	shalt  }
.Lfunc_end0:
.L_simem_size_0:
called_computation_lowered:
.L_overlay_start_0:
0x88: {  	s2 =	sld [smem:$0x3FD9]  }
0x89: {  	s3 =	sld [smem:$0x3FFE];
	_ =	sdelay $0x1  }
0x8a: {  	s1 =	srdreg.scid  }
0x8b: {  	s0 =	sand.u32 $0x1, s1  }
0x8c: {  	s17 =	sshll.u32 s0, $0xA;
	s2 =	sadd.s32 s3, s2  }
0x8d: {  	s2 =	sadd.s32 s2, s17  }
0x8e: {  	[smem:$0x3FC2] =	sst s2  }
0x8f: {  	_ = 	snop  }
0x90: {  	s2 =	sld [smem:$0x3FD0];
	(tm) =	ssettm $0x1  }
0x91: {  	s18 =	sld [smem:$0x3FFB];
	_ =	sdelay $0x3  }
0x92: {  	_ =	strace s18  }
0x93: {  	s3 =	sld [smem:$0x3FFC];
	_ =	sdelay $0x3  }
0x94: {  	_ =	strace s3  }
0x95: {  	s3 =	sld [smem:$0x3FFD];
	_ =	sdelay $0x3  }
0x96: {  	_ =	strace s3  }
0x97: {  	_ =	strace $0x8FFFFFFF  }
0x98: {  	s19 =	sld [smem:$0x3FDB];
	_ =	sdelay $0x1  }
0x99: {  	s4 =	simm.s32 $_scs_section_size  }
0x9a: {  	s5 =	simm.s32 $_size__tile_overlayer_lowered;
	s6 =	simm.s32 $_tile_overlayer_lowered  }
0x9b: {  	s22 =	simm.s32 $0x1BFF;
	s21 =	sshll.u32 s6, $0x1;
	s3 =	sadd.s32 s4, s19  }
0x9c: {  	s7 =	simm.s32 $0x0;
	s20 =	sshll.u32 s5, $0x1;
	s5 =	sadd.s32 s21, s3  }
0x9d: {  	[timem:s7], [sflag:s22] =	dma.local [hbm:s5], s20  }
0x9e: {  	_ =	swait.ge [sflag:s22], s20  }
0x9f: {  	s4 =	ssub.s32 $0x0, s20;
	[sflag:s22] =	ssyncset.done $0x0  }
0xa0: {  	[sflag:s22] =	ssyncadd.s32 s4;
	_ =	sdelay $0x1  }
0xa1: {  	s23 =	simm.s32 $0x1B8B  }
0xa2: {  	_ =	swait.ge [sflag:s23], $0x1  }
0xa3: {  	[sflag:s23] =	ssyncset.done $0x0  }
0xa4: {  	s25 =	simm.s32 $0x1B8E;
	s24 =	sld [smem:$0x3FFE];
	[sflag:s23] =	ssyncadd.s32 $0xFFFFFFFF  }
0xa5: {  	s26 =	simm.s32 $execute0_lowered;
	[smem:$0x3FD2] =	sst s25  }
0xa6: {  	s5 =	sshll.u32 s26, $0x1;
	_ =	strace $0x80000046;
	[dreg:$0x1] =	wrdreg $0xFFFFFFFF  }
0xa7: {  	s28 =	simm.s32 $_size_execute0_lowered;
	s3 =	sadd.s32 s3, s5;
	[dreg:$0x0] =	wrdreg $0x0  }
0xa8: {  	s5 =	sshll.u32 s28, $0x1;
	[dreg:$0x2] =	wrdreg s3  }
0xa9: {  	[dreg:$0x3] =	wrdreg s5  }
0xaa: {  	[dreg:$0x4] =	wrdreg $0xC0  }
0xab: {  	_ =	task [dreg:s7], $0x5FFFF  }
0xac: {  	[dreg:$0x1] =	wrdreg $0xFFFFFFFF  }
0xad: {  	[dreg:$0x0] =	wrdreg $0x60  }
0xae: {  	[dreg:$0x2] =	wrdreg s24  }
0xaf: {  	[dreg:$0x3] =	wrdreg s2  }
0xb0: {  	[dreg:$0x4] =	wrdreg $0x9  }
0xb1: {  	_ =	task.clear_ibuf [dreg:s7], $0x5FFFF;
	_ =	strace $0x90000046  }
0xb2: {  	s29 =	simm.s32 $0x9;
	_ =	strace $0x80000048  }
0xb3: {  	_ =	swait.ge [sflag:s29], $0x1  }
0xb4: {  	[sflag:s29] =	ssyncadd.s32 $0xFFFFFFFF  }
0xb5: {  	_ =	strace $0x90000048  }
0xb6: {  	_ =	sfence  }
0xb7: {  	s30 =	sld [smem:$0x0];
	_ =	sdelay $0x2  }
0xb8: {  	s31 =	sshll.u32 s1, $0xD;
	s1 =	sshrl.u32 s1, $0x2  }
0xb9: {  	s3 =	sand.u32 $0x4000, s31;
	s1 =	sadd.s32 s1, s30  }
0xba: {  	s0 =	sor.u32 s3, s0;
	s1 =	sshll.u32 s1, $0x11  }
0xbb: {  	s0 =	sor.u32 s1, s0  }
0xbc: {  	s0 =	sadd.s32 $0x8F2B, s0  }
0xbd: {  	[sflag:s0] =	ssyncadd.remote.s32 $0x1  }
0xbe: {  	_ =	sfence.sel $0xFFFF  }
0xbf: {  	[dreg:$0x0] =	wrdreg $0xFFFFFFFF;
	(pc) =	sbr.abs _section_cstart, $3  }
0xc0: {  	[dreg:$0x1] =	wrdreg $0xFFFFFFFF  }
0xc1: {  	_ =	task.clear_ibuf [dreg:s7], $0x2FFFF;
	_ =	strace $0x9FFFFFFF  }
0xc2: {  	(tm) =	ssettm $0x7FFFFFFF  }
0xc3: {  	_ =	shalt  }
tec
execute0_lowered:
.L_overlay_start_1:
0x0: {  	(tag) =	ssettag $0x1  }
0x1: {  	s0 =	rddreg [dreg:$0x0];
	s2 =	simm.s32 $0x0  }
0x2: {  	s1 =	srdreg.scid;
	s9 =	stileid.u32;
	s12 =	simm.s32 $0x2  }
0x3: {  	s13 =	simm.s32 $0x80;
	s14 =	simm.s32 $0x4000;
	s15 =	simm.s32 $0x680  }
0x4: {  	s11 =	simm.s32 $0x5D00;
	s10 =	simm.s32 $0xC500;
	s16 =	simm.s32 $0x6500  }
0x5: {  	s17 =	simm.s32 $0xC00;
	s18 =	simm.s32 $0xCD00;
	s19 =	simm.s32 $0x600  }
0x6: {  	s20 =	simm.s32 $0x6D00;
	s21 =	simm.s32 $0xC80;
	s22 =	simm.s32 $0xD500  }
0x7: {  	s23 =	simm.s32 $0x1;
	s24 =	simm.s32 $0xDD00;
	s26 =	simm.s32 $0x0  }
0x8: {  	[smem:$0x7FF] =	sst s2;
	s3 =	sadd.s32 $0x1651A00, s0;
	s1 =	sand.u32 $0x1, s1  }
0x9: {  	s5 =	sadd.s32 $0x13D6C00, s0;
	s6 =	sadd.s32 $0x7200, s0;
	s7 =	sadd.s32 $0xA00, s0  }
0xa: {  	vm0 =	vmmov $0x1;
	vm1 =	vmmov $0x3;
	vm2 =	vmmov $0x7;
	s30 =	sshll.u32 s9, $0x7;
	s0 =	sadd.s32 $0xDA00, s0;
	s4 =	ssub.s32 $0x2, s1  }
0xb: {  	vm3 =	vmmov $0xf;
	vm4 =	vmmov $0x1f;
	vm5 =	vmmov $0x3f;
	_ =	strace $0x80000047;
	s1 =	sshll.u32 s1, $0x6;
	s8 =	sshrl.u32 s4, $0x1  }
0xc: {  	vm6 =	vmmov $0x7f;
	vm7 =	vmmov $0xff;
	vm8 =	vmmov $0x1ff;
	[dreg:$0x3] =	wrdreg s0;
	s0 =	simm.s32 $0xBD00;
	s4 =	ssub.s32 s4, s8  }
0xd: {  	vm9 =	vmmov $0x3ff;
	vm10 =	vmmov $0x7ff;
	vm11 =	vmmov $0xfff;
	s9 =	sor.u32 s1, s30;
	s1 =	simm.s32 $0x580;
	s31 =	smax.u32 s4, $0x1  }
0xe: {  	vm12 =	vmmov $0x1fff;
	vm13 =	vmmov $0x3fff;
	vm14 =	vmmov $0x7fff;
	s8 =	simm.s32 $0xB80;
	s4 =	simm.s32 $0x500;
	[dreg:$0x4] =	wrdreg s31  }
.LBB2_1:
0xf: {  	[dreg:$0x5] =	wrdreg s26  }
0x10: {  	s25 =	rddreg [dreg:$0x3];
	s31 =	simm.s32 $0xDD80  }
0x11: {  	[tilespmem:s31], [sflag:$0x2] =	stream.linear.gather [hbm4b:s25+s2], $0x10, $0x38;
	[tilespmem:$0xDD90] =	vst v63  }
0x12: {  	_ =	swait.ge [sflag:s12], $0x10  }
0x13: {  	[sflag:s12] =	ssyncset.done $0x0  }
0x14: {  	[sflag:s12] =	ssyncadd.s32 $0xFFFFFFF0  }
0x15: {  	v0 =	vld [tilespmem:$0xDD80];
	_ =	sdelay $0x4  }
0x16: {  	v1 =	vbroadcast v0, $0x0  }
0x17: {  	v0 =	vbroadcast v0, $0x1  }
0x18: {  	[tilespmem:$0x1FFE0] =	vst v1  }
0x19: {  	s25 =	simm.s32 $0x0;
	[tilespmem:$0x1FFF0] =	vst v0  }
.LBB2_2:
0x1a: {  	s26 =	sshll.u32 s25, $0x4  }
0x1b: {  	s26 =	sadd.s32 s9, s26  }
0x1c: {  	s28 =	sadd.s32 s6, s26  }
0x1d: {  	[tilespmem:s2], [sflag:$0x2] =	stream.strided.gather [hbm4b:s28+s13], $0x680, s14, s13, $0x38;
	[tilespmem:$0xDD90] =	vst v63  }
0x1e: {  	_ =	swait.ge [sflag:s12], $0x680  }
0x1f: {  	[sflag:s12] =	ssyncset.done $0x0  }
0x20: {  	s28 =	sadd.s32 s7, s26;
	[sflag:s12] =	ssyncadd.s32 $0xFFFFF980  }
0x21: {  	[tilespmem:s15], [sflag:$0x2] =	stream.strided.gather [hbm4b:s28+s13], $0x680, s14, s13, $0x38;
	[tilespmem:$0xDD90] =	vst v63  }
0x22: {  	_ =	swait.ge [sflag:s12], $0x680  }
0x23: {  	[sflag:s12] =	ssyncset.done $0x0  }
0x24: {  	s28 =	simm.s32 $0xFFFFFF80;
	[sflag:s12] =	ssyncadd.s32 $0xFFFFF980  }
0x25: {  	v0 =	vld [tilespmem:s28+$0x100]  }
0x26: {  	v1 =	vld [tilespmem:s28+$0x780]  }
0x27: {  	v2 =	vld [tilespmem:s28+$0x180]  }
0x28: {  	v3 =	vld [tilespmem:s28+$0x800]  }
0x29: {  	v4 =	vld [tilespmem:s28+$0x200]  }
0x2a: {  	v5 =	vld [tilespmem:s28+$0x880];
	v0 =	vadd.s32 $0x186A0, v0  }
0x2b: {  	[tilespmem:s28+$0x100] =	vst v0;
	v0 =	vadd.s32 $0x186A0, v1;
	v1 =	vld [tilespmem:s28+$0x280]  }
0x2c: {  	[tilespmem:s28+$0x780] =	vst v0;
	v0 =	vadd.s32 $0x30D40, v2;
	v2 =	vld [tilespmem:s28+$0x900]  }
0x2d: {  	[tilespmem:s28+$0x180] =	vst v0;
	v0 =	vadd.s32 $0x30D40, v3;
	v3 =	vld [tilespmem:s28+$0x300]  }
0x2e: {  	[tilespmem:s28+$0x800] =	vst v0;
	v0 =	vadd.s32 $0x493E0, v4;
	v4 =	vld [tilespmem:s28+$0x980]  }
0x2f: {  	[tilespmem:s28+$0x200] =	vst v0;
	v0 =	vadd.s32 $0x493E0, v5;
	v5 =	vld [tilespmem:s28+$0x380]  }
0x30: {  	[tilespmem:s28+$0x880] =	vst v0;
	v0 =	vadd.s32 $0x61A80, v1;
	v1 =	vld [tilespmem:s28+$0xA00]  }
0x31: {  	[tilespmem:s28+$0x280] =	vst v0;
	v0 =	vadd.s32 $0x61A80, v2;
	v2 =	vld [tilespmem:s28+$0x400]  }
0x32: {  	[tilespmem:s28+$0x900] =	vst v0;
	v0 =	vadd.s32 $0x7A120, v3;
	v3 =	vld [tilespmem:s28+$0xA80]  }
0x33: {  	[tilespmem:s28+$0x300] =	vst v0;
	v0 =	vadd.s32 $0x7A120, v4;
	v4 =	vld [tilespmem:s28+$0x480]  }
0x34: {  	[tilespmem:s28+$0x980] =	vst v0;
	v0 =	vadd.s32 $0x927C0, v5;
	v5 =	vld [tilespmem:s28+$0xB00]  }
0x35: {  	v6 =	vld [tilespmem:s28+$0x500];
	[tilespmem:s28+$0x380] =	vst v0;
	v0 =	vadd.s32 $0x927C0, v1  }
0x36: {  	v7 =	vld [tilespmem:s28+$0xB80];
	[tilespmem:s28+$0xA00] =	vst v0;
	v0 =	vadd.s32 $0xAAE60, v2  }
0x37: {  	v1 =	vld [tilespmem:s28+$0x580];
	[tilespmem:s28+$0x400] =	vst v0;
	v0 =	vadd.s32 $0xAAE60, v3  }
0x38: {  	[tilespmem:s28+$0xA80] =	vst v0;
	v2 =	vadd.s32 $0xC3500, v4;
	v0 =	vld [tilespmem:s28+$0xC00]  }
0x39: {  	[tilespmem:s28+$0x480] =	vst v2;
	v3 =	vadd.s32 $0xC3500, v5;
	v2 =	vld [tilespmem:s28+$0x600]  }
0x3a: {  	v4 =	vadd.s32 $0xDBBA0, v6;
	[tilespmem:s28+$0xB00] =	vst v3;
	v3 =	vld [tilespmem:s28+$0xC80]  }
0x3b: {  	s29 =	simm.s32 $0xFFFFFE40;
	[tilespmem:s28+$0x500] =	vst v4;
	v5 =	vadd.s32 $0xDBBA0, v7;
	v4 =	vld [tilespmem:s28+$0x680]  }
.LBB2_3:
0x3c: {  	s30 =	sshra.s32 s29, $0x2;
	p0 =	sne.s32 s29, $0xFFFFFFC0;
	[tilespmem:s28+$0xB80] =	vst v5;
	v1 =	vadd.s32 $0xF4240, v1;
	v5 =	vld [tilespmem:s28+$0xD00]  }
0x3d: {  	v6 =	vld [tilespmem:s30+$0x100];
	[tilespmem:s28+$0x580] =	vst v1;
	v0 =	vadd.s32 $0xF4240, v0  }
0x3e: {  	v1 =	vld [tilespmem:s30+$0x780];
	[tilespmem:s28+$0xC00] =	vst v0;
	v0 =	vadd.s32 $0x10C8E0, v2  }
0x3f: {  	v2 =	vld [tilespmem:s30+$0x180];
	[tilespmem:s28+$0x600] =	vst v0;
	v0 =	vadd.s32 $0x10C8E0, v3  }
0x40: {  	v3 =	vld [tilespmem:s30+$0x800];
	[tilespmem:s28+$0xC80] =	vst v0;
	v0 =	vadd.s32 $0x124F80, v4  }
0x41: {  	v4 =	vld [tilespmem:s30+$0x200];
	[tilespmem:s28+$0x680] =	vst v0;
	v0 =	vadd.s32 $0x124F80, v5  }
0x42: {  	v5 =	vadd.s32 $0x186A0, v6;
	v6 =	vld [tilespmem:s30+$0x880];
	[tilespmem:s28+$0xD00] =	vst v0;
	s28 =	smov.u32 s30  }
0x43: {  	[tilespmem:s28+$0x100] =	vst v5;
	v0 =	vadd.s32 $0x186A0, v1;
	v1 =	vld [tilespmem:s28+$0x280]  }
0x44: {  	[tilespmem:s28+$0x780] =	vst v0;
	v0 =	vadd.s32 $0x30D40, v2;
	v2 =	vld [tilespmem:s28+$0x900]  }
0x45: {  	[tilespmem:s28+$0x180] =	vst v0;
	v0 =	vadd.s32 $0x30D40, v3;
	v3 =	vld [tilespmem:s28+$0x300]  }
0x46: {  	[tilespmem:s28+$0x800] =	vst v0;
	v0 =	vadd.s32 $0x493E0, v4;
	v4 =	vld [tilespmem:s28+$0x980]  }
0x47: {  	[tilespmem:s28+$0x200] =	vst v0;
	v0 =	vadd.s32 $0x493E0, v6;
	v5 =	vld [tilespmem:s28+$0x380]  }
0x48: {  	[tilespmem:s28+$0x880] =	vst v0;
	v0 =	vadd.s32 $0x61A80, v1;
	v1 =	vld [tilespmem:s28+$0xA00]  }
0x49: {  	[tilespmem:s28+$0x280] =	vst v0;
	v0 =	vadd.s32 $0x61A80, v2;
	v2 =	vld [tilespmem:s28+$0x400]  }
0x4a: {  	[tilespmem:s28+$0x900] =	vst v0;
	v0 =	vadd.s32 $0x7A120, v3;
	v3 =	vld [tilespmem:s28+$0xA80]  }
0x4b: {  	[tilespmem:s28+$0x300] =	vst v0;
	v0 =	vadd.s32 $0x7A120, v4;
	v4 =	vld [tilespmem:s28+$0x480]  }
0x4c: {  	[tilespmem:s28+$0x980] =	vst v0;
	v0 =	vadd.s32 $0x927C0, v5;
	v5 =	vld [tilespmem:s28+$0xB00]  }
0x4d: {  	[tilespmem:s28+$0x380] =	vst v0;
	v0 =	vadd.s32 $0x927C0, v1;
	v6 =	vld [tilespmem:s28+$0x500]  }
0x4e: {  	[tilespmem:s28+$0xA00] =	vst v0;
	v0 =	vadd.s32 $0xAAE60, v2;
	v7 =	vld [tilespmem:s28+$0xB80]  }
.Ltmp0:
0x4f: {  	[tilespmem:s28+$0x400] =	vst v0;
	v0 =	vadd.s32 $0xAAE60, v3;
	v1 =	vld [tilespmem:s28+$0x580];
	(pc) =	sbr.rel @p0 .LBB2_3-.Ltmp0, $4  }
0x50: {  	[tilespmem:s28+$0xA80] =	vst v0;
	v2 =	vadd.s32 $0xC3500, v4;
	v0 =	vld [tilespmem:s28+$0xC00]  }
0x51: {  	[tilespmem:s28+$0x480] =	vst v2;
	v3 =	vadd.s32 $0xC3500, v5;
	v2 =	vld [tilespmem:s28+$0x600]  }
0x52: {  	[tilespmem:s28+$0xB00] =	vst v3;
	v4 =	vadd.s32 $0xDBBA0, v6;
	v3 =	vld [tilespmem:s28+$0xC80]  }
0x53: {  	s29 =	sadd.s32 $0x40, s29;
	[tilespmem:s28+$0x500] =	vst v4;
	v5 =	vadd.s32 $0xDBBA0, v7;
	v4 =	vld [tilespmem:s28+$0x680]  }
0x54: {  	[tilespmem:s28+$0xB80] =	vst v5;
	v1 =	vadd.s32 $0xF4240, v1;
	v5 =	vld [tilespmem:s28+$0xD00]  }
0x55: {  	[tilespmem:s28+$0x580] =	vst v1;
	v0 =	vadd.s32 $0xF4240, v0  }
0x56: {  	[tilespmem:s28+$0xC00] =	vst v0;
	v0 =	vadd.s32 $0x10C8E0, v2  }
0x57: {  	[tilespmem:s28+$0x600] =	vst v0;
	v0 =	vadd.s32 $0x10C8E0, v3  }
0x58: {  	[tilespmem:s28+$0xC80] =	vst v0;
	v0 =	vadd.s32 $0x124F80, v4  }
0x59: {  	[tilespmem:s28+$0x680] =	vst v0;
	v0 =	vadd.s32 $0x124F80, v5  }
0x5a: {  	s29 =	simm.s32 $0xD00;
	[tilespmem:s28+$0xD00] =	vst v0;
	s28 =	simm.s32 $0x0  }
0x5b: {  	[tilespmem:s29], [sflag:$0x1] =	stream.indirect.gather [hbm4b:s3+s13], $0x10, s28, s13, $0xb8;
	[tilespmem:$0xDD90] =	vst v63  }
0x5c: {  	s29 =	simm.s32 $0x7500  }
0x5d: {  	[tilespmem:s29], [sflag:$0x1] =	stream.indirect.gather [hbm4b:s5+s13], $0x10, s15, s13, $0xb8;
	[tilespmem:$0xDD90] =	vst v63  }
0x5e: {  	s29 =	simm.s32 $0x1500  }
0x5f: {  	[tilespmem:s29], [sflag:$0x1] =	stream.indirect.gather [hbm4b:s3+s13], $0x10, s13, s13, $0xb8;
	[tilespmem:$0xDD90] =	vst v63  }
0x60: {  	s30 =	simm.s32 $0x7D00;
	s29 =	simm.s32 $0x700  }
0x61: {  	[tilespmem:s30], [sflag:$0x1] =	stream.indirect.gather [hbm4b:s5+s13], $0x10, s29, s13, $0xb8;
	[tilespmem:$0xDD90] =	vst v63  }
0x62: {  	s29 =	simm.s32 $0x100;
	s30 =	simm.s32 $0x1D00  }
0x63: {  	[tilespmem:s30], [sflag:$0x1] =	stream.indirect.gather [hbm4b:s3+s13], $0x10, s29, s13, $0xb8;
	[tilespmem:$0xDD90] =	vst v63  }
0x64: {  	s29 =	simm.s32 $0x780;
	s30 =	simm.s32 $0x8500  }
0x65: {  	[tilespmem:s30], [sflag:$0x1] =	stream.indirect.gather [hbm4b:s5+s13], $0x10, s29, s13, $0xb8;
	[tilespmem:$0xDD90] =	vst v63  }
0x66: {  	s29 =	simm.s32 $0x180;
	s30 =	simm.s32 $0x2500  }
0x67: {  	[tilespmem:s30], [sflag:$0x1] =	stream.indirect.gather [hbm4b:s3+s13], $0x10, s29, s13, $0xb8;
	[tilespmem:$0xDD90] =	vst v63  }
0x68: {  	s29 =	simm.s32 $0x800;
	s30 =	simm.s32 $0x8D00  }
0x69: {  	[tilespmem:s30], [sflag:$0x1] =	stream.indirect.gather [hbm4b:s5+s13], $0x10, s29, s13, $0xb8;
	[tilespmem:$0xDD90] =	vst v63  }
0x6a: {  	s29 =	simm.s32 $0x200;
	s30 =	simm.s32 $0x2D00  }
0x6b: {  	[tilespmem:s30], [sflag:$0x1] =	stream.indirect.gather [hbm4b:s3+s13], $0x10, s29, s13, $0xb8;
	[tilespmem:$0xDD90] =	vst v63  }
0x6c: {  	s29 =	simm.s32 $0x880;
	s30 =	simm.s32 $0x9500  }
0x6d: {  	[tilespmem:s30], [sflag:$0x1] =	stream.indirect.gather [hbm4b:s5+s13], $0x10, s29, s13, $0xb8;
	[tilespmem:$0xDD90] =	vst v63  }
0x6e: {  	s29 =	simm.s32 $0x280;
	s30 =	simm.s32 $0x3500  }
0x6f: {  	[tilespmem:s30], [sflag:$0x1] =	stream.indirect.gather [hbm4b:s3+s13], $0x10, s29, s13, $0xb8;
	[tilespmem:$0xDD90] =	vst v63  }
0x70: {  	s29 =	simm.s32 $0x900;
	s30 =	simm.s32 $0x9D00  }
0x71: {  	[tilespmem:s30], [sflag:$0x1] =	stream.indirect.gather [hbm4b:s5+s13], $0x10, s29, s13, $0xb8;
	[tilespmem:$0xDD90] =	vst v63  }
0x72: {  	s29 =	simm.s32 $0x300;
	s30 =	simm.s32 $0x3D00  }
0x73: {  	[tilespmem:s30], [sflag:$0x1] =	stream.indirect.gather [hbm4b:s3+s13], $0x10, s29, s13, $0xb8;
	[tilespmem:$0xDD90] =	vst v63  }
0x74: {  	s29 =	simm.s32 $0x980;
	s30 =	simm.s32 $0xA500  }
0x75: {  	[tilespmem:s30], [sflag:$0x1] =	stream.indirect.gather [hbm4b:s5+s13], $0x10, s29, s13, $0xb8;
	[tilespmem:$0xDD90] =	vst v63  }
0x76: {  	s29 =	simm.s32 $0x380;
	s30 =	simm.s32 $0x4500  }
0x77: {  	[tilespmem:s30], [sflag:$0x1] =	stream.indirect.gather [hbm4b:s3+s13], $0x10, s29, s13, $0xb8;
	[tilespmem:$0xDD90] =	vst v63  }
0x78: {  	s29 =	simm.s32 $0xA00;
	s30 =	simm.s32 $0xAD00  }
0x79: {  	[tilespmem:s30], [sflag:$0x1] =	stream.indirect.gather [hbm4b:s5+s13], $0x10, s29, s13, $0xb8;
	[tilespmem:$0xDD90] =	vst v63  }
0x7a: {  	s29 =	simm.s32 $0x400;
	s30 =	simm.s32 $0x4D00  }
0x7b: {  	[tilespmem:s30], [sflag:$0x1] =	stream.indirect.gather [hbm4b:s3+s13], $0x10, s29, s13, $0xb8;
	[tilespmem:$0xDD90] =	vst v63  }
0x7c: {  	s29 =	simm.s32 $0xA80;
	s30 =	simm.s32 $0xB500  }
0x7d: {  	[tilespmem:s30], [sflag:$0x1] =	stream.indirect.gather [hbm4b:s5+s13], $0x10, s29, s13, $0xb8;
	[tilespmem:$0xDD90] =	vst v63  }
0x7e: {  	s29 =	simm.s32 $0x480;
	s30 =	simm.s32 $0x5500  }
0x7f: {  	[tilespmem:s30], [sflag:$0x1] =	stream.indirect.gather [hbm4b:s3+s13], $0x10, s29, s13, $0xb8;
	[tilespmem:$0xDD90] =	vst v63  }
0x80: {  	s29 =	simm.s32 $0xB00  }
0x81: {  	[tilespmem:s0], [sflag:$0x1] =	stream.indirect.gather [hbm4b:s5+s13], $0x10, s29, s13, $0xb8;
	[tilespmem:$0xDD90] =	vst v63  }
0x82: {  	_ = 	snop  }
0x83: {  	[tilespmem:s11], [sflag:$0x1] =	stream.indirect.gather [hbm4b:s3+s13], $0x10, s4, s13, $0xb8;
	[tilespmem:$0xDD90] =	vst v63  }
0x84: {  	_ = 	snop  }
0x85: {  	[tilespmem:s10], [sflag:$0x1] =	stream.indirect.gather [hbm4b:s5+s13], $0x10, s8, s13, $0xb8;
	[tilespmem:$0xDD90] =	vst v63  }
0x86: {  	_ = 	snop  }
0x87: {  	[tilespmem:s16], [sflag:$0x1] =	stream.indirect.gather [hbm4b:s3+s13], $0x10, s1, s13, $0xb8;
	[tilespmem:$0xDD90] =	vst v63  }
0x88: {  	_ = 	snop  }
0x89: {  	[tilespmem:s18], [sflag:$0x1] =	stream.indirect.gather [hbm4b:s5+s13], $0x10, s17, s13, $0xb8;
	[tilespmem:$0xDD90] =	vst v63  }
0x8a: {  	_ = 	snop  }
0x8b: {  	[tilespmem:s20], [sflag:$0x1] =	stream.indirect.gather [hbm4b:s3+s13], $0x10, s19, s13, $0xb8;
	[tilespmem:$0xDD90] =	vst v63  }
0x8c: {  	_ = 	snop  }
0x8d: {  	[tilespmem:s22], [sflag:$0x1] =	stream.indirect.gather [hbm4b:s5+s13], $0x10, s21, s13, $0xb8;
	[tilespmem:$0xDD90] =	vst v63  }
0x8e: {  	_ =	swait.ge [sflag:s23], $0x800  }
0x8f: {  	[sflag:s23] =	ssyncset.done $0x0  }
0x90: {  	[sflag:s23] =	ssyncadd.s32 $0xFFFFF800  }
0x91: {  	_ =	swait.ge [sflag:s23], $0x800  }
0x92: {  	[sflag:s23] =	ssyncset.done $0x0  }
0x93: {  	[sflag:s23] =	ssyncadd.s32 $0xFFFFF800  }
0x94: {  	_ =	swait.ge [sflag:s23], $0x800  }
0x95: {  	[sflag:s23] =	ssyncset.done $0x0  }
0x96: {  	[sflag:s23] =	ssyncadd.s32 $0xFFFFF800  }
0x97: {  	_ =	swait.ge [sflag:s23], $0x800  }
0x98: {  	[sflag:s23] =	ssyncset.done $0x0  }
0x99: {  	[sflag:s23] =	ssyncadd.s32 $0xFFFFF800  }
0x9a: {  	_ =	swait.ge [sflag:s23], $0x800  }
0x9b: {  	[sflag:s23] =	ssyncset.done $0x0  }
0x9c: {  	[sflag:s23] =	ssyncadd.s32 $0xFFFFF800  }
0x9d: {  	_ =	swait.ge [sflag:s23], $0x800  }
0x9e: {  	[sflag:s23] =	ssyncset.done $0x0  }
0x9f: {  	[sflag:s23] =	ssyncadd.s32 $0xFFFFF800  }
0xa0: {  	_ =	swait.ge [sflag:s23], $0x800  }
0xa1: {  	[sflag:s23] =	ssyncset.done $0x0  }
0xa2: {  	[sflag:s23] =	ssyncadd.s32 $0xFFFFF800  }
0xa3: {  	_ =	swait.ge [sflag:s23], $0x800  }
0xa4: {  	[sflag:s23] =	ssyncset.done $0x0  }
0xa5: {  	[sflag:s23] =	ssyncadd.s32 $0xFFFFF800  }
0xa6: {  	_ =	swait.ge [sflag:s23], $0x800  }
0xa7: {  	[sflag:s23] =	ssyncset.done $0x0  }
0xa8: {  	[sflag:s23] =	ssyncadd.s32 $0xFFFFF800  }
0xa9: {  	_ =	swait.ge [sflag:s23], $0x800  }
0xaa: {  	[sflag:s23] =	ssyncset.done $0x0  }
0xab: {  	[sflag:s23] =	ssyncadd.s32 $0xFFFFF800  }
0xac: {  	_ =	swait.ge [sflag:s23], $0x800  }
0xad: {  	[sflag:s23] =	ssyncset.done $0x0  }
0xae: {  	[sflag:s23] =	ssyncadd.s32 $0xFFFFF800  }
0xaf: {  	_ =	swait.ge [sflag:s23], $0x800  }
0xb0: {  	[sflag:s23] =	ssyncset.done $0x0  }
0xb1: {  	[sflag:s23] =	ssyncadd.s32 $0xFFFFF800  }
0xb2: {  	_ =	swait.ge [sflag:s23], $0x800  }
0xb3: {  	[sflag:s23] =	ssyncset.done $0x0  }
0xb4: {  	[sflag:s23] =	ssyncadd.s32 $0xFFFFF800  }
0xb5: {  	_ =	swait.ge [sflag:s23], $0x800  }
0xb6: {  	[sflag:s23] =	ssyncset.done $0x0  }
0xb7: {  	[sflag:s23] =	ssyncadd.s32 $0xFFFFF800  }
0xb8: {  	_ =	swait.ge [sflag:s23], $0x800  }
0xb9: {  	[sflag:s23] =	ssyncset.done $0x0  }
0xba: {  	[sflag:s23] =	ssyncadd.s32 $0xFFFFF800  }
0xbb: {  	_ =	swait.ge [sflag:s23], $0x800  }
0xbc: {  	[sflag:s23] =	ssyncset.done $0x0  }
0xbd: {  	[sflag:s23] =	ssyncadd.s32 $0xFFFFF800  }
0xbe: {  	_ =	swait.ge [sflag:s23], $0x800  }
0xbf: {  	[sflag:s23] =	ssyncset.done $0x0  }
0xc0: {  	[sflag:s23] =	ssyncadd.s32 $0xFFFFF800  }
0xc1: {  	_ =	swait.ge [sflag:s23], $0x800  }
0xc2: {  	[sflag:s23] =	ssyncset.done $0x0  }
0xc3: {  	[sflag:s23] =	ssyncadd.s32 $0xFFFFF800  }
0xc4: {  	_ =	swait.ge [sflag:s23], $0x800  }
0xc5: {  	[sflag:s23] =	ssyncset.done $0x0  }
0xc6: {  	[sflag:s23] =	ssyncadd.s32 $0xFFFFF800  }
0xc7: {  	_ =	swait.ge [sflag:s23], $0x800  }
0xc8: {  	[sflag:s23] =	ssyncset.done $0x0  }
0xc9: {  	[sflag:s23] =	ssyncadd.s32 $0xFFFFF800  }
0xca: {  	_ =	swait.ge [sflag:s23], $0x800  }
0xcb: {  	[sflag:s23] =	ssyncset.done $0x0  }
0xcc: {  	[sflag:s23] =	ssyncadd.s32 $0xFFFFF800  }
0xcd: {  	_ =	swait.ge [sflag:s23], $0x800  }
0xce: {  	[sflag:s23] =	ssyncset.done $0x0  }
0xcf: {  	[sflag:s23] =	ssyncadd.s32 $0xFFFFF800  }
0xd0: {  	_ =	swait.ge [sflag:s23], $0x800  }
0xd1: {  	[sflag:s23] =	ssyncset.done $0x0  }
0xd2: {  	[sflag:s23] =	ssyncadd.s32 $0xFFFFF800  }
0xd3: {  	_ =	swait.ge [sflag:s23], $0x800  }
0xd4: {  	[sflag:s23] =	ssyncset.done $0x0  }
0xd5: {  	[sflag:s23] =	ssyncadd.s32 $0xFFFFF800  }
0xd6: {  	_ =	swait.ge [sflag:s23], $0x800  }
0xd7: {  	[sflag:s23] =	ssyncset.done $0x0  }
0xd8: {  	[sflag:s23] =	ssyncadd.s32 $0xFFFFF800  }
0xd9: {  	_ =	swait.ge [sflag:s23], $0x800  }
0xda: {  	[sflag:s23] =	ssyncset.done $0x0  }
0xdb: {  	s29 =	simm.s32 $0x0;
	[sflag:s23] =	ssyncadd.s32 $0xFFFFF800  }
0xdc: {  	v0 =	vld [tilespmem:s29+$0x6DE0];
	_ =	sdelay $0x4  }
0xdd: {  	[tilespmem:$0x1F760] =	vst v0;
	v0 =	vld [tilespmem:s29+$0xD5E0];
	_ =	sdelay $0x4  }
0xde: {  	[tilespmem:$0x1F770] =	vst v0;
	v0 =	vld [tilespmem:s29+$0x5DF0];
	_ =	sdelay $0x4  }
0xdf: {  	[tilespmem:$0x1F4C0] =	vst v0;
	v0 =	vld [tilespmem:s29+$0xC5F0];
	_ =	sdelay $0x4  }
0xe0: {  	[tilespmem:$0x1F4D0] =	vst v0;
	v0 =	vld [tilespmem:s29+$0x65E0];
	_ =	sdelay $0x4  }
0xe1: {  	[tilespmem:$0x1F740] =	vst v0;
	v0 =	vld [tilespmem:s29+$0xCDE0];
	_ =	sdelay $0x4  }
0xe2: {  	[tilespmem:$0x1F750] =	vst v0;
	v0 =	vld [tilespmem:s29+$0x55F0];
	_ =	sdelay $0x4  }
0xe3: {  	[tilespmem:$0x1F710] =	vst v0;
	v0 =	vld [tilespmem:s29+$0xBDF0];
	_ =	sdelay $0x4  }
0xe4: {  	[tilespmem:$0x1F720] =	vst v0;
	v0 =	vld [tilespmem:s29+$0x6DC0];
	_ =	sdelay $0x4  }
0xe5: {  	[tilespmem:$0x1F8C0] =	vst v0;
	v0 =	vld [tilespmem:s29+$0xD5C0];
	_ =	sdelay $0x4  }
0xe6: {  	[tilespmem:$0x1F8D0] =	vst v0;
	v0 =	vld [tilespmem:s29+$0x65D0];
	_ =	sdelay $0x4  }
0xe7: {  	[tilespmem:$0x1F4E0] =	vst v0;
	v0 =	vld [tilespmem:s29+$0x5DE0];
	_ =	sdelay $0x4  }
0xe8: {  	[tilespmem:$0x1F6E0] =	vst v0;
	v0 =	vld [tilespmem:s29+$0xC5E0];
	_ =	sdelay $0x4  }
0xe9: {  	[tilespmem:$0x1F6F0] =	vst v0;
	v0 =	vld [tilespmem:s29+$0x4DF0];
	_ =	sdelay $0x4  }
0xea: {  	[tilespmem:$0x1F6C0] =	vst v0;
	v0 =	vld [tilespmem:s29+$0xB5F0];
	_ =	sdelay $0x4  }
0xeb: {  	[tilespmem:$0x1F6D0] =	vst v0;
	v0 =	vld [tilespmem:s29+$0x6DB0];
	_ =	sdelay $0x4  }
0xec: {  	[tilespmem:$0x1FA20] =	vst v0;
	v0 =	vld [tilespmem:s29+$0xD5B0];
	_ =	sdelay $0x4  }
0xed: {  	[tilespmem:$0x1FA30] =	vst v0;
	v0 =	vld [tilespmem:s29+$0x65C0];
	_ =	sdelay $0x4  }
0xee: {  	[tilespmem:$0x1F8A0] =	vst v0;
	v0 =	vld [tilespmem:s29+$0xCDC0];
	_ =	sdelay $0x4  }
0xef: {  	[tilespmem:$0x1F8B0] =	vst v0;
	v0 =	vld [tilespmem:s29+$0x5DD0];
	_ =	sdelay $0x4  }
0xf0: {  	[tilespmem:$0x1F4F0] =	vst v0;
	v0 =	vld [tilespmem:s29+$0xC5D0];
	_ =	sdelay $0x4  }
0xf1: {  	[tilespmem:$0x1F500] =	vst v0;
	v0 =	vld [tilespmem:s29+$0x55E0];
	_ =	sdelay $0x4  }
0xf2: {  	[tilespmem:$0x1F6A0] =	vst v0;
	v0 =	vld [tilespmem:s29+$0xBDE0];
	_ =	sdelay $0x4  }
0xf3: {  	[tilespmem:$0x1F6B0] =	vst v0;
	v0 =	vld [tilespmem:s29+$0x45F0];
	_ =	sdelay $0x4  }
0xf4: {  	[tilespmem:$0x1F680] =	vst v0;
	v0 =	vld [tilespmem:s29+$0xADF0];
	_ =	sdelay $0x4  }
0xf5: {  	[tilespmem:$0x1F690] =	vst v0;
	v0 =	vld [tilespmem:s29+$0x65B0];
	_ =	sdelay $0x4  }
0xf6: {  	[tilespmem:$0x1F9E0] =	vst v0;
	v0 =	vld [tilespmem:s29+$0xCDB0];
	_ =	sdelay $0x4  }
0xf7: {  	[tilespmem:$0x1F9F0] =	vst v0;
	v0 =	vld [tilespmem:s29+$0x5DC0];
	_ =	sdelay $0x4  }
0xf8: {  	[tilespmem:$0x1F880] =	vst v0;
	v0 =	vld [tilespmem:s29+$0xC5C0];
	_ =	sdelay $0x4  }
0xf9: {  	[tilespmem:$0x1F890] =	vst v0;
	v0 =	vld [tilespmem:s29+$0x55D0];
	_ =	sdelay $0x4  }
0xfa: {  	[tilespmem:$0x1F820] =	vst v0;
	v0 =	vld [tilespmem:s29+$0xBDD0];
	_ =	sdelay $0x4  }
0xfb: {  	[tilespmem:$0x1F830] =	vst v0;
	v0 =	vld [tilespmem:s29+$0x4DE0];
	_ =	sdelay $0x4  }
0xfc: {  	[tilespmem:$0x1F660] =	vst v0;
	v0 =	vld [tilespmem:s29+$0xB5E0];
	_ =	sdelay $0x4  }
0xfd: {  	[tilespmem:$0x1F670] =	vst v0;
	v0 =	vld [tilespmem:s29+$0x3DF0];
	_ =	sdelay $0x4  }
0xfe: {  	[tilespmem:$0x1F640] =	vst v0;
	v0 =	vld [tilespmem:s29+$0xA5F0];
	_ =	sdelay $0x4  }
0xff: {  	[tilespmem:$0x1F650] =	vst v0;
	v0 =	vld [tilespmem:s29+$0x6D90];
	_ =	sdelay $0x4  }
0x100: {  	[tilespmem:$0x1FC30] =	vst v0;
	v0 =	vld [tilespmem:s29+$0xD590];
	_ =	sdelay $0x4  }
0x101: {  	[tilespmem:$0x1FC40] =	vst v0;
	v0 =	vld [tilespmem:s29+$0x65A0];
	_ =	sdelay $0x4  }
0x102: {  	[tilespmem:$0x1F510] =	vst v0;
	v0 =	vld [tilespmem:s29+$0x5DB0];
	_ =	sdelay $0x4  }
0x103: {  	[tilespmem:$0x1F9A0] =	vst v0;
	v0 =	vld [tilespmem:s29+$0xC5B0];
	_ =	sdelay $0x4  }
0x104: {  	[tilespmem:$0x1F9B0] =	vst v0;
	v0 =	vld [tilespmem:s29+$0x55C0];
	_ =	sdelay $0x4  }
0x105: {  	[tilespmem:$0x1F860] =	vst v0;
	v0 =	vld [tilespmem:s29+$0xBDC0];
	_ =	sdelay $0x4  }
0x106: {  	[tilespmem:$0x1F870] =	vst v0;
	v0 =	vld [tilespmem:s29+$0x4DD0];
	_ =	sdelay $0x4  }
0x107: {  	[tilespmem:$0x1F7E0] =	vst v0;
	v0 =	vld [tilespmem:s29+$0xB5D0];
	_ =	sdelay $0x4  }
0x108: {  	[tilespmem:$0x1F7F0] =	vst v0;
	v0 =	vld [tilespmem:s29+$0x6D80];
	_ =	sdelay $0x4  }
0x109: {  	[tilespmem:$0x1FC70] =	vst v0;
	v0 =	vld [tilespmem:s29+$0xD580];
	_ =	sdelay $0x4  }
0x10a: {  	[tilespmem:$0x1FC80] =	vst v0;
	v0 =	vld [tilespmem:s29+$0x6590];
	_ =	sdelay $0x4  }
0x10b: {  	[tilespmem:$0x1FBF0] =	vst v0;
	v0 =	vld [tilespmem:s29+$0xCD90];
	_ =	sdelay $0x4  }
0x10c: {  	[tilespmem:$0x1FC00] =	vst v0;
	v0 =	vld [tilespmem:s29+$0x5DA0];
	_ =	sdelay $0x4  }
0x10d: {  	[tilespmem:$0x1F520] =	vst v0;
	v0 =	vld [tilespmem:s29+$0xC5A0];
	_ =	sdelay $0x4  }
0x10e: {  	[tilespmem:$0x1F530] =	vst v0;
	v0 =	vld [tilespmem:s29+$0x55B0];
	_ =	sdelay $0x4  }
0x10f: {  	[tilespmem:$0x1F960] =	vst v0;
	v0 =	vld [tilespmem:s29+$0xBDB0];
	_ =	sdelay $0x4  }
0x110: {  	[tilespmem:$0x1F970] =	vst v0;
	v0 =	vld [tilespmem:s29+$0x4DC0];
	_ =	sdelay $0x4  }
0x111: {  	[tilespmem:$0x1F840] =	vst v0;
	v0 =	vld [tilespmem:s29+$0xB5C0];
	_ =	sdelay $0x4  }
0x112: {  	[tilespmem:$0x1F850] =	vst v0;
	v0 =	vld [tilespmem:s29+$0x45D0];
	_ =	sdelay $0x4  }
0x113: {  	[tilespmem:$0x1F7A0] =	vst v0;
	v0 =	vld [tilespmem:s29+$0xADD0];
	_ =	sdelay $0x4  }
0x114: {  	[tilespmem:$0x1F7B0] =	vst v0;
	v0 =	vld [tilespmem:s29+$0x6580];
	_ =	sdelay $0x4  }
0x115: {  	[tilespmem:$0x1FC50] =	vst v0;
	v0 =	vld [tilespmem:s29+$0xCD80];
	_ =	sdelay $0x4  }
0x116: {  	[tilespmem:$0x1FC60] =	vst v0;
	v0 =	vld [tilespmem:s29+$0x5D90];
	_ =	sdelay $0x4  }
0x117: {  	[tilespmem:$0x1FBB0] =	vst v0;
	v0 =	vld [tilespmem:s29+$0xC590];
	_ =	sdelay $0x4  }
0x118: {  	[tilespmem:$0x1FBC0] =	vst v0;
	v0 =	vld [tilespmem:s29+$0x55A0];
	_ =	sdelay $0x4  }
0x119: {  	[tilespmem:$0x1FA60] =	vst v0;
	v0 =	vld [tilespmem:s29+$0xBDA0];
	_ =	sdelay $0x4  }
0x11a: {  	[tilespmem:$0x1FA70] =	vst v0;
	v0 =	vld [tilespmem:s29+$0x4DB0];
	_ =	sdelay $0x4  }
0x11b: {  	[tilespmem:$0x1F940] =	vst v0;
	v0 =	vld [tilespmem:s29+$0xB5B0];
	_ =	sdelay $0x4  }
0x11c: {  	[tilespmem:$0x1F950] =	vst v0;
	v0 =	vld [tilespmem:s29+$0x45C0];
	_ =	sdelay $0x4  }
0x11d: {  	[tilespmem:$0x1F800] =	vst v0;
	v0 =	vld [tilespmem:s29+$0xADC0];
	_ =	sdelay $0x4  }
0x11e: {  	[tilespmem:$0x1F810] =	vst v0;
	v0 =	vld [tilespmem:s29+$0x3DD0];
	_ =	sdelay $0x4  }
0x11f: {  	[tilespmem:$0x1F780] =	vst v0;
	v0 =	vld [tilespmem:s29+$0xA5D0];
	_ =	sdelay $0x4  }
0x120: {  	[tilespmem:$0x1F790] =	vst v0;
	v0 =	vld [tilespmem:s29+$0x6D60];
	_ =	sdelay $0x4  }
0x121: {  	[tilespmem:$0x1FDE0] =	vst v0;
	v0 =	vld [tilespmem:s29+$0xD560];
	_ =	sdelay $0x4  }
0x122: {  	[tilespmem:$0x1FDF0] =	vst v0;
	v0 =	vld [tilespmem:s29+$0x6570];
	_ =	sdelay $0x4  }
0x123: {  	[tilespmem:$0x1F540] =	vst v0;
	v0 =	vld [tilespmem:s29+$0x5D80];
	_ =	sdelay $0x4  }
0x124: {  	[tilespmem:$0x1FC10] =	vst v0;
	v0 =	vld [tilespmem:s29+$0xC580];
	_ =	sdelay $0x4  }
0x125: {  	[tilespmem:$0x1FC20] =	vst v0;
	v0 =	vld [tilespmem:s29+$0x5590];
	_ =	sdelay $0x4  }
0x126: {  	[tilespmem:$0x1FB70] =	vst v0;
	v0 =	vld [tilespmem:s29+$0xBD90];
	_ =	sdelay $0x4  }
0x127: {  	[tilespmem:$0x1FB80] =	vst v0;
	v0 =	vld [tilespmem:s29+$0x4DA0];
	_ =	sdelay $0x4  }
0x128: {  	[tilespmem:$0x1FA40] =	vst v0;
	v0 =	vld [tilespmem:s29+$0xB5A0];
	_ =	sdelay $0x4  }
0x129: {  	[tilespmem:$0x1FA50] =	vst v0;
	v0 =	vld [tilespmem:s29+$0x45B0];
	_ =	sdelay $0x4  }
0x12a: {  	[tilespmem:$0x1F920] =	vst v0;
	v0 =	vld [tilespmem:s29+$0xADB0];
	_ =	sdelay $0x4  }
0x12b: {  	[tilespmem:$0x1F930] =	vst v0;
	v0 =	vld [tilespmem:s29+$0x3DC0];
	_ =	sdelay $0x4  }
0x12c: {  	[tilespmem:$0x1F7C0] =	vst v0;
	v0 =	vld [tilespmem:s29+$0xA5C0];
	_ =	sdelay $0x4  }
0x12d: {  	[tilespmem:$0x1F7D0] =	vst v0;
	v0 =	vld [tilespmem:s29+$0x6D50];
	_ =	sdelay $0x4  }
0x12e: {  	[tilespmem:$0x1FEA0] =	vst v0;
	v0 =	vld [tilespmem:s29+$0xD550];
	_ =	sdelay $0x4  }
0x12f: {  	[tilespmem:$0x1FEB0] =	vst v0;
	v0 =	vld [tilespmem:s29+$0x6560];
	_ =	sdelay $0x4  }
0x130: {  	[tilespmem:$0x1FDC0] =	vst v0;
	v0 =	vld [tilespmem:s29+$0xCD60];
	_ =	sdelay $0x4  }
0x131: {  	[tilespmem:$0x1FDD0] =	vst v0;
	v0 =	vld [tilespmem:s29+$0x5D70];
	_ =	sdelay $0x4  }
0x132: {  	[tilespmem:$0x1F550] =	vst v0;
	v0 =	vld [tilespmem:s29+$0xC570];
	_ =	sdelay $0x4  }
0x133: {  	[tilespmem:$0x1F560] =	vst v0;
	v0 =	vld [tilespmem:s29+$0x5580];
	_ =	sdelay $0x4  }
0x134: {  	[tilespmem:$0x1FBD0] =	vst v0;
	v0 =	vld [tilespmem:s29+$0xBD80];
	_ =	sdelay $0x4  }
0x135: {  	[tilespmem:$0x1FBE0] =	vst v0;
	v0 =	vld [tilespmem:s29+$0x4D90];
	_ =	sdelay $0x4  }
0x136: {  	[tilespmem:$0x1FB30] =	vst v0;
	v0 =	vld [tilespmem:s29+$0xB590];
	_ =	sdelay $0x3  }
0x137: {  	v57 =	vld [tilespmem:s29+$0x45E0]  }
0x138: {  	[tilespmem:$0x1FB40] =	vst v0;
	v0 =	vld [tilespmem:s29+$0x45A0]  }
0x139: {  	v58 =	vld [tilespmem:s29+$0xADE0]  }
0x13a: {  	v55 =	vld [tilespmem:s29+$0x35F0]  }
0x13b: {  	v56 =	vld [tilespmem:s29+$0x9DF0]  }
0x13c: {  	v46 =	vld [tilespmem:s29+$0x3DE0]  }
0x13d: {  	[tilespmem:$0x1FA00] =	vst v0;
	v0 =	vld [tilespmem:s29+$0xADA0]  }
0x13e: {  	v47 =	vld [tilespmem:s29+$0xA5E0]  }
0x13f: {  	v42 =	vld [tilespmem:s29+$0x2DF0]  }
0x140: {  	v43 =	vld [tilespmem:s29+$0x95F0]  }
0x141: {  	v37 =	vld [tilespmem:s29+$0x35E0]  }
0x142: {  	[tilespmem:$0x1FA10] =	vst v0;
	v0 =	vld [tilespmem:s29+$0x3DB0]  }
0x143: {  	v39 =	vld [tilespmem:s29+$0x9DE0]  }
0x144: {  	v51 =	vld [tilespmem:s29+$0x25F0]  }
0x145: {  	v34 =	vld [tilespmem:s29+$0x8DF0]  }
0x146: {  	v61 =	vld [tilespmem:s29+$0x35D0]  }
0x147: {  	[tilespmem:$0x1F900] =	vst v0;
	v0 =	vld [tilespmem:s29+$0xA5B0]  }
0x148: {  	v59 =	vld [tilespmem:s29+$0x9DD0]  }
0x149: {  	v60 =	vld [tilespmem:s29+$0x2DE0]  }
0x14a: {  	v28 =	vld [tilespmem:s29+$0x95E0]  }
0x14b: {  	v26 =	vld [tilespmem:s29+$0x1DF0]  }
0x14c: {  	v27 =	vld [tilespmem:s29+$0x85F0];
	[tilespmem:$0x1F910] =	vst v0  }
0x14d: {  	v0 =	vld [tilespmem:s29+$0x6550];
	_ =	sdelay $0x4  }
0x14e: {  	[tilespmem:$0x1FE80] =	vst v0;
	v0 =	vld [tilespmem:s29+$0xCD50];
	_ =	sdelay $0x4  }
0x14f: {  	[tilespmem:$0x1FE90] =	vst v0;
	v0 =	vld [tilespmem:s29+$0x5D60];
	_ =	sdelay $0x4  }
0x150: {  	[tilespmem:$0x1FDA0] =	vst v0;
	v0 =	vld [tilespmem:s29+$0xC560];
	_ =	sdelay $0x4  }
0x151: {  	[tilespmem:$0x1FDB0] =	vst v0;
	v0 =	vld [tilespmem:s29+$0x5570];
	_ =	sdelay $0x4  }
0x152: {  	[tilespmem:$0x1FD40] =	vst v0;
	v0 =	vld [tilespmem:s29+$0xBD70];
	_ =	sdelay $0x4  }
0x153: {  	[tilespmem:$0x1FD50] =	vst v0;
	v0 =	vld [tilespmem:s29+$0x4D80];
	_ =	sdelay $0x4  }
0x154: {  	[tilespmem:$0x1FB90] =	vst v0;
	v0 =	vld [tilespmem:s29+$0xB580];
	_ =	sdelay $0x4  }
0x155: {  	[tilespmem:$0x1FBA0] =	vst v0;
	v0 =	vld [tilespmem:s29+$0x4590];
	_ =	sdelay $0x4  }
0x156: {  	[tilespmem:$0x1FAF0] =	vst v0;
	v0 =	vld [tilespmem:s29+$0xAD90];
	_ =	sdelay $0x4  }
0x157: {  	[tilespmem:$0x1FB00] =	vst v0;
	v0 =	vld [tilespmem:s29+$0x3DA0];
	_ =	sdelay $0x4  }
0x158: {  	[tilespmem:$0x1F9C0] =	vst v0;
	v0 =	vld [tilespmem:s29+$0xA5A0];
	_ =	sdelay $0x4  }
0x159: {  	[tilespmem:$0x1F9D0] =	vst v0;
	v0 =	vld [tilespmem:s29+$0x35B0];
	_ =	sdelay $0x4  }
0x15a: {  	[tilespmem:$0x1F8E0] =	vst v0;
	v0 =	vld [tilespmem:s29+$0x9DB0];
	_ =	sdelay $0x4  }
0x15b: {  	[tilespmem:$0x1F8F0] =	vst v0;
	v0 =	vld [tilespmem:s29+$0x6D30];
	_ =	sdelay $0x4  }
0x15c: {  	[tilespmem:$0x1F570] =	vst v0;
	v0 =	vld [tilespmem:s29+$0xD530];
	_ =	sdelay $0x4  }
0x15d: {  	[tilespmem:$0x1F580] =	vst v0;
	v0 =	vld [tilespmem:s29+$0x6540];
	_ =	sdelay $0x4  }
0x15e: {  	[tilespmem:$0x1F590] =	vst v0;
	v0 =	vld [tilespmem:s29+$0x5D50];
	_ =	sdelay $0x4  }
0x15f: {  	[tilespmem:$0x1FE60] =	vst v0;
	v0 =	vld [tilespmem:s29+$0xC550];
	_ =	sdelay $0x4  }
0x160: {  	[tilespmem:$0x1FE70] =	vst v0;
	v0 =	vld [tilespmem:s29+$0x5560];
	_ =	sdelay $0x4  }
0x161: {  	[tilespmem:$0x1FD80] =	vst v0;
	v0 =	vld [tilespmem:s29+$0xBD60];
	_ =	sdelay $0x4  }
0x162: {  	[tilespmem:$0x1FD90] =	vst v0;
	v0 =	vld [tilespmem:s29+$0x4D70];
	_ =	sdelay $0x2  }
0x163: {  	v4 =	vld [tilespmem:s29+$0x6D20];
	_ =	sdelay $0x1  }
0x164: {  	[tilespmem:$0x1FD00] =	vst v0;
	v0 =	vld [tilespmem:s29+$0xB570];
	_ =	sdelay $0x2  }
0x165: {  	[tilespmem:$0x1F5A0] =	vst v4;
	v4 =	vld [tilespmem:s29+$0xD520];
	_ =	sdelay $0x1  }
0x166: {  	[tilespmem:$0x1FD10] =	vst v0;
	v0 =	vld [tilespmem:s29+$0x4580];
	_ =	sdelay $0x2  }
0x167: {  	[tilespmem:$0x1F5B0] =	vst v4;
	v4 =	vld [tilespmem:s29+$0x6530];
	_ =	sdelay $0x1  }
0x168: {  	[tilespmem:$0x1FB50] =	vst v0;
	v0 =	vld [tilespmem:s29+$0xAD80];
	_ =	sdelay $0x2  }
0x169: {  	[tilespmem:$0x1FF80] =	vst v4;
	v4 =	vld [tilespmem:s29+$0xCD30];
	_ =	sdelay $0x1  }
0x16a: {  	[tilespmem:$0x1FB60] =	vst v0;
	v0 =	vld [tilespmem:s29+$0x3D90];
	_ =	sdelay $0x2  }
0x16b: {  	[tilespmem:$0x1FF90] =	vst v4;
	v4 =	vld [tilespmem:s29+$0x5D40];
	_ =	sdelay $0x1  }
0x16c: {  	[tilespmem:$0x1FAB0] =	vst v0;
	v0 =	vld [tilespmem:s29+$0xA590];
	_ =	sdelay $0x2  }
0x16d: {  	[tilespmem:$0x1F5C0] =	vst v4;
	v4 =	vld [tilespmem:s29+$0xC540];
	_ =	sdelay $0x1  }
0x16e: {  	[tilespmem:$0x1FAC0] =	vst v0;
	v0 =	vld [tilespmem:s29+$0x35A0];
	_ =	sdelay $0x2  }
0x16f: {  	[tilespmem:$0x1F5D0] =	vst v4;
	v4 =	vld [tilespmem:s29+$0x5550];
	_ =	sdelay $0x1  }
0x170: {  	[tilespmem:$0x1F980] =	vst v0;
	v0 =	vld [tilespmem:s29+$0x9DA0];
	_ =	sdelay $0x2  }
0x171: {  	[tilespmem:$0x1FE40] =	vst v4;
	v4 =	vld [tilespmem:s29+$0xBD50]  }
0x172: {  	v1 =	vld [tilespmem:s29+$0x75E0]  }
0x173: {  	[tilespmem:$0x1F990] =	vst v0;
	v0 =	vld [tilespmem:s29+$0x7DE0];
	_ =	sdelay $0x2  }
0x174: {  	[tilespmem:$0x1FE50] =	vst v4;
	v4 =	vld [tilespmem:s29+$0x4D60];
	_ =	sdelay $0x1  }
0x175: {  	v0 =	vadd.f32 v0, v1;
	v1 =	vld [tilespmem:s29+$0x4D40]  }
0x176: {  	v3 =	vld [tilespmem:s29+$0xDE0]  }
0x177: {  	v2 =	vld [tilespmem:s29+$0x15E0]  }
0x178: {  	[tilespmem:$0x1FD60] =	vst v4;
	v4 =	vld [tilespmem:s29+$0xB560]  }
0x179: {  	v8 =	vld [tilespmem:s29+$0x1DE0]  }
0x17a: {  	[tilespmem:$0x1FEC0] =	vst v1;
	v1 =	vld [tilespmem:s29+$0xB540];
	_ =	sdelay $0x1  }
0x17b: {  	v18 =	vld [tilespmem:s29+$0xDF0]  }
0x17c: {  	v2 =	vadd.f32 v2, v3;
	[tilespmem:$0x1FD70] =	vst v4;
	v4 =	vld [tilespmem:s29+$0x4570]  }
0x17d: {  	v16 =	vld [tilespmem:s29+$0x15F0]  }
0x17e: {  	[tilespmem:$0x1FED0] =	vst v1;
	v1 =	vadd.f32 v8, v2;
	v2 =	vld [tilespmem:s29+$0x4550];
	_ =	sdelay $0x1  }
0x17f: {  	v15 =	vld [tilespmem:s29+$0x75F0]  }
0x180: {  	[tilespmem:$0x1FCC0] =	vst v4;
	v4 =	vld [tilespmem:s29+$0xAD70]  }
0x181: {  	v8 =	vld [tilespmem:s29+$0xAD50]  }
0x182: {  	v14 =	vld [tilespmem:s29+$0x7DF0];
	[tilespmem:$0x1FE00] =	vst v2;
	v2 =	vadd.f32 v16, v18  }
0x183: {  	v9 =	vld [tilespmem:s29+$0x85E0]  }
0x184: {  	v20 =	vld [tilespmem:s29+$0x25E0];
	v2 =	vadd.f32 v26, v2  }
0x185: {  	[tilespmem:$0x1FCD0] =	vst v4;
	v4 =	vld [tilespmem:s29+$0x3D80]  }
0x186: {  	[tilespmem:$0x1FE10] =	vst v8;
	v8 =	vld [tilespmem:s29+$0x3D60];
	v2 =	vadd.f32 v51, v2  }
0x187: {  	v3 =	vadd.f32 v14, v15;
	v18 =	vld [tilespmem:$0x1F640]  }
0x188: {  	v0 =	vadd.f32 v9, v0;
	v9 =	vadd.f32 v42, v2  }
0x189: {  	v21 =	vld [tilespmem:s29+$0x8DE0];
	v3 =	vadd.f32 v27, v3  }
0x18a: {  	[tilespmem:$0x1FB10] =	vst v4;
	v4 =	vld [tilespmem:s29+$0xA580];
	v14 =	vadd.f32 v55, v9  }
0x18b: {  	v3 =	vadd.f32 v34, v3;
	[tilespmem:$0x1FCE0] =	vst v8;
	v8 =	vld [tilespmem:s29+$0xA560]  }
0x18c: {  	v1 =	vadd.f32 v20, v1;
	v14 =	vadd.f32 v18, v14;
	v18 =	vld [tilespmem:$0x1F650]  }
0x18d: {  	v3 =	vadd.f32 v43, v3  }
0x18e: {  	v1 =	vadd.f32 v60, v1  }
0x18f: {  	v3 =	vadd.f32 v56, v3;
	[tilespmem:$0x1FB20] =	vst v4;
	v4 =	vld [tilespmem:s29+$0x3590]  }
0x190: {  	v1 =	vadd.f32 v37, v1;
	[tilespmem:$0x1FCF0] =	vst v8;
	v8 =	vld [tilespmem:s29+$0x3570]  }
0x191: {  	v0 =	vadd.f32 v21, v0;
	v3 =	vadd.f32 v18, v3;
	v18 =	vld [tilespmem:$0x1F660]  }
0x192: {  	v1 =	vadd.f32 v46, v1  }
0x193: {  	v0 =	vadd.f32 v28, v0  }
0x194: {  	[tilespmem:$0x1FA90] =	vst v4;
	v4 =	vld [tilespmem:s29+$0x9D90];
	v1 =	vadd.f32 v57, v1  }
0x195: {  	[tilespmem:$0x1FC90] =	vst v8;
	v8 =	vadd.f32 v39, v0  }
0x196: {  	v1 =	vadd.f32 v18, v1;
	v18 =	vld [tilespmem:$0x1F670]  }
0x197: {  	v8 =	vadd.f32 v47, v8;
	_ =	sdelay $0x1  }
0x198: {  	[tilespmem:$0x1FAA0] =	vst v4;
	v4 =	vld [tilespmem:s29+$0x6D00];
	v8 =	vadd.f32 v58, v8;
	_ =	sdelay $0x1  }
0x199: {  	v8 =	vadd.f32 v18, v8;
	v18 =	vld [tilespmem:$0x1F680];
	_ =	sdelay $0x2  }
0x19a: {  	[tilespmem:$0x1F5E0] =	vst v4;
	v4 =	vld [tilespmem:s29+$0xD500];
	_ =	sdelay $0x1  }
0x19b: {  	v14 =	vadd.f32 v18, v14;
	v18 =	vld [tilespmem:$0x1F690];
	_ =	sdelay $0x2  }
0x19c: {  	[tilespmem:$0x1F5F0] =	vst v4;
	v4 =	vld [tilespmem:s29+$0x6520];
	_ =	sdelay $0x1  }
0x19d: {  	v3 =	vadd.f32 v18, v3;
	v18 =	vld [tilespmem:$0x1F6A0];
	_ =	sdelay $0x2  }
0x19e: {  	[tilespmem:$0x1F600] =	vst v4;
	v4 =	vld [tilespmem:s29+$0xCD20];
	_ =	sdelay $0x1  }
0x19f: {  	v1 =	vadd.f32 v18, v1;
	v18 =	vld [tilespmem:$0x1F6B0];
	_ =	sdelay $0x2  }
0x1a0: {  	[tilespmem:$0x1F610] =	vst v4;
	v4 =	vld [tilespmem:s29+$0x5D30];
	_ =	sdelay $0x1  }
0x1a1: {  	v8 =	vadd.f32 v18, v8;
	v18 =	vld [tilespmem:$0x1F6C0];
	_ =	sdelay $0x2  }
0x1a2: {  	[tilespmem:$0x1FF40] =	vst v4;
	v4 =	vld [tilespmem:s29+$0xC530];
	_ =	sdelay $0x1  }
0x1a3: {  	v14 =	vadd.f32 v18, v14;
	v18 =	vld [tilespmem:$0x1F6D0];
	_ =	sdelay $0x2  }
0x1a4: {  	[tilespmem:$0x1FF50] =	vst v4;
	v4 =	vld [tilespmem:s29+$0x5540];
	_ =	sdelay $0x1  }
0x1a5: {  	v3 =	vadd.f32 v18, v3;
	v18 =	vld [tilespmem:$0x1F6E0];
	_ =	sdelay $0x2  }
0x1a6: {  	[tilespmem:$0x1FEE0] =	vst v4;
	v4 =	vld [tilespmem:s29+$0xBD40];
	_ =	sdelay $0x1  }
0x1a7: {  	v1 =	vadd.f32 v18, v1;
	v18 =	vld [tilespmem:$0x1F6F0];
	_ =	sdelay $0x2  }
0x1a8: {  	[tilespmem:$0x1FEF0] =	vst v4;
	v4 =	vld [tilespmem:s29+$0x4D50];
	_ =	sdelay $0x1  }
0x1a9: {  	v8 =	vadd.f32 v18, v8;
	v18 =	vld [tilespmem:s29+$0x5D00];
	_ =	sdelay $0x2  }
0x1aa: {  	[tilespmem:$0x1FE20] =	vst v4;
	v4 =	vld [tilespmem:s29+$0xB550];
	_ =	sdelay $0x1  }
0x1ab: {  	[tilespmem:$0x1F700] =	vst v18;
	v18 =	vld [tilespmem:$0x1F710];
	_ =	sdelay $0x2  }
0x1ac: {  	[tilespmem:$0x1FE30] =	vst v4;
	v4 =	vld [tilespmem:s29+$0x4560];
	_ =	sdelay $0x1  }
0x1ad: {  	v56 =	vadd.f32 v18, v14;
	v14 =	vld [tilespmem:$0x1F720]  }
0x1ae: {  	v11 =	vld [tilespmem:s29+$0x75D0]  }
0x1af: {  	v10 =	vld [tilespmem:s29+$0x7DD0]  }
0x1b0: {  	[tilespmem:$0x1FD20] =	vst v4;
	v4 =	vld [tilespmem:s29+$0xAD60];
	_ =	sdelay $0x1  }
0x1b1: {  	v51 =	vadd.f32 v14, v3;
	v3 =	vld [tilespmem:s29+$0xC500];
	_ =	sdelay $0x1  }
0x1b2: {  	v10 =	vadd.f32 v10, v11;
	v11 =	vld [tilespmem:s29+$0xBD20]  }
0x1b3: {  	[tilespmem:$0x1FD30] =	vst v4;
	v4 =	vld [tilespmem:s29+$0x3D70];
	_ =	sdelay $0x1  }
0x1b4: {  	[tilespmem:$0x1F730] =	vst v3;
	v3 =	vld [tilespmem:$0x1F740];
	_ =	sdelay $0x1  }
0x1b5: {  	[tilespmem:$0x1FF70] =	vst v11;
	v11 =	vld [tilespmem:$0x1F760]  }
0x1b6: {  	[tilespmem:$0x1FCA0] =	vst v4;
	v4 =	vld [tilespmem:s29+$0xA570];
	_ =	sdelay $0x1  }
0x1b7: {  	v1 =	vadd.f32 v3, v1  }
0x1b8: {  	v44 =	vld [tilespmem:s29+$0x2DD0]  }
0x1b9: {  	v3 =	vld [tilespmem:$0x1F750];
	v1 =	vadd.f32 v11, v1  }
0x1ba: {  	[tilespmem:$0x1FCB0] =	vst v4;
	v4 =	vld [tilespmem:s29+$0x3580]  }
0x1bb: {  	[tilespmem:$0x1FFC0] =	vst v1;
	v1 =	vld [tilespmem:$0x1F770]  }
0x1bc: {  	v32 =	vld [tilespmem:s29+$0x25D0]  }
0x1bd: {  	v13 =	vld [tilespmem:s29+$0xDD0]  }
0x1be: {  	v12 =	vld [tilespmem:s29+$0x15D0];
	v3 =	vadd.f32 v3, v8  }
0x1bf: {  	[tilespmem:$0x1FAD0] =	vst v4;
	v4 =	vld [tilespmem:s29+$0x9D80]  }
0x1c0: {  	v8 =	vld [tilespmem:s29+$0x5520];
	v1 =	vadd.f32 v1, v3  }
0x1c1: {  	v22 =	vld [tilespmem:s29+$0x1DD0]  }
0x1c2: {  	[tilespmem:$0x1FFD0] =	vst v1;
	v1 =	vld [tilespmem:s29+$0x4D30]  }
0x1c3: {  	v23 =	vld [tilespmem:s29+$0x85D0]  }
0x1c4: {  	[tilespmem:$0x1FAE0] =	vst v4;
	v4 =	vld [tilespmem:s29+$0x9590]  }
0x1c5: {  	v7 =	vld [tilespmem:s29+$0xDC0];
	[tilespmem:$0x1FF60] =	vst v8;
	v8 =	vadd.f32 v12, v13  }
0x1c6: {  	v6 =	vld [tilespmem:s29+$0x15C0]  }
0x1c7: {  	[tilespmem:$0x1FF00] =	vst v1;
	v1 =	vadd.f32 v22, v8;
	v8 =	vld [tilespmem:s29+$0xB530]  }
0x1c8: {  	v5 =	vld [tilespmem:s29+$0x75C0]  }
0x1c9: {  	[tilespmem:$0x1FA80] =	vst v4;
	v4 =	vld [tilespmem:s29+$0x7DC0]  }
0x1ca: {  	v19 =	vld [tilespmem:s29+$0x1DC0]  }
0x1cb: {  	v31 =	vld [tilespmem:s29+$0x8DD0];
	v1 =	vadd.f32 v32, v1  }
0x1cc: {  	[tilespmem:$0x1FF10] =	vst v8;
	v8 =	vld [tilespmem:$0x1F780]  }
0x1cd: {  	v45 =	vld [tilespmem:s29+$0x95D0];
	v6 =	vadd.f32 v6, v7;
	v1 =	vadd.f32 v44, v1  }
0x1ce: {  	v4 =	vadd.f32 v4, v5;
	v3 =	vadd.f32 v23, v10  }
0x1cf: {  	v5 =	vadd.f32 v19, v6;
	v6 =	vadd.f32 v61, v1  }
0x1d0: {  	v3 =	vadd.f32 v31, v3  }
0x1d1: {  	v6 =	vadd.f32 v8, v6;
	v8 =	vld [tilespmem:$0x1F790]  }
0x1d2: {  	v3 =	vadd.f32 v45, v3;
	_ =	sdelay $0x1  }
0x1d3: {  	v3 =	vadd.f32 v59, v3;
	_ =	sdelay $0x1  }
0x1d4: {  	v3 =	vadd.f32 v8, v3;
	v8 =	vld [tilespmem:$0x1F7A0];
	_ =	sdelay $0x3  }
0x1d5: {  	v30 =	vld [tilespmem:s29+$0x25C0]  }
0x1d6: {  	v6 =	vadd.f32 v8, v6;
	v8 =	vld [tilespmem:$0x1F7B0]  }
0x1d7: {  	v41 =	vld [tilespmem:s29+$0x2DC0]  }
0x1d8: {  	v17 =	vld [tilespmem:s29+$0x85C0]  }
0x1d9: {  	v53 =	vld [tilespmem:s29+$0x35C0]  }
0x1da: {  	v29 =	vld [tilespmem:s29+$0x8DC0];
	v5 =	vadd.f32 v30, v5  }
0x1db: {  	v3 =	vadd.f32 v8, v3;
	v8 =	vld [tilespmem:$0x1F7C0]  }
0x1dc: {  	v40 =	vld [tilespmem:s29+$0x95C0];
	v5 =	vadd.f32 v41, v5  }
0x1dd: {  	v4 =	vadd.f32 v17, v4  }
0x1de: {  	v54 =	vld [tilespmem:s29+$0x9DC0];
	v5 =	vadd.f32 v53, v5  }
0x1df: {  	v4 =	vadd.f32 v29, v4  }
0x1e0: {  	v5 =	vadd.f32 v8, v5;
	v8 =	vld [tilespmem:$0x1F7D0]  }
0x1e1: {  	v7 =	vadd.f32 v40, v4;
	_ =	sdelay $0x1  }
0x1e2: {  	v7 =	vadd.f32 v54, v7;
	_ =	sdelay $0x1  }
0x1e3: {  	v7 =	vadd.f32 v8, v7;
	v8 =	vld [tilespmem:$0x1F7E0];
	_ =	sdelay $0x4  }
0x1e4: {  	v6 =	vadd.f32 v8, v6;
	v8 =	vld [tilespmem:$0x1F7F0];
	_ =	sdelay $0x4  }
0x1e5: {  	v3 =	vadd.f32 v8, v3;
	v8 =	vld [tilespmem:$0x1F800];
	_ =	sdelay $0x4  }
0x1e6: {  	v5 =	vadd.f32 v8, v5;
	v8 =	vld [tilespmem:$0x1F810];
	_ =	sdelay $0x4  }
0x1e7: {  	v7 =	vadd.f32 v8, v7;
	v8 =	vld [tilespmem:$0x1F820];
	_ =	sdelay $0x4  }
0x1e8: {  	v58 =	vadd.f32 v8, v6;
	v6 =	vld [tilespmem:$0x1F830];
	_ =	sdelay $0x4  }
0x1e9: {  	v45 =	vadd.f32 v6, v3;
	v3 =	vld [tilespmem:$0x1F840];
	_ =	sdelay $0x1  }
0x1ea: {  	v22 =	vld [tilespmem:$0x1F860];
	_ =	sdelay $0x2  }
0x1eb: {  	v3 =	vadd.f32 v3, v5;
	v5 =	vld [tilespmem:$0x1F850];
	_ =	sdelay $0x1  }
0x1ec: {  	v3 =	vadd.f32 v22, v3;
	v22 =	vld [tilespmem:$0x1F870];
	_ =	sdelay $0x2  }
0x1ed: {  	v5 =	vadd.f32 v5, v7;
	_ =	sdelay $0x1  }
0x1ee: {  	v5 =	vadd.f32 v22, v5;
	v22 =	vld [tilespmem:$0x1F880];
	_ =	sdelay $0x4  }
0x1ef: {  	v3 =	vadd.f32 v22, v3;
	v22 =	vld [tilespmem:$0x1F890];
	_ =	sdelay $0x4  }
0x1f0: {  	v5 =	vadd.f32 v22, v5;
	v22 =	vld [tilespmem:$0x1F8A0];
	_ =	sdelay $0x4  }
0x1f1: {  	v3 =	vadd.f32 v22, v3;
	v22 =	vld [tilespmem:$0x1F8B0];
	_ =	sdelay $0x2  }
0x1f2: {  	v35 =	vld [tilespmem:s29+$0x25B0]  }
0x1f3: {  	v24 =	vld [tilespmem:s29+$0x1DB0]  }
0x1f4: {  	v5 =	vadd.f32 v22, v5;
	v22 =	vld [tilespmem:$0x1F8C0]  }
0x1f5: {  	v27 =	vld [tilespmem:s29+$0x15B0]  }
0x1f6: {  	v26 =	vld [tilespmem:s29+$0xDB0]  }
0x1f7: {  	v28 =	vld [tilespmem:s29+$0x75B0]  }
0x1f8: {  	v39 =	vld [tilespmem:s29+$0x7DB0]  }
0x1f9: {  	v53 =	vadd.f32 v22, v3;
	v3 =	vld [tilespmem:$0x1F8D0]  }
0x1fa: {  	v14 =	vld [tilespmem:s29+$0xDA0]  }
0x1fb: {  	v8 =	vadd.f32 v27, v26;
	v6 =	vld [tilespmem:s29+$0x15A0]  }
0x1fc: {  	v49 =	vld [tilespmem:s29+$0x2DB0]  }
0x1fd: {  	v25 =	vld [tilespmem:s29+$0x85B0];
	v8 =	vadd.f32 v24, v8  }
0x1fe: {  	v44 =	vadd.f32 v3, v5;
	v5 =	vld [tilespmem:$0x1F8E0]  }
0x1ff: {  	v33 =	vld [tilespmem:s29+$0x8DB0];
	v8 =	vadd.f32 v35, v8  }
0x200: {  	v17 =	vadd.f32 v39, v28;
	v6 =	vadd.f32 v6, v14;
	v14 =	vld [tilespmem:$0x1F900]  }
0x201: {  	v48 =	vld [tilespmem:s29+$0x95B0];
	v8 =	vadd.f32 v49, v8  }
0x202: {  	v17 =	vadd.f32 v25, v17  }
0x203: {  	v5 =	vadd.f32 v5, v8;
	v8 =	vld [tilespmem:$0x1F8F0]  }
0x204: {  	v17 =	vadd.f32 v33, v17  }
0x205: {  	v5 =	vadd.f32 v14, v5;
	v14 =	vld [tilespmem:$0x1F910]  }
0x206: {  	v50 =	vld [tilespmem:s29+$0x2DA0];
	v17 =	vadd.f32 v48, v17  }
0x207: {  	v38 =	vld [tilespmem:s29+$0x25A0]  }
0x208: {  	v16 =	vld [tilespmem:s29+$0x1DA0];
	v17 =	vadd.f32 v8, v17  }
0x209: {  	v19 =	vld [tilespmem:s29+$0x7DA0]  }
0x20a: {  	v14 =	vadd.f32 v14, v17;
	v17 =	vld [tilespmem:$0x1F920]  }
0x20b: {  	v7 =	vld [tilespmem:s29+$0x75A0]  }
0x20c: {  	v36 =	vld [tilespmem:s29+$0x8DA0]  }
0x20d: {  	v21 =	vld [tilespmem:s29+$0x85A0];
	v6 =	vadd.f32 v16, v6  }
0x20e: {  	v28 =	vld [tilespmem:$0x1F980]  }
0x20f: {  	v6 =	vadd.f32 v38, v6;
	v5 =	vadd.f32 v17, v5;
	v17 =	vld [tilespmem:$0x1F930]  }
0x210: {  	v31 =	vld [tilespmem:$0x1F9C0];
	v7 =	vadd.f32 v19, v7  }
0x211: {  	v52 =	vld [tilespmem:s29+$0x95A0];
	v6 =	vadd.f32 v50, v6  }
0x212: {  	v16 =	vadd.f32 v21, v7  }
0x213: {  	v6 =	vadd.f32 v28, v6;
	v28 =	vld [tilespmem:$0x1F990]  }
0x214: {  	v16 =	vadd.f32 v36, v16;
	v14 =	vadd.f32 v17, v14;
	v17 =	vld [tilespmem:$0x1F940]  }
0x215: {  	v6 =	vadd.f32 v31, v6;
	v31 =	vld [tilespmem:$0x1F9D0]  }
0x216: {  	v21 =	vld [tilespmem:$0x1F960];
	v16 =	vadd.f32 v52, v16;
	_ =	sdelay $0x1  }
0x217: {  	v29 =	vld [tilespmem:$0x1F9A0];
	v16 =	vadd.f32 v28, v16  }
0x218: {  	v5 =	vadd.f32 v17, v5;
	v17 =	vld [tilespmem:$0x1F950]  }
0x219: {  	v16 =	vadd.f32 v31, v16;
	v31 =	vld [tilespmem:$0x1F9E0]  }
0x21a: {  	v5 =	vadd.f32 v21, v5;
	v21 =	vld [tilespmem:$0x1F970];
	_ =	sdelay $0x1  }
0x21b: {  	v5 =	vadd.f32 v29, v5;
	v29 =	vld [tilespmem:$0x1F9B0]  }
0x21c: {  	v14 =	vadd.f32 v17, v14  }
0x21d: {  	v5 =	vadd.f32 v31, v5;
	v31 =	vld [tilespmem:$0x1F9F0]  }
0x21e: {  	v14 =	vadd.f32 v21, v14;
	_ =	sdelay $0x1  }
0x21f: {  	v14 =	vadd.f32 v29, v14;
	_ =	sdelay $0x1  }
0x220: {  	v14 =	vadd.f32 v31, v14;
	v31 =	vld [tilespmem:$0x1FA00];
	_ =	sdelay $0x4  }
0x221: {  	v6 =	vadd.f32 v31, v6;
	v31 =	vld [tilespmem:$0x1FA10];
	_ =	sdelay $0x4  }
0x222: {  	v16 =	vadd.f32 v31, v16;
	v31 =	vld [tilespmem:$0x1FA20];
	_ =	sdelay $0x1  }
0x223: {  	v2 =	vld [tilespmem:s29+$0x2590]  }
0x224: {  	v28 =	vld [tilespmem:s29+$0x7590]  }
0x225: {  	v17 =	vld [tilespmem:s29+$0xD90]  }
0x226: {  	v54 =	vadd.f32 v31, v5;
	v5 =	vld [tilespmem:$0x1FA30]  }
0x227: {  	v21 =	vld [tilespmem:s29+$0x1590]  }
0x228: {  	v29 =	vld [tilespmem:s29+$0x7D90]  }
0x229: {  	v9 =	vld [tilespmem:s29+$0x8D90]  }
0x22a: {  	v47 =	vld [tilespmem:s29+$0x1580]  }
0x22b: {  	v43 =	vadd.f32 v5, v14;
	v14 =	vld [tilespmem:$0x1FA40]  }
0x22c: {  	v48 =	vld [tilespmem:s29+$0x7580]  }
0x22d: {  	v17 =	vadd.f32 v21, v17;
	v21 =	vadd.f32 v29, v28;
	v29 =	vld [tilespmem:$0x1FA60]  }
0x22e: {  	v12 =	vld [tilespmem:s29+$0x1D90]  }
0x22f: {  	v13 =	vld [tilespmem:s29+$0x8590]  }
0x230: {  	v6 =	vadd.f32 v14, v6;
	v14 =	vld [tilespmem:$0x1FA50]  }
0x231: {  	v5 =	vld [tilespmem:s29+$0x7D80]  }
0x232: {  	v60 =	vadd.f32 v29, v6;
	v6 =	vld [tilespmem:$0x1FA70]  }
0x233: {  	v50 =	vld [tilespmem:s29+$0xD80]  }
0x234: {  	v28 =	vld [tilespmem:s29+$0x8580]  }
0x235: {  	v14 =	vadd.f32 v14, v16;
	v16 =	vld [tilespmem:s29+$0x1D80]  }
0x236: {  	v11 =	vld [tilespmem:s29+$0x8D80];
	v5 =	vadd.f32 v5, v48  }
0x237: {  	v10 =	vld [tilespmem:s29+$0x2580];
	v57 =	vadd.f32 v6, v14;
	v6 =	vadd.f32 v12, v17  }
0x238: {  	v12 =	vadd.f32 v13, v21;
	v13 =	vadd.f32 v47, v50  }
0x239: {  	v0 =	vld [tilespmem:s29+$0x9580];
	v5 =	vadd.f32 v28, v5;
	v2 =	vadd.f32 v2, v6  }
0x23a: {  	v62 =	vld [tilespmem:s29+$0x2D90];
	v6 =	vadd.f32 v9, v12;
	v9 =	vadd.f32 v16, v13;
	_ =	sdelay $0x1  }
0x23b: {  	v5 =	vadd.f32 v11, v5;
	v10 =	vadd.f32 v10, v9;
	v9 =	vld [tilespmem:$0x1FA90];
	_ =	sdelay $0x1  }
0x23c: {  	v0 =	vadd.f32 v0, v5;
	v5 =	vld [tilespmem:$0x1FAB0]  }
0x23d: {  	v12 =	vadd.f32 v62, v2;
	v2 =	vld [tilespmem:$0x1FA80];
	_ =	sdelay $0x1  }
0x23e: {  	v11 =	vadd.f32 v9, v12;
	v9 =	vld [tilespmem:$0x1FAA0];
	_ =	sdelay $0x1  }
0x23f: {  	v5 =	vadd.f32 v5, v11;
	v11 =	vld [tilespmem:$0x1FAC0]  }
0x240: {  	v13 =	vadd.f32 v2, v6;
	_ =	sdelay $0x1  }
0x241: {  	v15 =	vld [tilespmem:s29+$0x2D80];
	v12 =	vadd.f32 v9, v13;
	_ =	sdelay $0x1  }
0x242: {  	v11 =	vadd.f32 v11, v12;
	v12 =	vld [tilespmem:$0x1FAD0];
	_ =	sdelay $0x2  }
0x243: {  	v10 =	vadd.f32 v15, v10;
	_ =	sdelay $0x1  }
0x244: {  	v10 =	vadd.f32 v12, v10;
	v12 =	vld [tilespmem:$0x1FAE0];
	_ =	sdelay $0x4  }
0x245: {  	v0 =	vadd.f32 v12, v0;
	v12 =	vld [tilespmem:$0x1FAF0];
	_ =	sdelay $0x4  }
0x246: {  	v5 =	vadd.f32 v12, v5;
	v12 =	vld [tilespmem:$0x1FB00];
	_ =	sdelay $0x4  }
0x247: {  	v11 =	vadd.f32 v12, v11;
	v12 =	vld [tilespmem:$0x1FB10];
	_ =	sdelay $0x4  }
0x248: {  	v10 =	vadd.f32 v12, v10;
	v12 =	vld [tilespmem:$0x1FB20];
	_ =	sdelay $0x4  }
0x249: {  	v0 =	vadd.f32 v12, v0;
	v12 =	vld [tilespmem:$0x1FB30];
	_ =	sdelay $0x4  }
0x24a: {  	v5 =	vadd.f32 v12, v5;
	v12 =	vld [tilespmem:$0x1FB40];
	_ =	sdelay $0x4  }
0x24b: {  	v11 =	vadd.f32 v12, v11;
	v12 =	vld [tilespmem:$0x1FB50]  }
0x24c: {  	v49 =	vld [tilespmem:$0x1FBB0]  }
0x24d: {  	v17 =	vld [tilespmem:$0x1FB90]  }
0x24e: {  	v62 =	vld [tilespmem:$0x1FBD0]  }
0x24f: {  	v13 =	vld [tilespmem:$0x1FB70]  }
0x250: {  	v10 =	vadd.f32 v12, v10;
	v12 =	vld [tilespmem:$0x1FB60]  }
0x251: {  	v48 =	vld [tilespmem:$0x1FC10]  }
0x252: {  	v10 =	vadd.f32 v17, v10;
	v17 =	vld [tilespmem:$0x1FBA0]  }
0x253: {  	v63 =	vld [tilespmem:s29+$0x6500]  }
0x254: {  	v40 =	vld [tilespmem:$0x1FBE0];
	v5 =	vadd.f32 v13, v5;
	v10 =	vadd.f32 v62, v10  }
0x255: {  	v0 =	vadd.f32 v12, v0  }
0x256: {  	v5 =	vadd.f32 v49, v5;
	v49 =	vadd.f32 v48, v10;
	v10 =	vld [tilespmem:$0x1FC20]  }
0x257: {  	v0 =	vadd.f32 v17, v0  }
0x258: {  	[tilespmem:$0x1F620] =	vst v63;
	v63 =	vld [tilespmem:s29+$0xCD00]  }
0x259: {  	v41 =	vld [tilespmem:$0x1FBF0];
	v0 =	vadd.f32 v40, v0  }
0x25a: {  	v13 =	vld [tilespmem:$0x1FB80]  }
0x25b: {  	v0 =	vadd.f32 v10, v0;
	v10 =	vld [tilespmem:$0x1FC30]  }
0x25c: {  	v50 =	vld [tilespmem:$0x1FBC0]  }
0x25d: {  	[tilespmem:$0x1F630] =	vst v63;
	v63 =	vld [tilespmem:s29+$0x5D20]  }
0x25e: {  	v47 =	vld [tilespmem:$0x1FC00];
	v5 =	vadd.f32 v41, v5  }
0x25f: {  	v11 =	vadd.f32 v13, v11  }
0x260: {  	v5 =	vadd.f32 v10, v5;
	v10 =	vld [tilespmem:$0x1FC40]  }
0x261: {  	v11 =	vadd.f32 v50, v11  }
0x262: {  	[tilespmem:$0x1FFA0] =	vst v63;
	v63 =	vld [tilespmem:s29+$0xC520]  }
0x263: {  	v13 =	vld [tilespmem:s29+$0x1570];
	v11 =	vadd.f32 v47, v11  }
0x264: {  	v12 =	vld [tilespmem:s29+$0xD70]  }
0x265: {  	v10 =	vadd.f32 v10, v11;
	v11 =	vld [tilespmem:$0x1FC50];
	_ =	sdelay $0x2  }
0x266: {  	[tilespmem:$0x1FFB0] =	vst v63;
	v63 =	vld [tilespmem:s29+$0x5530]  }
0x267: {  	v38 =	vld [tilespmem:s29+$0x7D70]  }
0x268: {  	v11 =	vadd.f32 v11, v49;
	v49 =	vadd.f32 v13, v12;
	v12 =	vld [tilespmem:$0x1FC70]  }
0x269: {  	v16 =	vld [tilespmem:s29+$0x8570]  }
0x26a: {  	v17 =	vld [tilespmem:s29+$0x7570]  }
0x26b: {  	v50 =	vld [tilespmem:$0x1FC60]  }
0x26c: {  	v15 =	vld [tilespmem:s29+$0x1D70]  }
0x26d: {  	v11 =	vadd.f32 v12, v11;
	v12 =	vld [tilespmem:$0x1FC80]  }
0x26e: {  	v25 =	vld [tilespmem:s29+$0x8D70]  }
0x26f: {  	v19 =	vld [tilespmem:s29+$0x2570];
	v17 =	vadd.f32 v38, v17  }
0x270: {  	v4 =	vld [tilespmem:s29+$0x2D70];
	v0 =	vadd.f32 v50, v0  }
0x271: {  	v18 =	vld [tilespmem:s29+$0x9570];
	v16 =	vadd.f32 v16, v17  }
0x272: {  	[tilespmem:$0x1FF20] =	vst v63;
	v63 =	vld [tilespmem:s29+$0xBD30];
	v12 =	vadd.f32 v12, v0;
	v0 =	vadd.f32 v15, v49  }
0x273: {  	v20 =	vld [tilespmem:s29+$0x9D70]  }
0x274: {  	v25 =	vadd.f32 v25, v16;
	v0 =	vadd.f32 v19, v0  }
0x275: {  	v34 =	vld [tilespmem:s29+$0x4D20]  }
0x276: {  	v48 =	vld [tilespmem:$0x1FC90];
	v0 =	vadd.f32 v4, v0;
	v4 =	vadd.f32 v18, v25  }
0x277: {  	[tilespmem:$0x1FF30] =	vst v63;
	v63 =	vld [tilespmem:s29+$0x3560]  }
0x278: {  	v4 =	vadd.f32 v20, v4;
	v20 =	vld [tilespmem:$0x1FCA0]  }
0x279: {  	v37 =	vld [tilespmem:s29+$0x7D60]  }
0x27a: {  	v46 =	vld [tilespmem:s29+$0x4540]  }
0x27b: {  	v42 =	vld [tilespmem:s29+$0x3D50];
	v0 =	vadd.f32 v48, v0  }
0x27c: {  	v30 =	vld [tilespmem:s29+$0xAD30]  }
0x27d: {  	v0 =	vadd.f32 v20, v0;
	v20 =	vld [tilespmem:$0x1FCB0]  }
0x27e: {  	v55 =	vld [tilespmem:s29+$0xA550]  }
0x27f: {  	v39 =	vld [tilespmem:s29+$0xD60]  }
0x280: {  	v33 =	vld [tilespmem:s29+$0x2D50]  }
0x281: {  	v40 =	vld [tilespmem:s29+$0x1560]  }
0x282: {  	v4 =	vadd.f32 v20, v4;
	v20 =	vld [tilespmem:$0x1FCC0]  }
0x283: {  	v23 =	vld [tilespmem:s29+$0x9D50]  }
0x284: {  	v41 =	vld [tilespmem:s29+$0x1D60]  }
0x285: {  	v28 =	vld [tilespmem:s29+$0x2560]  }
0x286: {  	v47 =	vld [tilespmem:s29+$0x7560]  }
0x287: {  	v39 =	vadd.f32 v40, v39;
	v0 =	vadd.f32 v20, v0;
	v20 =	vld [tilespmem:$0x1FCD0]  }
0x288: {  	v7 =	vld [tilespmem:s29+$0x2D60]  }
0x289: {  	v62 =	vld [tilespmem:s29+$0x8560];
	v39 =	vadd.f32 v41, v39  }
0x28a: {  	v59 =	vld [tilespmem:s29+$0x5500]  }
0x28b: {  	v36 =	vld [tilespmem:s29+$0x8D60];
	v18 =	vadd.f32 v28, v39  }
0x28c: {  	v47 =	vadd.f32 v37, v47;
	v4 =	vadd.f32 v20, v4;
	v20 =	vld [tilespmem:$0x1FCE0]  }
0x28d: {  	v22 =	vld [tilespmem:s29+$0x9560];
	v7 =	vadd.f32 v7, v18  }
0x28e: {  	v32 =	vld [tilespmem:s29+$0xAD40];
	v38 =	vadd.f32 v62, v47  }
0x28f: {  	v1 =	vld [tilespmem:s29+$0x9D60];
	v7 =	vadd.f32 v63, v7  }
0x290: {  	v61 =	vld [tilespmem:s29+$0xBD00];
	v28 =	vadd.f32 v36, v38  }
0x291: {  	v7 =	vadd.f32 v20, v7;
	v20 =	vld [tilespmem:$0x1FCF0]  }
0x292: {  	v27 =	vld [tilespmem:s29+$0xB520];
	v18 =	vadd.f32 v22, v28  }
0x293: {  	v26 =	vld [tilespmem:s29+$0x3550]  }
0x294: {  	v24 =	vld [tilespmem:s29+$0x4530];
	v1 =	vadd.f32 v1, v18  }
0x295: {  	v35 =	vld [tilespmem:s29+$0x9550]  }
0x296: {  	v1 =	vadd.f32 v20, v1;
	v20 =	vld [tilespmem:$0x1FD00]  }
0x297: {  	v52 =	vld [tilespmem:s29+$0xB500]  }
0x298: {  	v3 =	vld [tilespmem:s29+$0x3D40]  }
0x299: {  	v8 =	vld [tilespmem:s29+$0xA540]  }
0x29a: {  	v31 =	vld [tilespmem:s29+$0x4D00]  }
0x29b: {  	v0 =	vadd.f32 v20, v0;
	v20 =	vld [tilespmem:$0x1FD10]  }
0x29c: {  	v29 =	vld [tilespmem:s29+$0x4520]  }
0x29d: {  	v21 =	vld [tilespmem:s29+$0xAD20]  }
0x29e: {  	v2 =	vld [tilespmem:s29+$0x3540]  }
0x29f: {  	v9 =	vld [tilespmem:s29+$0x9D40]  }
0x2a0: {  	v4 =	vadd.f32 v20, v4;
	v20 =	vld [tilespmem:$0x1FD20]  }
0x2a1: {  	v37 =	vld [tilespmem:s29+$0x1520]  }
0x2a2: {  	v47 =	vld [tilespmem:s29+$0x1D50]  }
0x2a3: {  	v62 =	vld [tilespmem:$0x1FD70]  }
0x2a4: {  	v50 =	vld [tilespmem:$0x1FD60]  }
0x2a5: {  	v7 =	vadd.f32 v20, v7;
	v20 =	vld [tilespmem:$0x1FD30]  }
0x2a6: {  	v40 =	vld [tilespmem:s29+$0x7550]  }
0x2a7: {  	v41 =	vld [tilespmem:s29+$0x7D50]  }
0x2a8: {  	v28 =	vld [tilespmem:s29+$0xD50]  }
0x2a9: {  	v18 =	vld [tilespmem:s29+$0x1550]  }
0x2aa: {  	v49 =	vadd.f32 v20, v1;
	v1 =	vld [tilespmem:$0x1FD40]  }
0x2ab: {  	v20 =	vld [tilespmem:s29+$0x8550]  }
0x2ac: {  	v22 =	vld [tilespmem:s29+$0x2550]  }
0x2ad: {  	v48 =	vld [tilespmem:$0x1FD80]  }
0x2ae: {  	v40 =	vadd.f32 v41, v40;
	v7 =	vadd.f32 v50, v7;
	v50 =	vld [tilespmem:$0x1FD90]  }
0x2af: {  	v1 =	vadd.f32 v1, v0;
	v0 =	vld [tilespmem:$0x1FD50]  }
0x2b0: {  	v18 =	vadd.f32 v18, v28;
	v40 =	vadd.f32 v20, v40;
	v20 =	vld [tilespmem:$0x1FDA0]  }
0x2b1: {  	v16 =	vld [tilespmem:s29+$0x3530];
	v63 =	vadd.f32 v62, v49  }
0x2b2: {  	v18 =	vadd.f32 v47, v18;
	v47 =	vld [tilespmem:s29+$0x1540]  }
0x2b3: {  	v7 =	vadd.f32 v48, v7;
	v62 =	vadd.f32 v50, v63;
	v63 =	vld [tilespmem:$0x1FDC0]  }
0x2b4: {  	v18 =	vadd.f32 v22, v18;
	v4 =	vadd.f32 v0, v4;
	v0 =	vld [tilespmem:s29+$0x8D50]  }
0x2b5: {  	v7 =	vadd.f32 v20, v7;
	v20 =	vld [tilespmem:$0x1FDB0]  }
0x2b6: {  	v33 =	vadd.f32 v33, v18;
	v18 =	vld [tilespmem:$0x1FDE0]  }
0x2b7: {  	v22 =	vld [tilespmem:s29+$0x7D40]  }
0x2b8: {  	v49 =	vld [tilespmem:s29+$0xD40]  }
0x2b9: {  	v7 =	vadd.f32 v63, v7;
	v0 =	vadd.f32 v0, v40;
	v40 =	vld [tilespmem:$0x1FDD0]  }
0x2ba: {  	v41 =	vadd.f32 v20, v62;
	v20 =	vld [tilespmem:s29+$0x7540]  }
0x2bb: {  	v7 =	vadd.f32 v18, v7;
	v18 =	vld [tilespmem:$0x1FDF0]  }
0x2bc: {  	v50 =	vld [tilespmem:s29+$0x1D40]  }
0x2bd: {  	v62 =	vld [tilespmem:s29+$0x8540];
	v0 =	vadd.f32 v35, v0  }
0x2be: {  	v63 =	vld [tilespmem:s29+$0x2540];
	v48 =	vadd.f32 v40, v41  }
0x2bf: {  	v0 =	vadd.f32 v23, v0;
	v23 =	vld [tilespmem:s29+$0x8D40];
	v22 =	vadd.f32 v22, v20  }
0x2c0: {  	v36 =	vld [tilespmem:s29+$0x2D40];
	v18 =	vadd.f32 v18, v48;
	v48 =	vadd.f32 v47, v49  }
0x2c1: {  	v39 =	vld [tilespmem:s29+$0x9540];
	v26 =	vadd.f32 v26, v33  }
0x2c2: {  	v22 =	vadd.f32 v62, v22;
	v49 =	vld [tilespmem:$0x1FE00];
	v33 =	vadd.f32 v50, v48  }
0x2c3: {  	v25 =	vld [tilespmem:s29+$0x9D30];
	v0 =	vadd.f32 v55, v0  }
0x2c4: {  	v55 =	vld [tilespmem:$0x1FE20];
	v22 =	vadd.f32 v23, v22;
	v33 =	vadd.f32 v63, v33  }
0x2c5: {  	v35 =	vld [tilespmem:s29+$0x2530];
	v20 =	vadd.f32 v42, v26  }
0x2c6: {  	v22 =	vadd.f32 v39, v22;
	v63 =	vld [tilespmem:$0x1FE40];
	v33 =	vadd.f32 v36, v33  }
0x2c7: {  	v50 =	vld [tilespmem:$0x1FE10];
	v20 =	vadd.f32 v49, v20  }
0x2c8: {  	v49 =	vld [tilespmem:$0x1FE60];
	v9 =	vadd.f32 v9, v22;
	v2 =	vadd.f32 v2, v33  }
0x2c9: {  	v62 =	vld [tilespmem:$0x1FE30];
	v20 =	vadd.f32 v55, v20  }
0x2ca: {  	v2 =	vadd.f32 v3, v2;
	v3 =	vadd.f32 v8, v9;
	v8 =	vld [tilespmem:$0x1FE80]  }
0x2cb: {  	v42 =	vld [tilespmem:$0x1FE50];
	v20 =	vadd.f32 v63, v20  }
0x2cc: {  	v26 =	vld [tilespmem:s29+$0x9530];
	v0 =	vadd.f32 v50, v0  }
0x2cd: {  	v50 =	vld [tilespmem:$0x1FE70];
	v20 =	vadd.f32 v49, v20  }
0x2ce: {  	v41 =	vld [tilespmem:s29+$0x8D30];
	v0 =	vadd.f32 v62, v0  }
0x2cf: {  	v8 =	vadd.f32 v8, v20;
	v20 =	vld [tilespmem:$0x1FE90]  }
0x2d0: {  	v40 =	vld [tilespmem:s29+$0x8530];
	v0 =	vadd.f32 v42, v0  }
0x2d1: {  	v47 =	vld [tilespmem:s29+$0x2D30]  }
0x2d2: {  	v23 =	vld [tilespmem:s29+$0x1D30];
	v0 =	vadd.f32 v50, v0  }
0x2d3: {  	v48 =	vld [tilespmem:s29+$0x1530]  }
0x2d4: {  	v20 =	vadd.f32 v20, v0;
	v0 =	vld [tilespmem:$0x1FEA0]  }
0x2d5: {  	v36 =	vld [tilespmem:s29+$0xD30]  }
0x2d6: {  	v22 =	vld [tilespmem:s29+$0x7530]  }
0x2d7: {  	v55 =	vld [tilespmem:s29+$0x7D30]  }
0x2d8: {  	v62 =	vld [tilespmem:$0x1FEC0]  }
0x2d9: {  	v0 =	vadd.f32 v0, v8;
	v8 =	vld [tilespmem:$0x1FEB0]  }
0x2da: {  	v63 =	vld [tilespmem:$0x1FED0]  }
0x2db: {  	v9 =	vld [tilespmem:s29+$0xD20]  }
0x2dc: {  	v42 =	vld [tilespmem:s29+$0x1D20]  }
0x2dd: {  	v3 =	vadd.f32 v32, v3;
	v32 =	vld [tilespmem:s29+$0x7520]  }
0x2de: {  	v36 =	vadd.f32 v48, v36;
	v8 =	vadd.f32 v8, v20;
	v20 =	vld [tilespmem:s29+$0x7D20]  }
0x2df: {  	v49 =	vld [tilespmem:$0x1FEE0];
	v2 =	vadd.f32 v46, v2  }
0x2e0: {  	v48 =	vld [tilespmem:s29+$0x8520];
	v22 =	vadd.f32 v55, v22;
	v23 =	vadd.f32 v23, v36  }
0x2e1: {  	v55 =	vld [tilespmem:s29+$0x2520];
	v2 =	vadd.f32 v62, v2;
	v3 =	vadd.f32 v63, v3  }
0x2e2: {  	v22 =	vadd.f32 v40, v22;
	v62 =	vld [tilespmem:s29+$0x8D20];
	v9 =	vadd.f32 v37, v9  }
0x2e3: {  	v63 =	vld [tilespmem:s29+$0x2D20];
	v23 =	vadd.f32 v35, v23;
	v20 =	vadd.f32 v20, v32  }
0x2e4: {  	v37 =	vld [tilespmem:s29+$0x9520];
	v2 =	vadd.f32 v49, v2;
	v22 =	vadd.f32 v41, v22  }
0x2e5: {  	v46 =	vld [tilespmem:s29+$0x3520];
	v9 =	vadd.f32 v42, v9;
	v20 =	vadd.f32 v48, v20  }
0x2e6: {  	v23 =	vadd.f32 v47, v23;
	v22 =	vadd.f32 v26, v22;
	v48 =	vld [tilespmem:s29+$0x9D20]  }
0x2e7: {  	v17 =	vld [tilespmem:s29+$0x3D20];
	v9 =	vadd.f32 v55, v9;
	v26 =	vadd.f32 v62, v20  }
0x2e8: {  	v19 =	vld [tilespmem:s29+$0xA520];
	v16 =	vadd.f32 v16, v23;
	v23 =	vadd.f32 v25, v22  }
0x2e9: {  	v14 =	vld [tilespmem:s29+$0x3D30];
	v25 =	vadd.f32 v63, v9;
	v49 =	vadd.f32 v37, v26  }
0x2ea: {  	v6 =	vld [tilespmem:s29+$0xA530]  }
0x2eb: {  	v13 =	vld [tilespmem:s29+$0x4500];
	v25 =	vadd.f32 v46, v25;
	v32 =	vadd.f32 v48, v49  }
0x2ec: {  	v15 =	vld [tilespmem:s29+$0xAD00]  }
0x2ed: {  	v25 =	vadd.f32 v17, v25;
	v17 =	vld [tilespmem:$0x1FF00];
	v19 =	vadd.f32 v19, v32  }
0x2ee: {  	v38 =	vld [tilespmem:s29+$0x3D00];
	v14 =	vadd.f32 v14, v16  }
0x2ef: {  	v25 =	vadd.f32 v29, v25;
	v29 =	vld [tilespmem:$0x1FF20];
	v19 =	vadd.f32 v21, v19  }
0x2f0: {  	v50 =	vld [tilespmem:$0x1FEF0];
	v14 =	vadd.f32 v24, v14  }
0x2f1: {  	v19 =	vadd.f32 v27, v19;
	v27 =	vld [tilespmem:$0x1FF40]  }
0x2f2: {  	v14 =	vadd.f32 v17, v14;
	v17 =	vld [tilespmem:$0x1FF10]  }
0x2f3: {  	v63 =	vld [tilespmem:$0x1FF80];
	v16 =	vadd.f32 v6, v23  }
0x2f4: {  	v14 =	vadd.f32 v29, v14;
	v29 =	vld [tilespmem:$0x1FF30]  }
0x2f5: {  	v28 =	vld [tilespmem:s29+$0xA500];
	v24 =	vadd.f32 v30, v16  }
0x2f6: {  	v14 =	vadd.f32 v27, v14;
	v27 =	vld [tilespmem:$0x1FF50]  }
0x2f7: {  	v3 =	vadd.f32 v50, v3;
	v50 =	vld [tilespmem:$0x1FF60];
	v24 =	vadd.f32 v17, v24  }
0x2f8: {  	v32 =	vadd.f32 v63, v14;
	v14 =	vld [tilespmem:$0x1FF90]  }
0x2f9: {  	v55 =	vld [tilespmem:$0x1FF70];
	v29 =	vadd.f32 v29, v24  }
0x2fa: {  	v22 =	vld [tilespmem:s29+$0x9D00]  }
0x2fb: {  	v9 =	vld [tilespmem:s29+$0x2D00];
	v27 =	vadd.f32 v27, v29  }
0x2fc: {  	v6 =	vld [tilespmem:s29+$0x2500]  }
0x2fd: {  	v33 =	vadd.f32 v14, v27;
	v14 =	vld [tilespmem:$0x1FFA0]  }
0x2fe: {  	v23 =	vld [tilespmem:s29+$0x8D00];
	v30 =	vadd.f32 v34, v25  }
0x2ff: {  	v16 =	vld [tilespmem:s29+$0x1D00]  }
0x300: {  	v25 =	vld [tilespmem:s29+$0x7500];
	v30 =	vadd.f32 v50, v30  }
0x301: {  	v17 =	vld [tilespmem:s29+$0x8500]  }
0x302: {  	v34 =	vadd.f32 v14, v30;
	v14 =	vld [tilespmem:$0x1FFB0]  }
0x303: {  	v24 =	vld [tilespmem:s29+$0xD00]  }
0x304: {  	v20 =	vld [tilespmem:s29+$0x3500]  }
0x305: {  	v26 =	vld [tilespmem:s29+$0x9500];
	v62 =	vadd.f32 v55, v19  }
0x306: {  	v30 =	vld [tilespmem:$0x1FFD0]  }
0x307: {  	v35 =	vadd.f32 v14, v62;
	v14 =	vld [tilespmem:$0x1FFC0]  }
0x308: {  	v21 =	vld [tilespmem:s29+$0x1500]  }
0x309: {  	v19 =	vld [tilespmem:s29+$0xD10]  }
0x30a: {  	v29 =	vld [tilespmem:s29+$0x7D00]  }
0x30b: {  	v27 =	vld [tilespmem:s29+$0x1510]  }
0x30c: {  	s30 =	simm.s32 $0x1;
	v14 =	vmul.f32 v30, v14;
	v30 =	vld [tilespmem:s29+$0x7510]  }
.LBB2_5:
0x30d: {  	v36 =	vld [tilespmem:s29+$0x7D10]  }
0x30e: {  	v39 =	vld [tilespmem:s29+$0x1D10]  }
0x30f: {  	(xrf2) =	vadd.scan.msk.f32 $0xffff, v14;
	v14 =	vadd.f32 v21, v24;
	v24 =	vld [tilespmem:s29+$0x8510]  }
0x310: {  	v21 =	vadd.f32 v29, v25;
	v29 =	vld [tilespmem:s29+$0x2510]  }
0x311: {  	v25 =	vmul.f32 v44, v53;
	v19 =	vadd.f32 v27, v19  }
0x312: {  	v14 =	vadd.f32 v16, v14;
	v16 =	vadd.f32 v17, v21;
	v17 =	vld [tilespmem:s29+$0x8D10]  }
0x313: {  	(xrf2) =	vadd.scan.msk.f32 $0xffff, v25;
	v21 =	vadd.f32 v36, v30;
	v25 =	vld [tilespmem:s29+$0x2D10];
	v19 =	vadd.f32 v39, v19  }
0x314: {  	v6 =	vadd.f32 v6, v14;
	v14 =	vadd.f32 v23, v16;
	v16 =	vld [tilespmem:s29+$0x9510]  }
0x315: {  	v23 =	vld [tilespmem:s29+$0x3510];
	v21 =	vadd.f32 v24, v21;
	v24 =	vmul.f32 v10, v5;
	v10 =	vadd.f32 v29, v19  }
0x316: {  	v6 =	vadd.f32 v9, v6;
	v9 =	vadd.f32 v26, v14;
	v14 =	vld [tilespmem:s29+$0x9D10]  }
0x317: {  	v19 =	vld [tilespmem:s29+$0x3D10];
	v17 =	vadd.f32 v17, v21  }
0x318: {  	v10 =	vadd.f32 v25, v10  }
0x319: {  	v27 =	vmul.f32 v43, v54;
	v16 =	vadd.f32 v16, v17;
	v17 =	vld [tilespmem:s29+$0x4510]  }
0x31a: {  	v6 =	vadd.f32 v20, v6;
	v10 =	vadd.f32 v23, v10  }
0x31b: {  	v11 =	vmul.f32 v12, v11;
	(xrf2) =	vadd.scan.msk.f32 $0xffff, v27;
	v14 =	vadd.f32 v14, v16;
	v16 =	vld [tilespmem:s29+$0x4D10]  }
0x31c: {  	v37 =	vld [tilespmem:$0x1F570];
	v7 =	vmul.f32 v18, v7;
	(xrf2) =	vadd.scan.msk.f32 $0xffff, v24;
	v10 =	vadd.f32 v19, v10  }
0x31d: {  	v5, _, _ =	vpop (xrf2);
	v20 =	vld [tilespmem:s29+$0xA510];
	(xrf2) =	vadd.scan.msk.f32 $0xffff, v11;
	v21 =	vadd.f32 v38, v6  }
0x31e: {  	v46 =	vld [tilespmem:$0x1F580];
	v6, _, _ =	vpop (xrf2);
	(xrf2) =	vadd.scan.msk.f32 $0xffff, v7;
	v7 =	vadd.f32 v17, v10  }
0x31f: {  	v12 =	vld [tilespmem:s29+$0xAD10];
	v11 =	vadd.f32 v13, v21  }
0x320: {  	v9 =	vadd.f32 v22, v9;
	v16 =	vadd.f32 v16, v7;
	v7 =	vld [tilespmem:$0x1F700]  }
0x321: {  	v13 =	vld [tilespmem:s29+$0xB510];
	v11 =	vadd.f32 v31, v11  }
0x322: {  	v9 =	vadd.f32 v28, v9;
	v14 =	vadd.f32 v20, v14  }
0x323: {  	v18 =	vld [tilespmem:s29+$0xBD10];
	v8 =	vmul.f32 v8, v0;
	v32 =	vadd.f32 v37, v32;
	v11 =	vadd.f32 v59, v11  }
0x324: {  	v47 =	vld [tilespmem:$0x1F600];
	v9 =	vadd.f32 v15, v9;
	v10 =	vadd.f32 v12, v14  }
0x325: {  	v33 =	vadd.f32 v46, v33;
	v0, _, _ =	vpop (xrf2);
	(xrf2) =	vadd.scan.msk.f32 $0xffff, v8;
	v8 =	vadd.f32 v7, v11;
	v7 =	vld [tilespmem:$0x1F730]  }
0x326: {  	v48 =	vld [tilespmem:$0x1F610];
	v9 =	vadd.f32 v52, v9;
	v10 =	vadd.f32 v13, v10  }
0x327: {  	v49 =	vld [tilespmem:$0x1F5A0]  }
0x328: {  	v19 =	vmul.f32 v33, v32;
	v9 =	vadd.f32 v61, v9;
	v10 =	vadd.f32 v18, v10;
	v18 =	vld [tilespmem:$0x1F620]  }
0x329: {  	v50 =	vld [tilespmem:$0x1F5B0]  }
0x32a: {  	v9 =	vadd.f32 v7, v9;
	v7, _, _ =	vpop (xrf2);
	(xrf2) =	vadd.scan.msk.f32 $0xffff, v19;
	v19 =	vld [tilespmem:$0x1F5E0]  }
0x32b: {  	v15 =	vld [tilespmem:s29+$0x5510]  }
0x32c: {  	v12 =	vld [tilespmem:s29+$0x5D10]  }
0x32d: {  	v8 =	vadd.f32 v18, v8;
	v18 =	vld [tilespmem:$0x1F630]  }
0x32e: {  	v14 =	vld [tilespmem:s29+$0xC510]  }
0x32f: {  	v8 =	vadd.f32 v19, v8;
	v19 =	vld [tilespmem:$0x1F5F0]  }
0x330: {  	v13 =	vld [tilespmem:s29+$0x6510]  }
0x331: {  	v15 =	vadd.f32 v15, v16;
	v11 =	vld [tilespmem:s29+$0xCD10]  }
0x332: {  	v34 =	vadd.f32 v47, v34;
	v16 =	vld [tilespmem:s29+$0x6D10];
	v9 =	vadd.f32 v18, v9  }
0x333: {  	v35 =	vadd.f32 v48, v35;
	v12 =	vadd.f32 v12, v15;
	v18 =	vld [tilespmem:s29+$0xD510]  }
0x334: {  	v10 =	vadd.f32 v14, v10;
	v9 =	vadd.f32 v19, v9  }
0x335: {  	v34 =	vadd.f32 v49, v34;
	v35 =	vadd.f32 v50, v35  }
0x336: {  	v12 =	vadd.f32 v13, v12;
	v10 =	vadd.f32 v11, v10;
	v8 =	vmul.f32 v9, v8;
	v9 =	vld [tilespmem:$0x1F5C0]  }
0x337: {  	v14 =	vmul.f32 v35, v34  }
0x338: {  	v20 =	vadd.f32 v16, v12;
	v10 =	vadd.f32 v18, v10  }
0x339: {  	v15 =	vld [tilespmem:s29+$0xCD40];
	v17, _, _ =	vpop (xrf2);
	(xrf2) =	vadd.scan.msk.f32 $0xffff, v14  }
0x33a: {  	v13, _, _ =	vpop (xrf2);
	(xrf2) =	vadd.scan.msk.f32 $0xffff, v8;
	v8 =	vmul.f32 v10, v20;
	v10 =	vld [tilespmem:$0x1F550]  }
0x33b: {  	v2 =	vadd.f32 v9, v2;
	v9 =	vld [tilespmem:$0x1F5D0]  }
0x33c: {  	v16 =	vld [tilespmem:$0x1F590]  }
0x33d: {  	v11 =	vld [tilespmem:s29+$0xD540]  }
0x33e: {  	v19 =	vld [tilespmem:s29+$0x6D40]  }
0x33f: {  	v1 =	vadd.f32 v10, v1;
	v10 =	vld [tilespmem:$0x1F560]  }
0x340: {  	v3 =	vadd.f32 v9, v3  }
0x341: {  	v2 =	vadd.f32 v16, v2;
	v9 =	vld [tilespmem:s29+$0xCD70]  }
0x342: {  	v14 =	vld [tilespmem:s29+$0x6D70];
	v3 =	vadd.f32 v15, v3  }
0x343: {  	v2 =	vadd.f32 v19, v2;
	v15 =	vld [tilespmem:s29+$0xD570]  }
0x344: {  	v16 =	vld [tilespmem:$0x1F540];
	v4 =	vadd.f32 v10, v4;
	v3 =	vadd.f32 v11, v3  }
0x345: {  	v12, _, _ =	vpop (xrf2);
	(xrf2) =	vadd.scan.msk.f32 $0xffff, v8;
	v8 =	vld [tilespmem:$0x1F530]  }
0x346: {  	v4 =	vadd.f32 v9, v4;
	v2 =	vmul.f32 v3, v2;
	v3 =	vld [tilespmem:$0x1F520]  }
0x347: {  	v10 =	vld [tilespmem:s29+$0xCDA0]  }
0x348: {  	v4 =	vadd.f32 v15, v4;
	v15 =	vld [tilespmem:$0x1F510]  }
0x349: {  	v1 =	vadd.f32 v16, v1;
	v11 =	vld [tilespmem:s29+$0x6DA0]  }
0x34a: {  	v8 =	vadd.f32 v8, v57;
	v9 =	vld [tilespmem:s29+$0xD5A0]  }
0x34b: {  	v16 =	vld [tilespmem:s29+$0xCDD0];
	v1 =	vadd.f32 v14, v1;
	v3 =	vadd.f32 v3, v60  }
0x34c: {  	v14 =	vld [tilespmem:s29+$0x6DD0]  }
0x34d: {  	v8 =	vadd.f32 v10, v8;
	v1 =	vmul.f32 v4, v1;
	v4 =	vld [tilespmem:$0x1F500];
	v3 =	vadd.f32 v15, v3  }
0x34e: {  	v18, _, _ =	vpop (xrf2);
	(xrf2) =	vadd.scan.msk.f32 $0xffff, v2;
	v2 =	vld [tilespmem:$0x1F4F0]  }
0x34f: {  	v10 =	vld [tilespmem:s29+$0xD5D0];
	v8 =	vadd.f32 v9, v8;
	v3 =	vadd.f32 v11, v3  }
0x350: {  	v11 =	vld [tilespmem:$0x1F4E0]  }
0x351: {  	v19, _, _ =	vpop (xrf2);
	(xrf2) =	vadd.scan.msk.f32 $0xffff, v1;
	v1 =	vmul.f32 v8, v3;
	v3 =	vld [tilespmem:$0x1F4C0]  }
0x352: {  	v4 =	vadd.f32 v4, v45;
	v8 =	vld [tilespmem:$0x1F4D0]  }
0x353: {  	v9 =	vld [tilespmem:s29+$0xCDF0];
	v2 =	vadd.f32 v2, v58  }
0x354: {  	v15 =	vld [tilespmem:s29+$0x65F0];
	v4 =	vadd.f32 v16, v4  }
0x355: {  	v16 =	vld [tilespmem:s29+$0xD5F0];
	v2 =	vadd.f32 v11, v2  }
0x356: {  	v10 =	vadd.f32 v10, v4;
	v11 =	vld [tilespmem:s29+$0x6DF0];
	v3 =	vadd.f32 v3, v56  }
0x357: {  	v8 =	vadd.f32 v8, v51;
	v2 =	vadd.f32 v14, v2  }
0x358: {  	v20, _, _ =	vpop (xrf2);
	(xrf2) =	vadd.scan.msk.f32 $0xffff, v1  }
0x359: {  	v4, _, _ =	vpop (xrf2);
	v1 =	vmul.f32 v10, v2;
	v2 =	vadd.f32 v15, v3;
	v3 =	vadd.f32 v9, v8  }
0x35a: {  	v4 =	vbroadcast v4, $0xF;
	v10 =	vbroadcast v20, $0xF  }
0x35b: {  	v9 =	vbroadcast v19, $0xF;
	v2 =	vadd.f32 v11, v2;
	v3 =	vadd.f32 v16, v3;
	(xrf2) =	vadd.scan.msk.f32 $0xffff, v1  }
0x35c: {  	v1 =	vsel vm0, v10, v4;
	v4 =	vbroadcast v18, $0xF;
	v8, _, _ =	vpop (xrf2)  }
0x35d: {  	v1 =	vsel vm1, v1, v9;
	v9 =	vbroadcast v8, $0xF;
	v2 =	vmul.f32 v3, v2  }
0x35e: {  	v1 =	vsel vm2, v1, v4;
	v3 =	vbroadcast v12, $0xF  }
0x35f: {  	v8, _, _ =	vpop (xrf2);
	v1 =	vsel vm3, v1, v9;
	v9 =	vbroadcast v13, $0xF;
	(xrf2) =	vadd.scan.msk.f32 $0xffff, v2  }
0x360: {  	v1 =	vsel vm4, v1, v3;
	v2 =	vbroadcast v8, $0xF  }
0x361: {  	v3 =	vbroadcast v17, $0xF;
	v1 =	vsel vm5, v1, v9  }
0x362: {  	v4, _, _ =	vpop (xrf2);
	v1 =	vsel vm6, v1, v2;
	v2 =	vbroadcast v7, $0xF  }
0x363: {  	v4 =	vbroadcast v4, $0xF;
	v1 =	vsel vm7, v1, v3  }
0x364: {  	v0 =	vbroadcast v0, $0xF;
	v1 =	vsel vm8, v1, v2  }
0x365: {  	v2 =	vbroadcast v6, $0xF;
	v1 =	vsel vm9, v1, v4;
	v3, _, _ =	vpop (xrf2)  }
0x366: {  	v0 =	vsel vm10, v1, v0;
	v3 =	vbroadcast v3, $0xF  }
0x367: {  	v0 =	vsel vm11, v0, v2;
	v2 =	vbroadcast v5, $0xF  }
0x368: {  	v0 =	vsel vm12, v0, v3  }
0x369: {  	v0 =	vsel vm13, v0, v2;
	v1, _, _ =	vpop (xrf2)  }
0x36a: {  	v0 =	vsel vm14, v0, v1;
	v1 =	vld [tilespmem:$0x1FFE0];
	_ =	sdelay $0x4  }
0x36b: {  	v0 =	vmul.f32 v0, v1;
	v1 =	vld [tilespmem:$0x1FFF0];
	_ =	sdelay $0x4  }
0x36c: {  	v0 =	vadd.f32 v0, v1;
	_ =	sdelay $0x1  }
0x36d: {  	v0 =	vsub.f32 $0.0e+00, v0;
	_ =	sdelay $0x1  }
0x36e: {  	v0 =	vmul.f32 $1.442695020e+00, v0;
	_ =	sdelay $0x1  }
0x36f: {  	(erf) = vpow2.f32 v0;
	_ =	sdelay $0x8  }
0x370: {  	v0 =	vpop (erf)  }
0x371: {  	v0 =	vadd.f32 $1.000000000e+00, v0;
	_ =	sdelay $0x1  }
0x372: {  	(erf) = vrcp.f32 v0;
	_ =	sdelay $0x7  }
0x373: {  	s29 =	sshll.u32 s28, $0x4  }
0x374: {  	s31 =	sand.u32 $0x3FFFFFF0, s29;
	v0 =	vpop (erf)  }
0x375: {  	s29 =	sshll.u32 s30, $0x8;
	[tilespmem:s31+$0xDD00] =	vst v0  }
0x376: {  	v0 =	vld [tilespmem:s29+$0x6DE0];
	_ =	sdelay $0x4  }
0x377: {  	[tilespmem:$0x1EC90] =	vst v0;
	v0 =	vld [tilespmem:s29+$0xD5E0];
	_ =	sdelay $0x4  }
0x378: {  	[tilespmem:$0x1ECA0] =	vst v0;
	v0 =	vld [tilespmem:s29+$0x5DF0];
	_ =	sdelay $0x4  }
0x379: {  	[tilespmem:$0x1F4C0] =	vst v0;
	v0 =	vld [tilespmem:s29+$0xC5F0];
	_ =	sdelay $0x4  }
0x37a: {  	[tilespmem:$0x1F4D0] =	vst v0;
	v0 =	vld [tilespmem:s29+$0x65E0];
	_ =	sdelay $0x4  }
0x37b: {  	[tilespmem:$0x1EC70] =	vst v0;
	v0 =	vld [tilespmem:s29+$0xCDE0];
	_ =	sdelay $0x4  }
0x37c: {  	[tilespmem:$0x1EC80] =	vst v0;
	v0 =	vld [tilespmem:s29+$0x55F0];
	_ =	sdelay $0x4  }
0x37d: {  	[tilespmem:$0x1EC50] =	vst v0;
	v0 =	vld [tilespmem:s29+$0xBDF0];
	_ =	sdelay $0x4  }
0x37e: {  	[tilespmem:$0x1EC60] =	vst v0;
	v0 =	vld [tilespmem:s29+$0x6DC0];
	_ =	sdelay $0x4  }
0x37f: {  	[tilespmem:$0x1EE10] =	vst v0;
	v0 =	vld [tilespmem:s29+$0xD5C0];
	_ =	sdelay $0x4  }
0x380: {  	[tilespmem:$0x1EE20] =	vst v0;
	v0 =	vld [tilespmem:s29+$0x65D0];
	_ =	sdelay $0x4  }
0x381: {  	[tilespmem:$0x1F4E0] =	vst v0;
	v0 =	vld [tilespmem:s29+$0x5DE0];
	_ =	sdelay $0x4  }
0x382: {  	[tilespmem:$0x1EC30] =	vst v0;
	v0 =	vld [tilespmem:s29+$0xC5E0];
	_ =	sdelay $0x4  }
0x383: {  	[tilespmem:$0x1EC40] =	vst v0;
	v0 =	vld [tilespmem:s29+$0x4DF0];
	_ =	sdelay $0x4  }
0x384: {  	[tilespmem:$0x1EC10] =	vst v0;
	v0 =	vld [tilespmem:s29+$0xB5F0];
	_ =	sdelay $0x4  }
0x385: {  	[tilespmem:$0x1EC20] =	vst v0;
	v0 =	vld [tilespmem:s29+$0x6DB0];
	_ =	sdelay $0x4  }
0x386: {  	[tilespmem:$0x1EF30] =	vst v0;
	v0 =	vld [tilespmem:s29+$0xD5B0];
	_ =	sdelay $0x4  }
0x387: {  	[tilespmem:$0x1EF40] =	vst v0;
	v0 =	vld [tilespmem:s29+$0x65C0];
	_ =	sdelay $0x4  }
0x388: {  	[tilespmem:$0x1EDF0] =	vst v0;
	v0 =	vld [tilespmem:s29+$0xCDC0];
	_ =	sdelay $0x4  }
0x389: {  	[tilespmem:$0x1EE00] =	vst v0;
	v0 =	vld [tilespmem:s29+$0x5DD0];
	_ =	sdelay $0x4  }
0x38a: {  	[tilespmem:$0x1F4F0] =	vst v0;
	v0 =	vld [tilespmem:s29+$0xC5D0];
	_ =	sdelay $0x4  }
0x38b: {  	[tilespmem:$0x1F500] =	vst v0;
	v0 =	vld [tilespmem:s29+$0x55E0];
	_ =	sdelay $0x4  }
0x38c: {  	[tilespmem:$0x1EBF0] =	vst v0;
	v0 =	vld [tilespmem:s29+$0xBDE0];
	_ =	sdelay $0x4  }
0x38d: {  	[tilespmem:$0x1EC00] =	vst v0;
	v0 =	vld [tilespmem:s29+$0x45F0];
	_ =	sdelay $0x4  }
0x38e: {  	[tilespmem:$0x1EBD0] =	vst v0;
	v0 =	vld [tilespmem:s29+$0xADF0];
	_ =	sdelay $0x4  }
0x38f: {  	[tilespmem:$0x1EBE0] =	vst v0;
	v0 =	vld [tilespmem:s29+$0x65B0];
	_ =	sdelay $0x4  }
0x390: {  	[tilespmem:$0x1EEF0] =	vst v0;
	v0 =	vld [tilespmem:s29+$0xCDB0];
	_ =	sdelay $0x4  }
0x391: {  	[tilespmem:$0x1EF00] =	vst v0;
	v0 =	vld [tilespmem:s29+$0x5DC0];
	_ =	sdelay $0x4  }
0x392: {  	[tilespmem:$0x1EDD0] =	vst v0;
	v0 =	vld [tilespmem:s29+$0xC5C0];
	_ =	sdelay $0x4  }
0x393: {  	[tilespmem:$0x1EDE0] =	vst v0;
	v0 =	vld [tilespmem:s29+$0x55D0];
	_ =	sdelay $0x4  }
0x394: {  	[tilespmem:$0x1ED70] =	vst v0;
	v0 =	vld [tilespmem:s29+$0xBDD0];
	_ =	sdelay $0x4  }
0x395: {  	[tilespmem:$0x1ED80] =	vst v0;
	v0 =	vld [tilespmem:s29+$0x4DE0];
	_ =	sdelay $0x4  }
0x396: {  	[tilespmem:$0x1EBB0] =	vst v0;
	v0 =	vld [tilespmem:s29+$0xB5E0];
	_ =	sdelay $0x4  }
0x397: {  	[tilespmem:$0x1EBC0] =	vst v0;
	v0 =	vld [tilespmem:s29+$0x3DF0];
	_ =	sdelay $0x4  }
0x398: {  	[tilespmem:$0x1EB90] =	vst v0;
	v0 =	vld [tilespmem:s29+$0xA5F0];
	_ =	sdelay $0x4  }
0x399: {  	[tilespmem:$0x1EBA0] =	vst v0;
	v0 =	vld [tilespmem:s29+$0x6D90];
	_ =	sdelay $0x4  }
0x39a: {  	[tilespmem:$0x1F100] =	vst v0;
	v0 =	vld [tilespmem:s29+$0xD590];
	_ =	sdelay $0x4  }
0x39b: {  	[tilespmem:$0x1F110] =	vst v0;
	v0 =	vld [tilespmem:s29+$0x65A0];
	_ =	sdelay $0x4  }
0x39c: {  	[tilespmem:$0x1F510] =	vst v0;
	v0 =	vld [tilespmem:s29+$0x5DB0];
	_ =	sdelay $0x4  }
0x39d: {  	[tilespmem:$0x1EEB0] =	vst v0;
	v0 =	vld [tilespmem:s29+$0xC5B0];
	_ =	sdelay $0x4  }
0x39e: {  	[tilespmem:$0x1EEC0] =	vst v0;
	v0 =	vld [tilespmem:s29+$0x55C0];
	_ =	sdelay $0x4  }
0x39f: {  	[tilespmem:$0x1EDB0] =	vst v0;
	v0 =	vld [tilespmem:s29+$0xBDC0];
	_ =	sdelay $0x4  }
0x3a0: {  	[tilespmem:$0x1EDC0] =	vst v0;
	v0 =	vld [tilespmem:s29+$0x4DD0];
	_ =	sdelay $0x4  }
0x3a1: {  	[tilespmem:$0x1ED30] =	vst v0;
	v0 =	vld [tilespmem:s29+$0xB5D0];
	_ =	sdelay $0x4  }
0x3a2: {  	[tilespmem:$0x1ED40] =	vst v0;
	v0 =	vld [tilespmem:s29+$0x45E0];
	_ =	sdelay $0x4  }
0x3a3: {  	[tilespmem:$0x1EB70] =	vst v0;
	v0 =	vld [tilespmem:s29+$0xADE0];
	_ =	sdelay $0x4  }
0x3a4: {  	[tilespmem:$0x1EB80] =	vst v0;
	v0 =	vld [tilespmem:s29+$0x35F0];
	_ =	sdelay $0x4  }
0x3a5: {  	[tilespmem:$0x1EB50] =	vst v0;
	v0 =	vld [tilespmem:s29+$0x9DF0];
	_ =	sdelay $0x4  }
0x3a6: {  	[tilespmem:$0x1EB60] =	vst v0;
	v0 =	vld [tilespmem:s29+$0x6D80];
	_ =	sdelay $0x4  }
0x3a7: {  	[tilespmem:$0x1F140] =	vst v0;
	v0 =	vld [tilespmem:s29+$0xD580];
	_ =	sdelay $0x4  }
0x3a8: {  	[tilespmem:$0x1F150] =	vst v0;
	v0 =	vld [tilespmem:s29+$0x6590];
	_ =	sdelay $0x4  }
0x3a9: {  	[tilespmem:$0x1F0C0] =	vst v0;
	v0 =	vld [tilespmem:s29+$0xCD90];
	_ =	sdelay $0x4  }
0x3aa: {  	[tilespmem:$0x1F0D0] =	vst v0;
	v0 =	vld [tilespmem:s29+$0x5DA0];
	_ =	sdelay $0x4  }
0x3ab: {  	[tilespmem:$0x1F520] =	vst v0;
	v0 =	vld [tilespmem:s29+$0xC5A0];
	_ =	sdelay $0x4  }
0x3ac: {  	[tilespmem:$0x1F530] =	vst v0;
	v0 =	vld [tilespmem:s29+$0x55B0];
	_ =	sdelay $0x4  }
0x3ad: {  	[tilespmem:$0x1EE90] =	vst v0;
	v0 =	vld [tilespmem:s29+$0xBDB0];
	_ =	sdelay $0x4  }
0x3ae: {  	[tilespmem:$0x1EEA0] =	vst v0;
	v0 =	vld [tilespmem:s29+$0x4DC0];
	_ =	sdelay $0x4  }
0x3af: {  	[tilespmem:$0x1ED90] =	vst v0;
	v0 =	vld [tilespmem:s29+$0xB5C0];
	_ =	sdelay $0x4  }
0x3b0: {  	[tilespmem:$0x1EDA0] =	vst v0;
	v0 =	vld [tilespmem:s29+$0x45D0];
	_ =	sdelay $0x4  }
0x3b1: {  	[tilespmem:$0x1ECF0] =	vst v0;
	v0 =	vld [tilespmem:s29+$0xADD0];
	_ =	sdelay $0x4  }
0x3b2: {  	[tilespmem:$0x1ED00] =	vst v0;
	v0 =	vld [tilespmem:s29+$0x3DE0];
	_ =	sdelay $0x4  }
0x3b3: {  	[tilespmem:$0x1EB30] =	vst v0;
	v0 =	vld [tilespmem:s29+$0xA5E0];
	_ =	sdelay $0x4  }
0x3b4: {  	[tilespmem:$0x1EB40] =	vst v0;
	v0 =	vld [tilespmem:s29+$0x6580];
	_ =	sdelay $0x4  }
0x3b5: {  	[tilespmem:$0x1F120] =	vst v0;
	v0 =	vld [tilespmem:s29+$0xCD80];
	_ =	sdelay $0x4  }
0x3b6: {  	[tilespmem:$0x1F130] =	vst v0;
	v0 =	vld [tilespmem:s29+$0x5D90];
	_ =	sdelay $0x4  }
0x3b7: {  	[tilespmem:$0x1F080] =	vst v0;
	v0 =	vld [tilespmem:s29+$0xC590];
	_ =	sdelay $0x4  }
0x3b8: {  	[tilespmem:$0x1F090] =	vst v0;
	v0 =	vld [tilespmem:s29+$0x55A0];
	_ =	sdelay $0x4  }
0x3b9: {  	[tilespmem:$0x1EF70] =	vst v0;
	v0 =	vld [tilespmem:s29+$0xBDA0];
	_ =	sdelay $0x4  }
0x3ba: {  	[tilespmem:$0x1EF80] =	vst v0;
	v0 =	vld [tilespmem:s29+$0x4DB0];
	_ =	sdelay $0x4  }
0x3bb: {  	[tilespmem:$0x1EE70] =	vst v0;
	v0 =	vld [tilespmem:s29+$0xB5B0];
	_ =	sdelay $0x4  }
0x3bc: {  	[tilespmem:$0x1EE80] =	vst v0;
	v0 =	vld [tilespmem:s29+$0x45C0];
	_ =	sdelay $0x4  }
0x3bd: {  	[tilespmem:$0x1ED50] =	vst v0;
	v0 =	vld [tilespmem:s29+$0xADC0];
	_ =	sdelay $0x4  }
0x3be: {  	[tilespmem:$0x1ED60] =	vst v0;
	v0 =	vld [tilespmem:s29+$0x3DD0];
	_ =	sdelay $0x4  }
0x3bf: {  	[tilespmem:$0x1ECD0] =	vst v0;
	v0 =	vld [tilespmem:s29+$0xA5D0];
	_ =	sdelay $0x4  }
0x3c0: {  	[tilespmem:$0x1ECE0] =	vst v0;
	v0 =	vld [tilespmem:s29+$0x6D60];
	_ =	sdelay $0x4  }
0x3c1: {  	[tilespmem:$0x1F2A0] =	vst v0;
	v0 =	vld [tilespmem:s29+$0xD560];
	_ =	sdelay $0x4  }
0x3c2: {  	[tilespmem:$0x1F2B0] =	vst v0;
	v0 =	vld [tilespmem:s29+$0x6570];
	_ =	sdelay $0x4  }
0x3c3: {  	[tilespmem:$0x1F540] =	vst v0;
	v0 =	vld [tilespmem:s29+$0x5D80];
	_ =	sdelay $0x4  }
0x3c4: {  	[tilespmem:$0x1F0E0] =	vst v0;
	v0 =	vld [tilespmem:s29+$0xC580];
	_ =	sdelay $0x4  }
0x3c5: {  	[tilespmem:$0x1F0F0] =	vst v0;
	v0 =	vld [tilespmem:s29+$0x5590];
	_ =	sdelay $0x4  }
0x3c6: {  	[tilespmem:$0x1F040] =	vst v0;
	v0 =	vld [tilespmem:s29+$0xBD90];
	_ =	sdelay $0x4  }
0x3c7: {  	[tilespmem:$0x1F050] =	vst v0;
	v0 =	vld [tilespmem:s29+$0x4DA0];
	_ =	sdelay $0x4  }
0x3c8: {  	[tilespmem:$0x1EF50] =	vst v0;
	v0 =	vld [tilespmem:s29+$0xB5A0];
	_ =	sdelay $0x4  }
0x3c9: {  	[tilespmem:$0x1EF60] =	vst v0;
	v0 =	vld [tilespmem:s29+$0x45B0];
	_ =	sdelay $0x4  }
0x3ca: {  	[tilespmem:$0x1EE50] =	vst v0;
	v0 =	vld [tilespmem:s29+$0xADB0];
	_ =	sdelay $0x4  }
0x3cb: {  	[tilespmem:$0x1EE60] =	vst v0;
	v0 =	vld [tilespmem:s29+$0x3DC0];
	_ =	sdelay $0x4  }
0x3cc: {  	[tilespmem:$0x1ED10] =	vst v0;
	v0 =	vld [tilespmem:s29+$0xA5C0];
	_ =	sdelay $0x4  }
0x3cd: {  	[tilespmem:$0x1ED20] =	vst v0;
	v0 =	vld [tilespmem:s29+$0x35D0];
	_ =	sdelay $0x4  }
0x3ce: {  	[tilespmem:$0x1ECB0] =	vst v0;
	v0 =	vld [tilespmem:s29+$0x9DD0];
	_ =	sdelay $0x4  }
0x3cf: {  	[tilespmem:$0x1ECC0] =	vst v0;
	v0 =	vld [tilespmem:s29+$0x6D50];
	_ =	sdelay $0x4  }
0x3d0: {  	[tilespmem:$0x1F370] =	vst v0;
	v0 =	vld [tilespmem:s29+$0xD550];
	_ =	sdelay $0x4  }
0x3d1: {  	[tilespmem:$0x1F380] =	vst v0;
	v0 =	vld [tilespmem:s29+$0x6560];
	_ =	sdelay $0x4  }
0x3d2: {  	[tilespmem:$0x1F280] =	vst v0;
	v0 =	vld [tilespmem:s29+$0xCD60];
	_ =	sdelay $0x4  }
0x3d3: {  	[tilespmem:$0x1F290] =	vst v0;
	v0 =	vld [tilespmem:s29+$0x5D70];
	_ =	sdelay $0x4  }
0x3d4: {  	[tilespmem:$0x1F550] =	vst v0;
	v0 =	vld [tilespmem:s29+$0xC570];
	_ =	sdelay $0x4  }
0x3d5: {  	[tilespmem:$0x1F560] =	vst v0;
	v0 =	vld [tilespmem:s29+$0x5580];
	_ =	sdelay $0x4  }
0x3d6: {  	[tilespmem:$0x1F0A0] =	vst v0;
	v0 =	vld [tilespmem:s29+$0xBD80];
	_ =	sdelay $0x4  }
0x3d7: {  	[tilespmem:$0x1F0B0] =	vst v0;
	v0 =	vld [tilespmem:s29+$0x4D90];
	_ =	sdelay $0x3  }
0x3d8: {  	v51 =	vld [tilespmem:s29+$0x2DF0]  }
0x3d9: {  	[tilespmem:$0x1F000] =	vst v0;
	v0 =	vld [tilespmem:s29+$0xB590]  }
0x3da: {  	v54 =	vld [tilespmem:s29+$0x95F0]  }
0x3db: {  	v50 =	vld [tilespmem:s29+$0x35E0]  }
0x3dc: {  	v49 =	vld [tilespmem:s29+$0x9DE0]  }
0x3dd: {  	v38 =	vld [tilespmem:s29+$0x25F0]  }
0x3de: {  	[tilespmem:$0x1F010] =	vst v0;
	v0 =	vld [tilespmem:s29+$0x45A0]  }
0x3df: {  	v35 =	vld [tilespmem:s29+$0x8DF0]  }
0x3e0: {  	v33 =	vld [tilespmem:s29+$0x2DE0]  }
0x3e1: {  	v26 =	vld [tilespmem:s29+$0x95E0]  }
0x3e2: {  	v23 =	vld [tilespmem:s29+$0x1DF0]  }
0x3e3: {  	v22 =	vld [tilespmem:s29+$0x85F0];
	[tilespmem:$0x1EF10] =	vst v0  }
0x3e4: {  	v0 =	vld [tilespmem:s29+$0xADA0];
	_ =	sdelay $0x4  }
0x3e5: {  	[tilespmem:$0x1EF20] =	vst v0;
	v0 =	vld [tilespmem:s29+$0x3DB0];
	_ =	sdelay $0x4  }
0x3e6: {  	[tilespmem:$0x1EE30] =	vst v0;
	v0 =	vld [tilespmem:s29+$0xA5B0];
	_ =	sdelay $0x4  }
0x3e7: {  	[tilespmem:$0x1EE40] =	vst v0;
	v0 =	vld [tilespmem:s29+$0x6550];
	_ =	sdelay $0x4  }
0x3e8: {  	[tilespmem:$0x1F340] =	vst v0;
	v0 =	vld [tilespmem:s29+$0xCD50];
	_ =	sdelay $0x4  }
0x3e9: {  	[tilespmem:$0x1F350] =	vst v0;
	v0 =	vld [tilespmem:s29+$0x5D60];
	_ =	sdelay $0x4  }
0x3ea: {  	[tilespmem:$0x1F260] =	vst v0;
	v0 =	vld [tilespmem:s29+$0xC560];
	_ =	sdelay $0x4  }
0x3eb: {  	[tilespmem:$0x1F270] =	vst v0;
	v0 =	vld [tilespmem:s29+$0x5570];
	_ =	sdelay $0x4  }
0x3ec: {  	[tilespmem:$0x1F200] =	vst v0;
	v0 =	vld [tilespmem:s29+$0xBD70];
	_ =	sdelay $0x4  }
0x3ed: {  	[tilespmem:$0x1F210] =	vst v0;
	v0 =	vld [tilespmem:s29+$0x4D80];
	_ =	sdelay $0x4  }
0x3ee: {  	[tilespmem:$0x1F060] =	vst v0;
	v0 =	vld [tilespmem:s29+$0xB580];
	_ =	sdelay $0x4  }
0x3ef: {  	[tilespmem:$0x1F070] =	vst v0;
	v0 =	vld [tilespmem:s29+$0x4590];
	_ =	sdelay $0x4  }
0x3f0: {  	[tilespmem:$0x1EFC0] =	vst v0;
	v0 =	vld [tilespmem:s29+$0xAD90];
	_ =	sdelay $0x4  }
0x3f1: {  	[tilespmem:$0x1EFD0] =	vst v0;
	v0 =	vld [tilespmem:s29+$0x3DA0];
	_ =	sdelay $0x4  }
0x3f2: {  	[tilespmem:$0x1EED0] =	vst v0;
	v0 =	vld [tilespmem:s29+$0xA5A0];
	_ =	sdelay $0x4  }
0x3f3: {  	[tilespmem:$0x1EEE0] =	vst v0;
	v0 =	vld [tilespmem:s29+$0x6D30];
	_ =	sdelay $0x4  }
0x3f4: {  	[tilespmem:$0x1F570] =	vst v0;
	v0 =	vld [tilespmem:s29+$0xD530];
	_ =	sdelay $0x4  }
0x3f5: {  	[tilespmem:$0x1F580] =	vst v0;
	v0 =	vld [tilespmem:s29+$0x6540];
	_ =	sdelay $0x4  }
0x3f6: {  	[tilespmem:$0x1F590] =	vst v0;
	v0 =	vld [tilespmem:s29+$0x5D50];
	_ =	sdelay $0x4  }
0x3f7: {  	[tilespmem:$0x1F320] =	vst v0;
	v0 =	vld [tilespmem:s29+$0xC550];
	_ =	sdelay $0x4  }
0x3f8: {  	[tilespmem:$0x1F330] =	vst v0;
	v0 =	vld [tilespmem:s29+$0x5560];
	_ =	sdelay $0x4  }
0x3f9: {  	[tilespmem:$0x1F240] =	vst v0;
	v0 =	vld [tilespmem:s29+$0xBD60];
	_ =	sdelay $0x4  }
0x3fa: {  	[tilespmem:$0x1F250] =	vst v0;
	v0 =	vld [tilespmem:s29+$0x4D70];
	_ =	sdelay $0x4  }
0x3fb: {  	[tilespmem:$0x1F1C0] =	vst v0;
	v0 =	vld [tilespmem:s29+$0xB570];
	_ =	sdelay $0x4  }
0x3fc: {  	[tilespmem:$0x1F1D0] =	vst v0;
	v0 =	vld [tilespmem:s29+$0x4580];
	_ =	sdelay $0x4  }
0x3fd: {  	[tilespmem:$0x1F020] =	vst v0;
	v0 =	vld [tilespmem:s29+$0xAD80];
	_ =	sdelay $0x4  }
0x3fe: {  	[tilespmem:$0x1F030] =	vst v0;
	v0 =	vld [tilespmem:s29+$0x3D90];
	_ =	sdelay $0x4  }
0x3ff: {  	[tilespmem:$0x1EFA0] =	vst v0;
	v0 =	vld [tilespmem:s29+$0xA590];
	_ =	sdelay $0x4  }
0x400: {  	[tilespmem:$0x1EFB0] =	vst v0;
	v0 =	vld [tilespmem:s29+$0x6D20];
	_ =	sdelay $0x4  }
0x401: {  	[tilespmem:$0x1F5A0] =	vst v0;
	v0 =	vld [tilespmem:s29+$0xD520];
	_ =	sdelay $0x4  }
0x402: {  	[tilespmem:$0x1F5B0] =	vst v0;
	v0 =	vld [tilespmem:s29+$0x6530];
	_ =	sdelay $0x4  }
0x403: {  	[tilespmem:$0x1F460] =	vst v0;
	v0 =	vld [tilespmem:s29+$0xCD30];
	_ =	sdelay $0x4  }
0x404: {  	[tilespmem:$0x1F470] =	vst v0;
	v0 =	vld [tilespmem:s29+$0x5D40];
	_ =	sdelay $0x4  }
0x405: {  	[tilespmem:$0x1F5C0] =	vst v0;
	v0 =	vld [tilespmem:s29+$0xC540];
	_ =	sdelay $0x4  }
0x406: {  	[tilespmem:$0x1F5D0] =	vst v0;
	v0 =	vld [tilespmem:s29+$0x5550];
	_ =	sdelay $0x4  }
0x407: {  	[tilespmem:$0x1F300] =	vst v0;
	v0 =	vld [tilespmem:s29+$0xBD50];
	_ =	sdelay $0x3  }
0x408: {  	v53 =	vld [tilespmem:s29+$0x35C0]  }
0x409: {  	[tilespmem:$0x1F310] =	vst v0;
	v0 =	vld [tilespmem:s29+$0x4D60]  }
0x40a: {  	v52 =	vld [tilespmem:s29+$0x9DC0]  }
0x40b: {  	v45 =	vld [tilespmem:s29+$0x2DD0]  }
0x40c: {  	v41 =	vld [tilespmem:s29+$0x95D0]  }
0x40d: {  	v46 =	vld [tilespmem:s29+$0x25E0]  }
0x40e: {  	[tilespmem:$0x1F220] =	vst v0;
	v0 =	vld [tilespmem:s29+$0xB560]  }
0x40f: {  	v21 =	vld [tilespmem:s29+$0x8DE0]  }
0x410: {  	v47 =	vld [tilespmem:s29+$0xDF0]  }
0x411: {  	v56 =	vld [tilespmem:s29+$0x15F0]  }
0x412: {  	v20 =	vld [tilespmem:s29+$0x75F0]  }
0x413: {  	[tilespmem:$0x1F230] =	vst v0;
	v0 =	vld [tilespmem:s29+$0x4570]  }
0x414: {  	v58 =	vld [tilespmem:s29+$0x7DF0]  }
0x415: {  	v61 =	vld [tilespmem:s29+$0x35B0]  }
0x416: {  	v60 =	vld [tilespmem:s29+$0x9DB0]  }
0x417: {  	v36 =	vld [tilespmem:s29+$0x2DC0]  }
0x418: {  	[tilespmem:$0x1F180] =	vst v0;
	v0 =	vld [tilespmem:s29+$0xAD70]  }
0x419: {  	v34 =	vld [tilespmem:s29+$0x95C0]  }
0x41a: {  	v32 =	vld [tilespmem:s29+$0x25D0]  }
0x41b: {  	v31 =	vld [tilespmem:s29+$0x8DD0]  }
0x41c: {  	v13 =	vld [tilespmem:s29+$0x1DE0]  }
0x41d: {  	[tilespmem:$0x1F190] =	vst v0;
	v0 =	vld [tilespmem:s29+$0x3D80]  }
0x41e: {  	v12 =	vld [tilespmem:s29+$0x85E0]  }
0x41f: {  	v57 =	vld [tilespmem:s29+$0x35A0]  }
0x420: {  	v55 =	vld [tilespmem:s29+$0x9DA0]  }
0x421: {  	v44 =	vld [tilespmem:s29+$0x2DB0]  }
0x422: {  	[tilespmem:$0x1EFE0] =	vst v0;
	v0 =	vld [tilespmem:s29+$0xA580]  }
0x423: {  	v43 =	vld [tilespmem:s29+$0x95B0]  }
0x424: {  	v28 =	vld [tilespmem:s29+$0x25C0]  }
0x425: {  	v27 =	vld [tilespmem:s29+$0x8DC0]  }
0x426: {  	v19 =	vld [tilespmem:s29+$0x1DD0]  }
0x427: {  	[tilespmem:$0x1EFF0] =	vst v0;
	v0 =	vld [tilespmem:s29+$0x3590]  }
0x428: {  	v5 =	vld [tilespmem:s29+$0x75E0]  }
0x429: {  	v62 =	vld [tilespmem:s29+$0x6500]  }
0x42a: {  	v4 =	vld [tilespmem:s29+$0x7DE0]  }
0x42b: {  	v18 =	vld [tilespmem:s29+$0x85D0]  }
0x42c: {  	[tilespmem:$0x1EF90] =	vst v0;
	v0 =	vld [tilespmem:s29+$0x6D00]  }
0x42d: {  	v7 =	vld [tilespmem:s29+$0xDE0]  }
0x42e: {  	[tilespmem:$0x1F620] =	vst v62;
	v62 =	vld [tilespmem:s29+$0xCD00]  }
0x42f: {  	v4 =	vadd.f32 v4, v5;
	v5 =	vld [tilespmem:s29+$0xB540]  }
0x430: {  	v6 =	vld [tilespmem:s29+$0x15E0]  }
0x431: {  	[tilespmem:$0x1F5E0] =	vst v0;
	v0 =	vld [tilespmem:s29+$0xD500]  }
0x432: {  	v4 =	vadd.f32 v12, v4;
	v12 =	vld [tilespmem:s29+$0x3D60]  }
0x433: {  	[tilespmem:$0x1F630] =	vst v62;
	v62 =	vld [tilespmem:s29+$0x5D20]  }
0x434: {  	[tilespmem:$0x1F3A0] =	vst v5;
	v5 =	vld [tilespmem:s29+$0x4550]  }
0x435: {  	v63 =	vld [tilespmem:s29+$0x9D90]  }
0x436: {  	[tilespmem:$0x1F5F0] =	vst v0;
	v0 =	vld [tilespmem:s29+$0x6520]  }
0x437: {  	v6 =	vadd.f32 v6, v7;
	[tilespmem:$0x1F1A0] =	vst v12;
	v12 =	vld [tilespmem:s29+$0xA560]  }
0x438: {  	[tilespmem:$0x1F480] =	vst v62;
	v62 =	vld [tilespmem:s29+$0xC520]  }
0x439: {  	v7 =	vadd.f32 v58, v20;
	v58 =	vld [tilespmem:$0x1EC00];
	[tilespmem:$0x1F2C0] =	vst v5;
	v5 =	vadd.f32 v13, v6  }
0x43a: {  	v6 =	vld [tilespmem:s29+$0xAD50]  }
0x43b: {  	v5 =	vadd.f32 v46, v5;
	[tilespmem:$0x1F600] =	vst v0;
	v0 =	vld [tilespmem:s29+$0xCD20]  }
0x43c: {  	[tilespmem:$0x1F1B0] =	vst v12;
	v12 =	vld [tilespmem:$0x1EB30]  }
0x43d: {  	v5 =	vadd.f32 v33, v5;
	[tilespmem:$0x1F490] =	vst v62;
	v62 =	vld [tilespmem:s29+$0x5530]  }
0x43e: {  	v13 =	vld [tilespmem:$0x1EB70]  }
0x43f: {  	v4 =	vadd.f32 v21, v4;
	v21 =	vld [tilespmem:$0x1EBB0];
	v5 =	vadd.f32 v50, v5  }
0x440: {  	[tilespmem:$0x1F610] =	vst v0;
	v0 =	vld [tilespmem:s29+$0x5D30]  }
0x441: {  	v5 =	vadd.f32 v12, v5;
	v12 =	vld [tilespmem:$0x1EB40]  }
0x442: {  	v4 =	vadd.f32 v26, v4;
	[tilespmem:$0x1F3F0] =	vst v62;
	v62 =	vld [tilespmem:s29+$0xBD30]  }
0x443: {  	[tilespmem:$0x1F2D0] =	vst v6;
	v6 =	vadd.f32 v56, v47;
	v5 =	vadd.f32 v13, v5;
	v13 =	vld [tilespmem:$0x1EB80]  }
0x444: {  	v4 =	vadd.f32 v49, v4;
	v56 =	vld [tilespmem:$0x1EBF0]  }
0x445: {  	v6 =	vadd.f32 v23, v6;
	[tilespmem:$0x1F420] =	vst v0;
	v0 =	vld [tilespmem:s29+$0xC530]  }
0x446: {  	v4 =	vadd.f32 v12, v4;
	v12 =	vld [tilespmem:$0x1EB50]  }
0x447: {  	v6 =	vadd.f32 v38, v6;
	[tilespmem:$0x1F400] =	vst v62;
	v62 =	vld [tilespmem:s29+$0x4D40]  }
0x448: {  	v4 =	vadd.f32 v13, v4;
	v13 =	vld [tilespmem:$0x1EB90]  }
0x449: {  	v6 =	vadd.f32 v51, v6;
	v51 =	vld [tilespmem:$0x1EBD0]  }
0x44a: {  	[tilespmem:$0x1F430] =	vst v0;
	v0 =	vld [tilespmem:s29+$0x5540]  }
0x44b: {  	v5 =	vadd.f32 v21, v5;
	v21 =	vld [tilespmem:$0x1EBC0];
	v6 =	vadd.f32 v12, v6  }
0x44c: {  	v7 =	vadd.f32 v22, v7;
	[tilespmem:$0x1F390] =	vst v62;
	v62 =	vld [tilespmem:$0x1EC10]  }
0x44d: {  	v5 =	vadd.f32 v56, v5;
	v56 =	vld [tilespmem:$0x1EC40];
	v6 =	vadd.f32 v13, v6  }
0x44e: {  	v12 =	vld [tilespmem:$0x1EB60]  }
0x44f: {  	v7 =	vadd.f32 v35, v7;
	v6 =	vadd.f32 v51, v6;
	[tilespmem:$0x1F3B0] =	vst v0;
	v0 =	vld [tilespmem:s29+$0xBD40]  }
0x450: {  	v13 =	vld [tilespmem:$0x1EBA0]  }
0x451: {  	v7 =	vadd.f32 v54, v7;
	v6 =	vadd.f32 v62, v6;
	v62 =	vld [tilespmem:$0x1EC50]  }
0x452: {  	v54 =	vld [tilespmem:$0x1EBE0];
	v4 =	vadd.f32 v21, v4  }
0x453: {  	v49 =	vld [tilespmem:$0x1EC20];
	v7 =	vadd.f32 v12, v7  }
0x454: {  	v4 =	vadd.f32 v58, v4;
	[tilespmem:$0x1F3C0] =	vst v0;
	v0 =	vld [tilespmem:s29+$0x4D50]  }
0x455: {  	v51 =	vld [tilespmem:s29+$0x5D00];
	v7 =	vadd.f32 v13, v7  }
0x456: {  	v4 =	vadd.f32 v56, v4;
	v56 =	vadd.f32 v62, v6;
	v6 =	vld [tilespmem:$0x1EC60]  }
0x457: {  	v9 =	vld [tilespmem:s29+$0x75D0];
	v7 =	vadd.f32 v54, v7  }
0x458: {  	v8 =	vld [tilespmem:s29+$0x7DD0]  }
0x459: {  	v7 =	vadd.f32 v49, v7;
	[tilespmem:$0x1F2E0] =	vst v0;
	v0 =	vld [tilespmem:s29+$0xB550]  }
0x45a: {  	v39 =	vld [tilespmem:s29+$0x2DA0]  }
0x45b: {  	[tilespmem:$0x1F700] =	vst v51;
	v51 =	vadd.f32 v6, v7;
	v6 =	vld [tilespmem:s29+$0x5520]  }
0x45c: {  	v54 =	vld [tilespmem:$0x1EC30]  }
0x45d: {  	v7 =	vadd.f32 v8, v9;
	v8 =	vld [tilespmem:s29+$0x4D30]  }
0x45e: {  	[tilespmem:$0x1F2F0] =	vst v0;
	v0 =	vld [tilespmem:s29+$0x4560]  }
0x45f: {  	v37 =	vld [tilespmem:s29+$0x95A0]  }
0x460: {  	[tilespmem:$0x1F440] =	vst v6;
	v6 =	vld [tilespmem:$0x1EC70]  }
0x461: {  	v30 =	vld [tilespmem:s29+$0x25B0]  }
0x462: {  	[tilespmem:$0x1F3D0] =	vst v8;
	v8 =	vld [tilespmem:$0x1EC90]  }
0x463: {  	v5 =	vadd.f32 v54, v5;
	[tilespmem:$0x1F1E0] =	vst v0;
	v0 =	vld [tilespmem:s29+$0xAD60]  }
0x464: {  	v29 =	vld [tilespmem:s29+$0x8DB0]  }
0x465: {  	v15 =	vld [tilespmem:s29+$0x1DC0];
	v5 =	vadd.f32 v6, v5  }
0x466: {  	v14 =	vld [tilespmem:s29+$0x85C0]  }
0x467: {  	v6 =	vld [tilespmem:$0x1EC80];
	v5 =	vadd.f32 v8, v5  }
0x468: {  	[tilespmem:$0x1F1F0] =	vst v0;
	v0 =	vld [tilespmem:s29+$0x3D70]  }
0x469: {  	[tilespmem:$0x1F4A0] =	vst v5;
	v5 =	vld [tilespmem:$0x1ECA0]  }
0x46a: {  	v10 =	vld [tilespmem:s29+$0xDD0]  }
0x46b: {  	v11 =	vld [tilespmem:s29+$0x15D0]  }
0x46c: {  	v3 =	vld [tilespmem:s29+$0xDC0];
	v4 =	vadd.f32 v6, v4  }
0x46d: {  	[tilespmem:$0x1F160] =	vst v0;
	v0 =	vld [tilespmem:s29+$0xA570]  }
0x46e: {  	v6 =	vld [tilespmem:s29+$0xBD20];
	v4 =	vadd.f32 v5, v4  }
0x46f: {  	v2 =	vld [tilespmem:s29+$0x15C0]  }
0x470: {  	[tilespmem:$0x1F4B0] =	vst v4;
	v4 =	vld [tilespmem:s29+$0xB530]  }
0x471: {  	v1 =	vld [tilespmem:s29+$0x75C0]  }
0x472: {  	[tilespmem:$0x1F170] =	vst v0;
	v0 =	vld [tilespmem:s29+$0x7DC0]  }
0x473: {  	v59 =	vld [tilespmem:s29+$0x3580];
	[tilespmem:$0x1F450] =	vst v6;
	v6 =	vadd.f32 v11, v10  }
0x474: {  	v48 =	vld [tilespmem:s29+$0x9D80]  }
0x475: {  	v42 =	vld [tilespmem:s29+$0x2D90];
	[tilespmem:$0x1F3E0] =	vst v4;
	v4 =	vadd.f32 v19, v6  }
0x476: {  	v40 =	vld [tilespmem:s29+$0x9590];
	v2 =	vadd.f32 v2, v3  }
0x477: {  	v0 =	vadd.f32 v0, v1;
	v1 =	vadd.f32 v32, v4;
	v4 =	vld [tilespmem:$0x1ECB0]  }
0x478: {  	v25 =	vld [tilespmem:s29+$0x25A0];
	v2 =	vadd.f32 v15, v2  }
0x479: {  	v24 =	vld [tilespmem:s29+$0x8DA0]  }
0x47a: {  	v17 =	vld [tilespmem:s29+$0x1DB0];
	v2 =	vadd.f32 v28, v2;
	v1 =	vadd.f32 v45, v1  }
0x47b: {  	v5 =	vadd.f32 v18, v7;
	v7 =	vld [tilespmem:$0x1ED10]  }
0x47c: {  	v2 =	vadd.f32 v36, v2;
	v1 =	vadd.f32 v4, v1;
	v4 =	vld [tilespmem:$0x1ECC0]  }
0x47d: {  	v16 =	vld [tilespmem:s29+$0x85B0];
	v3 =	vadd.f32 v31, v5;
	v0 =	vadd.f32 v14, v0  }
0x47e: {  	v2 =	vadd.f32 v53, v2;
	v6 =	vld [tilespmem:s29+$0x4540]  }
0x47f: {  	v20 =	vld [tilespmem:s29+$0x2D80];
	v3 =	vadd.f32 v41, v3;
	v0 =	vadd.f32 v27, v0  }
0x480: {  	v2 =	vadd.f32 v7, v2;
	v7 =	vld [tilespmem:$0x1ED20]  }
0x481: {  	v0 =	vadd.f32 v34, v0;
	v3 =	vadd.f32 v4, v3;
	v4 =	vld [tilespmem:$0x1ECD0]  }
0x482: {  	v22 =	vld [tilespmem:s29+$0x85A0]  }
0x483: {  	[tilespmem:$0x1F360] =	vst v6;
	v6 =	vld [tilespmem:$0x1ECF0];
	v0 =	vadd.f32 v52, v0  }
0x484: {  	v58 =	vld [tilespmem:s29+$0xC500]  }
0x485: {  	v0 =	vadd.f32 v7, v0;
	v7 =	vld [tilespmem:$0x1ED30]  }
0x486: {  	v1 =	vadd.f32 v4, v1;
	v4 =	vld [tilespmem:$0x1ECE0]  }
0x487: {  	v14 =	vld [tilespmem:$0x1ED70]  }
0x488: {  	v1 =	vadd.f32 v6, v1;
	v6 =	vld [tilespmem:$0x1ED00]  }
0x489: {  	v15 =	vld [tilespmem:$0x1EDB0]  }
0x48a: {  	v1 =	vadd.f32 v7, v1;
	v7 =	vld [tilespmem:$0x1ED40]  }
0x48b: {  	v35 =	vld [tilespmem:s29+$0x9580];
	v4 =	vadd.f32 v4, v3  }
0x48c: {  	[tilespmem:$0x1F730] =	vst v58;
	v58 =	vadd.f32 v14, v1;
	v1 =	vld [tilespmem:$0x1ED80]  }
0x48d: {  	v28 =	vld [tilespmem:$0x1EF10];
	v4 =	vadd.f32 v6, v4  }
0x48e: {  	v26 =	vld [tilespmem:s29+$0x8D90]  }
0x48f: {  	v11 =	vld [tilespmem:$0x1ED50];
	v4 =	vadd.f32 v7, v4  }
0x490: {  	v36 =	vld [tilespmem:s29+$0x5500]  }
0x491: {  	v1 =	vadd.f32 v1, v4;
	v4 =	vld [tilespmem:$0x1ED90]  }
0x492: {  	v46 =	vld [tilespmem:s29+$0x9D70]  }
0x493: {  	v33 =	vld [tilespmem:s29+$0x75B0]  }
0x494: {  	v2 =	vadd.f32 v11, v2;
	v11 =	vld [tilespmem:$0x1ED60]  }
0x495: {  	v47 =	vld [tilespmem:s29+$0x3570]  }
0x496: {  	v2 =	vadd.f32 v4, v2;
	v4 =	vld [tilespmem:$0x1EDA0]  }
0x497: {  	v50 =	vld [tilespmem:s29+$0x7DB0]  }
0x498: {  	v2 =	vadd.f32 v15, v2;
	v15 =	vld [tilespmem:$0x1EDC0]  }
0x499: {  	v23 =	vld [tilespmem:s29+$0x2590];
	v0 =	vadd.f32 v11, v0  }
0x49a: {  	v38 =	vld [tilespmem:s29+$0x2D70]  }
0x49b: {  	v21 =	vld [tilespmem:s29+$0x15B0];
	v0 =	vadd.f32 v4, v0  }
0x49c: {  	v13 =	vld [tilespmem:s29+$0xDB0]  }
0x49d: {  	v0 =	vadd.f32 v15, v0;
	v15 =	vld [tilespmem:$0x1EDD0]  }
0x49e: {  	v12 =	vld [tilespmem:s29+$0x1DA0]  }
0x49f: {  	v49 =	vld [tilespmem:s29+$0xAD40]  }
0x4a0: {  	[tilespmem:$0x1F410] =	vst v1;
	v1 =	vld [tilespmem:s29+$0x75A0]  }
0x4a1: {  	v13 =	vadd.f32 v21, v13;
	v4 =	vld [tilespmem:s29+$0x7DA0]  }
0x4a2: {  	v2 =	vadd.f32 v15, v2;
	v15 =	vld [tilespmem:$0x1EDE0]  }
0x4a3: {  	v62 =	vld [tilespmem:s29+$0xA550];
	v13 =	vadd.f32 v17, v13  }
0x4a4: {  	v11 =	vld [tilespmem:s29+$0x15A0]  }
0x4a5: {  	v13 =	vadd.f32 v30, v13;
	v7 =	vld [tilespmem:s29+$0xDA0]  }
0x4a6: {  	v14 =	vadd.f32 v50, v33;
	v4 =	vadd.f32 v4, v1;
	v1 =	vld [tilespmem:$0x1EE30]  }
0x4a7: {  	v13 =	vadd.f32 v44, v13;
	v0 =	vadd.f32 v15, v0;
	v15 =	vld [tilespmem:$0x1EDF0]  }
0x4a8: {  	v21 =	vld [tilespmem:s29+$0x7D90];
	v14 =	vadd.f32 v16, v14  }
0x4a9: {  	v17 =	vld [tilespmem:$0x1EE10];
	v13 =	vadd.f32 v61, v13  }
0x4aa: {  	v30 =	vld [tilespmem:s29+$0x9D50];
	v14 =	vadd.f32 v29, v14  }
0x4ab: {  	v7 =	vadd.f32 v11, v7;
	v11 =	vadd.f32 v1, v13;
	v1 =	vld [tilespmem:$0x1EE40]  }
0x4ac: {  	v14 =	vadd.f32 v43, v14;
	v2 =	vadd.f32 v15, v2;
	v15 =	vld [tilespmem:$0x1EE00]  }
0x4ad: {  	v9 =	vld [tilespmem:s29+$0x3D50]  }
0x4ae: {  	v14 =	vadd.f32 v60, v14;
	v53 =	vadd.f32 v17, v2;
	v2 =	vld [tilespmem:$0x1EE20]  }
0x4af: {  	v8 =	vld [tilespmem:s29+$0x9D60]  }
0x4b0: {  	v18 =	vld [tilespmem:s29+$0xBD00];
	v13 =	vadd.f32 v1, v14  }
0x4b1: {  	v14 =	vadd.f32 v22, v4;
	v4 =	vld [tilespmem:$0x1EE50];
	v15 =	vadd.f32 v15, v0  }
0x4b2: {  	v10 =	vld [tilespmem:s29+$0x8590]  }
0x4b3: {  	v44 =	vadd.f32 v2, v15;
	v15 =	vld [tilespmem:$0x1EE70]  }
0x4b4: {  	v5 =	vld [tilespmem:s29+$0x8D80]  }
0x4b5: {  	v19 =	vld [tilespmem:$0x1EE90]  }
0x4b6: {  	v11 =	vadd.f32 v4, v11;
	v4 =	vld [tilespmem:$0x1EE60]  }
0x4b7: {  	v12 =	vadd.f32 v12, v7;
	v22 =	vld [tilespmem:$0x1EEB0]  }
0x4b8: {  	v11 =	vadd.f32 v15, v11;
	v15 =	vld [tilespmem:$0x1EE80]  }
0x4b9: {  	v12 =	vadd.f32 v25, v12;
	v25 =	vld [tilespmem:$0x1EEF0]  }
0x4ba: {  	v11 =	vadd.f32 v19, v11;
	v19 =	vld [tilespmem:$0x1EEA0]  }
0x4bb: {  	v29 =	vld [tilespmem:$0x1EF30];
	v13 =	vadd.f32 v4, v13  }
0x4bc: {  	v11 =	vadd.f32 v22, v11;
	v22 =	vld [tilespmem:$0x1EEC0]  }
0x4bd: {  	v31 =	vld [tilespmem:s29+$0x4D00];
	v13 =	vadd.f32 v15, v13  }
0x4be: {  	v11 =	vadd.f32 v25, v11;
	v25 =	vld [tilespmem:$0x1EF00]  }
0x4bf: {  	v41 =	vld [tilespmem:s29+$0x3560];
	v13 =	vadd.f32 v19, v13  }
0x4c0: {  	v54 =	vadd.f32 v29, v11;
	v11 =	vld [tilespmem:$0x1EF40]  }
0x4c1: {  	v14 =	vadd.f32 v24, v14;
	v24 =	vld [tilespmem:$0x1EED0];
	v13 =	vadd.f32 v22, v13  }
0x4c2: {  	v61 =	vmov v18;
	v18 =	vld [tilespmem:s29+$0x1590];
	v12 =	vadd.f32 v39, v12  }
0x4c3: {  	v32 =	vld [tilespmem:s29+$0x9570];
	v13 =	vadd.f32 v25, v13  }
0x4c4: {  	v45 =	vld [tilespmem:s29+$0x4D20];
	v12 =	vadd.f32 v57, v12  }
0x4c5: {  	v43 =	vadd.f32 v11, v13;
	v13 =	vld [tilespmem:$0x1EF50]  }
0x4c6: {  	v12 =	vadd.f32 v24, v12;
	v24 =	vld [tilespmem:$0x1EEE0]  }
0x4c7: {  	v27 =	vld [tilespmem:s29+$0x3550];
	v14 =	vadd.f32 v37, v14  }
0x4c8: {  	v12 =	vadd.f32 v28, v12;
	v28 =	vld [tilespmem:$0x1EF20]  }
0x4c9: {  	v14 =	vadd.f32 v55, v14;
	v15 =	vld [tilespmem:s29+$0xD90]  }
0x4ca: {  	v12 =	vadd.f32 v13, v12;
	v13 =	vld [tilespmem:$0x1EF60]  }
0x4cb: {  	v34 =	vld [tilespmem:s29+$0xD60];
	v14 =	vadd.f32 v24, v14  }
0x4cc: {  	v52 =	vld [tilespmem:s29+$0xB500]  }
0x4cd: {  	v3 =	vld [tilespmem:s29+$0x2580];
	v14 =	vadd.f32 v28, v14  }
0x4ce: {  	v50 =	vld [tilespmem:s29+$0xB520]  }
0x4cf: {  	v13 =	vadd.f32 v13, v14;
	v14 =	vadd.f32 v18, v15;
	v18 =	vld [tilespmem:$0x1EF70]  }
0x4d0: {  	v33 =	vld [tilespmem:s29+$0xAD30]  }
0x4d1: {  	v6 =	vld [tilespmem:s29+$0x1D90]  }
0x4d2: {  	v24 =	vld [tilespmem:s29+$0x1580]  }
0x4d3: {  	v22 =	vld [tilespmem:s29+$0xD80]  }
0x4d4: {  	v60 =	vadd.f32 v18, v12;
	v12 =	vld [tilespmem:$0x1EF80]  }
0x4d5: {  	v19 =	vld [tilespmem:s29+$0x7590]  }
0x4d6: {  	v11 =	vld [tilespmem:s29+$0x1D80]  }
0x4d7: {  	v16 =	vld [tilespmem:s29+$0x4530]  }
0x4d8: {  	v28 =	vld [tilespmem:s29+$0x7D80]  }
0x4d9: {  	v25 =	vld [tilespmem:s29+$0x7580];
	v57 =	vadd.f32 v12, v13;
	v12 =	vadd.f32 v24, v22  }
0x4da: {  	v7 =	vld [tilespmem:s29+$0x9560]  }
0x4db: {  	v29 =	vld [tilespmem:s29+$0x8580];
	v15 =	vadd.f32 v21, v19;
	v11 =	vadd.f32 v11, v12  }
0x4dc: {  	v39 =	vld [tilespmem:s29+$0x8550];
	v6 =	vadd.f32 v6, v14  }
0x4dd: {  	v10 =	vadd.f32 v10, v15;
	v11 =	vadd.f32 v3, v11;
	v3 =	vld [tilespmem:$0x1EF90]  }
0x4de: {  	v1 =	vld [tilespmem:s29+$0x2D60];
	v15 =	vadd.f32 v23, v6;
	v13 =	vadd.f32 v28, v25  }
0x4df: {  	v17 =	vld [tilespmem:s29+$0x8D70]  }
0x4e0: {  	v55 =	vld [tilespmem:$0x1F0B0];
	v12 =	vadd.f32 v29, v13;
	v13 =	vadd.f32 v42, v15  }
0x4e1: {  	v0 =	vld [tilespmem:s29+$0x3D40]  }
0x4e2: {  	v5 =	vadd.f32 v5, v12;
	v12 =	vadd.f32 v3, v13;
	v13 =	vld [tilespmem:$0x1EFA0]  }
0x4e3: {  	v2 =	vld [tilespmem:s29+$0xA540]  }
0x4e4: {  	v4 =	vld [tilespmem:s29+$0x2570]  }
0x4e5: {  	v19 =	vld [tilespmem:s29+$0xAD20]  }
0x4e6: {  	v21 =	vld [tilespmem:s29+$0x1D70];
	v10 =	vadd.f32 v26, v10  }
0x4e7: {  	v12 =	vadd.f32 v13, v12;
	v13 =	vld [tilespmem:$0x1EFB0]  }
0x4e8: {  	v14 =	vld [tilespmem:s29+$0x4520];
	v10 =	vadd.f32 v40, v10  }
0x4e9: {  	v6 =	vld [tilespmem:s29+$0x3D30]  }
0x4ea: {  	v23 =	vld [tilespmem:s29+$0xA530];
	v10 =	vadd.f32 v63, v10  }
0x4eb: {  	v26 =	vld [tilespmem:$0x1F040]  }
0x4ec: {  	v10 =	vadd.f32 v13, v10;
	v13 =	vld [tilespmem:$0x1EFC0]  }
0x4ed: {  	v18 =	vld [tilespmem:s29+$0x9550]  }
0x4ee: {  	v40 =	vld [tilespmem:$0x1F080]  }
0x4ef: {  	v63 =	vld [tilespmem:$0x1F0C0]  }
0x4f0: {  	v22 =	vld [tilespmem:s29+$0x3540]  }
0x4f1: {  	v12 =	vadd.f32 v13, v12;
	v13 =	vld [tilespmem:$0x1EFD0]  }
0x4f2: {  	v25 =	vld [tilespmem:s29+$0x9D40]  }
0x4f3: {  	v28 =	vld [tilespmem:s29+$0x8D60]  }
0x4f4: {  	v24 =	vld [tilespmem:s29+$0x8570]  }
0x4f5: {  	v15 =	vld [tilespmem:$0x1F020]  }
0x4f6: {  	v10 =	vadd.f32 v13, v10;
	v13 =	vld [tilespmem:$0x1EFE0]  }
0x4f7: {  	v29 =	vld [tilespmem:$0x1F060];
	v11 =	vadd.f32 v20, v11  }
0x4f8: {  	v42 =	vld [tilespmem:$0x1F090]  }
0x4f9: {  	v20 =	vld [tilespmem:s29+$0x2560];
	v11 =	vadd.f32 v59, v11  }
0x4fa: {  	v5 =	vadd.f32 v35, v5;
	v35 =	vld [tilespmem:s29+$0x1560]  }
0x4fb: {  	v11 =	vadd.f32 v13, v11;
	v13 =	vld [tilespmem:$0x1EFF0]  }
0x4fc: {  	v5 =	vadd.f32 v48, v5;
	v48 =	vld [tilespmem:$0x1F0A0]  }
0x4fd: {  	v11 =	vadd.f32 v15, v11;
	v15 =	vld [tilespmem:$0x1F030]  }
0x4fe: {  	v59 =	vmov v36;
	v36 =	vld [tilespmem:s29+$0x7560]  }
0x4ff: {  	v11 =	vadd.f32 v29, v11;
	v29 =	vld [tilespmem:$0x1F070]  }
0x500: {  	v5 =	vadd.f32 v13, v5;
	v13 =	vld [tilespmem:$0x1F000]  }
0x501: {  	v3 =	vld [tilespmem:s29+$0x2D50]  }
0x502: {  	v11 =	vadd.f32 v48, v11;
	v48 =	vld [tilespmem:$0x1F0F0];
	v5 =	vadd.f32 v15, v5  }
0x503: {  	v15 =	vld [tilespmem:s29+$0x1570]  }
0x504: {  	v5 =	vadd.f32 v29, v5;
	v29 =	vld [tilespmem:s29+$0x7D70]  }
0x505: {  	v12 =	vadd.f32 v13, v12;
	v13 =	vld [tilespmem:$0x1F010]  }
0x506: {  	v5 =	vadd.f32 v55, v5;
	v55 =	vld [tilespmem:s29+$0x7D60]  }
0x507: {  	v12 =	vadd.f32 v26, v12;
	v26 =	vld [tilespmem:$0x1F050]  }
0x508: {  	v37 =	vadd.f32 v48, v5;
	v5 =	vld [tilespmem:$0x1F100]  }
0x509: {  	v12 =	vadd.f32 v40, v12;
	v40 =	vld [tilespmem:$0x1F0D0]  }
0x50a: {  	v10 =	vadd.f32 v13, v10;
	v13 =	vld [tilespmem:s29+$0xD70]  }
0x50b: {  	v12 =	vadd.f32 v63, v12;
	v63 =	vld [tilespmem:s29+$0x8560]  }
0x50c: {  	v55 =	vadd.f32 v55, v36;
	v36 =	vld [tilespmem:s29+$0x7D50]  }
0x50d: {  	v10 =	vadd.f32 v26, v10;
	v26 =	vld [tilespmem:s29+$0x7570]  }
0x50e: {  	v5 =	vadd.f32 v5, v12;
	v12 =	vld [tilespmem:$0x1F110]  }
0x50f: {  	v10 =	vadd.f32 v42, v10;
	v42 =	vld [tilespmem:$0x1F0E0]  }
0x510: {  	v48 =	vadd.f32 v15, v13;
	v13 =	vld [tilespmem:s29+$0x4500]  }
0x511: {  	v15 =	vld [tilespmem:$0x1F140]  }
0x512: {  	v10 =	vadd.f32 v40, v10;
	v40 =	vld [tilespmem:s29+$0x1D60]  }
0x513: {  	v34 =	vadd.f32 v35, v34;
	v35 =	vadd.f32 v63, v55;
	v63 =	vld [tilespmem:$0x1F180]  }
0x514: {  	v26 =	vadd.f32 v29, v26;
	v29 =	vadd.f32 v21, v48;
	v21 =	vld [tilespmem:s29+$0x3D20]  }
0x515: {  	v48 =	vld [tilespmem:$0x1F1E0]  }
0x516: {  	v10 =	vadd.f32 v12, v10;
	v12 =	vld [tilespmem:$0x1F120]  }
0x517: {  	v28 =	vadd.f32 v28, v35;
	v35 =	vld [tilespmem:s29+$0x2550]  }
0x518: {  	v26 =	vadd.f32 v24, v26;
	v24 =	vld [tilespmem:s29+$0xA520]  }
0x519: {  	v11 =	vadd.f32 v42, v11;
	v42 =	vld [tilespmem:$0x1F1B0]  }
0x51a: {  	v7 =	vadd.f32 v7, v28;
	v28 =	vld [tilespmem:$0x1F160]  }
0x51b: {  	v4 =	vadd.f32 v4, v29;
	v29 =	vadd.f32 v17, v26;
	v26 =	vld [tilespmem:s29+$0x3530]  }
0x51c: {  	v17 =	vld [tilespmem:s29+$0x9D30]  }
0x51d: {  	v34 =	vadd.f32 v40, v34;
	v40 =	vld [tilespmem:$0x1F190]  }
0x51e: {  	v4 =	vadd.f32 v38, v4;
	v38 =	vld [tilespmem:s29+$0x3D00]  }
0x51f: {  	v7 =	vadd.f32 v8, v7;
	v8 =	vld [tilespmem:s29+$0x7550]  }
0x520: {  	v11 =	vadd.f32 v12, v11;
	v12 =	vld [tilespmem:$0x1F130];
	v20 =	vadd.f32 v20, v34  }
0x521: {  	v29 =	vadd.f32 v32, v29;
	v32 =	vld [tilespmem:s29+$0x2D40]  }
0x522: {  	v34 =	vld [tilespmem:s29+$0x9540];
	v1 =	vadd.f32 v1, v20  }
0x523: {  	v4 =	vadd.f32 v47, v4;
	v47 =	vld [tilespmem:$0x1F1D0]  }
0x524: {  	v1 =	vadd.f32 v41, v1;
	v41 =	vld [tilespmem:$0x1F1A0]  }
0x525: {  	v7 =	vadd.f32 v42, v7;
	v42 =	vld [tilespmem:$0x1F2F0]  }
0x526: {  	v11 =	vadd.f32 v15, v11;
	v15 =	vld [tilespmem:$0x1F150]  }
0x527: {  	v20 =	vld [tilespmem:s29+$0xD50]  }
0x528: {  	v4 =	vadd.f32 v28, v4;
	v28 =	vld [tilespmem:$0x1F170]  }
0x529: {  	v29 =	vadd.f32 v46, v29;
	v46 =	vld [tilespmem:$0x1F1C0];
	v1 =	vadd.f32 v41, v1  }
0x52a: {  	v4 =	vadd.f32 v63, v4;
	v63 =	vld [tilespmem:s29+$0x8D50]  }
0x52b: {  	v8 =	vadd.f32 v36, v8;
	v55 =	vadd.f32 v48, v1;
	v1 =	vld [tilespmem:$0x1F1F0]  }
0x52c: {  	v12 =	vadd.f32 v12, v37;
	v37 =	vld [tilespmem:s29+$0x1D50]  }
0x52d: {  	v8 =	vadd.f32 v39, v8;
	v39 =	vld [tilespmem:s29+$0x7D40]  }
0x52e: {  	v12 =	vadd.f32 v15, v12;
	v15 =	vld [tilespmem:s29+$0xAD00]  }
0x52f: {  	v28 =	vadd.f32 v28, v29;
	v29 =	vld [tilespmem:s29+$0x1550]  }
0x530: {  	v7 =	vadd.f32 v1, v7;
	v1 =	vld [tilespmem:$0x1F200]  }
0x531: {  	v4 =	vadd.f32 v46, v4;
	v46 =	vld [tilespmem:$0x1F240];
	v28 =	vadd.f32 v40, v28  }
0x532: {  	v8 =	vadd.f32 v63, v8;
	v63 =	vld [tilespmem:s29+$0x1D40]  }
0x533: {  	v28 =	vadd.f32 v47, v28;
	v47 =	vld [tilespmem:$0x1F250]  }
0x534: {  	v48 =	vld [tilespmem:$0x1F260]  }
0x535: {  	v8 =	vadd.f32 v18, v8;
	v1 =	vadd.f32 v1, v4;
	v4 =	vld [tilespmem:$0x1F210]  }
0x536: {  	v18 =	vld [tilespmem:$0x1F2B0];
	v20 =	vadd.f32 v29, v20  }
0x537: {  	v29 =	vld [tilespmem:s29+$0xD40];
	v8 =	vadd.f32 v30, v8  }
0x538: {  	v20 =	vadd.f32 v37, v20;
	v37 =	vld [tilespmem:s29+$0x7540]  }
0x539: {  	v8 =	vadd.f32 v62, v8;
	v62 =	vld [tilespmem:$0x1F2C0]  }
0x53a: {  	v20 =	vadd.f32 v35, v20;
	v4 =	vadd.f32 v4, v28;
	v28 =	vld [tilespmem:$0x1F220]  }
0x53b: {  	v35 =	vld [tilespmem:s29+$0x8D30]  }
0x53c: {  	v3 =	vadd.f32 v3, v20;
	v20 =	vld [tilespmem:s29+$0x2540]  }
0x53d: {  	v30 =	vadd.f32 v39, v37;
	v37 =	vld [tilespmem:s29+$0x9530]  }
0x53e: {  	v39 =	vld [tilespmem:s29+$0x1D30]  }
0x53f: {  	v3 =	vadd.f32 v27, v3;
	v40 =	vadd.f32 v28, v55;
	v28 =	vld [tilespmem:$0x1F230]  }
0x540: {  	v27 =	vld [tilespmem:s29+$0x2D30]  }
0x541: {  	v3 =	vadd.f32 v9, v3;
	v9 =	vld [tilespmem:s29+$0x2530]  }
0x542: {  	v55 =	vld [tilespmem:$0x1F270]  }
0x543: {  	v36 =	vadd.f32 v46, v40;
	v40 =	vld [tilespmem:s29+$0x1540]  }
0x544: {  	v46 =	vld [tilespmem:$0x1F280];
	v7 =	vadd.f32 v28, v7  }
0x545: {  	v36 =	vadd.f32 v48, v36;
	v48 =	vld [tilespmem:s29+$0x8540]  }
0x546: {  	v7 =	vadd.f32 v47, v7;
	v47 =	vld [tilespmem:$0x1F290]  }
0x547: {  	v3 =	vadd.f32 v62, v3;
	v62 =	vld [tilespmem:$0x1F3A0]  }
0x548: {  	v29 =	vadd.f32 v40, v29;
	v7 =	vadd.f32 v55, v7;
	v55 =	vld [tilespmem:s29+$0x8D40]  }
0x549: {  	v36 =	vadd.f32 v46, v36;
	v46 =	vld [tilespmem:$0x1F300]  }
0x54a: {  	v29 =	vadd.f32 v63, v29;
	v63 =	vld [tilespmem:$0x1F2D0]  }
0x54b: {  	v30 =	vadd.f32 v48, v30;
	v48 =	vld [tilespmem:$0x1F360];
	v41 =	vadd.f32 v47, v7  }
0x54c: {  	v20 =	vadd.f32 v20, v29;
	v7 =	vld [tilespmem:$0x1F2A0]  }
0x54d: {  	v18 =	vadd.f32 v18, v41;
	v29 =	vadd.f32 v55, v30;
	v41 =	vld [tilespmem:$0x1F2E0]  }
0x54e: {  	v47 =	vld [tilespmem:$0x1F310]  }
0x54f: {  	v20 =	vadd.f32 v32, v20;
	v32 =	vld [tilespmem:s29+$0x1530];
	v29 =	vadd.f32 v34, v29  }
0x550: {  	v30 =	vld [tilespmem:s29+$0x8530]  }
0x551: {  	v20 =	vadd.f32 v22, v20;
	v22 =	vadd.f32 v25, v29;
	v29 =	vld [tilespmem:$0x1F320]  }
0x552: {  	v55 =	vld [tilespmem:s29+$0x1D20];
	v3 =	vadd.f32 v41, v3  }
0x553: {  	v0 =	vadd.f32 v0, v20;
	v2 =	vadd.f32 v2, v22;
	v22 =	vld [tilespmem:$0x1F340]  }
0x554: {  	v34 =	vld [tilespmem:s29+$0x7530];
	v3 =	vadd.f32 v46, v3  }
0x555: {  	v8 =	vadd.f32 v63, v8;
	v40 =	vadd.f32 v48, v0;
	v0 =	vld [tilespmem:$0x1F370]  }
0x556: {  	v3 =	vadd.f32 v29, v3;
	v29 =	vld [tilespmem:$0x1F330]  }
0x557: {  	v8 =	vadd.f32 v42, v8;
	v7 =	vadd.f32 v7, v36;
	v36 =	vld [tilespmem:s29+$0xD30]  }
0x558: {  	v3 =	vadd.f32 v22, v3;
	v22 =	vld [tilespmem:$0x1F350]  }
0x559: {  	v8 =	vadd.f32 v47, v8;
	v25 =	vld [tilespmem:s29+$0x7D30]  }
0x55a: {  	v0 =	vadd.f32 v0, v3;
	v3 =	vld [tilespmem:$0x1F380]  }
0x55b: {  	v20 =	vld [tilespmem:s29+$0x1520];
	v8 =	vadd.f32 v29, v8  }
0x55c: {  	v41 =	vld [tilespmem:s29+$0x7D20]  }
0x55d: {  	v29 =	vld [tilespmem:s29+$0xD20];
	v8 =	vadd.f32 v22, v8  }
0x55e: {  	v32 =	vadd.f32 v32, v36;
	v22 =	vld [tilespmem:s29+$0x7520]  }
0x55f: {  	v25 =	vadd.f32 v25, v34;
	v8 =	vadd.f32 v3, v8;
	v3 =	vld [tilespmem:$0x1F390]  }
0x560: {  	v63 =	vld [tilespmem:s29+$0x8520];
	v32 =	vadd.f32 v39, v32  }
0x561: {  	v48 =	vld [tilespmem:s29+$0x2520];
	v2 =	vadd.f32 v49, v2;
	v25 =	vadd.f32 v30, v25  }
0x562: {  	v49 =	vld [tilespmem:s29+$0x8D20];
	v9 =	vadd.f32 v9, v32;
	v20 =	vadd.f32 v20, v29  }
0x563: {  	v30 =	vld [tilespmem:s29+$0x9520];
	v25 =	vadd.f32 v35, v25;
	v22 =	vadd.f32 v41, v22  }
0x564: {  	v29 =	vld [tilespmem:s29+$0x2D20];
	v55 =	vadd.f32 v55, v20;
	v3 =	vadd.f32 v3, v40  }
0x565: {  	v40 =	vadd.f32 v62, v2;
	v22 =	vadd.f32 v63, v22;
	v62 =	vld [tilespmem:s29+$0x3520]  }
0x566: {  	v9 =	vadd.f32 v27, v9;
	v25 =	vadd.f32 v37, v25;
	v63 =	vld [tilespmem:s29+$0x9D20]  }
0x567: {  	v28 =	vld [tilespmem:s29+$0xA500];
	v27 =	vadd.f32 v48, v55;
	v42 =	vadd.f32 v49, v22  }
0x568: {  	v46 =	vadd.f32 v26, v9;
	v9 =	vld [tilespmem:s29+$0x2D00];
	v17 =	vadd.f32 v17, v25  }
0x569: {  	v26 =	vld [tilespmem:s29+$0x9500];
	v25 =	vadd.f32 v29, v27;
	v27 =	vadd.f32 v30, v42  }
0x56a: {  	v17 =	vadd.f32 v23, v17;
	v23 =	vld [tilespmem:s29+$0x8D00]  }
0x56b: {  	v20 =	vld [tilespmem:s29+$0x3500];
	v25 =	vadd.f32 v62, v25;
	v27 =	vadd.f32 v63, v27  }
0x56c: {  	v2 =	vld [tilespmem:$0x1F3B0]  }
0x56d: {  	v25 =	vadd.f32 v21, v25;
	v21 =	vld [tilespmem:$0x1F3D0];
	v24 =	vadd.f32 v24, v27  }
0x56e: {  	v55 =	vld [tilespmem:$0x1F470];
	v29 =	vadd.f32 v6, v46  }
0x56f: {  	v14 =	vadd.f32 v14, v25;
	v25 =	vld [tilespmem:$0x1F3F0];
	v19 =	vadd.f32 v19, v24  }
0x570: {  	v22 =	vld [tilespmem:s29+$0x9D00];
	v29 =	vadd.f32 v16, v29  }
0x571: {  	v47 =	vadd.f32 v50, v19;
	v19 =	vld [tilespmem:$0x1F420]  }
0x572: {  	v6 =	vld [tilespmem:s29+$0x2500];
	v27 =	vadd.f32 v21, v29  }
0x573: {  	v16 =	vld [tilespmem:s29+$0x1D00]  }
0x574: {  	v30 =	vadd.f32 v33, v17;
	v17 =	vld [tilespmem:s29+$0x8500];
	v27 =	vadd.f32 v25, v27  }
0x575: {  	v2 =	vadd.f32 v2, v3;
	v3 =	vld [tilespmem:$0x1F3C0]  }
0x576: {  	v48 =	vadd.f32 v19, v27;
	v27 =	vld [tilespmem:$0x1F440]  }
0x577: {  	v62 =	vld [tilespmem:$0x1F480]  }
0x578: {  	v63 =	vld [tilespmem:$0x1F4B0]  }
0x579: {  	v24 =	vld [tilespmem:s29+$0xD00];
	v14 =	vadd.f32 v45, v14  }
0x57a: {  	v21 =	vld [tilespmem:$0x1F3E0]  }
0x57b: {  	v14 =	vadd.f32 v27, v14;
	v27 =	vld [tilespmem:$0x1F450]  }
0x57c: {  	v25 =	vld [tilespmem:$0x1F400]  }
0x57d: {  	v34 =	vadd.f32 v62, v14;
	v14 =	vld [tilespmem:$0x1F490]  }
0x57e: {  	v45 =	vld [tilespmem:$0x1F410]  }
0x57f: {  	v19 =	vld [tilespmem:$0x1F430]  }
0x580: {  	v50 =	vld [tilespmem:$0x1F460];
	v29 =	vadd.f32 v21, v30;
	v49 =	vadd.f32 v27, v47  }
0x581: {  	v21 =	vld [tilespmem:s29+$0x1500]  }
0x582: {  	p0 =	sne.s32 s30, $0x7;
	v30 =	vadd.f32 v25, v29;
	v35 =	vadd.f32 v14, v49;
	v14 =	vld [tilespmem:$0x1F4A0]  }
.Ltmp1:
0x583: {  	v25 =	vld [tilespmem:s29+$0x7500];
	(pc) =	sbr.rel @p0 .LBB2_5-.Ltmp1, $4  }
0x584: {  	v29 =	vld [tilespmem:s29+$0x7D00];
	v30 =	vadd.f32 v19, v30  }
0x585: {  	v19 =	vld [tilespmem:s29+$0xD10]  }
0x586: {  	v33 =	vadd.f32 v55, v30;
	v30 =	vld [tilespmem:s29+$0x7510]  }
0x587: {  	s28 =	smov.u32 s30;
	s30 =	sadd.s32 $0x1, s30;
	v3 =	vadd.f32 v3, v40;
	v32 =	vadd.f32 v50, v48;
	v27 =	vld [tilespmem:s29+$0x1510];
	v14 =	vmul.f32 v63, v14  }
0x588: {  	v36 =	vld [tilespmem:$0x1F570]  }
0x589: {  	v50 =	vld [tilespmem:$0x1F580]  }
0x58a: {  	v55 =	vld [tilespmem:s29+$0x7D10]  }
0x58b: {  	v37 =	vld [tilespmem:$0x1F600]  }
0x58c: {  	v62 =	vld [tilespmem:$0x1F610]  }
0x58d: {  	v63 =	vld [tilespmem:s29+$0x1D10]  }
0x58e: {  	v40 =	vld [tilespmem:s29+$0x8510]  }
0x58f: {  	v41 =	vld [tilespmem:$0x1F5A0]  }
0x590: {  	v42 =	vld [tilespmem:$0x1F5B0]  }
0x591: {  	v46 =	vld [tilespmem:s29+$0x2510]  }
0x592: {  	v47 =	vld [tilespmem:s29+$0x8D10]  }
0x593: {  	v49 =	vld [tilespmem:s29+$0x2D10]  }
0x594: {  	v21 =	vadd.f32 v21, v24;
	v53 =	vmul.f32 v44, v53;
	v24 =	vld [tilespmem:$0x1F620]  }
0x595: {  	v39 =	vadd.f32 v29, v25;
	(xrf2) =	vadd.scan.msk.f32 $0xffff, v14;
	v25 =	vld [tilespmem:$0x1F630]  }
0x596: {  	(xrf2) =	vadd.scan.msk.f32 $0xffff, v53;
	v53 =	vld [tilespmem:$0x1F560]  }
0x597: {  	v17 =	vadd.f32 v17, v39;
	v39 =	vld [tilespmem:s29+$0x4510]  }
0x598: {  	v48 =	vadd.f32 v55, v30;
	v55 =	vld [tilespmem:s29+$0x9510]  }
0x599: {  	v30 =	vld [tilespmem:s29+$0x9D10]  }
0x59a: {  	v32 =	vadd.f32 v36, v32;
	v36 =	vld [tilespmem:s29+$0x3D10]  }
0x59b: {  	v19 =	vadd.f32 v27, v19;
	v34 =	vadd.f32 v37, v34;
	v37 =	vld [tilespmem:s29+$0xA510]  }
0x59c: {  	v33 =	vadd.f32 v50, v33;
	v50 =	vadd.f32 v23, v17;
	v23 =	vld [tilespmem:s29+$0x6DD0]  }
0x59d: {  	v16 =	vadd.f32 v16, v21;
	v19 =	vadd.f32 v63, v19;
	v63 =	vld [tilespmem:s29+$0x3510]  }
0x59e: {  	v35 =	vadd.f32 v62, v35;
	v62 =	vadd.f32 v40, v48;
	v40 =	vld [tilespmem:s29+$0xAD10]  }
0x59f: {  	v29 =	vadd.f32 v41, v34;
	v41 =	vld [tilespmem:s29+$0x4D10]  }
0x5a0: {  	v6 =	vadd.f32 v6, v16;
	v34 =	vadd.f32 v42, v35;
	v42 =	vld [tilespmem:s29+$0xB510]  }
0x5a1: {  	v48 =	vld [tilespmem:s29+$0xBD10]  }
0x5a2: {  	v6 =	vadd.f32 v9, v6;
	v26 =	vadd.f32 v26, v50;
	v50 =	vld [tilespmem:s29+$0xC510]  }
0x5a3: {  	v35 =	vld [tilespmem:$0x1F5F0]  }
0x5a4: {  	v6 =	vadd.f32 v20, v6;
	v20 =	vld [tilespmem:$0x1F530]  }
0x5a5: {  	v21 =	vadd.f32 v47, v62;
	v47 =	vld [tilespmem:s29+$0x5510]  }
0x5a6: {  	v9 =	vadd.f32 v22, v26;
	v26 =	vld [tilespmem:s29+$0xD510]  }
0x5a7: {  	v62 =	vmul.f32 v43, v54;
	v43 =	vld [tilespmem:s29+$0xCD70]  }
0x5a8: {  	v19 =	vadd.f32 v46, v19;
	v54 =	vld [tilespmem:s29+$0xCDA0]  }
0x5a9: {  	v44 =	vmul.f32 v34, v29;
	v29 =	vld [tilespmem:$0x1F500]  }
0x5aa: {  	v19 =	vadd.f32 v49, v19;
	v49 =	vld [tilespmem:s29+$0x5D10]  }
0x5ab: {  	v17 =	vadd.f32 v55, v21;
	v55 =	vld [tilespmem:$0x1F700]  }
0x5ac: {  	v6 =	vadd.f32 v38, v6;
	v9 =	vadd.f32 v28, v9;
	v28 =	vld [tilespmem:s29+$0xCD40]  }
0x5ad: {  	(xrf2) =	vadd.scan.msk.f32 $0xffff, v62;
	v62 =	vld [tilespmem:$0x1F520]  }
0x5ae: {  	v21 =	vld [tilespmem:s29+$0xCDD0];
	v19 =	vadd.f32 v63, v19;
	v6 =	vadd.f32 v13, v6  }
0x5af: {  	v63 =	vld [tilespmem:s29+$0x6D10];
	v16 =	vadd.f32 v30, v17;
	v9 =	vadd.f32 v15, v9  }
0x5b0: {  	v46 =	vadd.f32 v36, v19;
	v6 =	vadd.f32 v31, v6;
	v31 =	vld [tilespmem:$0x1F5E0]  }
0x5b1: {  	v36 =	vld [tilespmem:s29+$0x6D40];
	v16 =	vadd.f32 v37, v16  }
0x5b2: {  	v9 =	vadd.f32 v52, v9;
	v52 =	vld [tilespmem:s29+$0x6510];
	v15 =	vadd.f32 v39, v46  }
0x5b3: {  	v6 =	vadd.f32 v59, v6;
	v59 =	vld [tilespmem:$0x1F730];
	v16 =	vadd.f32 v40, v16  }
0x5b4: {  	v39 =	vld [tilespmem:s29+$0xD540];
	v9 =	vadd.f32 v61, v9;
	v15 =	vadd.f32 v41, v15  }
0x5b5: {  	v61 =	vld [tilespmem:s29+$0xCD10];
	v6 =	vadd.f32 v55, v6;
	v13 =	vadd.f32 v42, v16  }
0x5b6: {  	v4 =	vadd.f32 v53, v4;
	v41 =	vld [tilespmem:$0x1F5C0];
	v15 =	vadd.f32 v47, v15  }
0x5b7: {  	v5 =	vmul.f32 v10, v5;
	v42 =	vld [tilespmem:$0x1F5D0];
	v6 =	vadd.f32 v24, v6;
	v13 =	vadd.f32 v48, v13  }
0x5b8: {  	v11 =	vmul.f32 v12, v11;
	v46 =	vld [tilespmem:s29+$0x6D70];
	v9 =	vadd.f32 v59, v9;
	v27 =	vadd.f32 v49, v15  }
0x5b9: {  	v0 =	vmul.f32 v8, v0;
	v48 =	vld [tilespmem:$0x1F590];
	v6 =	vadd.f32 v31, v6;
	v13 =	vadd.f32 v50, v13  }
0x5ba: {  	(xrf2) =	vadd.scan.msk.f32 $0xffff, v5;
	v30 =	vmul.f32 v18, v7;
	v9 =	vadd.f32 v25, v9;
	v37 =	vadd.f32 v52, v27;
	v52 =	vld [tilespmem:$0x1F550]  }
0x5bb: {  	(xrf2) =	vadd.scan.msk.f32 $0xffff, v11;
	v40 =	vmul.f32 v33, v32;
	v33 =	vld [tilespmem:$0x1F4E0];
	v2 =	vadd.f32 v41, v2;
	v38 =	vadd.f32 v61, v13  }
0x5bc: {  	(xrf2) =	vadd.scan.msk.f32 $0xffff, v30;
	v59 =	vld [tilespmem:$0x1F540];
	v3 =	vadd.f32 v42, v3;
	v7 =	vadd.f32 v35, v9  }
0x5bd: {  	(xrf2) =	vadd.scan.msk.f32 $0xffff, v0;
	v55 =	vld [tilespmem:s29+$0x6DA0];
	v8 =	vadd.f32 v63, v37;
	v10 =	vadd.f32 v26, v38  }
0x5be: {  	(xrf2) =	vadd.scan.msk.f32 $0xffff, v40;
	v49 =	vld [tilespmem:s29+$0xD570];
	v2 =	vadd.f32 v48, v2;
	v3 =	vadd.f32 v28, v3;
	v47 =	vmul.f32 v7, v6  }
0x5bf: {  	v4 =	vadd.f32 v43, v4;
	(xrf2) =	vadd.scan.msk.f32 $0xffff, v44;
	v24 =	vld [tilespmem:$0x1F510];
	v50 =	vmul.f32 v10, v8;
	v1 =	vadd.f32 v52, v1  }
0x5c0: {  	v27 =	vld [tilespmem:$0x1F4F0];
	v2 =	vadd.f32 v36, v2;
	v3 =	vadd.f32 v39, v3;
	(xrf2) =	vadd.scan.msk.f32 $0xffff, v47  }
0x5c1: {  	v14 =	vadd.f32 v29, v45;
	v61 =	vld [tilespmem:s29+$0xD5A0];
	v8, _, _ =	vpop (xrf2);
	v1 =	vadd.f32 v59, v1;
	(xrf2) =	vadd.scan.msk.f32 $0xffff, v50  }
0x5c2: {  	v26 =	vld [tilespmem:s29+$0xD5D0];
	v10 =	vadd.f32 v20, v57;
	v2 =	vmul.f32 v3, v2;
	v3 =	vadd.f32 v62, v60;
	v63, _, _ =	vpop (xrf2)  }
0x5c3: {  	v4 =	vadd.f32 v49, v4;
	v38 =	vld [tilespmem:$0x1F4D0];
	v22, _, _ =	vpop (xrf2);
	v1 =	vadd.f32 v46, v1  }
0x5c4: {  	v36 =	vld [tilespmem:$0x1F4C0];
	v7 =	vadd.f32 v54, v10;
	v3 =	vadd.f32 v24, v3;
	(xrf2) =	vadd.scan.msk.f32 $0xffff, v2;
	v25, _, _ =	vpop (xrf2)  }
0x5c5: {  	v30 =	vld [tilespmem:s29+$0x65F0];
	v12 =	vadd.f32 v21, v14;
	v28, _, _ =	vpop (xrf2);
	v1 =	vmul.f32 v4, v1;
	v4 =	vadd.f32 v27, v58  }
0x5c6: {  	v32 =	vld [tilespmem:s29+$0xCDF0];
	v0 =	vadd.f32 v61, v7;
	v3 =	vadd.f32 v55, v3;
	v31, _, _ =	vpop (xrf2)  }
0x5c7: {  	v35 =	vld [tilespmem:s29+$0x6DF0];
	v34, _, _ =	vpop (xrf2);
	v4 =	vadd.f32 v33, v4;
	(xrf2) =	vadd.scan.msk.f32 $0xffff, v1  }
0x5c8: {  	v39 =	vld [tilespmem:s29+$0xD5F0];
	v17 =	vadd.f32 v38, v51;
	v2 =	vadd.f32 v26, v12;
	v0 =	vmul.f32 v0, v3;
	v37, _, _ =	vpop (xrf2)  }
0x5c9: {  	v3 =	vadd.f32 v36, v56;
	v40, _, _ =	vpop (xrf2);
	v4 =	vadd.f32 v23, v4  }
0x5ca: {  	(xrf2) =	vadd.scan.msk.f32 $0xffff, v0;
	v41, _, _ =	vpop (xrf2)  }
0x5cb: {  	v42 =	vadd.f32 v32, v17;
	v3 =	vadd.f32 v30, v3;
	v2 =	vmul.f32 v2, v4;
	v43, _, _ =	vpop (xrf2)  }
0x5cc: {  	v0 =	vbroadcast v41, $0xF;
	v7 =	vbroadcast v43, $0xF  }
0x5cd: {  	v44 =	vadd.f32 v39, v42;
	v45 =	vbroadcast v40, $0xF;
	v1 =	vadd.f32 v35, v3;
	(xrf2) =	vadd.scan.msk.f32 $0xffff, v2  }
0x5ce: {  	v46 =	vbroadcast v37, $0xF;
	v47, _, _ =	vpop (xrf2);
	v0 =	vsel vm0, v0, v7  }
0x5cf: {  	v1 =	vmul.f32 v44, v1;
	v48 =	vbroadcast v47, $0xF;
	v0 =	vsel vm1, v0, v45  }
0x5d0: {  	v49 =	vbroadcast v34, $0xF;
	v0 =	vsel vm2, v0, v46  }
0x5d1: {  	v50 =	vbroadcast v31, $0xF;
	(xrf2) =	vadd.scan.msk.f32 $0xffff, v1;
	v0 =	vsel vm3, v0, v48;
	v51, _, _ =	vpop (xrf2)  }
0x5d2: {  	v0 =	vsel vm4, v0, v49;
	v1 =	vbroadcast v51, $0xF  }
0x5d3: {  	v52 =	vbroadcast v28, $0xF;
	v0 =	vsel vm5, v0, v50  }
0x5d4: {  	v53 =	vbroadcast v25, $0xF;
	v54, _, _ =	vpop (xrf2);
	v0 =	vsel vm6, v0, v1  }
0x5d5: {  	v55 =	vbroadcast v54, $0xF;
	v0 =	vsel vm7, v0, v52  }
0x5d6: {  	v56 =	vbroadcast v22, $0xF;
	v0 =	vsel vm8, v0, v53  }
0x5d7: {  	v57 =	vbroadcast v63, $0xF;
	v0 =	vsel vm9, v0, v55;
	v58, _, _ =	vpop (xrf2)  }
0x5d8: {  	v62 =	vld [tilespmem:$0x1FFE0];
	v0 =	vsel vm10, v0, v56;
	v59 =	vbroadcast v58, $0xF  }
0x5d9: {  	v60 =	vbroadcast v8, $0xF;
	v0 =	vsel vm11, v0, v57  }
0x5da: {  	v63 =	vld [tilespmem:$0x1FFF0];
	v0 =	vsel vm12, v0, v59  }
0x5db: {  	v61, _, _ =	vpop (xrf2);
	v0 =	vsel vm13, v0, v60  }
0x5dc: {  	v0 =	vsel vm14, v0, v61  }
0x5dd: {  	v0 =	vmul.f32 v0, v62;
	_ =	sdelay $0x1  }
0x5de: {  	v0 =	vadd.f32 v0, v63;
	_ =	sdelay $0x1  }
0x5df: {  	v0 =	vsub.f32 $0.0e+00, v0;
	_ =	sdelay $0x1  }
0x5e0: {  	v0 =	vmul.f32 $1.442695020e+00, v0;
	_ =	sdelay $0x1  }
0x5e1: {  	(erf) = vpow2.f32 v0;
	_ =	sdelay $0x8  }
0x5e2: {  	v0 =	vpop (erf)  }
0x5e3: {  	v0 =	vadd.f32 $1.000000000e+00, v0;
	_ =	sdelay $0x1  }
0x5e4: {  	(erf) = vrcp.f32 v0;
	_ =	sdelay $0x7  }
0x5e5: {  	s28 =	sshll.u32 s28, $0x4;
	s25 =	sadd.s32 $0x1, s25  }
0x5e6: {  	s31 =	rddreg [dreg:$0x1];
	s28 =	sand.u32 $0x3FFFFFF0, s28;
	p0 =	sne.s32 s25, $0x4;
	v0 =	vpop (erf)  }
.Ltmp2:
0x5e7: {  	s26 =	sadd.s32 s31, s26;
	[tilespmem:s28+$0xDD00] =	vst v0;
	(pc) =	sbr.rel @p0 .LBB2_2-.Ltmp2, $4  }
0x5e8: {  	[hbm4b:s26+s2] =	stream.linear.scatter [tilespmem:s24], [sflag:$0x2], $0x80, $0x38;
	[tilespmem:$0xDD90] =	vst v63  }
0x5e9: {  	_ =	swait.ge [sflag:s12], $0x80  }
0x5ea: {  	[sflag:s12] =	ssyncset.done $0x0  }
0x5eb: {  	[sflag:s12] =	ssyncadd.s32 $0xFFFFFF80  }
0x5ec: {  	s26 =	rddreg [dreg:$0x5]  }
0x5ed: {  	s25 =	rddreg [dreg:$0x4];
	s26 =	sadd.s32 $0x1, s26  }
0x5ee: {  	p0 =	sne.s32 s26, s25  }
.Ltmp3:
0x5ef: {  	_ = 	snop;
	(pc) =	sbr.rel @p0 .LBB2_1-.Ltmp3, $1  }
0x5f0: {  	_ =	sdelay $0x3  }
0x5f1: {  	_ =	sfence.sel $0x180000  }
0x5f2: {  	[bflag:$0x0] =	sbarrier.arrive $0xFFFF  }
0x5f3: {  	_ =	strace $0x90000047  }
0x5f4: {  	s0 =	stileid.u32;
	[bflag:$0x2] =	sbarrier.arrive $0xFFFF  }
0x5f5: {  	p0 =	sne.s32 s0, $0x0;
	s0 =	rddreg [dreg:$0x2]  }
0x5f6: {  	s0 =	sadd.s32 @!p0 $0x100000, s0  }
0x5f7: {  	[sflag:s0] =	ssyncadd.tile.s32 @!p0 $0x1;
	_ =	shalt  }
.Lfunc_end2:
_tile_overlayer_lowered:
.L_overlay_start_2:
0x5f8: {  	(tag) =	ssettag $0x2  }
0x5f9: {  	s0 =	rddreg [dreg:$0x0];
	s2 =	stileid.u32  }
0x5fa: {  	s1 =	rddreg [dreg:$0x1];
	p0 =	sne.s32 s2, $0x0  }
0x5fb: {  	s3 =	rddreg [dreg:$0x2];
	[bflag:$0x3] =	sbarrier.arrive $0xFFFF;
	s2 =	simm.s32 @!p0 $0x1C02  }
0x5fc: {  	[timem:s3], [sflag:s2] =	dma.local @!p0 [hbm:s0], s1  }
0x5fd: {  	s0 =	simm.s32 @!p0 $0x2  }
0x5fe: {  	_ =	swait.ge @!p0 [sflag:s0], s1  }
0x5ff: {  	s1 =	ssub.s32 @!p0 $0x0, s1;
	[sflag:s0] =	ssyncset.done @!p0 $0x0  }
0x600: {  	[sflag:s0] =	ssyncadd.s32 @!p0 s1  }
0x601: {  	[bflag:$0x3] =	sbarrier.arrive $0xFFFF  }
0x602: {  	_ =	shalt  }

</sc_bundles>
